<compile_context>
chip_gen: v7x
topology: tpu7x:2x2x1
jax: 0.10.2.dev20260603
libtpu: 0.0.44.dev20260713+nightly
codegen_flags: <defaults>
</compile_context>

<pallas_src>
import functools

import jax
import jax.numpy as jnp
from jax import lax
from jax.experimental import pallas as pl
from jax.experimental.pallas import tpu as pltpu
from jax.experimental.pallas import tpu_sc as plsc

ALPHA = 0.75
LN2 = 0.6931471805599453
_LOG2_POLY = (
    -2.14494063, 3.02947821, -1.03925816, 0.15544586,
)

NUM_CORES = 2
NUM_SUBCORES = 16
NW = NUM_CORES * NUM_SUBCORES
LANES = 16
BLOCK = 128
CHUNK = 7168
UNROLL = 1


def _focal16(z, is1):
    e = jnp.exp(-z)
    p = 1.0 / (1.0 + e)
    p = jnp.maximum(p, 1e-4)
    bits = plsc.bitcast(p, jnp.int32)
    ex = lax.shift_right_logical(bits, 23) - 127
    man = plsc.bitcast(
        lax.bitwise_or(lax.bitwise_and(bits, 0x007FFFFF), 0x3F800000),
        jnp.float32)
    poly = jnp.full((LANES,), _LOG2_POLY[-1], dtype=jnp.float32)
    for c in _LOG2_POLY[-2::-1]:
        poly = poly * man + c
    lnp2 = ex.astype(jnp.float32) + poly
    om = 1.0 - p
    na = jnp.where(is1, -ALPHA * LN2, -(1.0 - ALPHA) * LN2)
    return na * om * om * lnp2


def _sc_body(x_hbm, t_hbm, o_hbm, xv, tv, ov, sin, sout):
    wid = lax.axis_index("s") * NUM_CORES + lax.axis_index("c")
    rows_per_w = o_hbm.shape[0] // NW
    nchunks = rows_per_w // CHUNK
    base = wid * rows_per_w

    def start_in(b, ci):
        r0 = base + ci * CHUNK
        pltpu.async_copy(x_hbm.at[pl.ds(2 * r0, 2 * CHUNK)], xv[b], sin[b])
        pltpu.async_copy(t_hbm.at[pl.ds(r0, CHUNK)], tv[b], sin[b])

    def compute(b):
        xb, tb, ob = xv[b], tv[b], ov[b]

        @plsc.parallel_loop(0, CHUNK // BLOCK, 1, unroll=UNROLL)
        def _inner(blk):
            for k in range(BLOCK // LANES):
                x0 = xb[pl.ds(2 * BLOCK * blk + LANES * k, LANES)]
                x1 = xb[pl.ds(2 * BLOCK * blk + BLOCK + LANES * k, LANES)]
                t = tb[pl.ds(BLOCK * blk + LANES * k, LANES)]
                is1 = t == 1
                d = x1 - x0
                z = jnp.where(is1, d, -d)
                ob[pl.ds(BLOCK * blk + LANES * k, LANES)] = _focal16(z, is1)

    def start_out(b, ci):
        r0 = base + ci * CHUNK
        pltpu.async_copy(ov[b], o_hbm.at[pl.ds(r0, CHUNK)], sout[b])

    def wait_in(b, ci):
        r0 = base + ci * CHUNK
        pltpu.make_async_copy(x_hbm.at[pl.ds(2 * r0, 2 * CHUNK)], xv[b],
                              sin[b]).wait()
        pltpu.make_async_copy(t_hbm.at[pl.ds(r0, CHUNK)], tv[b],
                              sin[b]).wait()

    def wait_out(b, ci):
        r0 = base + ci * CHUNK
        pltpu.make_async_copy(ov[b], o_hbm.at[pl.ds(r0, CHUNK)],
                              sout[b]).wait()

    start_in(0, 0)
    start_in(1, 1)
    wait_in(0, 0)
    compute(0)
    start_out(0, 0)
    wait_in(1, 1)
    compute(1)
    start_out(1, 1)
    wait_out(0, 0)
    wait_out(1, 1)


TC_BLOCK = 256


def _tc_body(x_ref, t_ref, o_ref):
    x = x_ref[...].reshape(TC_BLOCK, 2, BLOCK)
    x0 = x[:, 0, :]
    x1 = x[:, 1, :]
    t = t_ref[...]
    is1 = t == 1
    d = x1 - x0
    z = jnp.where(is1, d, -d)
    p = 1.0 / (1.0 + jnp.exp(-z))
    p = jnp.minimum(jnp.maximum(p, 1e-4), 1.0)
    om = 1.0 - p
    na = jnp.where(is1, -ALPHA, -(1.0 - ALPHA))
    o_ref[...] = na * om * om * jnp.log(p)


def kernel(input, target):
    n = input.shape[0]
    flat = input.reshape(n // BLOCK, BLOCK, 2).swapaxes(1, 2).reshape(-1)
    tgt = target.astype(jnp.int32)

    s = 2 * NW * CHUNK

    mesh = plsc.VectorSubcoreMesh(core_axis_name="c", subcore_axis_name="s")
    run = functools.partial(
        pl.kernel,
        out_type=jax.ShapeDtypeStruct((s,), jnp.float32),
        mesh=mesh,
        scratch_types=[
            [pltpu.VMEM((2 * CHUNK,), jnp.float32) for _ in range(2)],
            [pltpu.VMEM((CHUNK,), jnp.int32) for _ in range(2)],
            [pltpu.VMEM((CHUNK,), jnp.float32) for _ in range(2)],
            [pltpu.SemaphoreType.DMA for _ in range(2)],
            [pltpu.SemaphoreType.DMA for _ in range(2)],
        ],
        compiler_params=pltpu.CompilerParams(needs_layout_passes=False),
    )(_sc_body)
    sc_out = run(flat, tgt)

    r2 = (n - s) // BLOCK
    off = s // (BLOCK * TC_BLOCK)
    tc_out = pl.pallas_call(
        _tc_body,
        grid=(r2 // TC_BLOCK,),
        in_specs=[
            pl.BlockSpec((2 * TC_BLOCK, BLOCK), lambda i: (i + off, 0)),
            pl.BlockSpec((TC_BLOCK, BLOCK), lambda i: (i + off, 0)),
        ],
        out_specs=pl.BlockSpec((TC_BLOCK, BLOCK), lambda i: (i, 0)),
        out_shape=jax.ShapeDtypeStruct((r2, BLOCK), jnp.float32),
    )(flat.reshape(2 * n // BLOCK, BLOCK), tgt.reshape(n // BLOCK, BLOCK))

    out = jnp.concatenate([sc_out, tc_out.reshape(n - s)])
    return out.reshape(n, 1)

# --- scband reference (transcript-rebuilt; emitter-appended) ---
"""Pipeline reference for scband-focal-loss-single-74217034875144 (READ-ONLY COPY).

The authoritative reference and input builder live on the scoring server;
editing this copy changes nothing except your own understanding.
"""

import jax, jax.numpy as jnp
import numpy as np

ALPHA = 0.75
GAMMA = 2

N = 1048576

def setup_inputs(seed: int = 0) -> dict:
    key = jax.random.key(seed)
    k1, k2 = jax.random.split(key)
    inp = jax.random.normal(k1, (N, 2), dtype=jnp.float32)
    target = jax.random.randint(k2, (N,), 0, 2).astype(jnp.int64)
    return {"input": inp, "target": target}


def reference(input, target):
    # All targets are valid (no -1 ignore labels), so the torch nonzero-based
    # filtering selects every row; the computation below is then exactly the
    # same math as the original module.
    tgt = jnp.where(target > 1, 1, target)  # target[target > 1] = 1
    input_soft = jax.nn.softmax(input, axis=1).reshape(-1, 2)
    n = input_soft.shape[0]
    rows = jnp.arange(n)
    # class_mask.scatter_(1, target, 1.0) -> scatter-overwrite
    class_mask = jnp.zeros((n, 2), dtype=input_soft.dtype).at[rows, tgt].set(1.0)
    probs = jnp.sum(input_soft * class_mask, axis=1).reshape(-1, 1)
    probs = jnp.clip(probs, 0.0001, 1.0)
    log_p = jnp.log(probs)
    alpha = jnp.ones((n, 2), dtype=input_soft.dtype)
    alpha = alpha * jnp.array([1.0 - ALPHA, ALPHA], dtype=input_soft.dtype)
    alpha_sel = jnp.sum(alpha * class_mask, axis=1).reshape(-1, 1)
    batch_loss = -alpha_sel * jnp.power(1.0 - probs, GAMMA) * log_p
    # reduction == 'none'
    return batch_loss

if __name__ == "__main__":
    import jax
    _d = setup_inputs()
    print(jax.jit(kernel)(*tuple(_d.values())))

</pallas_src>

<mosaic_0001>
#map = affine_map<(d0, d1) -> (0)>
module attributes {stable_mosaic.version = 14 : i64} {
  func.func @_sc_body(%arg0: i32, %arg1: i32, %arg2: memref<2097152xf32, #tpu.memory_space<hbm>>, %arg3: memref<1048576xi32, #tpu.memory_space<hbm>>, %arg4: memref<458752xf32, #tpu.memory_space<hbm>>, %arg5: memref<14336xf32, #tpu.memory_space<vmem>>, %arg6: memref<14336xf32, #tpu.memory_space<vmem>>, %arg7: memref<7168xi32, #tpu.memory_space<vmem>>, %arg8: memref<7168xi32, #tpu.memory_space<vmem>>, %arg9: memref<7168xf32, #tpu.memory_space<vmem>>, %arg10: memref<7168xf32, #tpu.memory_space<vmem>>, %arg11: memref<!tpu.dma_semaphore, #tpu.memory_space<semaphore_mem>>, %arg12: memref<!tpu.dma_semaphore, #tpu.memory_space<semaphore_mem>>, %arg13: memref<!tpu.dma_semaphore, #tpu.memory_space<semaphore_mem>>, %arg14: memref<!tpu.dma_semaphore, #tpu.memory_space<semaphore_mem>>) attributes {dimension_semantics = [#tpu.dimension_semantics<core_parallel>, #tpu.dimension_semantics<subcore_parallel>], iteration_bounds = array<i64: 2, 16>, scalar_prefetch = 0 : i64, scratch_operands = 10 : i64, tpu.core_type = #tpu.core_type<sc_vector_subcore>, window_params = [{transform_indices = #map}, {transform_indices = #map}, {transform_indices = #map}]} {
    %mul3A = arith.constant 2 : i32
    %mul3A_0 = arith.muli %arg1, %mul3A : i32
    %add3A = arith.addi %mul3A_0, %arg0 : i32
    %mul3A_1 = arith.constant 14336 : i32
    %mul3A_2 = arith.muli %add3A, %mul3A_1 : i32
    %add3A_3 = arith.constant 0 : i32
    %add3A_4 = arith.addi %mul3A_2, %add3A_3 : i32
    %mul3A_5 = arith.constant 2 : i32
    %mul3A_6 = arith.muli %mul3A_5, %add3A_4 : i32
    %dma_start3A = tpu.memref_slice %arg2[%mul3A_6] : memref<2097152xf32, #tpu.memory_space<hbm>> -> memref<14336xf32, #tpu.memory_space<hbm>>
    %dma_start3A_7 = tpu.memref_slice %arg2[%mul3A_6] : memref<2097152xf32, #tpu.memory_space<hbm>> -> memref<14336xf32, #tpu.memory_space<hbm>>
    tpu.enqueue_dma source(%dma_start3A_7 : memref<14336xf32, #tpu.memory_space<hbm>>) target(%arg5 : memref<14336xf32, #tpu.memory_space<vmem>>) target_semaphore(%arg11 : memref<!tpu.dma_semaphore, #tpu.memory_space<semaphore_mem>>)
    %dma_start3A_8 = tpu.memref_slice %arg3[%add3A_4] : memref<1048576xi32, #tpu.memory_space<hbm>> -> memref<7168xi32, #tpu.memory_space<hbm>>
    %dma_start3A_9 = tpu.memref_slice %arg3[%add3A_4] : memref<1048576xi32, #tpu.memory_space<hbm>> -> memref<7168xi32, #tpu.memory_space<hbm>>
    tpu.enqueue_dma source(%dma_start3A_9 : memref<7168xi32, #tpu.memory_space<hbm>>) target(%arg7 : memref<7168xi32, #tpu.memory_space<vmem>>) target_semaphore(%arg11 : memref<!tpu.dma_semaphore, #tpu.memory_space<semaphore_mem>>)
    %add3A_10 = arith.constant 7168 : i32
    %add3A_11 = arith.addi %mul3A_2, %add3A_10 : i32
    %mul3A_12 = arith.constant 2 : i32
    %mul3A_13 = arith.muli %mul3A_12, %add3A_11 : i32
    %dma_start3A_14 = tpu.memref_slice %arg2[%mul3A_13] : memref<2097152xf32, #tpu.memory_space<hbm>> -> memref<14336xf32, #tpu.memory_space<hbm>>
    %dma_start3A_15 = tpu.memref_slice %arg2[%mul3A_13] : memref<2097152xf32, #tpu.memory_space<hbm>> -> memref<14336xf32, #tpu.memory_space<hbm>>
    tpu.enqueue_dma source(%dma_start3A_15 : memref<14336xf32, #tpu.memory_space<hbm>>) target(%arg6 : memref<14336xf32, #tpu.memory_space<vmem>>) target_semaphore(%arg12 : memref<!tpu.dma_semaphore, #tpu.memory_space<semaphore_mem>>)
    %dma_start3A_16 = tpu.memref_slice %arg3[%add3A_11] : memref<1048576xi32, #tpu.memory_space<hbm>> -> memref<7168xi32, #tpu.memory_space<hbm>>
    %dma_start3A_17 = tpu.memref_slice %arg3[%add3A_11] : memref<1048576xi32, #tpu.memory_space<hbm>> -> memref<7168xi32, #tpu.memory_space<hbm>>
    tpu.enqueue_dma source(%dma_start3A_17 : memref<7168xi32, #tpu.memory_space<hbm>>) target(%arg8 : memref<7168xi32, #tpu.memory_space<vmem>>) target_semaphore(%arg12 : memref<!tpu.dma_semaphore, #tpu.memory_space<semaphore_mem>>)
    %add3A_18 = arith.constant 0 : i32
    %add3A_19 = arith.addi %mul3A_2, %add3A_18 : i32
    %mul3A_20 = arith.constant 2 : i32
    %mul3A_21 = arith.muli %mul3A_20, %add3A_19 : i32
    %dma_wait3A = tpu.memref_slice %arg2[%mul3A_21] : memref<2097152xf32, #tpu.memory_space<hbm>> -> memref<14336xf32, #tpu.memory_space<hbm>>
    %dma_wait3A_22 = tpu.memref_slice %arg2[%mul3A_21] : memref<2097152xf32, #tpu.memory_space<hbm>> -> memref<14336xf32, #tpu.memory_space<hbm>>
    tpu.wait_dma2 semaphore(%arg11 : memref<!tpu.dma_semaphore, #tpu.memory_space<semaphore_mem>>) src(%dma_wait3A_22 : memref<14336xf32, #tpu.memory_space<hbm>>) dst(%arg5 : memref<14336xf32, #tpu.memory_space<vmem>>)
    %dma_wait3A_23 = tpu.memref_slice %arg3[%add3A_19] : memref<1048576xi32, #tpu.memory_space<hbm>> -> memref<7168xi32, #tpu.memory_space<hbm>>
    %dma_wait3A_24 = tpu.memref_slice %arg3[%add3A_19] : memref<1048576xi32, #tpu.memory_space<hbm>> -> memref<7168xi32, #tpu.memory_space<hbm>>
    tpu.wait_dma2 semaphore(%arg11 : memref<!tpu.dma_semaphore, #tpu.memory_space<semaphore_mem>>) src(%dma_wait3A_24 : memref<7168xi32, #tpu.memory_space<hbm>>) dst(%arg7 : memref<7168xi32, #tpu.memory_space<vmem>>)
    %parallel_loop3A = arith.constant 0 : i32
    %parallel_loop3A_25 = arith.constant 56 : i32
    %parallel_loop3A_26 = arith.constant 1 : i32
    scf.for %parallel_loop3A_54 = %parallel_loop3A to %parallel_loop3A_25 step %parallel_loop3A_26  : i32 {
      %parallel_loop3A_55 = arith.constant 256 : i32
      %parallel_loop3A_56 = arith.muli %parallel_loop3A_55, %parallel_loop3A_54 : i32
      %parallel_loop3A_57 = arith.constant 0 : i32
      %parallel_loop3A_58 = arith.addi %parallel_loop3A_56, %parallel_loop3A_57 : i32
      %parallel_loop3A_59 = arith.index_cast %parallel_loop3A_58 : i32 to index
      %parallel_loop3A_60 = tpu.vector_load %arg5[%parallel_loop3A_59] {strides = array<i32>} : memref<14336xf32, #tpu.memory_space<vmem>>, vector<16xf32>,
      %parallel_loop3A_61 = arith.constant 256 : i32
      %parallel_loop3A_62 = arith.muli %parallel_loop3A_61, %parallel_loop3A_54 : i32
      %parallel_loop3A_63 = arith.constant 128 : i32
      %parallel_loop3A_64 = arith.addi %parallel_loop3A_62, %parallel_loop3A_63 : i32
      %parallel_loop3A_65 = arith.constant 0 : i32
      %parallel_loop3A_66 = arith.addi %parallel_loop3A_64, %parallel_loop3A_65 : i32
      %parallel_loop3A_67 = arith.index_cast %parallel_loop3A_66 : i32 to index
      %parallel_loop3A_68 = tpu.vector_load %arg5[%parallel_loop3A_67] {strides = array<i32>} : memref<14336xf32, #tpu.memory_space<vmem>>, vector<16xf32>,
      %parallel_loop3A_69 = arith.constant 128 : i32
      %parallel_loop3A_70 = arith.muli %parallel_loop3A_69, %parallel_loop3A_54 : i32
      %parallel_loop3A_71 = arith.constant 0 : i32
      %parallel_loop3A_72 = arith.addi %parallel_loop3A_70, %parallel_loop3A_71 : i32
      %parallel_loop3A_73 = arith.index_cast %parallel_loop3A_72 : i32 to index
      %parallel_loop3A_74 = tpu.vector_load %arg7[%parallel_loop3A_73] {strides = array<i32>} : memref<7168xi32, #tpu.memory_space<vmem>>, vector<16xi32>,
      %parallel_loop3A_75 = arith.constant 1 : i32
      %parallel_loop3A_76 = vector.broadcast %parallel_loop3A_75 : i32 to vector<16xi32>
      %parallel_loop3A_77 = arith.cmpi eq, %parallel_loop3A_74, %parallel_loop3A_76 : vector<16xi32>
      %parallel_loop3A_78 = arith.subf %parallel_loop3A_68, %parallel_loop3A_60 : vector<16xf32>
      %parallel_loop3A_79 = arith.constant 0.000000e+00 : f32
      %parallel_loop3A_80 = vector.broadcast %parallel_loop3A_79 : f32 to vector<16xf32>
      %parallel_loop3A_81 = arith.subf %parallel_loop3A_80, %parallel_loop3A_78 : vector<16xf32>
      %parallel_loop3A_82 = arith.select %parallel_loop3A_77, %parallel_loop3A_78, %parallel_loop3A_81 : vector<16xi1>, vector<16xf32>
      %parallel_loop3A_83 = arith.constant 0.000000e+00 : f32
      %parallel_loop3A_84 = vector.broadcast %parallel_loop3A_83 : f32 to vector<16xf32>
      %parallel_loop3A_85 = arith.subf %parallel_loop3A_84, %parallel_loop3A_82 : vector<16xf32>
      %parallel_loop3A_86 = math.exp %parallel_loop3A_85 : vector<16xf32>
      %parallel_loop3A_87 = arith.constant 1.000000e+00 : f32
      %parallel_loop3A_88 = vector.broadcast %parallel_loop3A_87 : f32 to vector<16xf32>
      %parallel_loop3A_89 = arith.addf %parallel_loop3A_88, %parallel_loop3A_86 : vector<16xf32>
      %parallel_loop3A_90 = arith.constant 1.000000e+00 : f32
      %parallel_loop3A_91 = vector.broadcast %parallel_loop3A_90 : f32 to vector<16xf32>
      %parallel_loop3A_92 = arith.divf %parallel_loop3A_91, %parallel_loop3A_89 : vector<16xf32>
      %parallel_loop3A_93 = arith.constant 9.99999974E-5 : f32
      %parallel_loop3A_94 = vector.broadcast %parallel_loop3A_93 : f32 to vector<16xf32>
      %parallel_loop3A_95 = arith.maximumf %parallel_loop3A_92, %parallel_loop3A_94 : vector<16xf32>
      %parallel_loop3A_96 = vector.bitcast %parallel_loop3A_95 : vector<16xf32> to vector<16xi32>
      %parallel_loop3A_97 = arith.constant 23 : i32
      %parallel_loop3A_98 = vector.broadcast %parallel_loop3A_97 : i32 to vector<16xi32>
      %parallel_loop3A_99 = arith.shrui %parallel_loop3A_96, %parallel_loop3A_98 : vector<16xi32>
      %parallel_loop3A_100 = arith.constant 127 : i32
      %parallel_loop3A_101 = vector.broadcast %parallel_loop3A_100 : i32 to vector<16xi32>
      %parallel_loop3A_102 = arith.subi %parallel_loop3A_99, %parallel_loop3A_101 : vector<16xi32>
      %parallel_loop3A_103 = arith.constant 8388607 : i32
      %parallel_loop3A_104 = vector.broadcast %parallel_loop3A_103 : i32 to vector<16xi32>
      %parallel_loop3A_105 = arith.andi %parallel_loop3A_96, %parallel_loop3A_104 : vector<16xi32>
      %parallel_loop3A_106 = arith.constant 1065353216 : i32
      %parallel_loop3A_107 = vector.broadcast %parallel_loop3A_106 : i32 to vector<16xi32>
      %parallel_loop3A_108 = arith.ori %parallel_loop3A_105, %parallel_loop3A_107 : vector<16xi32>
      %parallel_loop3A_109 = vector.bitcast %parallel_loop3A_108 : vector<16xi32> to vector<16xf32>
      %parallel_loop3A_110 = arith.constant 0.155445859 : f32
      %parallel_loop3A_111 = vector.broadcast %parallel_loop3A_110 : f32 to vector<16xf32>
      %parallel_loop3A_112 = arith.mulf %parallel_loop3A_111, %parallel_loop3A_109 : vector<16xf32>
      %parallel_loop3A_113 = arith.constant -1.03925812 : f32
      %parallel_loop3A_114 = vector.broadcast %parallel_loop3A_113 : f32 to vector<16xf32>
      %parallel_loop3A_115 = arith.addf %parallel_loop3A_112, %parallel_loop3A_114 : vector<16xf32>
      %parallel_loop3A_116 = arith.mulf %parallel_loop3A_115, %parallel_loop3A_109 : vector<16xf32>
      %parallel_loop3A_117 = arith.constant 3.02947831 : f32
      %parallel_loop3A_118 = vector.broadcast %parallel_loop3A_117 : f32 to vector<16xf32>
      %parallel_loop3A_119 = arith.addf %parallel_loop3A_116, %parallel_loop3A_118 : vector<16xf32>
      %parallel_loop3A_120 = arith.mulf %parallel_loop3A_119, %parallel_loop3A_109 : vector<16xf32>
      %parallel_loop3A_121 = arith.constant -2.14494061 : f32
      %parallel_loop3A_122 = vector.broadcast %parallel_loop3A_121 : f32 to vector<16xf32>
      %parallel_loop3A_123 = arith.addf %parallel_loop3A_120, %parallel_loop3A_122 : vector<16xf32>
      %parallel_loop3A_124 = arith.sitofp %parallel_loop3A_102 : vector<16xi32> to vector<16xf32>
      %parallel_loop3A_125 = arith.addf %parallel_loop3A_124, %parallel_loop3A_123 : vector<16xf32>
      %parallel_loop3A_126 = arith.constant 1.000000e+00 : f32
      %parallel_loop3A_127 = vector.broadcast %parallel_loop3A_126 : f32 to vector<16xf32>
      %parallel_loop3A_128 = arith.subf %parallel_loop3A_127, %parallel_loop3A_95 : vector<16xf32>
      %parallel_loop3A_129 = arith.constant -0.519860387 : f32
      %parallel_loop3A_130 = arith.constant -0.173286796 : f32
      %parallel_loop3A_131 = vector.broadcast %parallel_loop3A_129 : f32 to vector<16xf32>
      %parallel_loop3A_132 = vector.broadcast %parallel_loop3A_130 : f32 to vector<16xf32>
      %parallel_loop3A_133 = arith.select %parallel_loop3A_77, %parallel_loop3A_131, %parallel_loop3A_132 : vector<16xi1>, vector<16xf32>
      %parallel_loop3A_134 = arith.mulf %parallel_loop3A_133, %parallel_loop3A_128 : vector<16xf32>
      %parallel_loop3A_135 = arith.mulf %parallel_loop3A_134, %parallel_loop3A_128 : vector<16xf32>
      %parallel_loop3A_136 = arith.mulf %parallel_loop3A_135, %parallel_loop3A_125 : vector<16xf32>
      %parallel_loop3A_137 = arith.constant 128 : i32
      %parallel_loop3A_138 = arith.muli %parallel_loop3A_137, %parallel_loop3A_54 : i32
      %parallel_loop3A_139 = arith.constant 0 : i32
      %parallel_loop3A_140 = arith.addi %parallel_loop3A_138, %parallel_loop3A_139 : i32
      %parallel_loop3A_141 = arith.index_cast %parallel_loop3A_140 : i32 to index
      %parallel_loop3A_142 = tpu.vector_load %arg9[%parallel_loop3A_141] {strides = array<i32>} : memref<7168xf32, #tpu.memory_space<vmem>>, vector<16xf32>,
      tpu.vector_store %arg9[%parallel_loop3A_141], %parallel_loop3A_136 {strides = array<i32>} : memref<7168xf32, #tpu.memory_space<vmem>>, vector<16xf32>,
      %parallel_loop3A_143 = arith.constant 256 : i32
      %parallel_loop3A_144 = arith.muli %parallel_loop3A_143, %parallel_loop3A_54 : i32
      %parallel_loop3A_145 = arith.constant 16 : i32
      %parallel_loop3A_146 = arith.addi %parallel_loop3A_144, %parallel_loop3A_145 : i32
      %parallel_loop3A_147 = arith.index_cast %parallel_loop3A_146 : i32 to index
      %parallel_loop3A_148 = tpu.vector_load %arg5[%parallel_loop3A_147] {strides = array<i32>} : memref<14336xf32, #tpu.memory_space<vmem>>, vector<16xf32>,
      %parallel_loop3A_149 = arith.constant 256 : i32
      %parallel_loop3A_150 = arith.muli %parallel_loop3A_149, %parallel_loop3A_54 : i32
      %parallel_loop3A_151 = arith.constant 128 : i32
      %parallel_loop3A_152 = arith.addi %parallel_loop3A_150, %parallel_loop3A_151 : i32
      %parallel_loop3A_153 = arith.constant 16 : i32
      %parallel_loop3A_154 = arith.addi %parallel_loop3A_152, %parallel_loop3A_153 : i32
      %parallel_loop3A_155 = arith.index_cast %parallel_loop3A_154 : i32 to index
      %parallel_loop3A_156 = tpu.vector_load %arg5[%parallel_loop3A_155] {strides = array<i32>} : memref<14336xf32, #tpu.memory_space<vmem>>, vector<16xf32>,
      %parallel_loop3A_157 = arith.constant 128 : i32
      %parallel_loop3A_158 = arith.muli %parallel_loop3A_157, %parallel_loop3A_54 : i32
      %parallel_loop3A_159 = arith.constant 16 : i32
      %parallel_loop3A_160 = arith.addi %parallel_loop3A_158, %parallel_loop3A_159 : i32
      %parallel_loop3A_161 = arith.index_cast %parallel_loop3A_160 : i32 to index
      %parallel_loop3A_162 = tpu.vector_load %arg7[%parallel_loop3A_161] {strides = array<i32>} : memref<7168xi32, #tpu.memory_space<vmem>>, vector<16xi32>,
      %parallel_loop3A_163 = arith.constant 1 : i32
      %parallel_loop3A_164 = vector.broadcast %parallel_loop3A_163 : i32 to vector<16xi32>
      %parallel_loop3A_165 = arith.cmpi eq, %parallel_loop3A_162, %parallel_loop3A_164 : vector<16xi32>
      %parallel_loop3A_166 = arith.subf %parallel_loop3A_156, %parallel_loop3A_148 : vector<16xf32>
      %parallel_loop3A_167 = arith.constant 0.000000e+00 : f32
      %parallel_loop3A_168 = vector.broadcast %parallel_loop3A_167 : f32 to vector<16xf32>
      %parallel_loop3A_169 = arith.subf %parallel_loop3A_168, %parallel_loop3A_166 : vector<16xf32>
      %parallel_loop3A_170 = arith.select %parallel_loop3A_165, %parallel_loop3A_166, %parallel_loop3A_169 : vector<16xi1>, vector<16xf32>
      %parallel_loop3A_171 = arith.constant 0.000000e+00 : f32
      %parallel_loop3A_172 = vector.broadcast %parallel_loop3A_171 : f32 to vector<16xf32>
      %parallel_loop3A_173 = arith.subf %parallel_loop3A_172, %parallel_loop3A_170 : vector<16xf32>
      %parallel_loop3A_174 = math.exp %parallel_loop3A_173 : vector<16xf32>
      %parallel_loop3A_175 = arith.constant 1.000000e+00 : f32
      %parallel_loop3A_176 = vector.broadcast %parallel_loop3A_175 : f32 to vector<16xf32>
      %parallel_loop3A_177 = arith.addf %parallel_loop3A_176, %parallel_loop3A_174 : vector<16xf32>
      %parallel_loop3A_178 = arith.constant 1.000000e+00 : f32
      %parallel_loop3A_179 = vector.broadcast %parallel_loop3A_178 : f32 to vector<16xf32>
      %parallel_loop3A_180 = arith.divf %parallel_loop3A_179, %parallel_loop3A_177 : vector<16xf32>
      %parallel_loop3A_181 = arith.constant 9.99999974E-5 : f32
      %parallel_loop3A_182 = vector.broadcast %parallel_loop3A_181 : f32 to vector<16xf32>
      %parallel_loop3A_183 = arith.maximumf %parallel_loop3A_180, %parallel_loop3A_182 : vector<16xf32>
      %parallel_loop3A_184 = vector.bitcast %parallel_loop3A_183 : vector<16xf32> to vector<16xi32>
      %parallel_loop3A_185 = arith.constant 23 : i32
      %parallel_loop3A_186 = vector.broadcast %parallel_loop3A_185 : i32 to vector<16xi32>
      %parallel_loop3A_187 = arith.shrui %parallel_loop3A_184, %parallel_loop3A_186 : vector<16xi32>
      %parallel_loop3A_188 = arith.constant 127 : i32
      %parallel_loop3A_189 = vector.broadcast %parallel_loop3A_188 : i32 to vector<16xi32>
      %parallel_loop3A_190 = arith.subi %parallel_loop3A_187, %parallel_loop3A_189 : vector<16xi32>
      %parallel_loop3A_191 = arith.constant 8388607 : i32
      %parallel_loop3A_192 = vector.broadcast %parallel_loop3A_191 : i32 to vector<16xi32>
      %parallel_loop3A_193 = arith.andi %parallel_loop3A_184, %parallel_loop3A_192 : vector<16xi32>
      %parallel_loop3A_194 = arith.constant 1065353216 : i32
      %parallel_loop3A_195 = vector.broadcast %parallel_loop3A_194 : i32 to vector<16xi32>
      %parallel_loop3A_196 = arith.ori %parallel_loop3A_193, %parallel_loop3A_195 : vector<16xi32>
      %parallel_loop3A_197 = vector.bitcast %parallel_loop3A_196 : vector<16xi32> to vector<16xf32>
      %parallel_loop3A_198 = arith.constant 0.155445859 : f32
      %parallel_loop3A_199 = vector.broadcast %parallel_loop3A_198 : f32 to vector<16xf32>
      %parallel_loop3A_200 = arith.mulf %parallel_loop3A_199, %parallel_loop3A_197 : vector<16xf32>
      %parallel_loop3A_201 = arith.constant -1.03925812 : f32
      %parallel_loop3A_202 = vector.broadcast %parallel_loop3A_201 : f32 to vector<16xf32>
      %parallel_loop3A_203 = arith.addf %parallel_loop3A_200, %parallel_loop3A_202 : vector<16xf32>
      %parallel_loop3A_204 = arith.mulf %parallel_loop3A_203, %parallel_loop3A_197 : vector<16xf32>
      %parallel_loop3A_205 = arith.constant 3.02947831 : f32
      %parallel_loop3A_206 = vector.broadcast %parallel_loop3A_205 : f32 to vector<16xf32>
      %parallel_loop3A_207 = arith.addf %parallel_loop3A_204, %parallel_loop3A_206 : vector<16xf32>
      %parallel_loop3A_208 = arith.mulf %parallel_loop3A_207, %parallel_loop3A_197 : vector<16xf32>
      %parallel_loop3A_209 = arith.constant -2.14494061 : f32
      %parallel_loop3A_210 = vector.broadcast %parallel_loop3A_209 : f32 to vector<16xf32>
      %parallel_loop3A_211 = arith.addf %parallel_loop3A_208, %parallel_loop3A_210 : vector<16xf32>
      %parallel_loop3A_212 = arith.sitofp %parallel_loop3A_190 : vector<16xi32> to vector<16xf32>
      %parallel_loop3A_213 = arith.addf %parallel_loop3A_212, %parallel_loop3A_211 : vector<16xf32>
      %parallel_loop3A_214 = arith.constant 1.000000e+00 : f32
      %parallel_loop3A_215 = vector.broadcast %parallel_loop3A_214 : f32 to vector<16xf32>
      %parallel_loop3A_216 = arith.subf %parallel_loop3A_215, %parallel_loop3A_183 : vector<16xf32>
      %parallel_loop3A_217 = arith.constant -0.519860387 : f32
      %parallel_loop3A_218 = arith.constant -0.173286796 : f32
      %parallel_loop3A_219 = vector.broadcast %parallel_loop3A_217 : f32 to vector<16xf32>
      %parallel_loop3A_220 = vector.broadcast %parallel_loop3A_218 : f32 to vector<16xf32>
      %parallel_loop3A_221 = arith.select %parallel_loop3A_165, %parallel_loop3A_219, %parallel_loop3A_220 : vector<16xi1>, vector<16xf32>
      %parallel_loop3A_222 = arith.mulf %parallel_loop3A_221, %parallel_loop3A_216 : vector<16xf32>
      %parallel_loop3A_223 = arith.mulf %parallel_loop3A_222, %parallel_loop3A_216 : vector<16xf32>
      %parallel_loop3A_224 = arith.mulf %parallel_loop3A_223, %parallel_loop3A_213 : vector<16xf32>
      %parallel_loop3A_225 = arith.constant 128 : i32
      %parallel_loop3A_226 = arith.muli %parallel_loop3A_225, %parallel_loop3A_54 : i32
      %parallel_loop3A_227 = arith.constant 16 : i32
      %parallel_loop3A_228 = arith.addi %parallel_loop3A_226, %parallel_loop3A_227 : i32
      %parallel_loop3A_229 = arith.index_cast %parallel_loop3A_228 : i32 to index
      %parallel_loop3A_230 = tpu.vector_load %arg9[%parallel_loop3A_229] {strides = array<i32>} : memref<7168xf32, #tpu.memory_space<vmem>>, vector<16xf32>,
      tpu.vector_store %arg9[%parallel_loop3A_229], %parallel_loop3A_224 {strides = array<i32>} : memref<7168xf32, #tpu.memory_space<vmem>>, vector<16xf32>,
      %parallel_loop3A_231 = arith.constant 256 : i32
      %parallel_loop3A_232 = arith.muli %parallel_loop3A_231, %parallel_loop3A_54 : i32
      %parallel_loop3A_233 = arith.constant 32 : i32
      %parallel_loop3A_234 = arith.addi %parallel_loop3A_232, %parallel_loop3A_233 : i32
      %parallel_loop3A_235 = arith.index_cast %parallel_loop3A_234 : i32 to index
      %parallel_loop3A_236 = tpu.vector_load %arg5[%parallel_loop3A_235] {strides = array<i32>} : memref<14336xf32, #tpu.memory_space<vmem>>, vector<16xf32>,
      %parallel_loop3A_237 = arith.constant 256 : i32
      %parallel_loop3A_238 = arith.muli %parallel_loop3A_237, %parallel_loop3A_54 : i32
      %parallel_loop3A_239 = arith.constant 128 : i32
      %parallel_loop3A_240 = arith.addi %parallel_loop3A_238, %parallel_loop3A_239 : i32
      %parallel_loop3A_241 = arith.constant 32 : i32
      %parallel_loop3A_242 = arith.addi %parallel_loop3A_240, %parallel_loop3A_241 : i32
      %parallel_loop3A_243 = arith.index_cast %parallel_loop3A_242 : i32 to index
      %parallel_loop3A_244 = tpu.vector_load %arg5[%parallel_loop3A_243] {strides = array<i32>} : memref<14336xf32, #tpu.memory_space<vmem>>, vector<16xf32>,
      %parallel_loop3A_245 = arith.constant 128 : i32
      %parallel_loop3A_246 = arith.muli %parallel_loop3A_245, %parallel_loop3A_54 : i32
      %parallel_loop3A_247 = arith.constant 32 : i32
      %parallel_loop3A_248 = arith.addi %parallel_loop3A_246, %parallel_loop3A_247 : i32
      %parallel_loop3A_249 = arith.index_cast %parallel_loop3A_248 : i32 to index
      %parallel_loop3A_250 = tpu.vector_load %arg7[%parallel_loop3A_249] {strides = array<i32>} : memref<7168xi32, #tpu.memory_space<vmem>>, vector<16xi32>,
      %parallel_loop3A_251 = arith.constant 1 : i32
      %parallel_loop3A_252 = vector.broadcast %parallel_loop3A_251 : i32 to vector<16xi32>
      %parallel_loop3A_253 = arith.cmpi eq, %parallel_loop3A_250, %parallel_loop3A_252 : vector<16xi32>
      %parallel_loop3A_254 = arith.subf %parallel_loop3A_244, %parallel_loop3A_236 : vector<16xf32>
      %parallel_loop3A_255 = arith.constant 0.000000e+00 : f32
      %parallel_loop3A_256 = vector.broadcast %parallel_loop3A_255 : f32 to vector<16xf32>
      %parallel_loop3A_257 = arith.subf %parallel_loop3A_256, %parallel_loop3A_254 : vector<16xf32>
      %parallel_loop3A_258 = arith.select %parallel_loop3A_253, %parallel_loop3A_254, %parallel_loop3A_257 : vector<16xi1>, vector<16xf32>
      %parallel_loop3A_259 = arith.constant 0.000000e+00 : f32
      %parallel_loop3A_260 = vector.broadcast %parallel_loop3A_259 : f32 to vector<16xf32>
      %parallel_loop3A_261 = arith.subf %parallel_loop3A_260, %parallel_loop3A_258 : vector<16xf32>
      %parallel_loop3A_262 = math.exp %parallel_loop3A_261 : vector<16xf32>
      %parallel_loop3A_263 = arith.constant 1.000000e+00 : f32
      %parallel_loop3A_264 = vector.broadcast %parallel_loop3A_263 : f32 to vector<16xf32>
      %parallel_loop3A_265 = arith.addf %parallel_loop3A_264, %parallel_loop3A_262 : vector<16xf32>
      %parallel_loop3A_266 = arith.constant 1.000000e+00 : f32
      %parallel_loop3A_267 = vector.broadcast %parallel_loop3A_266 : f32 to vector<16xf32>
      %parallel_loop3A_268 = arith.divf %parallel_loop3A_267, %parallel_loop3A_265 : vector<16xf32>
      %parallel_loop3A_269 = arith.constant 9.99999974E-5 : f32
      %parallel_loop3A_270 = vector.broadcast %parallel_loop3A_269 : f32 to vector<16xf32>
      %parallel_loop3A_271 = arith.maximumf %parallel_loop3A_268, %parallel_loop3A_270 : vector<16xf32>
      %parallel_loop3A_272 = vector.bitcast %parallel_loop3A_271 : vector<16xf32> to vector<16xi32>
      %parallel_loop3A_273 = arith.constant 23 : i32
      %parallel_loop3A_274 = vector.broadcast %parallel_loop3A_273 : i32 to vector<16xi32>
      %parallel_loop3A_275 = arith.shrui %parallel_loop3A_272, %parallel_loop3A_274 : vector<16xi32>
      %parallel_loop3A_276 = arith.constant 127 : i32
      %parallel_loop3A_277 = vector.broadcast %parallel_loop3A_276 : i32 to vector<16xi32>
      %parallel_loop3A_278 = arith.subi %parallel_loop3A_275, %parallel_loop3A_277 : vector<16xi32>
      %parallel_loop3A_279 = arith.constant 8388607 : i32
      %parallel_loop3A_280 = vector.broadcast %parallel_loop3A_279 : i32 to vector<16xi32>
      %parallel_loop3A_281 = arith.andi %parallel_loop3A_272, %parallel_loop3A_280 : vector<16xi32>
      %parallel_loop3A_282 = arith.constant 1065353216 : i32
      %parallel_loop3A_283 = vector.broadcast %parallel_loop3A_282 : i32 to vector<16xi32>
      %parallel_loop3A_284 = arith.ori %parallel_loop3A_281, %parallel_loop3A_283 : vector<16xi32>
      %parallel_loop3A_285 = vector.bitcast %parallel_loop3A_284 : vector<16xi32> to vector<16xf32>
      %parallel_loop3A_286 = arith.constant 0.155445859 : f32
      %parallel_loop3A_287 = vector.broadcast %parallel_loop3A_286 : f32 to vector<16xf32>
      %parallel_loop3A_288 = arith.mulf %parallel_loop3A_287, %parallel_loop3A_285 : vector<16xf32>
      %parallel_loop3A_289 = arith.constant -1.03925812 : f32
      %parallel_loop3A_290 = vector.broadcast %parallel_loop3A_289 : f32 to vector<16xf32>
      %parallel_loop3A_291 = arith.addf %parallel_loop3A_288, %parallel_loop3A_290 : vector<16xf32>
      %parallel_loop3A_292 = arith.mulf %parallel_loop3A_291, %parallel_loop3A_285 : vector<16xf32>
      %parallel_loop3A_293 = arith.constant 3.02947831 : f32
      %parallel_loop3A_294 = vector.broadcast %parallel_loop3A_293 : f32 to vector<16xf32>
      %parallel_loop3A_295 = arith.addf %parallel_loop3A_292, %parallel_loop3A_294 : vector<16xf32>
      %parallel_loop3A_296 = arith.mulf %parallel_loop3A_295, %parallel_loop3A_285 : vector<16xf32>
      %parallel_loop3A_297 = arith.constant -2.14494061 : f32
      %parallel_loop3A_298 = vector.broadcast %parallel_loop3A_297 : f32 to vector<16xf32>
      %parallel_loop3A_299 = arith.addf %parallel_loop3A_296, %parallel_loop3A_298 : vector<16xf32>
      %parallel_loop3A_300 = arith.sitofp %parallel_loop3A_278 : vector<16xi32> to vector<16xf32>
      %parallel_loop3A_301 = arith.addf %parallel_loop3A_300, %parallel_loop3A_299 : vector<16xf32>
      %parallel_loop3A_302 = arith.constant 1.000000e+00 : f32
      %parallel_loop3A_303 = vector.broadcast %parallel_loop3A_302 : f32 to vector<16xf32>
      %parallel_loop3A_304 = arith.subf %parallel_loop3A_303, %parallel_loop3A_271 : vector<16xf32>
      %parallel_loop3A_305 = arith.constant -0.519860387 : f32
      %parallel_loop3A_306 = arith.constant -0.173286796 : f32
      %parallel_loop3A_307 = vector.broadcast %parallel_loop3A_305 : f32 to vector<16xf32>
      %parallel_loop3A_308 = vector.broadcast %parallel_loop3A_306 : f32 to vector<16xf32>
      %parallel_loop3A_309 = arith.select %parallel_loop3A_253, %parallel_loop3A_307, %parallel_loop3A_308 : vector<16xi1>, vector<16xf32>
      %parallel_loop3A_310 = arith.mulf %parallel_loop3A_309, %parallel_loop3A_304 : vector<16xf32>
      %parallel_loop3A_311 = arith.mulf %parallel_loop3A_310, %parallel_loop3A_304 : vector<16xf32>
      %parallel_loop3A_312 = arith.mulf %parallel_loop3A_311, %parallel_loop3A_301 : vector<16xf32>
      %parallel_loop3A_313 = arith.constant 128 : i32
      %parallel_loop3A_314 = arith.muli %parallel_loop3A_313, %parallel_loop3A_54 : i32
      %parallel_loop3A_315 = arith.constant 32 : i32
      %parallel_loop3A_316 = arith.addi %parallel_loop3A_314, %parallel_loop3A_315 : i32
      %parallel_loop3A_317 = arith.index_cast %parallel_loop3A_316 : i32 to index
      %parallel_loop3A_318 = tpu.vector_load %arg9[%parallel_loop3A_317] {strides = array<i32>} : memref<7168xf32, #tpu.memory_space<vmem>>, vector<16xf32>,
      tpu.vector_store %arg9[%parallel_loop3A_317], %parallel_loop3A_312 {strides = array<i32>} : memref<7168xf32, #tpu.memory_space<vmem>>, vector<16xf32>,
      %parallel_loop3A_319 = arith.constant 256 : i32
      %parallel_loop3A_320 = arith.muli %parallel_loop3A_319, %parallel_loop3A_54 : i32
      %parallel_loop3A_321 = arith.constant 48 : i32
      %parallel_loop3A_322 = arith.addi %parallel_loop3A_320, %parallel_loop3A_321 : i32
      %parallel_loop3A_323 = arith.index_cast %parallel_loop3A_322 : i32 to index
      %parallel_loop3A_324 = tpu.vector_load %arg5[%parallel_loop3A_323] {strides = array<i32>} : memref<14336xf32, #tpu.memory_space<vmem>>, vector<16xf32>,
      %parallel_loop3A_325 = arith.constant 256 : i32
      %parallel_loop3A_326 = arith.muli %parallel_loop3A_325, %parallel_loop3A_54 : i32
      %parallel_loop3A_327 = arith.constant 128 : i32
      %parallel_loop3A_328 = arith.addi %parallel_loop3A_326, %parallel_loop3A_327 : i32
      %parallel_loop3A_329 = arith.constant 48 : i32
      %parallel_loop3A_330 = arith.addi %parallel_loop3A_328, %parallel_loop3A_329 : i32
      %parallel_loop3A_331 = arith.index_cast %parallel_loop3A_330 : i32 to index
      %parallel_loop3A_332 = tpu.vector_load %arg5[%parallel_loop3A_331] {strides = array<i32>} : memref<14336xf32, #tpu.memory_space<vmem>>, vector<16xf32>,
      %parallel_loop3A_333 = arith.constant 128 : i32
      %parallel_loop3A_334 = arith.muli %parallel_loop3A_333, %parallel_loop3A_54 : i32
      %parallel_loop3A_335 = arith.constant 48 : i32
      %parallel_loop3A_336 = arith.addi %parallel_loop3A_334, %parallel_loop3A_335 : i32
      %parallel_loop3A_337 = arith.index_cast %parallel_loop3A_336 : i32 to index
      %parallel_loop3A_338 = tpu.vector_load %arg7[%parallel_loop3A_337] {strides = array<i32>} : memref<7168xi32, #tpu.memory_space<vmem>>, vector<16xi32>,
      %parallel_loop3A_339 = arith.constant 1 : i32
      %parallel_loop3A_340 = vector.broadcast %parallel_loop3A_339 : i32 to vector<16xi32>
      %parallel_loop3A_341 = arith.cmpi eq, %parallel_loop3A_338, %parallel_loop3A_340 : vector<16xi32>
      %parallel_loop3A_342 = arith.subf %parallel_loop3A_332, %parallel_loop3A_324 : vector<16xf32>
      %parallel_loop3A_343 = arith.constant 0.000000e+00 : f32
      %parallel_loop3A_344 = vector.broadcast %parallel_loop3A_343 : f32 to vector<16xf32>
      %parallel_loop3A_345 = arith.subf %parallel_loop3A_344, %parallel_loop3A_342 : vector<16xf32>
      %parallel_loop3A_346 = arith.select %parallel_loop3A_341, %parallel_loop3A_342, %parallel_loop3A_345 : vector<16xi1>, vector<16xf32>
      %parallel_loop3A_347 = arith.constant 0.000000e+00 : f32
      %parallel_loop3A_348 = vector.broadcast %parallel_loop3A_347 : f32 to vector<16xf32>
      %parallel_loop3A_349 = arith.subf %parallel_loop3A_348, %parallel_loop3A_346 : vector<16xf32>
      %parallel_loop3A_350 = math.exp %parallel_loop3A_349 : vector<16xf32>
      %parallel_loop3A_351 = arith.constant 1.000000e+00 : f32
      %parallel_loop3A_352 = vector.broadcast %parallel_loop3A_351 : f32 to vector<16xf32>
      %parallel_loop3A_353 = arith.addf %parallel_loop3A_352, %parallel_loop3A_350 : vector<16xf32>
      %parallel_loop3A_354 = arith.constant 1.000000e+00 : f32
      %parallel_loop3A_355 = vector.broadcast %parallel_loop3A_354 : f32 to vector<16xf32>
      %parallel_loop3A_356 = arith.divf %parallel_loop3A_355, %parallel_loop3A_353 : vector<16xf32>
      %parallel_loop3A_357 = arith.constant 9.99999974E-5 : f32
      %parallel_loop3A_358 = vector.broadcast %parallel_loop3A_357 : f32 to vector<16xf32>
      %parallel_loop3A_359 = arith.maximumf %parallel_loop3A_356, %parallel_loop3A_358 : vector<16xf32>
      %parallel_loop3A_360 = vector.bitcast %parallel_loop3A_359 : vector<16xf32> to vector<16xi32>
      %parallel_loop3A_361 = arith.constant 23 : i32
      %parallel_loop3A_362 = vector.broadcast %parallel_loop3A_361 : i32 to vector<16xi32>
      %parallel_loop3A_363 = arith.shrui %parallel_loop3A_360, %parallel_loop3A_362 : vector<16xi32>
      %parallel_loop3A_364 = arith.constant 127 : i32
      %parallel_loop3A_365 = vector.broadcast %parallel_loop3A_364 : i32 to vector<16xi32>
      %parallel_loop3A_366 = arith.subi %parallel_loop3A_363, %parallel_loop3A_365 : vector<16xi32>
      %parallel_loop3A_367 = arith.constant 8388607 : i32
      %parallel_loop3A_368 = vector.broadcast %parallel_loop3A_367 : i32 to vector<16xi32>
      %parallel_loop3A_369 = arith.andi %parallel_loop3A_360, %parallel_loop3A_368 : vector<16xi32>
      %parallel_loop3A_370 = arith.constant 1065353216 : i32
      %parallel_loop3A_371 = vector.broadcast %parallel_loop3A_370 : i32 to vector<16xi32>
      %parallel_loop3A_372 = arith.ori %parallel_loop3A_369, %parallel_loop3A_371 : vector<16xi32>
      %parallel_loop3A_373 = vector.bitcast %parallel_loop3A_372 : vector<16xi32> to vector<16xf32>
      %parallel_loop3A_374 = arith.constant 0.155445859 : f32
      %parallel_loop3A_375 = vector.broadcast %parallel_loop3A_374 : f32 to vector<16xf32>
      %parallel_loop3A_376 = arith.mulf %parallel_loop3A_375, %parallel_loop3A_373 : vector<16xf32>
      %parallel_loop3A_377 = arith.constant -1.03925812 : f32
      %parallel_loop3A_378 = vector.broadcast %parallel_loop3A_377 : f32 to vector<16xf32>
      %parallel_loop3A_379 = arith.addf %parallel_loop3A_376, %parallel_loop3A_378 : vector<16xf32>
      %parallel_loop3A_380 = arith.mulf %parallel_loop3A_379, %parallel_loop3A_373 : vector<16xf32>
      %parallel_loop3A_381 = arith.constant 3.02947831 : f32
      %parallel_loop3A_382 = vector.broadcast %parallel_loop3A_381 : f32 to vector<16xf32>
      %parallel_loop3A_383 = arith.addf %parallel_loop3A_380, %parallel_loop3A_382 : vector<16xf32>
      %parallel_loop3A_384 = arith.mulf %parallel_loop3A_383, %parallel_loop3A_373 : vector<16xf32>
      %parallel_loop3A_385 = arith.constant -2.14494061 : f32
      %parallel_loop3A_386 = vector.broadcast %parallel_loop3A_385 : f32 to vector<16xf32>
      %parallel_loop3A_387 = arith.addf %parallel_loop3A_384, %parallel_loop3A_386 : vector<16xf32>
      %parallel_loop3A_388 = arith.sitofp %parallel_loop3A_366 : vector<16xi32> to vector<16xf32>
      %parallel_loop3A_389 = arith.addf %parallel_loop3A_388, %parallel_loop3A_387 : vector<16xf32>
      %parallel_loop3A_390 = arith.constant 1.000000e+00 : f32
      %parallel_loop3A_391 = vector.broadcast %parallel_loop3A_390 : f32 to vector<16xf32>
      %parallel_loop3A_392 = arith.subf %parallel_loop3A_391, %parallel_loop3A_359 : vector<16xf32>
      %parallel_loop3A_393 = arith.constant -0.519860387 : f32
      %parallel_loop3A_394 = arith.constant -0.173286796 : f32
      %parallel_loop3A_395 = vector.broadcast %parallel_loop3A_393 : f32 to vector<16xf32>
      %parallel_loop3A_396 = vector.broadcast %parallel_loop3A_394 : f32 to vector<16xf32>
      %parallel_loop3A_397 = arith.select %parallel_loop3A_341, %parallel_loop3A_395, %parallel_loop3A_396 : vector<16xi1>, vector<16xf32>
      %parallel_loop3A_398 = arith.mulf %parallel_loop3A_397, %parallel_loop3A_392 : vector<16xf32>
      %parallel_loop3A_399 = arith.mulf %parallel_loop3A_398, %parallel_loop3A_392 : vector<16xf32>
      %parallel_loop3A_400 = arith.mulf %parallel_loop3A_399, %parallel_loop3A_389 : vector<16xf32>
      %parallel_loop3A_401 = arith.constant 128 : i32
      %parallel_loop3A_402 = arith.muli %parallel_loop3A_401, %parallel_loop3A_54 : i32
      %parallel_loop3A_403 = arith.constant 48 : i32
      %parallel_loop3A_404 = arith.addi %parallel_loop3A_402, %parallel_loop3A_403 : i32
      %parallel_loop3A_405 = arith.index_cast %parallel_loop3A_404 : i32 to index
      %parallel_loop3A_406 = tpu.vector_load %arg9[%parallel_loop3A_405] {strides = array<i32>} : memref<7168xf32, #tpu.memory_space<vmem>>, vector<16xf32>,
      tpu.vector_store %arg9[%parallel_loop3A_405], %parallel_loop3A_400 {strides = array<i32>} : memref<7168xf32, #tpu.memory_space<vmem>>, vector<16xf32>,
      %parallel_loop3A_407 = arith.constant 256 : i32
      %parallel_loop3A_408 = arith.muli %parallel_loop3A_407, %parallel_loop3A_54 : i32
      %parallel_loop3A_409 = arith.constant 64 : i32
      %parallel_loop3A_410 = arith.addi %parallel_loop3A_408, %parallel_loop3A_409 : i32
      %parallel_loop3A_411 = arith.index_cast %parallel_loop3A_410 : i32 to index
      %parallel_loop3A_412 = tpu.vector_load %arg5[%parallel_loop3A_411] {strides = array<i32>} : memref<14336xf32, #tpu.memory_space<vmem>>, vector<16xf32>,
      %parallel_loop3A_413 = arith.constant 256 : i32
      %parallel_loop3A_414 = arith.muli %parallel_loop3A_413, %parallel_loop3A_54 : i32
      %parallel_loop3A_415 = arith.constant 128 : i32
      %parallel_loop3A_416 = arith.addi %parallel_loop3A_414, %parallel_loop3A_415 : i32
      %parallel_loop3A_417 = arith.constant 64 : i32
      %parallel_loop3A_418 = arith.addi %parallel_loop3A_416, %parallel_loop3A_417 : i32
      %parallel_loop3A_419 = arith.index_cast %parallel_loop3A_418 : i32 to index
      %parallel_loop3A_420 = tpu.vector_load %arg5[%parallel_loop3A_419] {strides = array<i32>} : memref<14336xf32, #tpu.memory_space<vmem>>, vector<16xf32>,
      %parallel_loop3A_421 = arith.constant 128 : i32
      %parallel_loop3A_422 = arith.muli %parallel_loop3A_421, %parallel_loop3A_54 : i32
      %parallel_loop3A_423 = arith.constant 64 : i32
      %parallel_loop3A_424 = arith.addi %parallel_loop3A_422, %parallel_loop3A_423 : i32
      %parallel_loop3A_425 = arith.index_cast %parallel_loop3A_424 : i32 to index
      %parallel_loop3A_426 = tpu.vector_load %arg7[%parallel_loop3A_425] {strides = array<i32>} : memref<7168xi32, #tpu.memory_space<vmem>>, vector<16xi32>,
      %parallel_loop3A_427 = arith.constant 1 : i32
      %parallel_loop3A_428 = vector.broadcast %parallel_loop3A_427 : i32 to vector<16xi32>
      %parallel_loop3A_429 = arith.cmpi eq, %parallel_loop3A_426, %parallel_loop3A_428 : vector<16xi32>
      %parallel_loop3A_430 = arith.subf %parallel_loop3A_420, %parallel_loop3A_412 : vector<16xf32>
      %parallel_loop3A_431 = arith.constant 0.000000e+00 : f32
      %parallel_loop3A_432 = vector.broadcast %parallel_loop3A_431 : f32 to vector<16xf32>
      %parallel_loop3A_433 = arith.subf %parallel_loop3A_432, %parallel_loop3A_430 : vector<16xf32>
      %parallel_loop3A_434 = arith.select %parallel_loop3A_429, %parallel_loop3A_430, %parallel_loop3A_433 : vector<16xi1>, vector<16xf32>
      %parallel_loop3A_435 = arith.constant 0.000000e+00 : f32
      %parallel_loop3A_436 = vector.broadcast %parallel_loop3A_435 : f32 to vector<16xf32>
      %parallel_loop3A_437 = arith.subf %parallel_loop3A_436, %parallel_loop3A_434 : vector<16xf32>
      %parallel_loop3A_438 = math.exp %parallel_loop3A_437 : vector<16xf32>
      %parallel_loop3A_439 = arith.constant 1.000000e+00 : f32
      %parallel_loop3A_440 = vector.broadcast %parallel_loop3A_439 : f32 to vector<16xf32>
      %parallel_loop3A_441 = arith.addf %parallel_loop3A_440, %parallel_loop3A_438 : vector<16xf32>
      %parallel_loop3A_442 = arith.constant 1.000000e+00 : f32
      %parallel_loop3A_443 = vector.broadcast %parallel_loop3A_442 : f32 to vector<16xf32>
      %parallel_loop3A_444 = arith.divf %parallel_loop3A_443, %parallel_loop3A_441 : vector<16xf32>
      %parallel_loop3A_445 = arith.constant 9.99999974E-5 : f32
      %parallel_loop3A_446 = vector.broadcast %parallel_loop3A_445 : f32 to vector<16xf32>
      %parallel_loop3A_447 = arith.maximumf %parallel_loop3A_444, %parallel_loop3A_446 : vector<16xf32>
      %parallel_loop3A_448 = vector.bitcast %parallel_loop3A_447 : vector<16xf32> to vector<16xi32>
      %parallel_loop3A_449 = arith.constant 23 : i32
      %parallel_loop3A_450 = vector.broadcast %parallel_loop3A_449 : i32 to vector<16xi32>
      %parallel_loop3A_451 = arith.shrui %parallel_loop3A_448, %parallel_loop3A_450 : vector<16xi32>
      %parallel_loop3A_452 = arith.constant 127 : i32
      %parallel_loop3A_453 = vector.broadcast %parallel_loop3A_452 : i32 to vector<16xi32>
      %parallel_loop3A_454 = arith.subi %parallel_loop3A_451, %parallel_loop3A_453 : vector<16xi32>
      %parallel_loop3A_455 = arith.constant 8388607 : i32
      %parallel_loop3A_456 = vector.broadcast %parallel_loop3A_455 : i32 to vector<16xi32>
      %parallel_loop3A_457 = arith.andi %parallel_loop3A_448, %parallel_loop3A_456 : vector<16xi32>
      %parallel_loop3A_458 = arith.constant 1065353216 : i32
      %parallel_loop3A_459 = vector.broadcast %parallel_loop3A_458 : i32 to vector<16xi32>
      %parallel_loop3A_460 = arith.ori %parallel_loop3A_457, %parallel_loop3A_459 : vector<16xi32>
      %parallel_loop3A_461 = vector.bitcast %parallel_loop3A_460 : vector<16xi32> to vector<16xf32>
      %parallel_loop3A_462 = arith.constant 0.155445859 : f32
      %parallel_loop3A_463 = vector.broadcast %parallel_loop3A_462 : f32 to vector<16xf32>
      %parallel_loop3A_464 = arith.mulf %parallel_loop3A_463, %parallel_loop3A_461 : vector<16xf32>
      %parallel_loop3A_465 = arith.constant -1.03925812 : f32
      %parallel_loop3A_466 = vector.broadcast %parallel_loop3A_465 : f32 to vector<16xf32>
      %parallel_loop3A_467 = arith.addf %parallel_loop3A_464, %parallel_loop3A_466 : vector<16xf32>
      %parallel_loop3A_468 = arith.mulf %parallel_loop3A_467, %parallel_loop3A_461 : vector<16xf32>
      %parallel_loop3A_469 = arith.constant 3.02947831 : f32
      %parallel_loop3A_470 = vector.broadcast %parallel_loop3A_469 : f32 to vector<16xf32>
      %parallel_loop3A_471 = arith.addf %parallel_loop3A_468, %parallel_loop3A_470 : vector<16xf32>
      %parallel_loop3A_472 = arith.mulf %parallel_loop3A_471, %parallel_loop3A_461 : vector<16xf32>
      %parallel_loop3A_473 = arith.constant -2.14494061 : f32
      %parallel_loop3A_474 = vector.broadcast %parallel_loop3A_473 : f32 to vector<16xf32>
      %parallel_loop3A_475 = arith.addf %parallel_loop3A_472, %parallel_loop3A_474 : vector<16xf32>
      %parallel_loop3A_476 = arith.sitofp %parallel_loop3A_454 : vector<16xi32> to vector<16xf32>
      %parallel_loop3A_477 = arith.addf %parallel_loop3A_476, %parallel_loop3A_475 : vector<16xf32>
      %parallel_loop3A_478 = arith.constant 1.000000e+00 : f32
      %parallel_loop3A_479 = vector.broadcast %parallel_loop3A_478 : f32 to vector<16xf32>
      %parallel_loop3A_480 = arith.subf %parallel_loop3A_479, %parallel_loop3A_447 : vector<16xf32>
      %parallel_loop3A_481 = arith.constant -0.519860387 : f32
      %parallel_loop3A_482 = arith.constant -0.173286796 : f32
      %parallel_loop3A_483 = vector.broadcast %parallel_loop3A_481 : f32 to vector<16xf32>
      %parallel_loop3A_484 = vector.broadcast %parallel_loop3A_482 : f32 to vector<16xf32>
      %parallel_loop3A_485 = arith.select %parallel_loop3A_429, %parallel_loop3A_483, %parallel_loop3A_484 : vector<16xi1>, vector<16xf32>
      %parallel_loop3A_486 = arith.mulf %parallel_loop3A_485, %parallel_loop3A_480 : vector<16xf32>
      %parallel_loop3A_487 = arith.mulf %parallel_loop3A_486, %parallel_loop3A_480 : vector<16xf32>
      %parallel_loop3A_488 = arith.mulf %parallel_loop3A_487, %parallel_loop3A_477 : vector<16xf32>
      %parallel_loop3A_489 = arith.constant 128 : i32
      %parallel_loop3A_490 = arith.muli %parallel_loop3A_489, %parallel_loop3A_54 : i32
      %parallel_loop3A_491 = arith.constant 64 : i32
      %parallel_loop3A_492 = arith.addi %parallel_loop3A_490, %parallel_loop3A_491 : i32
      %parallel_loop3A_493 = arith.index_cast %parallel_loop3A_492 : i32 to index
      %parallel_loop3A_494 = tpu.vector_load %arg9[%parallel_loop3A_493] {strides = array<i32>} : memref<7168xf32, #tpu.memory_space<vmem>>, vector<16xf32>,
      tpu.vector_store %arg9[%parallel_loop3A_493], %parallel_loop3A_488 {strides = array<i32>} : memref<7168xf32, #tpu.memory_space<vmem>>, vector<16xf32>,
      %parallel_loop3A_495 = arith.constant 256 : i32
      %parallel_loop3A_496 = arith.muli %parallel_loop3A_495, %parallel_loop3A_54 : i32
      %parallel_loop3A_497 = arith.constant 80 : i32
      %parallel_loop3A_498 = arith.addi %parallel_loop3A_496, %parallel_loop3A_497 : i32
      %parallel_loop3A_499 = arith.index_cast %parallel_loop3A_498 : i32 to index
      %parallel_loop3A_500 = tpu.vector_load %arg5[%parallel_loop3A_499] {strides = array<i32>} : memref<14336xf32, #tpu.memory_space<vmem>>, vector<16xf32>,
      %parallel_loop3A_501 = arith.constant 256 : i32
      %parallel_loop3A_502 = arith.muli %parallel_loop3A_501, %parallel_loop3A_54 : i32
      %parallel_loop3A_503 = arith.constant 128 : i32
      %parallel_loop3A_504 = arith.addi %parallel_loop3A_502, %parallel_loop3A_503 : i32
      %parallel_loop3A_505 = arith.constant 80 : i32
      %parallel_loop3A_506 = arith.addi %parallel_loop3A_504, %parallel_loop3A_505 : i32
      %parallel_loop3A_507 = arith.index_cast %parallel_loop3A_506 : i32 to index
      %parallel_loop3A_508 = tpu.vector_load %arg5[%parallel_loop3A_507] {strides = array<i32>} : memref<14336xf32, #tpu.memory_space<vmem>>, vector<16xf32>,
      %parallel_loop3A_509 = arith.constant 128 : i32
      %parallel_loop3A_510 = arith.muli %parallel_loop3A_509, %parallel_loop3A_54 : i32
      %parallel_loop3A_511 = arith.constant 80 : i32
      %parallel_loop3A_512 = arith.addi %parallel_loop3A_510, %parallel_loop3A_511 : i32
      %parallel_loop3A_513 = arith.index_cast %parallel_loop3A_512 : i32 to index
      %parallel_loop3A_514 = tpu.vector_load %arg7[%parallel_loop3A_513] {strides = array<i32>} : memref<7168xi32, #tpu.memory_space<vmem>>, vector<16xi32>,
      %parallel_loop3A_515 = arith.constant 1 : i32
      %parallel_loop3A_516 = vector.broadcast %parallel_loop3A_515 : i32 to vector<16xi32>
      %parallel_loop3A_517 = arith.cmpi eq, %parallel_loop3A_514, %parallel_loop3A_516 : vector<16xi32>
      %parallel_loop3A_518 = arith.subf %parallel_loop3A_508, %parallel_loop3A_500 : vector<16xf32>
      %parallel_loop3A_519 = arith.constant 0.000000e+00 : f32
      %parallel_loop3A_520 = vector.broadcast %parallel_loop3A_519 : f32 to vector<16xf32>
      %parallel_loop3A_521 = arith.subf %parallel_loop3A_520, %parallel_loop3A_518 : vector<16xf32>
      %parallel_loop3A_522 = arith.select %parallel_loop3A_517, %parallel_loop3A_518, %parallel_loop3A_521 : vector<16xi1>, vector<16xf32>
      %parallel_loop3A_523 = arith.constant 0.000000e+00 : f32
      %parallel_loop3A_524 = vector.broadcast %parallel_loop3A_523 : f32 to vector<16xf32>
      %parallel_loop3A_525 = arith.subf %parallel_loop3A_524, %parallel_loop3A_522 : vector<16xf32>
      %parallel_loop3A_526 = math.exp %parallel_loop3A_525 : vector<16xf32>
      %parallel_loop3A_527 = arith.constant 1.000000e+00 : f32
      %parallel_loop3A_528 = vector.broadcast %parallel_loop3A_527 : f32 to vector<16xf32>
      %parallel_loop3A_529 = arith.addf %parallel_loop3A_528, %parallel_loop3A_526 : vector<16xf32>
      %parallel_loop3A_530 = arith.constant 1.000000e+00 : f32
      %parallel_loop3A_531 = vector.broadcast %parallel_loop3A_530 : f32 to vector<16xf32>
      %parallel_loop3A_532 = arith.divf %parallel_loop3A_531, %parallel_loop3A_529 : vector<16xf32>
      %parallel_loop3A_533 = arith.constant 9.99999974E-5 : f32
      %parallel_loop3A_534 = vector.broadcast %parallel_loop3A_533 : f32 to vector<16xf32>
      %parallel_loop3A_535 = arith.maximumf %parallel_loop3A_532, %parallel_loop3A_534 : vector<16xf32>
      %parallel_loop3A_536 = vector.bitcast %parallel_loop3A_535 : vector<16xf32> to vector<16xi32>
      %parallel_loop3A_537 = arith.constant 23 : i32
      %parallel_loop3A_538 = vector.broadcast %parallel_loop3A_537 : i32 to vector<16xi32>
      %parallel_loop3A_539 = arith.shrui %parallel_loop3A_536, %parallel_loop3A_538 : vector<16xi32>
      %parallel_loop3A_540 = arith.constant 127 : i32
      %parallel_loop3A_541 = vector.broadcast %parallel_loop3A_540 : i32 to vector<16xi32>
      %parallel_loop3A_542 = arith.subi %parallel_loop3A_539, %parallel_loop3A_541 : vector<16xi32>
      %parallel_loop3A_543 = arith.constant 8388607 : i32
      %parallel_loop3A_544 = vector.broadcast %parallel_loop3A_543 : i32 to vector<16xi32>
      %parallel_loop3A_545 = arith.andi %parallel_loop3A_536, %parallel_loop3A_544 : vector<16xi32>
      %parallel_loop3A_546 = arith.constant 1065353216 : i32
      %parallel_loop3A_547 = vector.broadcast %parallel_loop3A_546 : i32 to vector<16xi32>
      %parallel_loop3A_548 = arith.ori %parallel_loop3A_545, %parallel_loop3A_547 : vector<16xi32>
      %parallel_loop3A_549 = vector.bitcast %parallel_loop3A_548 : vector<16xi32> to vector<16xf32>
      %parallel_loop3A_550 = arith.constant 0.155445859 : f32
      %parallel_loop3A_551 = vector.broadcast %parallel_loop3A_550 : f32 to vector<16xf32>
      %parallel_loop3A_552 = arith.mulf %parallel_loop3A_551, %parallel_loop3A_549 : vector<16xf32>
      %parallel_loop3A_553 = arith.constant -1.03925812 : f32
      %parallel_loop3A_554 = vector.broadcast %parallel_loop3A_553 : f32 to vector<16xf32>
      %parallel_loop3A_555 = arith.addf %parallel_loop3A_552, %parallel_loop3A_554 : vector<16xf32>
      %parallel_loop3A_556 = arith.mulf %parallel_loop3A_555, %parallel_loop3A_549 : vector<16xf32>
      %parallel_loop3A_557 = arith.constant 3.02947831 : f32
      %parallel_loop3A_558 = vector.broadcast %parallel_loop3A_557 : f32 to vector<16xf32>
      %parallel_loop3A_559 = arith.addf %parallel_loop3A_556, %parallel_loop3A_558 : vector<16xf32>
      %parallel_loop3A_560 = arith.mulf %parallel_loop3A_559, %parallel_loop3A_549 : vector<16xf32>
      %parallel_loop3A_561 = arith.constant -2.14494061 : f32
      %parallel_loop3A_562 = vector.broadcast %parallel_loop3A_561 : f32 to vector<16xf32>
      %parallel_loop3A_563 = arith.addf %parallel_loop3A_560, %parallel_loop3A_562 : vector<16xf32>
      %parallel_loop3A_564 = arith.sitofp %parallel_loop3A_542 : vector<16xi32> to vector<16xf32>
      %parallel_loop3A_565 = arith.addf %parallel_loop3A_564, %parallel_loop3A_563 : vector<16xf32>
      %parallel_loop3A_566 = arith.constant 1.000000e+00 : f32
      %parallel_loop3A_567 = vector.broadcast %parallel_loop3A_566 : f32 to vector<16xf32>
      %parallel_loop3A_568 = arith.subf %parallel_loop3A_567, %parallel_loop3A_535 : vector<16xf32>
      %parallel_loop3A_569 = arith.constant -0.519860387 : f32
      %parallel_loop3A_570 = arith.constant -0.173286796 : f32
      %parallel_loop3A_571 = vector.broadcast %parallel_loop3A_569 : f32 to vector<16xf32>
      %parallel_loop3A_572 = vector.broadcast %parallel_loop3A_570 : f32 to vector<16xf32>
      %parallel_loop3A_573 = arith.select %parallel_loop3A_517, %parallel_loop3A_571, %parallel_loop3A_572 : vector<16xi1>, vector<16xf32>
      %parallel_loop3A_574 = arith.mulf %parallel_loop3A_573, %parallel_loop3A_568 : vector<16xf32>
      %parallel_loop3A_575 = arith.mulf %parallel_loop3A_574, %parallel_loop3A_568 : vector<16xf32>
      %parallel_loop3A_576 = arith.mulf %parallel_loop3A_575, %parallel_loop3A_565 : vector<16xf32>
      %parallel_loop3A_577 = arith.constant 128 : i32
      %parallel_loop3A_578 = arith.muli %parallel_loop3A_577, %parallel_loop3A_54 : i32
      %parallel_loop3A_579 = arith.constant 80 : i32
      %parallel_loop3A_580 = arith.addi %parallel_loop3A_578, %parallel_loop3A_579 : i32
      %parallel_loop3A_581 = arith.index_cast %parallel_loop3A_580 : i32 to index
      %parallel_loop3A_582 = tpu.vector_load %arg9[%parallel_loop3A_581] {strides = array<i32>} : memref<7168xf32, #tpu.memory_space<vmem>>, vector<16xf32>,
      tpu.vector_store %arg9[%parallel_loop3A_581], %parallel_loop3A_576 {strides = array<i32>} : memref<7168xf32, #tpu.memory_space<vmem>>, vector<16xf32>,
      %parallel_loop3A_583 = arith.constant 256 : i32
      %parallel_loop3A_584 = arith.muli %parallel_loop3A_583, %parallel_loop3A_54 : i32
      %parallel_loop3A_585 = arith.constant 96 : i32
      %parallel_loop3A_586 = arith.addi %parallel_loop3A_584, %parallel_loop3A_585 : i32
      %parallel_loop3A_587 = arith.index_cast %parallel_loop3A_586 : i32 to index
      %parallel_loop3A_588 = tpu.vector_load %arg5[%parallel_loop3A_587] {strides = array<i32>} : memref<14336xf32, #tpu.memory_space<vmem>>, vector<16xf32>,
      %parallel_loop3A_589 = arith.constant 256 : i32
      %parallel_loop3A_590 = arith.muli %parallel_loop3A_589, %parallel_loop3A_54 : i32
      %parallel_loop3A_591 = arith.constant 128 : i32
      %parallel_loop3A_592 = arith.addi %parallel_loop3A_590, %parallel_loop3A_591 : i32
      %parallel_loop3A_593 = arith.constant 96 : i32
      %parallel_loop3A_594 = arith.addi %parallel_loop3A_592, %parallel_loop3A_593 : i32
      %parallel_loop3A_595 = arith.index_cast %parallel_loop3A_594 : i32 to index
      %parallel_loop3A_596 = tpu.vector_load %arg5[%parallel_loop3A_595] {strides = array<i32>} : memref<14336xf32, #tpu.memory_space<vmem>>, vector<16xf32>,
      %parallel_loop3A_597 = arith.constant 128 : i32
      %parallel_loop3A_598 = arith.muli %parallel_loop3A_597, %parallel_loop3A_54 : i32
      %parallel_loop3A_599 = arith.constant 96 : i32
      %parallel_loop3A_600 = arith.addi %parallel_loop3A_598, %parallel_loop3A_599 : i32
      %parallel_loop3A_601 = arith.index_cast %parallel_loop3A_600 : i32 to index
      %parallel_loop3A_602 = tpu.vector_load %arg7[%parallel_loop3A_601] {strides = array<i32>} : memref<7168xi32, #tpu.memory_space<vmem>>, vector<16xi32>,
      %parallel_loop3A_603 = arith.constant 1 : i32
      %parallel_loop3A_604 = vector.broadcast %parallel_loop3A_603 : i32 to vector<16xi32>
      %parallel_loop3A_605 = arith.cmpi eq, %parallel_loop3A_602, %parallel_loop3A_604 : vector<16xi32>
      %parallel_loop3A_606 = arith.subf %parallel_loop3A_596, %parallel_loop3A_588 : vector<16xf32>
      %parallel_loop3A_607 = arith.constant 0.000000e+00 : f32
      %parallel_loop3A_608 = vector.broadcast %parallel_loop3A_607 : f32 to vector<16xf32>
      %parallel_loop3A_609 = arith.subf %parallel_loop3A_608, %parallel_loop3A_606 : vector<16xf32>
      %parallel_loop3A_610 = arith.select %parallel_loop3A_605, %parallel_loop3A_606, %parallel_loop3A_609 : vector<16xi1>, vector<16xf32>
      %parallel_loop3A_611 = arith.constant 0.000000e+00 : f32
      %parallel_loop3A_612 = vector.broadcast %parallel_loop3A_611 : f32 to vector<16xf32>
      %parallel_loop3A_613 = arith.subf %parallel_loop3A_612, %parallel_loop3A_610 : vector<16xf32>
      %parallel_loop3A_614 = math.exp %parallel_loop3A_613 : vector<16xf32>
      %parallel_loop3A_615 = arith.constant 1.000000e+00 : f32
      %parallel_loop3A_616 = vector.broadcast %parallel_loop3A_615 : f32 to vector<16xf32>
      %parallel_loop3A_617 = arith.addf %parallel_loop3A_616, %parallel_loop3A_614 : vector<16xf32>
      %parallel_loop3A_618 = arith.constant 1.000000e+00 : f32
      %parallel_loop3A_619 = vector.broadcast %parallel_loop3A_618 : f32 to vector<16xf32>
      %parallel_loop3A_620 = arith.divf %parallel_loop3A_619, %parallel_loop3A_617 : vector<16xf32>
      %parallel_loop3A_621 = arith.constant 9.99999974E-5 : f32
      %parallel_loop3A_622 = vector.broadcast %parallel_loop3A_621 : f32 to vector<16xf32>
      %parallel_loop3A_623 = arith.maximumf %parallel_loop3A_620, %parallel_loop3A_622 : vector<16xf32>
      %parallel_loop3A_624 = vector.bitcast %parallel_loop3A_623 : vector<16xf32> to vector<16xi32>
      %parallel_loop3A_625 = arith.constant 23 : i32
      %parallel_loop3A_626 = vector.broadcast %parallel_loop3A_625 : i32 to vector<16xi32>
      %parallel_loop3A_627 = arith.shrui %parallel_loop3A_624, %parallel_loop3A_626 : vector<16xi32>
      %parallel_loop3A_628 = arith.constant 127 : i32
      %parallel_loop3A_629 = vector.broadcast %parallel_loop3A_628 : i32 to vector<16xi32>
      %parallel_loop3A_630 = arith.subi %parallel_loop3A_627, %parallel_loop3A_629 : vector<16xi32>
      %parallel_loop3A_631 = arith.constant 8388607 : i32
      %parallel_loop3A_632 = vector.broadcast %parallel_loop3A_631 : i32 to vector<16xi32>
      %parallel_loop3A_633 = arith.andi %parallel_loop3A_624, %parallel_loop3A_632 : vector<16xi32>
      %parallel_loop3A_634 = arith.constant 1065353216 : i32
      %parallel_loop3A_635 = vector.broadcast %parallel_loop3A_634 : i32 to vector<16xi32>
      %parallel_loop3A_636 = arith.ori %parallel_loop3A_633, %parallel_loop3A_635 : vector<16xi32>
      %parallel_loop3A_637 = vector.bitcast %parallel_loop3A_636 : vector<16xi32> to vector<16xf32>
      %parallel_loop3A_638 = arith.constant 0.155445859 : f32
      %parallel_loop3A_639 = vector.broadcast %parallel_loop3A_638 : f32 to vector<16xf32>
      %parallel_loop3A_640 = arith.mulf %parallel_loop3A_639, %parallel_loop3A_637 : vector<16xf32>
      %parallel_loop3A_641 = arith.constant -1.03925812 : f32
      %parallel_loop3A_642 = vector.broadcast %parallel_loop3A_641 : f32 to vector<16xf32>
      %parallel_loop3A_643 = arith.addf %parallel_loop3A_640, %parallel_loop3A_642 : vector<16xf32>
      %parallel_loop3A_644 = arith.mulf %parallel_loop3A_643, %parallel_loop3A_637 : vector<16xf32>
      %parallel_loop3A_645 = arith.constant 3.02947831 : f32
      %parallel_loop3A_646 = vector.broadcast %parallel_loop3A_645 : f32 to vector<16xf32>
      %parallel_loop3A_647 = arith.addf %parallel_loop3A_644, %parallel_loop3A_646 : vector<16xf32>
      %parallel_loop3A_648 = arith.mulf %parallel_loop3A_647, %parallel_loop3A_637 : vector<16xf32>
      %parallel_loop3A_649 = arith.constant -2.14494061 : f32
      %parallel_loop3A_650 = vector.broadcast %parallel_loop3A_649 : f32 to vector<16xf32>
      %parallel_loop3A_651 = arith.addf %parallel_loop3A_648, %parallel_loop3A_650 : vector<16xf32>
      %parallel_loop3A_652 = arith.sitofp %parallel_loop3A_630 : vector<16xi32> to vector<16xf32>
      %parallel_loop3A_653 = arith.addf %parallel_loop3A_652, %parallel_loop3A_651 : vector<16xf32>
      %parallel_loop3A_654 = arith.constant 1.000000e+00 : f32
      %parallel_loop3A_655 = vector.broadcast %parallel_loop3A_654 : f32 to vector<16xf32>
      %parallel_loop3A_656 = arith.subf %parallel_loop3A_655, %parallel_loop3A_623 : vector<16xf32>
      %parallel_loop3A_657 = arith.constant -0.519860387 : f32
      %parallel_loop3A_658 = arith.constant -0.173286796 : f32
      %parallel_loop3A_659 = vector.broadcast %parallel_loop3A_657 : f32 to vector<16xf32>
      %parallel_loop3A_660 = vector.broadcast %parallel_loop3A_658 : f32 to vector<16xf32>
      %parallel_loop3A_661 = arith.select %parallel_loop3A_605, %parallel_loop3A_659, %parallel_loop3A_660 : vector<16xi1>, vector<16xf32>
      %parallel_loop3A_662 = arith.mulf %parallel_loop3A_661, %parallel_loop3A_656 : vector<16xf32>
      %parallel_loop3A_663 = arith.mulf %parallel_loop3A_662, %parallel_loop3A_656 : vector<16xf32>
      %parallel_loop3A_664 = arith.mulf %parallel_loop3A_663, %parallel_loop3A_653 : vector<16xf32>
      %parallel_loop3A_665 = arith.constant 128 : i32
      %parallel_loop3A_666 = arith.muli %parallel_loop3A_665, %parallel_loop3A_54 : i32
      %parallel_loop3A_667 = arith.constant 96 : i32
      %parallel_loop3A_668 = arith.addi %parallel_loop3A_666, %parallel_loop3A_667 : i32
      %parallel_loop3A_669 = arith.index_cast %parallel_loop3A_668 : i32 to index
      %parallel_loop3A_670 = tpu.vector_load %arg9[%parallel_loop3A_669] {strides = array<i32>} : memref<7168xf32, #tpu.memory_space<vmem>>, vector<16xf32>,
      tpu.vector_store %arg9[%parallel_loop3A_669], %parallel_loop3A_664 {strides = array<i32>} : memref<7168xf32, #tpu.memory_space<vmem>>, vector<16xf32>,
      %parallel_loop3A_671 = arith.constant 256 : i32
      %parallel_loop3A_672 = arith.muli %parallel_loop3A_671, %parallel_loop3A_54 : i32
      %parallel_loop3A_673 = arith.constant 112 : i32
      %parallel_loop3A_674 = arith.addi %parallel_loop3A_672, %parallel_loop3A_673 : i32
      %parallel_loop3A_675 = arith.index_cast %parallel_loop3A_674 : i32 to index
      %parallel_loop3A_676 = tpu.vector_load %arg5[%parallel_loop3A_675] {strides = array<i32>} : memref<14336xf32, #tpu.memory_space<vmem>>, vector<16xf32>,
      %parallel_loop3A_677 = arith.constant 256 : i32
      %parallel_loop3A_678 = arith.muli %parallel_loop3A_677, %parallel_loop3A_54 : i32
      %parallel_loop3A_679 = arith.constant 128 : i32
      %parallel_loop3A_680 = arith.addi %parallel_loop3A_678, %parallel_loop3A_679 : i32
      %parallel_loop3A_681 = arith.constant 112 : i32
      %parallel_loop3A_682 = arith.addi %parallel_loop3A_680, %parallel_loop3A_681 : i32
      %parallel_loop3A_683 = arith.index_cast %parallel_loop3A_682 : i32 to index
      %parallel_loop3A_684 = tpu.vector_load %arg5[%parallel_loop3A_683] {strides = array<i32>} : memref<14336xf32, #tpu.memory_space<vmem>>, vector<16xf32>,
      %parallel_loop3A_685 = arith.constant 128 : i32
      %parallel_loop3A_686 = arith.muli %parallel_loop3A_685, %parallel_loop3A_54 : i32
      %parallel_loop3A_687 = arith.constant 112 : i32
      %parallel_loop3A_688 = arith.addi %parallel_loop3A_686, %parallel_loop3A_687 : i32
      %parallel_loop3A_689 = arith.index_cast %parallel_loop3A_688 : i32 to index
      %parallel_loop3A_690 = tpu.vector_load %arg7[%parallel_loop3A_689] {strides = array<i32>} : memref<7168xi32, #tpu.memory_space<vmem>>, vector<16xi32>,
      %parallel_loop3A_691 = arith.constant 1 : i32
      %parallel_loop3A_692 = vector.broadcast %parallel_loop3A_691 : i32 to vector<16xi32>
      %parallel_loop3A_693 = arith.cmpi eq, %parallel_loop3A_690, %parallel_loop3A_692 : vector<16xi32>
      %parallel_loop3A_694 = arith.subf %parallel_loop3A_684, %parallel_loop3A_676 : vector<16xf32>
      %parallel_loop3A_695 = arith.constant 0.000000e+00 : f32
      %parallel_loop3A_696 = vector.broadcast %parallel_loop3A_695 : f32 to vector<16xf32>
      %parallel_loop3A_697 = arith.subf %parallel_loop3A_696, %parallel_loop3A_694 : vector<16xf32>
      %parallel_loop3A_698 = arith.select %parallel_loop3A_693, %parallel_loop3A_694, %parallel_loop3A_697 : vector<16xi1>, vector<16xf32>
      %parallel_loop3A_699 = arith.constant 0.000000e+00 : f32
      %parallel_loop3A_700 = vector.broadcast %parallel_loop3A_699 : f32 to vector<16xf32>
      %parallel_loop3A_701 = arith.subf %parallel_loop3A_700, %parallel_loop3A_698 : vector<16xf32>
      %parallel_loop3A_702 = math.exp %parallel_loop3A_701 : vector<16xf32>
      %parallel_loop3A_703 = arith.constant 1.000000e+00 : f32
      %parallel_loop3A_704 = vector.broadcast %parallel_loop3A_703 : f32 to vector<16xf32>
      %parallel_loop3A_705 = arith.addf %parallel_loop3A_704, %parallel_loop3A_702 : vector<16xf32>
      %parallel_loop3A_706 = arith.constant 1.000000e+00 : f32
      %parallel_loop3A_707 = vector.broadcast %parallel_loop3A_706 : f32 to vector<16xf32>
      %parallel_loop3A_708 = arith.divf %parallel_loop3A_707, %parallel_loop3A_705 : vector<16xf32>
      %parallel_loop3A_709 = arith.constant 9.99999974E-5 : f32
      %parallel_loop3A_710 = vector.broadcast %parallel_loop3A_709 : f32 to vector<16xf32>
      %parallel_loop3A_711 = arith.maximumf %parallel_loop3A_708, %parallel_loop3A_710 : vector<16xf32>
      %parallel_loop3A_712 = vector.bitcast %parallel_loop3A_711 : vector<16xf32> to vector<16xi32>
      %parallel_loop3A_713 = arith.constant 23 : i32
      %parallel_loop3A_714 = vector.broadcast %parallel_loop3A_713 : i32 to vector<16xi32>
      %parallel_loop3A_715 = arith.shrui %parallel_loop3A_712, %parallel_loop3A_714 : vector<16xi32>
      %parallel_loop3A_716 = arith.constant 127 : i32
      %parallel_loop3A_717 = vector.broadcast %parallel_loop3A_716 : i32 to vector<16xi32>
      %parallel_loop3A_718 = arith.subi %parallel_loop3A_715, %parallel_loop3A_717 : vector<16xi32>
      %parallel_loop3A_719 = arith.constant 8388607 : i32
      %parallel_loop3A_720 = vector.broadcast %parallel_loop3A_719 : i32 to vector<16xi32>
      %parallel_loop3A_721 = arith.andi %parallel_loop3A_712, %parallel_loop3A_720 : vector<16xi32>
      %parallel_loop3A_722 = arith.constant 1065353216 : i32
      %parallel_loop3A_723 = vector.broadcast %parallel_loop3A_722 : i32 to vector<16xi32>
      %parallel_loop3A_724 = arith.ori %parallel_loop3A_721, %parallel_loop3A_723 : vector<16xi32>
      %parallel_loop3A_725 = vector.bitcast %parallel_loop3A_724 : vector<16xi32> to vector<16xf32>
      %parallel_loop3A_726 = arith.constant 0.155445859 : f32
      %parallel_loop3A_727 = vector.broadcast %parallel_loop3A_726 : f32 to vector<16xf32>
      %parallel_loop3A_728 = arith.mulf %parallel_loop3A_727, %parallel_loop3A_725 : vector<16xf32>
      %parallel_loop3A_729 = arith.constant -1.03925812 : f32
      %parallel_loop3A_730 = vector.broadcast %parallel_loop3A_729 : f32 to vector<16xf32>
      %parallel_loop3A_731 = arith.addf %parallel_loop3A_728, %parallel_loop3A_730 : vector<16xf32>
      %parallel_loop3A_732 = arith.mulf %parallel_loop3A_731, %parallel_loop3A_725 : vector<16xf32>
      %parallel_loop3A_733 = arith.constant 3.02947831 : f32
      %parallel_loop3A_734 = vector.broadcast %parallel_loop3A_733 : f32 to vector<16xf32>
      %parallel_loop3A_735 = arith.addf %parallel_loop3A_732, %parallel_loop3A_734 : vector<16xf32>
      %parallel_loop3A_736 = arith.mulf %parallel_loop3A_735, %parallel_loop3A_725 : vector<16xf32>
      %parallel_loop3A_737 = arith.constant -2.14494061 : f32
      %parallel_loop3A_738 = vector.broadcast %parallel_loop3A_737 : f32 to vector<16xf32>
      %parallel_loop3A_739 = arith.addf %parallel_loop3A_736, %parallel_loop3A_738 : vector<16xf32>
      %parallel_loop3A_740 = arith.sitofp %parallel_loop3A_718 : vector<16xi32> to vector<16xf32>
      %parallel_loop3A_741 = arith.addf %parallel_loop3A_740, %parallel_loop3A_739 : vector<16xf32>
      %parallel_loop3A_742 = arith.constant 1.000000e+00 : f32
      %parallel_loop3A_743 = vector.broadcast %parallel_loop3A_742 : f32 to vector<16xf32>
      %parallel_loop3A_744 = arith.subf %parallel_loop3A_743, %parallel_loop3A_711 : vector<16xf32>
      %parallel_loop3A_745 = arith.constant -0.519860387 : f32
      %parallel_loop3A_746 = arith.constant -0.173286796 : f32
      %parallel_loop3A_747 = vector.broadcast %parallel_loop3A_745 : f32 to vector<16xf32>
      %parallel_loop3A_748 = vector.broadcast %parallel_loop3A_746 : f32 to vector<16xf32>
      %parallel_loop3A_749 = arith.select %parallel_loop3A_693, %parallel_loop3A_747, %parallel_loop3A_748 : vector<16xi1>, vector<16xf32>
      %parallel_loop3A_750 = arith.mulf %parallel_loop3A_749, %parallel_loop3A_744 : vector<16xf32>
      %parallel_loop3A_751 = arith.mulf %parallel_loop3A_750, %parallel_loop3A_744 : vector<16xf32>
      %parallel_loop3A_752 = arith.mulf %parallel_loop3A_751, %parallel_loop3A_741 : vector<16xf32>
      %parallel_loop3A_753 = arith.constant 128 : i32
      %parallel_loop3A_754 = arith.muli %parallel_loop3A_753, %parallel_loop3A_54 : i32
      %parallel_loop3A_755 = arith.constant 112 : i32
      %parallel_loop3A_756 = arith.addi %parallel_loop3A_754, %parallel_loop3A_755 : i32
      %parallel_loop3A_757 = arith.index_cast %parallel_loop3A_756 : i32 to index
      %parallel_loop3A_758 = tpu.vector_load %arg9[%parallel_loop3A_757] {strides = array<i32>} : memref<7168xf32, #tpu.memory_space<vmem>>, vector<16xf32>,
      tpu.vector_store %arg9[%parallel_loop3A_757], %parallel_loop3A_752 {strides = array<i32>} : memref<7168xf32, #tpu.memory_space<vmem>>, vector<16xf32>,
    } {sc.loop_unroll_factor = 1 : i64, sc.parallel_access}
    %add3A_27 = arith.constant 0 : i32
    %add3A_28 = arith.addi %mul3A_2, %add3A_27 : i32
    %dma_start3A_29 = tpu.memref_slice %arg4[%add3A_28] : memref<458752xf32, #tpu.memory_space<hbm>> -> memref<7168xf32, #tpu.memory_space<hbm>>
    %dma_start3A_30 = tpu.memref_slice %arg4[%add3A_28] : memref<458752xf32, #tpu.memory_space<hbm>> -> memref<7168xf32, #tpu.memory_space<hbm>>
    tpu.enqueue_dma source(%arg9 : memref<7168xf32, #tpu.memory_space<vmem>>) target(%dma_start3A_30 : memref<7168xf32, #tpu.memory_space<hbm>>) target_semaphore(%arg13 : memref<!tpu.dma_semaphore, #tpu.memory_space<semaphore_mem>>)
    %add3A_31 = arith.constant 7168 : i32
    %add3A_32 = arith.addi %mul3A_2, %add3A_31 : i32
    %mul3A_33 = arith.constant 2 : i32
    %mul3A_34 = arith.muli %mul3A_33, %add3A_32 : i32
    %dma_wait3A_35 = tpu.memref_slice %arg2[%mul3A_34] : memref<2097152xf32, #tpu.memory_space<hbm>> -> memref<14336xf32, #tpu.memory_space<hbm>>
    %dma_wait3A_36 = tpu.memref_slice %arg2[%mul3A_34] : memref<2097152xf32, #tpu.memory_space<hbm>> -> memref<14336xf32, #tpu.memory_space<hbm>>
    tpu.wait_dma2 semaphore(%arg12 : memref<!tpu.dma_semaphore, #tpu.memory_space<semaphore_mem>>) src(%dma_wait3A_36 : memref<14336xf32, #tpu.memory_space<hbm>>) dst(%arg6 : memref<14336xf32, #tpu.memory_space<vmem>>)
    %dma_wait3A_37 = tpu.memref_slice %arg3[%add3A_32] : memref<1048576xi32, #tpu.memory_space<hbm>> -> memref<7168xi32, #tpu.memory_space<hbm>>
    %dma_wait3A_38 = tpu.memref_slice %arg3[%add3A_32] : memref<1048576xi32, #tpu.memory_space<hbm>> -> memref<7168xi32, #tpu.memory_space<hbm>>
    tpu.wait_dma2 semaphore(%arg12 : memref<!tpu.dma_semaphore, #tpu.memory_space<semaphore_mem>>) src(%dma_wait3A_38 : memref<7168xi32, #tpu.memory_space<hbm>>) dst(%arg8 : memref<7168xi32, #tpu.memory_space<vmem>>)
    %parallel_loop3A_39 = arith.constant 0 : i32
    %parallel_loop3A_40 = arith.constant 56 : i32
    %parallel_loop3A_41 = arith.constant 1 : i32
    scf.for %parallel_loop3A_54 = %parallel_loop3A_39 to %parallel_loop3A_40 step %parallel_loop3A_41  : i32 {
      %parallel_loop3A_55 = arith.constant 256 : i32
      %parallel_loop3A_56 = arith.muli %parallel_loop3A_55, %parallel_loop3A_54 : i32
      %parallel_loop3A_57 = arith.constant 0 : i32
      %parallel_loop3A_58 = arith.addi %parallel_loop3A_56, %parallel_loop3A_57 : i32
      %parallel_loop3A_59 = arith.index_cast %parallel_loop3A_58 : i32 to index
      %parallel_loop3A_60 = tpu.vector_load %arg6[%parallel_loop3A_59] {strides = array<i32>} : memref<14336xf32, #tpu.memory_space<vmem>>, vector<16xf32>,
      %parallel_loop3A_61 = arith.constant 256 : i32
      %parallel_loop3A_62 = arith.muli %parallel_loop3A_61, %parallel_loop3A_54 : i32
      %parallel_loop3A_63 = arith.constant 128 : i32
      %parallel_loop3A_64 = arith.addi %parallel_loop3A_62, %parallel_loop3A_63 : i32
      %parallel_loop3A_65 = arith.constant 0 : i32
      %parallel_loop3A_66 = arith.addi %parallel_loop3A_64, %parallel_loop3A_65 : i32
      %parallel_loop3A_67 = arith.index_cast %parallel_loop3A_66 : i32 to index
      %parallel_loop3A_68 = tpu.vector_load %arg6[%parallel_loop3A_67] {strides = array<i32>} : memref<14336xf32, #tpu.memory_space<vmem>>, vector<16xf32>,
      %parallel_loop3A_69 = arith.constant 128 : i32
      %parallel_loop3A_70 = arith.muli %parallel_loop3A_69, %parallel_loop3A_54 : i32
      %parallel_loop3A_71 = arith.constant 0 : i32
      %parallel_loop3A_72 = arith.addi %parallel_loop3A_70, %parallel_loop3A_71 : i32
      %parallel_loop3A_73 = arith.index_cast %parallel_loop3A_72 : i32 to index
      %parallel_loop3A_74 = tpu.vector_load %arg8[%parallel_loop3A_73] {strides = array<i32>} : memref<7168xi32, #tpu.memory_space<vmem>>, vector<16xi32>,
      %parallel_loop3A_75 = arith.constant 1 : i32
      %parallel_loop3A_76 = vector.broadcast %parallel_loop3A_75 : i32 to vector<16xi32>
      %parallel_loop3A_77 = arith.cmpi eq, %parallel_loop3A_74, %parallel_loop3A_76 : vector<16xi32>
      %parallel_loop3A_78 = arith.subf %parallel_loop3A_68, %parallel_loop3A_60 : vector<16xf32>
      %parallel_loop3A_79 = arith.constant 0.000000e+00 : f32
      %parallel_loop3A_80 = vector.broadcast %parallel_loop3A_79 : f32 to vector<16xf32>
      %parallel_loop3A_81 = arith.subf %parallel_loop3A_80, %parallel_loop3A_78 : vector<16xf32>
      %parallel_loop3A_82 = arith.select %parallel_loop3A_77, %parallel_loop3A_78, %parallel_loop3A_81 : vector<16xi1>, vector<16xf32>
      %parallel_loop3A_83 = arith.constant 0.000000e+00 : f32
      %parallel_loop3A_84 = vector.broadcast %parallel_loop3A_83 : f32 to vector<16xf32>
      %parallel_loop3A_85 = arith.subf %parallel_loop3A_84, %parallel_loop3A_82 : vector<16xf32>
      %parallel_loop3A_86 = math.exp %parallel_loop3A_85 : vector<16xf32>
      %parallel_loop3A_87 = arith.constant 1.000000e+00 : f32
      %parallel_loop3A_88 = vector.broadcast %parallel_loop3A_87 : f32 to vector<16xf32>
      %parallel_loop3A_89 = arith.addf %parallel_loop3A_88, %parallel_loop3A_86 : vector<16xf32>
      %parallel_loop3A_90 = arith.constant 1.000000e+00 : f32
      %parallel_loop3A_91 = vector.broadcast %parallel_loop3A_90 : f32 to vector<16xf32>
      %parallel_loop3A_92 = arith.divf %parallel_loop3A_91, %parallel_loop3A_89 : vector<16xf32>
      %parallel_loop3A_93 = arith.constant 9.99999974E-5 : f32
      %parallel_loop3A_94 = vector.broadcast %parallel_loop3A_93 : f32 to vector<16xf32>
      %parallel_loop3A_95 = arith.maximumf %parallel_loop3A_92, %parallel_loop3A_94 : vector<16xf32>
      %parallel_loop3A_96 = vector.bitcast %parallel_loop3A_95 : vector<16xf32> to vector<16xi32>
      %parallel_loop3A_97 = arith.constant 23 : i32
      %parallel_loop3A_98 = vector.broadcast %parallel_loop3A_97 : i32 to vector<16xi32>
      %parallel_loop3A_99 = arith.shrui %parallel_loop3A_96, %parallel_loop3A_98 : vector<16xi32>
      %parallel_loop3A_100 = arith.constant 127 : i32
      %parallel_loop3A_101 = vector.broadcast %parallel_loop3A_100 : i32 to vector<16xi32>
      %parallel_loop3A_102 = arith.subi %parallel_loop3A_99, %parallel_loop3A_101 : vector<16xi32>
      %parallel_loop3A_103 = arith.constant 8388607 : i32
      %parallel_loop3A_104 = vector.broadcast %parallel_loop3A_103 : i32 to vector<16xi32>
      %parallel_loop3A_105 = arith.andi %parallel_loop3A_96, %parallel_loop3A_104 : vector<16xi32>
      %parallel_loop3A_106 = arith.constant 1065353216 : i32
      %parallel_loop3A_107 = vector.broadcast %parallel_loop3A_106 : i32 to vector<16xi32>
      %parallel_loop3A_108 = arith.ori %parallel_loop3A_105, %parallel_loop3A_107 : vector<16xi32>
      %parallel_loop3A_109 = vector.bitcast %parallel_loop3A_108 : vector<16xi32> to vector<16xf32>
      %parallel_loop3A_110 = arith.constant 0.155445859 : f32
      %parallel_loop3A_111 = vector.broadcast %parallel_loop3A_110 : f32 to vector<16xf32>
      %parallel_loop3A_112 = arith.mulf %parallel_loop3A_111, %parallel_loop3A_109 : vector<16xf32>
      %parallel_loop3A_113 = arith.constant -1.03925812 : f32
      %parallel_loop3A_114 = vector.broadcast %parallel_loop3A_113 : f32 to vector<16xf32>
      %parallel_loop3A_115 = arith.addf %parallel_loop3A_112, %parallel_loop3A_114 : vector<16xf32>
      %parallel_loop3A_116 = arith.mulf %parallel_loop3A_115, %parallel_loop3A_109 : vector<16xf32>
      %parallel_loop3A_117 = arith.constant 3.02947831 : f32
      %parallel_loop3A_118 = vector.broadcast %parallel_loop3A_117 : f32 to vector<16xf32>
      %parallel_loop3A_119 = arith.addf %parallel_loop3A_116, %parallel_loop3A_118 : vector<16xf32>
      %parallel_loop3A_120 = arith.mulf %parallel_loop3A_119, %parallel_loop3A_109 : vector<16xf32>
      %parallel_loop3A_121 = arith.constant -2.14494061 : f32
      %parallel_loop3A_122 = vector.broadcast %parallel_loop3A_121 : f32 to vector<16xf32>
      %parallel_loop3A_123 = arith.addf %parallel_loop3A_120, %parallel_loop3A_122 : vector<16xf32>
      %parallel_loop3A_124 = arith.sitofp %parallel_loop3A_102 : vector<16xi32> to vector<16xf32>
      %parallel_loop3A_125 = arith.addf %parallel_loop3A_124, %parallel_loop3A_123 : vector<16xf32>
      %parallel_loop3A_126 = arith.constant 1.000000e+00 : f32
      %parallel_loop3A_127 = vector.broadcast %parallel_loop3A_126 : f32 to vector<16xf32>
      %parallel_loop3A_128 = arith.subf %parallel_loop3A_127, %parallel_loop3A_95 : vector<16xf32>
      %parallel_loop3A_129 = arith.constant -0.519860387 : f32
      %parallel_loop3A_130 = arith.constant -0.173286796 : f32
      %parallel_loop3A_131 = vector.broadcast %parallel_loop3A_129 : f32 to vector<16xf32>
      %parallel_loop3A_132 = vector.broadcast %parallel_loop3A_130 : f32 to vector<16xf32>
      %parallel_loop3A_133 = arith.select %parallel_loop3A_77, %parallel_loop3A_131, %parallel_loop3A_132 : vector<16xi1>, vector<16xf32>
      %parallel_loop3A_134 = arith.mulf %parallel_loop3A_133, %parallel_loop3A_128 : vector<16xf32>
      %parallel_loop3A_135 = arith.mulf %parallel_loop3A_134, %parallel_loop3A_128 : vector<16xf32>
      %parallel_loop3A_136 = arith.mulf %parallel_loop3A_135, %parallel_loop3A_125 : vector<16xf32>
      %parallel_loop3A_137 = arith.constant 128 : i32
      %parallel_loop3A_138 = arith.muli %parallel_loop3A_137, %parallel_loop3A_54 : i32
      %parallel_loop3A_139 = arith.constant 0 : i32
      %parallel_loop3A_140 = arith.addi %parallel_loop3A_138, %parallel_loop3A_139 : i32
      %parallel_loop3A_141 = arith.index_cast %parallel_loop3A_140 : i32 to index
      %parallel_loop3A_142 = tpu.vector_load %arg10[%parallel_loop3A_141] {strides = array<i32>} : memref<7168xf32, #tpu.memory_space<vmem>>, vector<16xf32>,
      tpu.vector_store %arg10[%parallel_loop3A_141], %parallel_loop3A_136 {strides = array<i32>} : memref<7168xf32, #tpu.memory_space<vmem>>, vector<16xf32>,
      %parallel_loop3A_143 = arith.constant 256 : i32
      %parallel_loop3A_144 = arith.muli %parallel_loop3A_143, %parallel_loop3A_54 : i32
      %parallel_loop3A_145 = arith.constant 16 : i32
      %parallel_loop3A_146 = arith.addi %parallel_loop3A_144, %parallel_loop3A_145 : i32
      %parallel_loop3A_147 = arith.index_cast %parallel_loop3A_146 : i32 to index
      %parallel_loop3A_148 = tpu.vector_load %arg6[%parallel_loop3A_147] {strides = array<i32>} : memref<14336xf32, #tpu.memory_space<vmem>>, vector<16xf32>,
      %parallel_loop3A_149 = arith.constant 256 : i32
      %parallel_loop3A_150 = arith.muli %parallel_loop3A_149, %parallel_loop3A_54 : i32
      %parallel_loop3A_151 = arith.constant 128 : i32
      %parallel_loop3A_152 = arith.addi %parallel_loop3A_150, %parallel_loop3A_151 : i32
      %parallel_loop3A_153 = arith.constant 16 : i32
      %parallel_loop3A_154 = arith.addi %parallel_loop3A_152, %parallel_loop3A_153 : i32
      %parallel_loop3A_155 = arith.index_cast %parallel_loop3A_154 : i32 to index
      %parallel_loop3A_156 = tpu.vector_load %arg6[%parallel_loop3A_155] {strides = array<i32>} : memref<14336xf32, #tpu.memory_space<vmem>>, vector<16xf32>,
      %parallel_loop3A_157 = arith.constant 128 : i32
      %parallel_loop3A_158 = arith.muli %parallel_loop3A_157, %parallel_loop3A_54 : i32
      %parallel_loop3A_159 = arith.constant 16 : i32
      %parallel_loop3A_160 = arith.addi %parallel_loop3A_158, %parallel_loop3A_159 : i32
      %parallel_loop3A_161 = arith.index_cast %parallel_loop3A_160 : i32 to index
      %parallel_loop3A_162 = tpu.vector_load %arg8[%parallel_loop3A_161] {strides = array<i32>} : memref<7168xi32, #tpu.memory_space<vmem>>, vector<16xi32>,
      %parallel_loop3A_163 = arith.constant 1 : i32
      %parallel_loop3A_164 = vector.broadcast %parallel_loop3A_163 : i32 to vector<16xi32>
      %parallel_loop3A_165 = arith.cmpi eq, %parallel_loop3A_162, %parallel_loop3A_164 : vector<16xi32>
      %parallel_loop3A_166 = arith.subf %parallel_loop3A_156, %parallel_loop3A_148 : vector<16xf32>
      %parallel_loop3A_167 = arith.constant 0.000000e+00 : f32
      %parallel_loop3A_168 = vector.broadcast %parallel_loop3A_167 : f32 to vector<16xf32>
      %parallel_loop3A_169 = arith.subf %parallel_loop3A_168, %parallel_loop3A_166 : vector<16xf32>
      %parallel_loop3A_170 = arith.select %parallel_loop3A_165, %parallel_loop3A_166, %parallel_loop3A_169 : vector<16xi1>, vector<16xf32>
      %parallel_loop3A_171 = arith.constant 0.000000e+00 : f32
      %parallel_loop3A_172 = vector.broadcast %parallel_loop3A_171 : f32 to vector<16xf32>
      %parallel_loop3A_173 = arith.subf %parallel_loop3A_172, %parallel_loop3A_170 : vector<16xf32>
      %parallel_loop3A_174 = math.exp %parallel_loop3A_173 : vector<16xf32>
      %parallel_loop3A_175 = arith.constant 1.000000e+00 : f32
      %parallel_loop3A_176 = vector.broadcast %parallel_loop3A_175 : f32 to vector<16xf32>
      %parallel_loop3A_177 = arith.addf %parallel_loop3A_176, %parallel_loop3A_174 : vector<16xf32>
      %parallel_loop3A_178 = arith.constant 1.000000e+00 : f32
      %parallel_loop3A_179 = vector.broadcast %parallel_loop3A_178 : f32 to vector<16xf32>
      %parallel_loop3A_180 = arith.divf %parallel_loop3A_179, %parallel_loop3A_177 : vector<16xf32>
      %parallel_loop3A_181 = arith.constant 9.99999974E-5 : f32
      %parallel_loop3A_182 = vector.broadcast %parallel_loop3A_181 : f32 to vector<16xf32>
      %parallel_loop3A_183 = arith.maximumf %parallel_loop3A_180, %parallel_loop3A_182 : vector<16xf32>
      %parallel_loop3A_184 = vector.bitcast %parallel_loop3A_183 : vector<16xf32> to vector<16xi32>
      %parallel_loop3A_185 = arith.constant 23 : i32
      %parallel_loop3A_186 = vector.broadcast %parallel_loop3A_185 : i32 to vector<16xi32>
      %parallel_loop3A_187 = arith.shrui %parallel_loop3A_184, %parallel_loop3A_186 : vector<16xi32>
      %parallel_loop3A_188 = arith.constant 127 : i32
      %parallel_loop3A_189 = vector.broadcast %parallel_loop3A_188 : i32 to vector<16xi32>
      %parallel_loop3A_190 = arith.subi %parallel_loop3A_187, %parallel_loop3A_189 : vector<16xi32>
      %parallel_loop3A_191 = arith.constant 8388607 : i32
      %parallel_loop3A_192 = vector.broadcast %parallel_loop3A_191 : i32 to vector<16xi32>
      %parallel_loop3A_193 = arith.andi %parallel_loop3A_184, %parallel_loop3A_192 : vector<16xi32>
      %parallel_loop3A_194 = arith.constant 1065353216 : i32
      %parallel_loop3A_195 = vector.broadcast %parallel_loop3A_194 : i32 to vector<16xi32>
      %parallel_loop3A_196 = arith.ori %parallel_loop3A_193, %parallel_loop3A_195 : vector<16xi32>
      %parallel_loop3A_197 = vector.bitcast %parallel_loop3A_196 : vector<16xi32> to vector<16xf32>
      %parallel_loop3A_198 = arith.constant 0.155445859 : f32
      %parallel_loop3A_199 = vector.broadcast %parallel_loop3A_198 : f32 to vector<16xf32>
      %parallel_loop3A_200 = arith.mulf %parallel_loop3A_199, %parallel_loop3A_197 : vector<16xf32>
      %parallel_loop3A_201 = arith.constant -1.03925812 : f32
      %parallel_loop3A_202 = vector.broadcast %parallel_loop3A_201 : f32 to vector<16xf32>
      %parallel_loop3A_203 = arith.addf %parallel_loop3A_200, %parallel_loop3A_202 : vector<16xf32>
      %parallel_loop3A_204 = arith.mulf %parallel_loop3A_203, %parallel_loop3A_197 : vector<16xf32>
      %parallel_loop3A_205 = arith.constant 3.02947831 : f32
      %parallel_loop3A_206 = vector.broadcast %parallel_loop3A_205 : f32 to vector<16xf32>
      %parallel_loop3A_207 = arith.addf %parallel_loop3A_204, %parallel_loop3A_206 : vector<16xf32>
      %parallel_loop3A_208 = arith.mulf %parallel_loop3A_207, %parallel_loop3A_197 : vector<16xf32>
      %parallel_loop3A_209 = arith.constant -2.14494061 : f32
      %parallel_loop3A_210 = vector.broadcast %parallel_loop3A_209 : f32 to vector<16xf32>
      %parallel_loop3A_211 = arith.addf %parallel_loop3A_208, %parallel_loop3A_210 : vector<16xf32>
      %parallel_loop3A_212 = arith.sitofp %parallel_loop3A_190 : vector<16xi32> to vector<16xf32>
      %parallel_loop3A_213 = arith.addf %parallel_loop3A_212, %parallel_loop3A_211 : vector<16xf32>
      %parallel_loop3A_214 = arith.constant 1.000000e+00 : f32
      %parallel_loop3A_215 = vector.broadcast %parallel_loop3A_214 : f32 to vector<16xf32>
      %parallel_loop3A_216 = arith.subf %parallel_loop3A_215, %parallel_loop3A_183 : vector<16xf32>
      %parallel_loop3A_217 = arith.constant -0.519860387 : f32
      %parallel_loop3A_218 = arith.constant -0.173286796 : f32
      %parallel_loop3A_219 = vector.broadcast %parallel_loop3A_217 : f32 to vector<16xf32>
      %parallel_loop3A_220 = vector.broadcast %parallel_loop3A_218 : f32 to vector<16xf32>
      %parallel_loop3A_221 = arith.select %parallel_loop3A_165, %parallel_loop3A_219, %parallel_loop3A_220 : vector<16xi1>, vector<16xf32>
      %parallel_loop3A_222 = arith.mulf %parallel_loop3A_221, %parallel_loop3A_216 : vector<16xf32>
      %parallel_loop3A_223 = arith.mulf %parallel_loop3A_222, %parallel_loop3A_216 : vector<16xf32>
      %parallel_loop3A_224 = arith.mulf %parallel_loop3A_223, %parallel_loop3A_213 : vector<16xf32>
      %parallel_loop3A_225 = arith.constant 128 : i32
      %parallel_loop3A_226 = arith.muli %parallel_loop3A_225, %parallel_loop3A_54 : i32
      %parallel_loop3A_227 = arith.constant 16 : i32
      %parallel_loop3A_228 = arith.addi %parallel_loop3A_226, %parallel_loop3A_227 : i32
      %parallel_loop3A_229 = arith.index_cast %parallel_loop3A_228 : i32 to index
      %parallel_loop3A_230 = tpu.vector_load %arg10[%parallel_loop3A_229] {strides = array<i32>} : memref<7168xf32, #tpu.memory_space<vmem>>, vector<16xf32>,
      tpu.vector_store %arg10[%parallel_loop3A_229], %parallel_loop3A_224 {strides = array<i32>} : memref<7168xf32, #tpu.memory_space<vmem>>, vector<16xf32>,
      %parallel_loop3A_231 = arith.constant 256 : i32
      %parallel_loop3A_232 = arith.muli %parallel_loop3A_231, %parallel_loop3A_54 : i32
      %parallel_loop3A_233 = arith.constant 32 : i32
      %parallel_loop3A_234 = arith.addi %parallel_loop3A_232, %parallel_loop3A_233 : i32
      %parallel_loop3A_235 = arith.index_cast %parallel_loop3A_234 : i32 to index
      %parallel_loop3A_236 = tpu.vector_load %arg6[%parallel_loop3A_235] {strides = array<i32>} : memref<14336xf32, #tpu.memory_space<vmem>>, vector<16xf32>,
      %parallel_loop3A_237 = arith.constant 256 : i32
      %parallel_loop3A_238 = arith.muli %parallel_loop3A_237, %parallel_loop3A_54 : i32
      %parallel_loop3A_239 = arith.constant 128 : i32
      %parallel_loop3A_240 = arith.addi %parallel_loop3A_238, %parallel_loop3A_239 : i32
      %parallel_loop3A_241 = arith.constant 32 : i32
      %parallel_loop3A_242 = arith.addi %parallel_loop3A_240, %parallel_loop3A_241 : i32
      %parallel_loop3A_243 = arith.index_cast %parallel_loop3A_242 : i32 to index
      %parallel_loop3A_244 = tpu.vector_load %arg6[%parallel_loop3A_243] {strides = array<i32>} : memref<14336xf32, #tpu.memory_space<vmem>>, vector<16xf32>,
      %parallel_loop3A_245 = arith.constant 128 : i32
      %parallel_loop3A_246 = arith.muli %parallel_loop3A_245, %parallel_loop3A_54 : i32
      %parallel_loop3A_247 = arith.constant 32 : i32
      %parallel_loop3A_248 = arith.addi %parallel_loop3A_246, %parallel_loop3A_247 : i32
      %parallel_loop3A_249 = arith.index_cast %parallel_loop3A_248 : i32 to index
      %parallel_loop3A_250 = tpu.vector_load %arg8[%parallel_loop3A_249] {strides = array<i32>} : memref<7168xi32, #tpu.memory_space<vmem>>, vector<16xi32>,
      %parallel_loop3A_251 = arith.constant 1 : i32
      %parallel_loop3A_252 = vector.broadcast %parallel_loop3A_251 : i32 to vector<16xi32>
      %parallel_loop3A_253 = arith.cmpi eq, %parallel_loop3A_250, %parallel_loop3A_252 : vector<16xi32>
      %parallel_loop3A_254 = arith.subf %parallel_loop3A_244, %parallel_loop3A_236 : vector<16xf32>
      %parallel_loop3A_255 = arith.constant 0.000000e+00 : f32
      %parallel_loop3A_256 = vector.broadcast %parallel_loop3A_255 : f32 to vector<16xf32>
      %parallel_loop3A_257 = arith.subf %parallel_loop3A_256, %parallel_loop3A_254 : vector<16xf32>
      %parallel_loop3A_258 = arith.select %parallel_loop3A_253, %parallel_loop3A_254, %parallel_loop3A_257 : vector<16xi1>, vector<16xf32>
      %parallel_loop3A_259 = arith.constant 0.000000e+00 : f32
      %parallel_loop3A_260 = vector.broadcast %parallel_loop3A_259 : f32 to vector<16xf32>
      %parallel_loop3A_261 = arith.subf %parallel_loop3A_260, %parallel_loop3A_258 : vector<16xf32>
      %parallel_loop3A_262 = math.exp %parallel_loop3A_261 : vector<16xf32>
      %parallel_loop3A_263 = arith.constant 1.000000e+00 : f32
      %parallel_loop3A_264 = vector.broadcast %parallel_loop3A_263 : f32 to vector<16xf32>
      %parallel_loop3A_265 = arith.addf %parallel_loop3A_264, %parallel_loop3A_262 : vector<16xf32>
      %parallel_loop3A_266 = arith.constant 1.000000e+00 : f32
      %parallel_loop3A_267 = vector.broadcast %parallel_loop3A_266 : f32 to vector<16xf32>
      %parallel_loop3A_268 = arith.divf %parallel_loop3A_267, %parallel_loop3A_265 : vector<16xf32>
      %parallel_loop3A_269 = arith.constant 9.99999974E-5 : f32
      %parallel_loop3A_270 = vector.broadcast %parallel_loop3A_269 : f32 to vector<16xf32>
      %parallel_loop3A_271 = arith.maximumf %parallel_loop3A_268, %parallel_loop3A_270 : vector<16xf32>
      %parallel_loop3A_272 = vector.bitcast %parallel_loop3A_271 : vector<16xf32> to vector<16xi32>
      %parallel_loop3A_273 = arith.constant 23 : i32
      %parallel_loop3A_274 = vector.broadcast %parallel_loop3A_273 : i32 to vector<16xi32>
      %parallel_loop3A_275 = arith.shrui %parallel_loop3A_272, %parallel_loop3A_274 : vector<16xi32>
      %parallel_loop3A_276 = arith.constant 127 : i32
      %parallel_loop3A_277 = vector.broadcast %parallel_loop3A_276 : i32 to vector<16xi32>
      %parallel_loop3A_278 = arith.subi %parallel_loop3A_275, %parallel_loop3A_277 : vector<16xi32>
      %parallel_loop3A_279 = arith.constant 8388607 : i32
      %parallel_loop3A_280 = vector.broadcast %parallel_loop3A_279 : i32 to vector<16xi32>
      %parallel_loop3A_281 = arith.andi %parallel_loop3A_272, %parallel_loop3A_280 : vector<16xi32>
      %parallel_loop3A_282 = arith.constant 1065353216 : i32
      %parallel_loop3A_283 = vector.broadcast %parallel_loop3A_282 : i32 to vector<16xi32>
      %parallel_loop3A_284 = arith.ori %parallel_loop3A_281, %parallel_loop3A_283 : vector<16xi32>
      %parallel_loop3A_285 = vector.bitcast %parallel_loop3A_284 : vector<16xi32> to vector<16xf32>
      %parallel_loop3A_286 = arith.constant 0.155445859 : f32
      %parallel_loop3A_287 = vector.broadcast %parallel_loop3A_286 : f32 to vector<16xf32>
      %parallel_loop3A_288 = arith.mulf %parallel_loop3A_287, %parallel_loop3A_285 : vector<16xf32>
      %parallel_loop3A_289 = arith.constant -1.03925812 : f32
      %parallel_loop3A_290 = vector.broadcast %parallel_loop3A_289 : f32 to vector<16xf32>
      %parallel_loop3A_291 = arith.addf %parallel_loop3A_288, %parallel_loop3A_290 : vector<16xf32>
      %parallel_loop3A_292 = arith.mulf %parallel_loop3A_291, %parallel_loop3A_285 : vector<16xf32>
      %parallel_loop3A_293 = arith.constant 3.02947831 : f32
      %parallel_loop3A_294 = vector.broadcast %parallel_loop3A_293 : f32 to vector<16xf32>
      %parallel_loop3A_295 = arith.addf %parallel_loop3A_292, %parallel_loop3A_294 : vector<16xf32>
      %parallel_loop3A_296 = arith.mulf %parallel_loop3A_295, %parallel_loop3A_285 : vector<16xf32>
      %parallel_loop3A_297 = arith.constant -2.14494061 : f32
      %parallel_loop3A_298 = vector.broadcast %parallel_loop3A_297 : f32 to vector<16xf32>
      %parallel_loop3A_299 = arith.addf %parallel_loop3A_296, %parallel_loop3A_298 : vector<16xf32>
      %parallel_loop3A_300 = arith.sitofp %parallel_loop3A_278 : vector<16xi32> to vector<16xf32>
      %parallel_loop3A_301 = arith.addf %parallel_loop3A_300, %parallel_loop3A_299 : vector<16xf32>
      %parallel_loop3A_302 = arith.constant 1.000000e+00 : f32
      %parallel_loop3A_303 = vector.broadcast %parallel_loop3A_302 : f32 to vector<16xf32>
      %parallel_loop3A_304 = arith.subf %parallel_loop3A_303, %parallel_loop3A_271 : vector<16xf32>
      %parallel_loop3A_305 = arith.constant -0.519860387 : f32
      %parallel_loop3A_306 = arith.constant -0.173286796 : f32
      %parallel_loop3A_307 = vector.broadcast %parallel_loop3A_305 : f32 to vector<16xf32>
      %parallel_loop3A_308 = vector.broadcast %parallel_loop3A_306 : f32 to vector<16xf32>
      %parallel_loop3A_309 = arith.select %parallel_loop3A_253, %parallel_loop3A_307, %parallel_loop3A_308 : vector<16xi1>, vector<16xf32>
      %parallel_loop3A_310 = arith.mulf %parallel_loop3A_309, %parallel_loop3A_304 : vector<16xf32>
      %parallel_loop3A_311 = arith.mulf %parallel_loop3A_310, %parallel_loop3A_304 : vector<16xf32>
      %parallel_loop3A_312 = arith.mulf %parallel_loop3A_311, %parallel_loop3A_301 : vector<16xf32>
      %parallel_loop3A_313 = arith.constant 128 : i32
      %parallel_loop3A_314 = arith.muli %parallel_loop3A_313, %parallel_loop3A_54 : i32
      %parallel_loop3A_315 = arith.constant 32 : i32
      %parallel_loop3A_316 = arith.addi %parallel_loop3A_314, %parallel_loop3A_315 : i32
      %parallel_loop3A_317 = arith.index_cast %parallel_loop3A_316 : i32 to index
      %parallel_loop3A_318 = tpu.vector_load %arg10[%parallel_loop3A_317] {strides = array<i32>} : memref<7168xf32, #tpu.memory_space<vmem>>, vector<16xf32>,
      tpu.vector_store %arg10[%parallel_loop3A_317], %parallel_loop3A_312 {strides = array<i32>} : memref<7168xf32, #tpu.memory_space<vmem>>, vector<16xf32>,
      %parallel_loop3A_319 = arith.constant 256 : i32
      %parallel_loop3A_320 = arith.muli %parallel_loop3A_319, %parallel_loop3A_54 : i32
      %parallel_loop3A_321 = arith.constant 48 : i32
      %parallel_loop3A_322 = arith.addi %parallel_loop3A_320, %parallel_loop3A_321 : i32
      %parallel_loop3A_323 = arith.index_cast %parallel_loop3A_322 : i32 to index
      %parallel_loop3A_324 = tpu.vector_load %arg6[%parallel_loop3A_323] {strides = array<i32>} : memref<14336xf32, #tpu.memory_space<vmem>>, vector<16xf32>,
      %parallel_loop3A_325 = arith.constant 256 : i32
      %parallel_loop3A_326 = arith.muli %parallel_loop3A_325, %parallel_loop3A_54 : i32
      %parallel_loop3A_327 = arith.constant 128 : i32
      %parallel_loop3A_328 = arith.addi %parallel_loop3A_326, %parallel_loop3A_327 : i32
      %parallel_loop3A_329 = arith.constant 48 : i32
      %parallel_loop3A_330 = arith.addi %parallel_loop3A_328, %parallel_loop3A_329 : i32
      %parallel_loop3A_331 = arith.index_cast %parallel_loop3A_330 : i32 to index
      %parallel_loop3A_332 = tpu.vector_load %arg6[%parallel_loop3A_331] {strides = array<i32>} : memref<14336xf32, #tpu.memory_space<vmem>>, vector<16xf32>,
      %parallel_loop3A_333 = arith.constant 128 : i32
      %parallel_loop3A_334 = arith.muli %parallel_loop3A_333, %parallel_loop3A_54 : i32
      %parallel_loop3A_335 = arith.constant 48 : i32
      %parallel_loop3A_336 = arith.addi %parallel_loop3A_334, %parallel_loop3A_335 : i32
      %parallel_loop3A_337 = arith.index_cast %parallel_loop3A_336 : i32 to index
      %parallel_loop3A_338 = tpu.vector_load %arg8[%parallel_loop3A_337] {strides = array<i32>} : memref<7168xi32, #tpu.memory_space<vmem>>, vector<16xi32>,
      %parallel_loop3A_339 = arith.constant 1 : i32
      %parallel_loop3A_340 = vector.broadcast %parallel_loop3A_339 : i32 to vector<16xi32>
      %parallel_loop3A_341 = arith.cmpi eq, %parallel_loop3A_338, %parallel_loop3A_340 : vector<16xi32>
      %parallel_loop3A_342 = arith.subf %parallel_loop3A_332, %parallel_loop3A_324 : vector<16xf32>
      %parallel_loop3A_343 = arith.constant 0.000000e+00 : f32
      %parallel_loop3A_344 = vector.broadcast %parallel_loop3A_343 : f32 to vector<16xf32>
      %parallel_loop3A_345 = arith.subf %parallel_loop3A_344, %parallel_loop3A_342 : vector<16xf32>
      %parallel_loop3A_346 = arith.select %parallel_loop3A_341, %parallel_loop3A_342, %parallel_loop3A_345 : vector<16xi1>, vector<16xf32>
      %parallel_loop3A_347 = arith.constant 0.000000e+00 : f32
      %parallel_loop3A_348 = vector.broadcast %parallel_loop3A_347 : f32 to vector<16xf32>
      %parallel_loop3A_349 = arith.subf %parallel_loop3A_348, %parallel_loop3A_346 : vector<16xf32>
      %parallel_loop3A_350 = math.exp %parallel_loop3A_349 : vector<16xf32>
      %parallel_loop3A_351 = arith.constant 1.000000e+00 : f32
      %parallel_loop3A_352 = vector.broadcast %parallel_loop3A_351 : f32 to vector<16xf32>
      %parallel_loop3A_353 = arith.addf %parallel_loop3A_352, %parallel_loop3A_350 : vector<16xf32>
      %parallel_loop3A_354 = arith.constant 1.000000e+00 : f32
      %parallel_loop3A_355 = vector.broadcast %parallel_loop3A_354 : f32 to vector<16xf32>
      %parallel_loop3A_356 = arith.divf %parallel_loop3A_355, %parallel_loop3A_353 : vector<16xf32>
      %parallel_loop3A_357 = arith.constant 9.99999974E-5 : f32
      %parallel_loop3A_358 = vector.broadcast %parallel_loop3A_357 : f32 to vector<16xf32>
      %parallel_loop3A_359 = arith.maximumf %parallel_loop3A_356, %parallel_loop3A_358 : vector<16xf32>
      %parallel_loop3A_360 = vector.bitcast %parallel_loop3A_359 : vector<16xf32> to vector<16xi32>
      %parallel_loop3A_361 = arith.constant 23 : i32
      %parallel_loop3A_362 = vector.broadcast %parallel_loop3A_361 : i32 to vector<16xi32>
      %parallel_loop3A_363 = arith.shrui %parallel_loop3A_360, %parallel_loop3A_362 : vector<16xi32>
      %parallel_loop3A_364 = arith.constant 127 : i32
      %parallel_loop3A_365 = vector.broadcast %parallel_loop3A_364 : i32 to vector<16xi32>
      %parallel_loop3A_366 = arith.subi %parallel_loop3A_363, %parallel_loop3A_365 : vector<16xi32>
      %parallel_loop3A_367 = arith.constant 8388607 : i32
      %parallel_loop3A_368 = vector.broadcast %parallel_loop3A_367 : i32 to vector<16xi32>
      %parallel_loop3A_369 = arith.andi %parallel_loop3A_360, %parallel_loop3A_368 : vector<16xi32>
      %parallel_loop3A_370 = arith.constant 1065353216 : i32
      %parallel_loop3A_371 = vector.broadcast %parallel_loop3A_370 : i32 to vector<16xi32>
      %parallel_loop3A_372 = arith.ori %parallel_loop3A_369, %parallel_loop3A_371 : vector<16xi32>
      %parallel_loop3A_373 = vector.bitcast %parallel_loop3A_372 : vector<16xi32> to vector<16xf32>
      %parallel_loop3A_374 = arith.constant 0.155445859 : f32
      %parallel_loop3A_375 = vector.broadcast %parallel_loop3A_374 : f32 to vector<16xf32>
      %parallel_loop3A_376 = arith.mulf %parallel_loop3A_375, %parallel_loop3A_373 : vector<16xf32>
      %parallel_loop3A_377 = arith.constant -1.03925812 : f32
      %parallel_loop3A_378 = vector.broadcast %parallel_loop3A_377 : f32 to vector<16xf32>
      %parallel_loop3A_379 = arith.addf %parallel_loop3A_376, %parallel_loop3A_378 : vector<16xf32>
      %parallel_loop3A_380 = arith.mulf %parallel_loop3A_379, %parallel_loop3A_373 : vector<16xf32>
      %parallel_loop3A_381 = arith.constant 3.02947831 : f32
      %parallel_loop3A_382 = vector.broadcast %parallel_loop3A_381 : f32 to vector<16xf32>
      %parallel_loop3A_383 = arith.addf %parallel_loop3A_380, %parallel_loop3A_382 : vector<16xf32>
      %parallel_loop3A_384 = arith.mulf %parallel_loop3A_383, %parallel_loop3A_373 : vector<16xf32>
      %parallel_loop3A_385 = arith.constant -2.14494061 : f32
      %parallel_loop3A_386 = vector.broadcast %parallel_loop3A_385 : f32 to vector<16xf32>
      %parallel_loop3A_387 = arith.addf %parallel_loop3A_384, %parallel_loop3A_386 : vector<16xf32>
      %parallel_loop3A_388 = arith.sitofp %parallel_loop3A_366 : vector<16xi32> to vector<16xf32>
      %parallel_loop3A_389 = arith.addf %parallel_loop3A_388, %parallel_loop3A_387 : vector<16xf32>
      %parallel_loop3A_390 = arith.constant 1.000000e+00 : f32
      %parallel_loop3A_391 = vector.broadcast %parallel_loop3A_390 : f32 to vector<16xf32>
      %parallel_loop3A_392 = arith.subf %parallel_loop3A_391, %parallel_loop3A_359 : vector<16xf32>
      %parallel_loop3A_393 = arith.constant -0.519860387 : f32
      %parallel_loop3A_394 = arith.constant -0.173286796 : f32
      %parallel_loop3A_395 = vector.broadcast %parallel_loop3A_393 : f32 to vector<16xf32>
      %parallel_loop3A_396 = vector.broadcast %parallel_loop3A_394 : f32 to vector<16xf32>
      %parallel_loop3A_397 = arith.select %parallel_loop3A_341, %parallel_loop3A_395, %parallel_loop3A_396 : vector<16xi1>, vector<16xf32>
      %parallel_loop3A_398 = arith.mulf %parallel_loop3A_397, %parallel_loop3A_392 : vector<16xf32>
      %parallel_loop3A_399 = arith.mulf %parallel_loop3A_398, %parallel_loop3A_392 : vector<16xf32>
      %parallel_loop3A_400 = arith.mulf %parallel_loop3A_399, %parallel_loop3A_389 : vector<16xf32>
      %parallel_loop3A_401 = arith.constant 128 : i32
      %parallel_loop3A_402 = arith.muli %parallel_loop3A_401, %parallel_loop3A_54 : i32
      %parallel_loop3A_403 = arith.constant 48 : i32
      %parallel_loop3A_404 = arith.addi %parallel_loop3A_402, %parallel_loop3A_403 : i32
      %parallel_loop3A_405 = arith.index_cast %parallel_loop3A_404 : i32 to index
      %parallel_loop3A_406 = tpu.vector_load %arg10[%parallel_loop3A_405] {strides = array<i32>} : memref<7168xf32, #tpu.memory_space<vmem>>, vector<16xf32>,
      tpu.vector_store %arg10[%parallel_loop3A_405], %parallel_loop3A_400 {strides = array<i32>} : memref<7168xf32, #tpu.memory_space<vmem>>, vector<16xf32>,
      %parallel_loop3A_407 = arith.constant 256 : i32
      %parallel_loop3A_408 = arith.muli %parallel_loop3A_407, %parallel_loop3A_54 : i32
      %parallel_loop3A_409 = arith.constant 64 : i32
      %parallel_loop3A_410 = arith.addi %parallel_loop3A_408, %parallel_loop3A_409 : i32
      %parallel_loop3A_411 = arith.index_cast %parallel_loop3A_410 : i32 to index
      %parallel_loop3A_412 = tpu.vector_load %arg6[%parallel_loop3A_411] {strides = array<i32>} : memref<14336xf32, #tpu.memory_space<vmem>>, vector<16xf32>,
      %parallel_loop3A_413 = arith.constant 256 : i32
      %parallel_loop3A_414 = arith.muli %parallel_loop3A_413, %parallel_loop3A_54 : i32
      %parallel_loop3A_415 = arith.constant 128 : i32
      %parallel_loop3A_416 = arith.addi %parallel_loop3A_414, %parallel_loop3A_415 : i32
      %parallel_loop3A_417 = arith.constant 64 : i32
      %parallel_loop3A_418 = arith.addi %parallel_loop3A_416, %parallel_loop3A_417 : i32
      %parallel_loop3A_419 = arith.index_cast %parallel_loop3A_418 : i32 to index
      %parallel_loop3A_420 = tpu.vector_load %arg6[%parallel_loop3A_419] {strides = array<i32>} : memref<14336xf32, #tpu.memory_space<vmem>>, vector<16xf32>,
      %parallel_loop3A_421 = arith.constant 128 : i32
      %parallel_loop3A_422 = arith.muli %parallel_loop3A_421, %parallel_loop3A_54 : i32
      %parallel_loop3A_423 = arith.constant 64 : i32
      %parallel_loop3A_424 = arith.addi %parallel_loop3A_422, %parallel_loop3A_423 : i32
      %parallel_loop3A_425 = arith.index_cast %parallel_loop3A_424 : i32 to index
      %parallel_loop3A_426 = tpu.vector_load %arg8[%parallel_loop3A_425] {strides = array<i32>} : memref<7168xi32, #tpu.memory_space<vmem>>, vector<16xi32>,
      %parallel_loop3A_427 = arith.constant 1 : i32
      %parallel_loop3A_428 = vector.broadcast %parallel_loop3A_427 : i32 to vector<16xi32>
      %parallel_loop3A_429 = arith.cmpi eq, %parallel_loop3A_426, %parallel_loop3A_428 : vector<16xi32>
      %parallel_loop3A_430 = arith.subf %parallel_loop3A_420, %parallel_loop3A_412 : vector<16xf32>
      %parallel_loop3A_431 = arith.constant 0.000000e+00 : f32
      %parallel_loop3A_432 = vector.broadcast %parallel_loop3A_431 : f32 to vector<16xf32>
      %parallel_loop3A_433 = arith.subf %parallel_loop3A_432, %parallel_loop3A_430 : vector<16xf32>
      %parallel_loop3A_434 = arith.select %parallel_loop3A_429, %parallel_loop3A_430, %parallel_loop3A_433 : vector<16xi1>, vector<16xf32>
      %parallel_loop3A_435 = arith.constant 0.000000e+00 : f32
      %parallel_loop3A_436 = vector.broadcast %parallel_loop3A_435 : f32 to vector<16xf32>
      %parallel_loop3A_437 = arith.subf %parallel_loop3A_436, %parallel_loop3A_434 : vector<16xf32>
      %parallel_loop3A_438 = math.exp %parallel_loop3A_437 : vector<16xf32>
      %parallel_loop3A_439 = arith.constant 1.000000e+00 : f32
      %parallel_loop3A_440 = vector.broadcast %parallel_loop3A_439 : f32 to vector<16xf32>
      %parallel_loop3A_441 = arith.addf %parallel_loop3A_440, %parallel_loop3A_438 : vector<16xf32>
      %parallel_loop3A_442 = arith.constant 1.000000e+00 : f32
      %parallel_loop3A_443 = vector.broadcast %parallel_loop3A_442 : f32 to vector<16xf32>
      %parallel_loop3A_444 = arith.divf %parallel_loop3A_443, %parallel_loop3A_441 : vector<16xf32>
      %parallel_loop3A_445 = arith.constant 9.99999974E-5 : f32
      %parallel_loop3A_446 = vector.broadcast %parallel_loop3A_445 : f32 to vector<16xf32>
      %parallel_loop3A_447 = arith.maximumf %parallel_loop3A_444, %parallel_loop3A_446 : vector<16xf32>
      %parallel_loop3A_448 = vector.bitcast %parallel_loop3A_447 : vector<16xf32> to vector<16xi32>
      %parallel_loop3A_449 = arith.constant 23 : i32
      %parallel_loop3A_450 = vector.broadcast %parallel_loop3A_449 : i32 to vector<16xi32>
      %parallel_loop3A_451 = arith.shrui %parallel_loop3A_448, %parallel_loop3A_450 : vector<16xi32>
      %parallel_loop3A_452 = arith.constant 127 : i32
      %parallel_loop3A_453 = vector.broadcast %parallel_loop3A_452 : i32 to vector<16xi32>
      %parallel_loop3A_454 = arith.subi %parallel_loop3A_451, %parallel_loop3A_453 : vector<16xi32>
      %parallel_loop3A_455 = arith.constant 8388607 : i32
      %parallel_loop3A_456 = vector.broadcast %parallel_loop3A_455 : i32 to vector<16xi32>
      %parallel_loop3A_457 = arith.andi %parallel_loop3A_448, %parallel_loop3A_456 : vector<16xi32>
      %parallel_loop3A_458 = arith.constant 1065353216 : i32
      %parallel_loop3A_459 = vector.broadcast %parallel_loop3A_458 : i32 to vector<16xi32>
      %parallel_loop3A_460 = arith.ori %parallel_loop3A_457, %parallel_loop3A_459 : vector<16xi32>
      %parallel_loop3A_461 = vector.bitcast %parallel_loop3A_460 : vector<16xi32> to vector<16xf32>
      %parallel_loop3A_462 = arith.constant 0.155445859 : f32
      %parallel_loop3A_463 = vector.broadcast %parallel_loop3A_462 : f32 to vector<16xf32>
      %parallel_loop3A_464 = arith.mulf %parallel_loop3A_463, %parallel_loop3A_461 : vector<16xf32>
      %parallel_loop3A_465 = arith.constant -1.03925812 : f32
      %parallel_loop3A_466 = vector.broadcast %parallel_loop3A_465 : f32 to vector<16xf32>
      %parallel_loop3A_467 = arith.addf %parallel_loop3A_464, %parallel_loop3A_466 : vector<16xf32>
      %parallel_loop3A_468 = arith.mulf %parallel_loop3A_467, %parallel_loop3A_461 : vector<16xf32>
      %parallel_loop3A_469 = arith.constant 3.02947831 : f32
      %parallel_loop3A_470 = vector.broadcast %parallel_loop3A_469 : f32 to vector<16xf32>
      %parallel_loop3A_471 = arith.addf %parallel_loop3A_468, %parallel_loop3A_470 : vector<16xf32>
      %parallel_loop3A_472 = arith.mulf %parallel_loop3A_471, %parallel_loop3A_461 : vector<16xf32>
      %parallel_loop3A_473 = arith.constant -2.14494061 : f32
      %parallel_loop3A_474 = vector.broadcast %parallel_loop3A_473 : f32 to vector<16xf32>
      %parallel_loop3A_475 = arith.addf %parallel_loop3A_472, %parallel_loop3A_474 : vector<16xf32>
      %parallel_loop3A_476 = arith.sitofp %parallel_loop3A_454 : vector<16xi32> to vector<16xf32>
      %parallel_loop3A_477 = arith.addf %parallel_loop3A_476, %parallel_loop3A_475 : vector<16xf32>
      %parallel_loop3A_478 = arith.constant 1.000000e+00 : f32
      %parallel_loop3A_479 = vector.broadcast %parallel_loop3A_478 : f32 to vector<16xf32>
      %parallel_loop3A_480 = arith.subf %parallel_loop3A_479, %parallel_loop3A_447 : vector<16xf32>
      %parallel_loop3A_481 = arith.constant -0.519860387 : f32
      %parallel_loop3A_482 = arith.constant -0.173286796 : f32
      %parallel_loop3A_483 = vector.broadcast %parallel_loop3A_481 : f32 to vector<16xf32>
      %parallel_loop3A_484 = vector.broadcast %parallel_loop3A_482 : f32 to vector<16xf32>
      %parallel_loop3A_485 = arith.select %parallel_loop3A_429, %parallel_loop3A_483, %parallel_loop3A_484 : vector<16xi1>, vector<16xf32>
      %parallel_loop3A_486 = arith.mulf %parallel_loop3A_485, %parallel_loop3A_480 : vector<16xf32>
      %parallel_loop3A_487 = arith.mulf %parallel_loop3A_486, %parallel_loop3A_480 : vector<16xf32>
      %parallel_loop3A_488 = arith.mulf %parallel_loop3A_487, %parallel_loop3A_477 : vector<16xf32>
      %parallel_loop3A_489 = arith.constant 128 : i32
      %parallel_loop3A_490 = arith.muli %parallel_loop3A_489, %parallel_loop3A_54 : i32
      %parallel_loop3A_491 = arith.constant 64 : i32
      %parallel_loop3A_492 = arith.addi %parallel_loop3A_490, %parallel_loop3A_491 : i32
      %parallel_loop3A_493 = arith.index_cast %parallel_loop3A_492 : i32 to index
      %parallel_loop3A_494 = tpu.vector_load %arg10[%parallel_loop3A_493] {strides = array<i32>} : memref<7168xf32, #tpu.memory_space<vmem>>, vector<16xf32>,
      tpu.vector_store %arg10[%parallel_loop3A_493], %parallel_loop3A_488 {strides = array<i32>} : memref<7168xf32, #tpu.memory_space<vmem>>, vector<16xf32>,
      %parallel_loop3A_495 = arith.constant 256 : i32
      %parallel_loop3A_496 = arith.muli %parallel_loop3A_495, %parallel_loop3A_54 : i32
      %parallel_loop3A_497 = arith.constant 80 : i32
      %parallel_loop3A_498 = arith.addi %parallel_loop3A_496, %parallel_loop3A_497 : i32
      %parallel_loop3A_499 = arith.index_cast %parallel_loop3A_498 : i32 to index
      %parallel_loop3A_500 = tpu.vector_load %arg6[%parallel_loop3A_499] {strides = array<i32>} : memref<14336xf32, #tpu.memory_space<vmem>>, vector<16xf32>,
      %parallel_loop3A_501 = arith.constant 256 : i32
      %parallel_loop3A_502 = arith.muli %parallel_loop3A_501, %parallel_loop3A_54 : i32
      %parallel_loop3A_503 = arith.constant 128 : i32
      %parallel_loop3A_504 = arith.addi %parallel_loop3A_502, %parallel_loop3A_503 : i32
      %parallel_loop3A_505 = arith.constant 80 : i32
      %parallel_loop3A_506 = arith.addi %parallel_loop3A_504, %parallel_loop3A_505 : i32
      %parallel_loop3A_507 = arith.index_cast %parallel_loop3A_506 : i32 to index
      %parallel_loop3A_508 = tpu.vector_load %arg6[%parallel_loop3A_507] {strides = array<i32>} : memref<14336xf32, #tpu.memory_space<vmem>>, vector<16xf32>,
      %parallel_loop3A_509 = arith.constant 128 : i32
      %parallel_loop3A_510 = arith.muli %parallel_loop3A_509, %parallel_loop3A_54 : i32
      %parallel_loop3A_511 = arith.constant 80 : i32
      %parallel_loop3A_512 = arith.addi %parallel_loop3A_510, %parallel_loop3A_511 : i32
      %parallel_loop3A_513 = arith.index_cast %parallel_loop3A_512 : i32 to index
      %parallel_loop3A_514 = tpu.vector_load %arg8[%parallel_loop3A_513] {strides = array<i32>} : memref<7168xi32, #tpu.memory_space<vmem>>, vector<16xi32>,
      %parallel_loop3A_515 = arith.constant 1 : i32
      %parallel_loop3A_516 = vector.broadcast %parallel_loop3A_515 : i32 to vector<16xi32>
      %parallel_loop3A_517 = arith.cmpi eq, %parallel_loop3A_514, %parallel_loop3A_516 : vector<16xi32>
      %parallel_loop3A_518 = arith.subf %parallel_loop3A_508, %parallel_loop3A_500 : vector<16xf32>
      %parallel_loop3A_519 = arith.constant 0.000000e+00 : f32
      %parallel_loop3A_520 = vector.broadcast %parallel_loop3A_519 : f32 to vector<16xf32>
      %parallel_loop3A_521 = arith.subf %parallel_loop3A_520, %parallel_loop3A_518 : vector<16xf32>
      %parallel_loop3A_522 = arith.select %parallel_loop3A_517, %parallel_loop3A_518, %parallel_loop3A_521 : vector<16xi1>, vector<16xf32>
      %parallel_loop3A_523 = arith.constant 0.000000e+00 : f32
      %parallel_loop3A_524 = vector.broadcast %parallel_loop3A_523 : f32 to vector<16xf32>
      %parallel_loop3A_525 = arith.subf %parallel_loop3A_524, %parallel_loop3A_522 : vector<16xf32>
      %parallel_loop3A_526 = math.exp %parallel_loop3A_525 : vector<16xf32>
      %parallel_loop3A_527 = arith.constant 1.000000e+00 : f32
      %parallel_loop3A_528 = vector.broadcast %parallel_loop3A_527 : f32 to vector<16xf32>
      %parallel_loop3A_529 = arith.addf %parallel_loop3A_528, %parallel_loop3A_526 : vector<16xf32>
      %parallel_loop3A_530 = arith.constant 1.000000e+00 : f32
      %parallel_loop3A_531 = vector.broadcast %parallel_loop3A_530 : f32 to vector<16xf32>
      %parallel_loop3A_532 = arith.divf %parallel_loop3A_531, %parallel_loop3A_529 : vector<16xf32>
      %parallel_loop3A_533 = arith.constant 9.99999974E-5 : f32
      %parallel_loop3A_534 = vector.broadcast %parallel_loop3A_533 : f32 to vector<16xf32>
      %parallel_loop3A_535 = arith.maximumf %parallel_loop3A_532, %parallel_loop3A_534 : vector<16xf32>
      %parallel_loop3A_536 = vector.bitcast %parallel_loop3A_535 : vector<16xf32> to vector<16xi32>
      %parallel_loop3A_537 = arith.constant 23 : i32
      %parallel_loop3A_538 = vector.broadcast %parallel_loop3A_537 : i32 to vector<16xi32>
      %parallel_loop3A_539 = arith.shrui %parallel_loop3A_536, %parallel_loop3A_538 : vector<16xi32>
      %parallel_loop3A_540 = arith.constant 127 : i32
      %parallel_loop3A_541 = vector.broadcast %parallel_loop3A_540 : i32 to vector<16xi32>
      %parallel_loop3A_542 = arith.subi %parallel_loop3A_539, %parallel_loop3A_541 : vector<16xi32>
      %parallel_loop3A_543 = arith.constant 8388607 : i32
      %parallel_loop3A_544 = vector.broadcast %parallel_loop3A_543 : i32 to vector<16xi32>
      %parallel_loop3A_545 = arith.andi %parallel_loop3A_536, %parallel_loop3A_544 : vector<16xi32>
      %parallel_loop3A_546 = arith.constant 1065353216 : i32
      %parallel_loop3A_547 = vector.broadcast %parallel_loop3A_546 : i32 to vector<16xi32>
      %parallel_loop3A_548 = arith.ori %parallel_loop3A_545, %parallel_loop3A_547 : vector<16xi32>
      %parallel_loop3A_549 = vector.bitcast %parallel_loop3A_548 : vector<16xi32> to vector<16xf32>
      %parallel_loop3A_550 = arith.constant 0.155445859 : f32
      %parallel_loop3A_551 = vector.broadcast %parallel_loop3A_550 : f32 to vector<16xf32>
      %parallel_loop3A_552 = arith.mulf %parallel_loop3A_551, %parallel_loop3A_549 : vector<16xf32>
      %parallel_loop3A_553 = arith.constant -1.03925812 : f32
      %parallel_loop3A_554 = vector.broadcast %parallel_loop3A_553 : f32 to vector<16xf32>
      %parallel_loop3A_555 = arith.addf %parallel_loop3A_552, %parallel_loop3A_554 : vector<16xf32>
      %parallel_loop3A_556 = arith.mulf %parallel_loop3A_555, %parallel_loop3A_549 : vector<16xf32>
      %parallel_loop3A_557 = arith.constant 3.02947831 : f32
      %parallel_loop3A_558 = vector.broadcast %parallel_loop3A_557 : f32 to vector<16xf32>
      %parallel_loop3A_559 = arith.addf %parallel_loop3A_556, %parallel_loop3A_558 : vector<16xf32>
      %parallel_loop3A_560 = arith.mulf %parallel_loop3A_559, %parallel_loop3A_549 : vector<16xf32>
      %parallel_loop3A_561 = arith.constant -2.14494061 : f32
      %parallel_loop3A_562 = vector.broadcast %parallel_loop3A_561 : f32 to vector<16xf32>
      %parallel_loop3A_563 = arith.addf %parallel_loop3A_560, %parallel_loop3A_562 : vector<16xf32>
      %parallel_loop3A_564 = arith.sitofp %parallel_loop3A_542 : vector<16xi32> to vector<16xf32>
      %parallel_loop3A_565 = arith.addf %parallel_loop3A_564, %parallel_loop3A_563 : vector<16xf32>
      %parallel_loop3A_566 = arith.constant 1.000000e+00 : f32
      %parallel_loop3A_567 = vector.broadcast %parallel_loop3A_566 : f32 to vector<16xf32>
      %parallel_loop3A_568 = arith.subf %parallel_loop3A_567, %parallel_loop3A_535 : vector<16xf32>
      %parallel_loop3A_569 = arith.constant -0.519860387 : f32
      %parallel_loop3A_570 = arith.constant -0.173286796 : f32
      %parallel_loop3A_571 = vector.broadcast %parallel_loop3A_569 : f32 to vector<16xf32>
      %parallel_loop3A_572 = vector.broadcast %parallel_loop3A_570 : f32 to vector<16xf32>
      %parallel_loop3A_573 = arith.select %parallel_loop3A_517, %parallel_loop3A_571, %parallel_loop3A_572 : vector<16xi1>, vector<16xf32>
      %parallel_loop3A_574 = arith.mulf %parallel_loop3A_573, %parallel_loop3A_568 : vector<16xf32>
      %parallel_loop3A_575 = arith.mulf %parallel_loop3A_574, %parallel_loop3A_568 : vector<16xf32>
      %parallel_loop3A_576 = arith.mulf %parallel_loop3A_575, %parallel_loop3A_565 : vector<16xf32>
      %parallel_loop3A_577 = arith.constant 128 : i32
      %parallel_loop3A_578 = arith.muli %parallel_loop3A_577, %parallel_loop3A_54 : i32
      %parallel_loop3A_579 = arith.constant 80 : i32
      %parallel_loop3A_580 = arith.addi %parallel_loop3A_578, %parallel_loop3A_579 : i32
      %parallel_loop3A_581 = arith.index_cast %parallel_loop3A_580 : i32 to index
      %parallel_loop3A_582 = tpu.vector_load %arg10[%parallel_loop3A_581] {strides = array<i32>} : memref<7168xf32, #tpu.memory_space<vmem>>, vector<16xf32>,
      tpu.vector_store %arg10[%parallel_loop3A_581], %parallel_loop3A_576 {strides = array<i32>} : memref<7168xf32, #tpu.memory_space<vmem>>, vector<16xf32>,
      %parallel_loop3A_583 = arith.constant 256 : i32
      %parallel_loop3A_584 = arith.muli %parallel_loop3A_583, %parallel_loop3A_54 : i32
      %parallel_loop3A_585 = arith.constant 96 : i32
      %parallel_loop3A_586 = arith.addi %parallel_loop3A_584, %parallel_loop3A_585 : i32
      %parallel_loop3A_587 = arith.index_cast %parallel_loop3A_586 : i32 to index
      %parallel_loop3A_588 = tpu.vector_load %arg6[%parallel_loop3A_587] {strides = array<i32>} : memref<14336xf32, #tpu.memory_space<vmem>>, vector<16xf32>,
      %parallel_loop3A_589 = arith.constant 256 : i32
      %parallel_loop3A_590 = arith.muli %parallel_loop3A_589, %parallel_loop3A_54 : i32
      %parallel_loop3A_591 = arith.constant 128 : i32
      %parallel_loop3A_592 = arith.addi %parallel_loop3A_590, %parallel_loop3A_591 : i32
      %parallel_loop3A_593 = arith.constant 96 : i32
      %parallel_loop3A_594 = arith.addi %parallel_loop3A_592, %parallel_loop3A_593 : i32
      %parallel_loop3A_595 = arith.index_cast %parallel_loop3A_594 : i32 to index
      %parallel_loop3A_596 = tpu.vector_load %arg6[%parallel_loop3A_595] {strides = array<i32>} : memref<14336xf32, #tpu.memory_space<vmem>>, vector<16xf32>,
      %parallel_loop3A_597 = arith.constant 128 : i32
      %parallel_loop3A_598 = arith.muli %parallel_loop3A_597, %parallel_loop3A_54 : i32
      %parallel_loop3A_599 = arith.constant 96 : i32
      %parallel_loop3A_600 = arith.addi %parallel_loop3A_598, %parallel_loop3A_599 : i32
      %parallel_loop3A_601 = arith.index_cast %parallel_loop3A_600 : i32 to index
      %parallel_loop3A_602 = tpu.vector_load %arg8[%parallel_loop3A_601] {strides = array<i32>} : memref<7168xi32, #tpu.memory_space<vmem>>, vector<16xi32>,
      %parallel_loop3A_603 = arith.constant 1 : i32
      %parallel_loop3A_604 = vector.broadcast %parallel_loop3A_603 : i32 to vector<16xi32>
      %parallel_loop3A_605 = arith.cmpi eq, %parallel_loop3A_602, %parallel_loop3A_604 : vector<16xi32>
      %parallel_loop3A_606 = arith.subf %parallel_loop3A_596, %parallel_loop3A_588 : vector<16xf32>
      %parallel_loop3A_607 = arith.constant 0.000000e+00 : f32
      %parallel_loop3A_608 = vector.broadcast %parallel_loop3A_607 : f32 to vector<16xf32>
      %parallel_loop3A_609 = arith.subf %parallel_loop3A_608, %parallel_loop3A_606 : vector<16xf32>
      %parallel_loop3A_610 = arith.select %parallel_loop3A_605, %parallel_loop3A_606, %parallel_loop3A_609 : vector<16xi1>, vector<16xf32>
      %parallel_loop3A_611 = arith.constant 0.000000e+00 : f32
      %parallel_loop3A_612 = vector.broadcast %parallel_loop3A_611 : f32 to vector<16xf32>
      %parallel_loop3A_613 = arith.subf %parallel_loop3A_612, %parallel_loop3A_610 : vector<16xf32>
      %parallel_loop3A_614 = math.exp %parallel_loop3A_613 : vector<16xf32>
      %parallel_loop3A_615 = arith.constant 1.000000e+00 : f32
      %parallel_loop3A_616 = vector.broadcast %parallel_loop3A_615 : f32 to vector<16xf32>
      %parallel_loop3A_617 = arith.addf %parallel_loop3A_616, %parallel_loop3A_614 : vector<16xf32>
      %parallel_loop3A_618 = arith.constant 1.000000e+00 : f32
      %parallel_loop3A_619 = vector.broadcast %parallel_loop3A_618 : f32 to vector<16xf32>
      %parallel_loop3A_620 = arith.divf %parallel_loop3A_619, %parallel_loop3A_617 : vector<16xf32>
      %parallel_loop3A_621 = arith.constant 9.99999974E-5 : f32
      %parallel_loop3A_622 = vector.broadcast %parallel_loop3A_621 : f32 to vector<16xf32>
      %parallel_loop3A_623 = arith.maximumf %parallel_loop3A_620, %parallel_loop3A_622 : vector<16xf32>
      %parallel_loop3A_624 = vector.bitcast %parallel_loop3A_623 : vector<16xf32> to vector<16xi32>
      %parallel_loop3A_625 = arith.constant 23 : i32
      %parallel_loop3A_626 = vector.broadcast %parallel_loop3A_625 : i32 to vector<16xi32>
      %parallel_loop3A_627 = arith.shrui %parallel_loop3A_624, %parallel_loop3A_626 : vector<16xi32>
      %parallel_loop3A_628 = arith.constant 127 : i32
      %parallel_loop3A_629 = vector.broadcast %parallel_loop3A_628 : i32 to vector<16xi32>
      %parallel_loop3A_630 = arith.subi %parallel_loop3A_627, %parallel_loop3A_629 : vector<16xi32>
      %parallel_loop3A_631 = arith.constant 8388607 : i32
      %parallel_loop3A_632 = vector.broadcast %parallel_loop3A_631 : i32 to vector<16xi32>
      %parallel_loop3A_633 = arith.andi %parallel_loop3A_624, %parallel_loop3A_632 : vector<16xi32>
      %parallel_loop3A_634 = arith.constant 1065353216 : i32
      %parallel_loop3A_635 = vector.broadcast %parallel_loop3A_634 : i32 to vector<16xi32>
      %parallel_loop3A_636 = arith.ori %parallel_loop3A_633, %parallel_loop3A_635 : vector<16xi32>
      %parallel_loop3A_637 = vector.bitcast %parallel_loop3A_636 : vector<16xi32> to vector<16xf32>
      %parallel_loop3A_638 = arith.constant 0.155445859 : f32
      %parallel_loop3A_639 = vector.broadcast %parallel_loop3A_638 : f32 to vector<16xf32>
      %parallel_loop3A_640 = arith.mulf %parallel_loop3A_639, %parallel_loop3A_637 : vector<16xf32>
      %parallel_loop3A_641 = arith.constant -1.03925812 : f32
      %parallel_loop3A_642 = vector.broadcast %parallel_loop3A_641 : f32 to vector<16xf32>
      %parallel_loop3A_643 = arith.addf %parallel_loop3A_640, %parallel_loop3A_642 : vector<16xf32>
      %parallel_loop3A_644 = arith.mulf %parallel_loop3A_643, %parallel_loop3A_637 : vector<16xf32>
      %parallel_loop3A_645 = arith.constant 3.02947831 : f32
      %parallel_loop3A_646 = vector.broadcast %parallel_loop3A_645 : f32 to vector<16xf32>
      %parallel_loop3A_647 = arith.addf %parallel_loop3A_644, %parallel_loop3A_646 : vector<16xf32>
      %parallel_loop3A_648 = arith.mulf %parallel_loop3A_647, %parallel_loop3A_637 : vector<16xf32>
      %parallel_loop3A_649 = arith.constant -2.14494061 : f32
      %parallel_loop3A_650 = vector.broadcast %parallel_loop3A_649 : f32 to vector<16xf32>
      %parallel_loop3A_651 = arith.addf %parallel_loop3A_648, %parallel_loop3A_650 : vector<16xf32>
      %parallel_loop3A_652 = arith.sitofp %parallel_loop3A_630 : vector<16xi32> to vector<16xf32>
      %parallel_loop3A_653 = arith.addf %parallel_loop3A_652, %parallel_loop3A_651 : vector<16xf32>
      %parallel_loop3A_654 = arith.constant 1.000000e+00 : f32
      %parallel_loop3A_655 = vector.broadcast %parallel_loop3A_654 : f32 to vector<16xf32>
      %parallel_loop3A_656 = arith.subf %parallel_loop3A_655, %parallel_loop3A_623 : vector<16xf32>
      %parallel_loop3A_657 = arith.constant -0.519860387 : f32
      %parallel_loop3A_658 = arith.constant -0.173286796 : f32
      %parallel_loop3A_659 = vector.broadcast %parallel_loop3A_657 : f32 to vector<16xf32>
      %parallel_loop3A_660 = vector.broadcast %parallel_loop3A_658 : f32 to vector<16xf32>
      %parallel_loop3A_661 = arith.select %parallel_loop3A_605, %parallel_loop3A_659, %parallel_loop3A_660 : vector<16xi1>, vector<16xf32>
      %parallel_loop3A_662 = arith.mulf %parallel_loop3A_661, %parallel_loop3A_656 : vector<16xf32>
      %parallel_loop3A_663 = arith.mulf %parallel_loop3A_662, %parallel_loop3A_656 : vector<16xf32>
      %parallel_loop3A_664 = arith.mulf %parallel_loop3A_663, %parallel_loop3A_653 : vector<16xf32>
      %parallel_loop3A_665 = arith.constant 128 : i32
      %parallel_loop3A_666 = arith.muli %parallel_loop3A_665, %parallel_loop3A_54 : i32
      %parallel_loop3A_667 = arith.constant 96 : i32
      %parallel_loop3A_668 = arith.addi %parallel_loop3A_666, %parallel_loop3A_667 : i32
      %parallel_loop3A_669 = arith.index_cast %parallel_loop3A_668 : i32 to index
      %parallel_loop3A_670 = tpu.vector_load %arg10[%parallel_loop3A_669] {strides = array<i32>} : memref<7168xf32, #tpu.memory_space<vmem>>, vector<16xf32>,
      tpu.vector_store %arg10[%parallel_loop3A_669], %parallel_loop3A_664 {strides = array<i32>} : memref<7168xf32, #tpu.memory_space<vmem>>, vector<16xf32>,
      %parallel_loop3A_671 = arith.constant 256 : i32
      %parallel_loop3A_672 = arith.muli %parallel_loop3A_671, %parallel_loop3A_54 : i32
      %parallel_loop3A_673 = arith.constant 112 : i32
      %parallel_loop3A_674 = arith.addi %parallel_loop3A_672, %parallel_loop3A_673 : i32
      %parallel_loop3A_675 = arith.index_cast %parallel_loop3A_674 : i32 to index
      %parallel_loop3A_676 = tpu.vector_load %arg6[%parallel_loop3A_675] {strides = array<i32>} : memref<14336xf32, #tpu.memory_space<vmem>>, vector<16xf32>,
      %parallel_loop3A_677 = arith.constant 256 : i32
      %parallel_loop3A_678 = arith.muli %parallel_loop3A_677, %parallel_loop3A_54 : i32
      %parallel_loop3A_679 = arith.constant 128 : i32
      %parallel_loop3A_680 = arith.addi %parallel_loop3A_678, %parallel_loop3A_679 : i32
      %parallel_loop3A_681 = arith.constant 112 : i32
      %parallel_loop3A_682 = arith.addi %parallel_loop3A_680, %parallel_loop3A_681 : i32
      %parallel_loop3A_683 = arith.index_cast %parallel_loop3A_682 : i32 to index
      %parallel_loop3A_684 = tpu.vector_load %arg6[%parallel_loop3A_683] {strides = array<i32>} : memref<14336xf32, #tpu.memory_space<vmem>>, vector<16xf32>,
      %parallel_loop3A_685 = arith.constant 128 : i32
      %parallel_loop3A_686 = arith.muli %parallel_loop3A_685, %parallel_loop3A_54 : i32
      %parallel_loop3A_687 = arith.constant 112 : i32
      %parallel_loop3A_688 = arith.addi %parallel_loop3A_686, %parallel_loop3A_687 : i32
      %parallel_loop3A_689 = arith.index_cast %parallel_loop3A_688 : i32 to index
      %parallel_loop3A_690 = tpu.vector_load %arg8[%parallel_loop3A_689] {strides = array<i32>} : memref<7168xi32, #tpu.memory_space<vmem>>, vector<16xi32>,
      %parallel_loop3A_691 = arith.constant 1 : i32
      %parallel_loop3A_692 = vector.broadcast %parallel_loop3A_691 : i32 to vector<16xi32>
      %parallel_loop3A_693 = arith.cmpi eq, %parallel_loop3A_690, %parallel_loop3A_692 : vector<16xi32>
      %parallel_loop3A_694 = arith.subf %parallel_loop3A_684, %parallel_loop3A_676 : vector<16xf32>
      %parallel_loop3A_695 = arith.constant 0.000000e+00 : f32
      %parallel_loop3A_696 = vector.broadcast %parallel_loop3A_695 : f32 to vector<16xf32>
      %parallel_loop3A_697 = arith.subf %parallel_loop3A_696, %parallel_loop3A_694 : vector<16xf32>
      %parallel_loop3A_698 = arith.select %parallel_loop3A_693, %parallel_loop3A_694, %parallel_loop3A_697 : vector<16xi1>, vector<16xf32>
      %parallel_loop3A_699 = arith.constant 0.000000e+00 : f32
      %parallel_loop3A_700 = vector.broadcast %parallel_loop3A_699 : f32 to vector<16xf32>
      %parallel_loop3A_701 = arith.subf %parallel_loop3A_700, %parallel_loop3A_698 : vector<16xf32>
      %parallel_loop3A_702 = math.exp %parallel_loop3A_701 : vector<16xf32>
      %parallel_loop3A_703 = arith.constant 1.000000e+00 : f32
      %parallel_loop3A_704 = vector.broadcast %parallel_loop3A_703 : f32 to vector<16xf32>
      %parallel_loop3A_705 = arith.addf %parallel_loop3A_704, %parallel_loop3A_702 : vector<16xf32>
      %parallel_loop3A_706 = arith.constant 1.000000e+00 : f32
      %parallel_loop3A_707 = vector.broadcast %parallel_loop3A_706 : f32 to vector<16xf32>
      %parallel_loop3A_708 = arith.divf %parallel_loop3A_707, %parallel_loop3A_705 : vector<16xf32>
      %parallel_loop3A_709 = arith.constant 9.99999974E-5 : f32
      %parallel_loop3A_710 = vector.broadcast %parallel_loop3A_709 : f32 to vector<16xf32>
      %parallel_loop3A_711 = arith.maximumf %parallel_loop3A_708, %parallel_loop3A_710 : vector<16xf32>
      %parallel_loop3A_712 = vector.bitcast %parallel_loop3A_711 : vector<16xf32> to vector<16xi32>
      %parallel_loop3A_713 = arith.constant 23 : i32
      %parallel_loop3A_714 = vector.broadcast %parallel_loop3A_713 : i32 to vector<16xi32>
      %parallel_loop3A_715 = arith.shrui %parallel_loop3A_712, %parallel_loop3A_714 : vector<16xi32>
      %parallel_loop3A_716 = arith.constant 127 : i32
      %parallel_loop3A_717 = vector.broadcast %parallel_loop3A_716 : i32 to vector<16xi32>
      %parallel_loop3A_718 = arith.subi %parallel_loop3A_715, %parallel_loop3A_717 : vector<16xi32>
      %parallel_loop3A_719 = arith.constant 8388607 : i32
      %parallel_loop3A_720 = vector.broadcast %parallel_loop3A_719 : i32 to vector<16xi32>
      %parallel_loop3A_721 = arith.andi %parallel_loop3A_712, %parallel_loop3A_720 : vector<16xi32>
      %parallel_loop3A_722 = arith.constant 1065353216 : i32
      %parallel_loop3A_723 = vector.broadcast %parallel_loop3A_722 : i32 to vector<16xi32>
      %parallel_loop3A_724 = arith.ori %parallel_loop3A_721, %parallel_loop3A_723 : vector<16xi32>
      %parallel_loop3A_725 = vector.bitcast %parallel_loop3A_724 : vector<16xi32> to vector<16xf32>
      %parallel_loop3A_726 = arith.constant 0.155445859 : f32
      %parallel_loop3A_727 = vector.broadcast %parallel_loop3A_726 : f32 to vector<16xf32>
      %parallel_loop3A_728 = arith.mulf %parallel_loop3A_727, %parallel_loop3A_725 : vector<16xf32>
      %parallel_loop3A_729 = arith.constant -1.03925812 : f32
      %parallel_loop3A_730 = vector.broadcast %parallel_loop3A_729 : f32 to vector<16xf32>
      %parallel_loop3A_731 = arith.addf %parallel_loop3A_728, %parallel_loop3A_730 : vector<16xf32>
      %parallel_loop3A_732 = arith.mulf %parallel_loop3A_731, %parallel_loop3A_725 : vector<16xf32>
      %parallel_loop3A_733 = arith.constant 3.02947831 : f32
      %parallel_loop3A_734 = vector.broadcast %parallel_loop3A_733 : f32 to vector<16xf32>
      %parallel_loop3A_735 = arith.addf %parallel_loop3A_732, %parallel_loop3A_734 : vector<16xf32>
      %parallel_loop3A_736 = arith.mulf %parallel_loop3A_735, %parallel_loop3A_725 : vector<16xf32>
      %parallel_loop3A_737 = arith.constant -2.14494061 : f32
      %parallel_loop3A_738 = vector.broadcast %parallel_loop3A_737 : f32 to vector<16xf32>
      %parallel_loop3A_739 = arith.addf %parallel_loop3A_736, %parallel_loop3A_738 : vector<16xf32>
      %parallel_loop3A_740 = arith.sitofp %parallel_loop3A_718 : vector<16xi32> to vector<16xf32>
      %parallel_loop3A_741 = arith.addf %parallel_loop3A_740, %parallel_loop3A_739 : vector<16xf32>
      %parallel_loop3A_742 = arith.constant 1.000000e+00 : f32
      %parallel_loop3A_743 = vector.broadcast %parallel_loop3A_742 : f32 to vector<16xf32>
      %parallel_loop3A_744 = arith.subf %parallel_loop3A_743, %parallel_loop3A_711 : vector<16xf32>
      %parallel_loop3A_745 = arith.constant -0.519860387 : f32
      %parallel_loop3A_746 = arith.constant -0.173286796 : f32
      %parallel_loop3A_747 = vector.broadcast %parallel_loop3A_745 : f32 to vector<16xf32>
      %parallel_loop3A_748 = vector.broadcast %parallel_loop3A_746 : f32 to vector<16xf32>
      %parallel_loop3A_749 = arith.select %parallel_loop3A_693, %parallel_loop3A_747, %parallel_loop3A_748 : vector<16xi1>, vector<16xf32>
      %parallel_loop3A_750 = arith.mulf %parallel_loop3A_749, %parallel_loop3A_744 : vector<16xf32>
      %parallel_loop3A_751 = arith.mulf %parallel_loop3A_750, %parallel_loop3A_744 : vector<16xf32>
      %parallel_loop3A_752 = arith.mulf %parallel_loop3A_751, %parallel_loop3A_741 : vector<16xf32>
      %parallel_loop3A_753 = arith.constant 128 : i32
      %parallel_loop3A_754 = arith.muli %parallel_loop3A_753, %parallel_loop3A_54 : i32
      %parallel_loop3A_755 = arith.constant 112 : i32
      %parallel_loop3A_756 = arith.addi %parallel_loop3A_754, %parallel_loop3A_755 : i32
      %parallel_loop3A_757 = arith.index_cast %parallel_loop3A_756 : i32 to index
      %parallel_loop3A_758 = tpu.vector_load %arg10[%parallel_loop3A_757] {strides = array<i32>} : memref<7168xf32, #tpu.memory_space<vmem>>, vector<16xf32>,
      tpu.vector_store %arg10[%parallel_loop3A_757], %parallel_loop3A_752 {strides = array<i32>} : memref<7168xf32, #tpu.memory_space<vmem>>, vector<16xf32>,
    } {sc.loop_unroll_factor = 1 : i64, sc.parallel_access}
    %add3A_42 = arith.constant 7168 : i32
    %add3A_43 = arith.addi %mul3A_2, %add3A_42 : i32
    %dma_start3A_44 = tpu.memref_slice %arg4[%add3A_43] : memref<458752xf32, #tpu.memory_space<hbm>> -> memref<7168xf32, #tpu.memory_space<hbm>>
    %dma_start3A_45 = tpu.memref_slice %arg4[%add3A_43] : memref<458752xf32, #tpu.memory_space<hbm>> -> memref<7168xf32, #tpu.memory_space<hbm>>
    tpu.enqueue_dma source(%arg10 : memref<7168xf32, #tpu.memory_space<vmem>>) target(%dma_start3A_45 : memref<7168xf32, #tpu.memory_space<hbm>>) target_semaphore(%arg14 : memref<!tpu.dma_semaphore, #tpu.memory_space<semaphore_mem>>)
    %add3A_46 = arith.constant 0 : i32
    %add3A_47 = arith.addi %mul3A_2, %add3A_46 : i32
    %dma_wait3A_48 = tpu.memref_slice %arg4[%add3A_47] : memref<458752xf32, #tpu.memory_space<hbm>> -> memref<7168xf32, #tpu.memory_space<hbm>>
    %dma_wait3A_49 = tpu.memref_slice %arg4[%add3A_47] : memref<458752xf32, #tpu.memory_space<hbm>> -> memref<7168xf32, #tpu.memory_space<hbm>>
    tpu.wait_dma2 semaphore(%arg13 : memref<!tpu.dma_semaphore, #tpu.memory_space<semaphore_mem>>) src(%arg9 : memref<7168xf32, #tpu.memory_space<vmem>>) dst(%dma_wait3A_49 : memref<7168xf32, #tpu.memory_space<hbm>>)
    %add3A_50 = arith.constant 7168 : i32
    %add3A_51 = arith.addi %mul3A_2, %add3A_50 : i32
    %dma_wait3A_52 = tpu.memref_slice %arg4[%add3A_51] : memref<458752xf32, #tpu.memory_space<hbm>> -> memref<7168xf32, #tpu.memory_space<hbm>>
    %dma_wait3A_53 = tpu.memref_slice %arg4[%add3A_51] : memref<458752xf32, #tpu.memory_space<hbm>> -> memref<7168xf32, #tpu.memory_space<hbm>>
    tpu.wait_dma2 semaphore(%arg14 : memref<!tpu.dma_semaphore, #tpu.memory_space<semaphore_mem>>) src(%arg10 : memref<7168xf32, #tpu.memory_space<vmem>>) dst(%dma_wait3A_53 : memref<7168xf32, #tpu.memory_space<hbm>>)
    return
  }
}

module attributes {stable_mosaic.version = 14 : i64} {
  func.func @_tc_body(%arg0: i32, %arg1: memref<512x128xf32, #tpu.memory_space<vmem>>, %arg2: memref<256x128xi32, #tpu.memory_space<vmem>>, %arg3: memref<256x128xf32, #tpu.memory_space<vmem>>) attributes {dimension_semantics = [#tpu.dimension_semantics<arbitrary>], iteration_bounds = array<i64: 18>, scalar_prefetch = 0 : i64, scratch_operands = 0 : i64, tpu.core_type = #tpu.core_type<tc>, window_params = [{transform_indices = @transform_0, window_bounds = array<i64: 512, 128>}, {transform_indices = @transform_1, window_bounds = array<i64: 256, 128>}, {transform_indices = @transform_2, window_bounds = array<i64: 256, 128>}]} {
    %get3A = arith.constant 0 : index
    %get3A_0 = arith.constant 0 : index
    %get3A_1 = vector.load %arg1[%get3A, %get3A_0] : memref<512x128xf32, #tpu.memory_space<vmem>>, vector<512x128xf32>
    %reshape3A = vector.shape_cast %get3A_1 : vector<512x128xf32> to vector<256x2x128xf32>
    %slice3A = vector.extract_strided_slice %reshape3A {offsets = [0, 0, 0], sizes = [256, 1, 128], strides = [1, 1, 1]} : vector<256x2x128xf32> to vector<256x1x128xf32>
    %squeeze3A = vector.shape_cast %slice3A : vector<256x1x128xf32> to vector<256x128xf32>
    %slice3A_2 = vector.extract_strided_slice %reshape3A {offsets = [0, 1, 0], sizes = [256, 1, 128], strides = [1, 1, 1]} : vector<256x2x128xf32> to vector<256x1x128xf32>
    %squeeze3A_3 = vector.shape_cast %slice3A_2 : vector<256x1x128xf32> to vector<256x128xf32>
    %get3A_4 = arith.constant 0 : index
    %get3A_5 = arith.constant 0 : index
    %get3A_6 = vector.load %arg2[%get3A_4, %get3A_5] : memref<256x128xi32, #tpu.memory_space<vmem>>, vector<256x128xi32>
    %eq3A = arith.constant 1 : i32
    %eq3A_7 = vector.broadcast %eq3A : i32 to vector<256x128xi32>
    %eq3A_8 = arith.cmpi eq, %get3A_6, %eq3A_7 : vector<256x128xi32>
    %sub3A = arith.subf %squeeze3A_3, %squeeze3A : vector<256x128xf32>
    %neg3A = arith.constant 0.000000e+00 : f32
    %neg3A_9 = vector.broadcast %neg3A : f32 to vector<256x128xf32>
    %neg3A_10 = arith.subf %neg3A_9, %sub3A : vector<256x128xf32>
    %select_n3A = arith.select %eq3A_8, %sub3A, %neg3A_10 : vector<256x128xi1>, vector<256x128xf32>
    %neg3A_11 = arith.constant 0.000000e+00 : f32
    %neg3A_12 = vector.broadcast %neg3A_11 : f32 to vector<256x128xf32>
    %neg3A_13 = arith.subf %neg3A_12, %select_n3A : vector<256x128xf32>
    %exp3A = math.exp %neg3A_13 : vector<256x128xf32>
    %add3A = arith.constant 1.000000e+00 : f32
    %add3A_14 = vector.broadcast %add3A : f32 to vector<256x128xf32>
    %add3A_15 = arith.addf %add3A_14, %exp3A : vector<256x128xf32>
    %div3A = arith.constant 1.000000e+00 : f32
    %div3A_16 = vector.broadcast %div3A : f32 to vector<256x128xf32>
    %div3A_17 = arith.divf %div3A_16, %add3A_15 : vector<256x128xf32>
    %max3A = arith.constant 9.99999974E-5 : f32
    %max3A_18 = vector.broadcast %max3A : f32 to vector<256x128xf32>
    %max3A_19 = arith.maximumf %div3A_17, %max3A_18 : vector<256x128xf32>
    %min3A = arith.constant 1.000000e+00 : f32
    %min3A_20 = vector.broadcast %min3A : f32 to vector<256x128xf32>
    %min3A_21 = arith.minimumf %max3A_19, %min3A_20 : vector<256x128xf32>
    %sub3A_22 = arith.constant 1.000000e+00 : f32
    %sub3A_23 = vector.broadcast %sub3A_22 : f32 to vector<256x128xf32>
    %sub3A_24 = arith.subf %sub3A_23, %min3A_21 : vector<256x128xf32>
    %jit3A = arith.constant -7.500000e-01 : f32
    %jit3A_25 = arith.constant -2.500000e-01 : f32
    %broadcast_in_dim3A = vector.broadcast %jit3A : f32 to vector<256x128xf32>
    %broadcast_in_dim3A_26 = vector.broadcast %jit3A_25 : f32 to vector<256x128xf32>
    %select_n3A_27 = arith.select %eq3A_8, %broadcast_in_dim3A, %broadcast_in_dim3A_26 : vector<256x128xi1>, vector<256x128xf32>
    %mul3A = arith.mulf %select_n3A_27, %sub3A_24 : vector<256x128xf32>
    %mul3A_28 = arith.mulf %mul3A, %sub3A_24 : vector<256x128xf32>
    %log3A = math.log %min3A_21 : vector<256x128xf32>
    %mul3A_29 = arith.mulf %mul3A_28, %log3A : vector<256x128xf32>
    %swap3A = arith.constant 0 : index
    %swap3A_30 = arith.constant 0 : index
    %swap3A_31 = vector.load %arg3[%swap3A, %swap3A_30] : memref<256x128xf32, #tpu.memory_space<vmem>>, vector<256x128xf32>
    tpu.vector_store %arg3[%swap3A, %swap3A_30], %mul3A_29 {strides = array<i32>} : memref<256x128xf32, #tpu.memory_space<vmem>>, vector<256x128xf32>,
    return
  }
  func.func @transform_0(%arg0: i32) -> (i32, i32) {
    %add3A = arith.constant 14 : i32
    %add3A_0 = arith.addi %arg0, %add3A : i32
    %c0_i32 = arith.constant 0 : i32
    %c0_i32_1 = arith.constant 0 : i32
    return %add3A_0, %c0_i32 : i32, i32
  }
  func.func @transform_1(%arg0: i32) -> (i32, i32) {
    %add3A = arith.constant 14 : i32
    %add3A_0 = arith.addi %arg0, %add3A : i32
    %c0_i32 = arith.constant 0 : i32
    %c0_i32_1 = arith.constant 0 : i32
    return %add3A_0, %c0_i32 : i32, i32
  }
  func.func @transform_2(%arg0: i32) -> (i32, i32) {
    %c0_i32 = arith.constant 0 : i32
    %c0_i32_0 = arith.constant 0 : i32
    return %arg0, %c0_i32 : i32, i32
  }
}

</mosaic_0001>

<sc_bundles>
// kernel: kernel.4.cloned.1.call-start
scs
__scs_entry_jumppad:
0x0: {  	(pc) =	sbr.rel $0x88, $3  }
0x1: {  	(tag) =	ssettag $0x0;
	lr =	simm.s32 $0x1  }
0x2: {  	[smem:$0x3F9F] =	sst lr;
	_ =	strace $0xD0000000  }
0x3: {  	_ = 	snop  }
0x4: {  	_ = 	snop  }
0x5: {  	_ = 	snop  }
0x6: {  	_ = 	snop  }
0x7: {  	_ = 	snop  }
__scs_overlays_trampoline_lowered:
0x8: {  	[smem:$0x3FAE] =	sst s0  }
0x9: {  	[smem:$0x3FAF] =	sst s1  }
0xa: {  	[smem:$0x3FB0] =	sst s2  }
0xb: {  	[smem:$0x3FB1] =	sst s3  }
0xc: {  	[smem:$0x3FB2] =	sst s4  }
0xd: {  	[smem:$0x3FB3] =	sst s5  }
0xe: {  	[smem:$0x3FB4] =	sst s6  }
0xf: {  	[smem:$0x3FB5] =	sst s7  }
0x10: {  	[smem:$0x3FB6] =	sst s8  }
0x11: {  	[smem:$0x3FB7] =	sst s9;
	s0 =	simm.s32 @!p0 $0x0  }
0x12: {  	s1 =	sld [smem:$0x3F9D];
	s0 =	simm.s32 @p0 $0x1  }
0x13: {  	[smem:$0x3FB8] =	sst s0;
	s0 =	simm.s32 @!p1 $0x0  }
0x14: {  	s2 =	sld [smem:$0x3F9C];
	s0 =	simm.s32 @p1 $0x1  }
0x15: {  	[smem:$0x3FB9] =	sst s0;
	s0 =	simm.s32 @!p2 $0x0  }
0x16: {  	s3 =	sld [smem:$0x3FDB];
	s0 =	simm.s32 @p2 $0x1  }
0x17: {  	s4 =	simm.s32 $0x1BF5;
	[smem:$0x3FBB] =	sst s0  }
0x18: {  	s0 =	sld [smem:$0x3F9E];
	_ =	swait.ge [sflag:s4], $0x0  }
0x19: {  	s7 =	sld [smem:$0x3F9F]  }
0x1a: {  	s8 =	sadd.s32 $0xFFFFE003, lr  }
0x1b: {  	s9 =	sadd.s32 $0xFFFFFEF7, lr;
	s5 =	simm.s32 $0xFFFFFFFF;
	p2 =	slt.u32 s8, $0xFFFFF086  }
0x1c: {  	p1 =	slt.u32 s9, $0xF7A;
	s5 =	simm.s32 @!p2 $0x0  }
0x1d: {  	s5 =	simm.s32 @p1 $0x1;
	p0 =	seq.s32 s7, s2  }
0x1e: {  	s7 =	smul.u32 @!p0 $0xF7A, s2;
	p2 =	seq.s32 @!p0 s5, $0x0  }
0x1f: {  	s9 =	smul.u32 $0xF7A, s1;
	s8 =	simm.s32 @!p0 $0x1BF5;
	p2 =	por !p2, p0  }
0x20: {  	[sflag:s8] =	ssyncset.s32 @!p0 $0xFFFFF086;
	s6 =	sadd.s32 @!p0 s3, s7;
	s7 =	simm.s32 @!p0 $0x108  }
0x21: {  	s3 =	sadd.s32 s3, s9;
	s6 =	sadd.s32 @!p0 $0x88, s6;
	s7 =	simm.s32 @p2 $0x1082  }
0x22: {  	[simem:s7], [sflag:s8] =	dma.local @!p0 [hbm:s6], $0xF7A  }
0x23: {  	s9 =	sor.u32 $0xD0000000, s2;
	s6 =	simm.s32 $0x108;
	_ =	swait.ge @!p0 [sflag:s8], $0x0  }
0x24: {  	s3 =	sadd.s32 $0x88, s3;
	s6 =	simm.s32 @!p1 $0x1082;
	[sflag:s4] =	ssyncset.s32 $0xFFFFF086  }
0x25: {  	[simem:s6], [sflag:s4] =	dma.local [hbm:s3], $0xF7A  }
0x26: {  	[smem:$0x3F9F] =	sst s1;
	(tag) =	ssettag s2;
	_ =	strace s9  }
0x27: {  	s1 =	sld [smem:$0x3FAF]  }
0x28: {  	s2 =	sld [smem:$0x3FB0]  }
0x29: {  	s4 =	sld [smem:$0x3FB2]  }
0x2a: {  	p0 =	seq.s32 s5, $0x0;
	s5 =	sld [smem:$0x3FB3]  }
0x2b: {  	s6 =	sld [smem:$0x3FB4]  }
0x2c: {  	s7 =	sld [smem:$0x3FB5]  }
0x2d: {  	s3 =	simm.s32 $0x108;
	s8 =	sld [smem:$0x3FB6]  }
0x2e: {  	s3 =	simm.s32 @!p0 $0x1082;
	s9 =	sld [smem:$0x3FB7]  }
0x2f: {  	lr =	sadd.s32 s0, s3;
	s0 =	sld [smem:$0x3FAE]  }
0x30: {  	s3 =	sld [smem:$0x3FB1]  }
0x31: {  	[smem:$0x3FBA] =	sst s10  }
0x32: {  	s10 =	sld [smem:$0x3FB8];
	_ =	sdelay $0x3  }
0x33: {  	p0 =	seq.s32 s10, $0x1;
	s10 =	sld [smem:$0x3FBA];
	_ =	sdelay $0x3  }
0x34: {  	[smem:$0x3FBA] =	sst s10  }
0x35: {  	s10 =	sld [smem:$0x3FB9];
	_ =	sdelay $0x3  }
0x36: {  	p1 =	seq.s32 s10, $0x1;
	s10 =	sld [smem:$0x3FBA];
	_ =	sdelay $0x3  }
0x37: {  	[smem:$0x3FBA] =	sst s10  }
0x38: {  	s10 =	sld [smem:$0x3FBB]  }
0x39: {  	_ = 	snop;
	(pc) =	sbr.ind lr, $3  }
0x3a: {  	_ = 	snop  }
0x3b: {  	_ = 	snop  }
0x3c: {  	p2 =	seq.s32 s10, $0x1;
	s10 =	sld [smem:$0x3FBA]  }
0x3d: {  	_ =	shalt  }
0x3e: {  	_ =	shalt  }
0x3f: {  	_ =	shalt  }
0x40: {  	_ =	shalt  }
0x41: {  	_ =	shalt  }
0x42: {  	_ =	shalt  }
0x43: {  	_ =	shalt  }
0x44: {  	_ =	shalt  }
0x45: {  	_ =	shalt  }
0x46: {  	_ =	shalt  }
0x47: {  	_ =	shalt  }
0x48: {  	_ =	shalt  }
0x49: {  	_ =	shalt  }
0x4a: {  	_ =	shalt  }
0x4b: {  	_ =	shalt  }
0x4c: {  	_ =	shalt  }
0x4d: {  	_ =	shalt  }
0x4e: {  	_ =	shalt  }
0x4f: {  	_ =	shalt  }
0x50: {  	_ =	shalt  }
0x51: {  	_ =	shalt  }
0x52: {  	_ =	shalt  }
0x53: {  	_ =	shalt  }
0x54: {  	_ =	shalt  }
0x55: {  	_ =	shalt  }
0x56: {  	_ =	shalt  }
0x57: {  	_ =	shalt  }
0x58: {  	_ =	shalt  }
0x59: {  	_ =	shalt  }
0x5a: {  	_ =	shalt  }
0x5b: {  	_ =	shalt  }
0x5c: {  	_ =	shalt  }
0x5d: {  	_ =	shalt  }
0x5e: {  	_ =	shalt  }
0x5f: {  	_ =	shalt  }
0x60: {  	_ =	shalt  }
0x61: {  	_ =	shalt  }
0x62: {  	_ =	shalt  }
0x63: {  	_ =	shalt  }
0x64: {  	_ =	shalt  }
0x65: {  	_ =	shalt  }
0x66: {  	_ =	shalt  }
0x67: {  	_ =	shalt  }
0x68: {  	_ =	shalt  }
0x69: {  	_ =	shalt  }
0x6a: {  	_ =	shalt  }
0x6b: {  	_ =	shalt  }
0x6c: {  	_ =	shalt  }
0x6d: {  	_ =	shalt  }
0x6e: {  	_ =	shalt  }
0x6f: {  	_ =	shalt  }
0x70: {  	_ =	shalt  }
0x71: {  	_ =	shalt  }
0x72: {  	_ =	shalt  }
0x73: {  	_ =	shalt  }
0x74: {  	_ =	shalt  }
0x75: {  	_ =	shalt  }
0x76: {  	_ =	shalt  }
0x77: {  	_ =	shalt  }
0x78: {  	_ =	shalt  }
0x79: {  	_ =	shalt  }
0x7a: {  	_ =	shalt  }
0x7b: {  	_ =	shalt  }
0x7c: {  	_ =	shalt  }
0x7d: {  	_ =	shalt  }
0x7e: {  	_ =	shalt  }
0x7f: {  	_ =	shalt  }
0x80: {  	_ =	shalt  }
0x81: {  	_ =	shalt  }
0x82: {  	_ =	shalt  }
0x83: {  	_ =	shalt  }
0x84: {  	_ =	shalt  }
0x85: {  	_ =	shalt  }
0x86: {  	_ =	shalt  }
0x87: {  	_ =	shalt  }
.Lfunc_end0:
.L_simem_size_0:
called_computation_lowered:
.L_overlay_start_0:
0x88: {  	s2 =	sld [smem:$0x3FD9]  }
0x89: {  	s3 =	sld [smem:$0x3FFE];
	_ =	sdelay $0x1  }
0x8a: {  	s1 =	srdreg.scid  }
0x8b: {  	s0 =	sand.u32 $0x1, s1  }
0x8c: {  	s17 =	sshll.u32 s0, $0xA;
	s2 =	sadd.s32 s3, s2  }
0x8d: {  	s2 =	sadd.s32 s2, s17  }
0x8e: {  	[smem:$0x3FC6] =	sst s2  }
0x8f: {  	_ = 	snop  }
0x90: {  	s2 =	sld [smem:$0x3FC9]  }
0x91: {  	s18 =	sld [smem:$0x3FC8];
	(tm) =	ssettm $0x1  }
0x92: {  	s4 =	sld [smem:$0x3FFB];
	_ =	sdelay $0x3  }
0x93: {  	_ =	strace s4  }
0x94: {  	s4 =	sld [smem:$0x3FFC];
	_ =	sdelay $0x3  }
0x95: {  	_ =	strace s4  }
0x96: {  	s4 =	sld [smem:$0x3FFD];
	_ =	sdelay $0x3  }
0x97: {  	_ =	strace s4  }
0x98: {  	_ =	strace $0x8FFFFFFF  }
0x99: {  	s19 =	sld [smem:$0x3FDB];
	_ =	sdelay $0x1  }
0x9a: {  	s5 =	simm.s32 $_scs_section_size  }
0x9b: {  	s6 =	simm.s32 $_size__tile_overlayer_lowered;
	s7 =	simm.s32 $_tile_overlayer_lowered  }
0x9c: {  	s22 =	simm.s32 $0x1BFF;
	s21 =	sshll.u32 s7, $0x1;
	s4 =	sadd.s32 s5, s19  }
0x9d: {  	s8 =	simm.s32 $0x0;
	s20 =	sshll.u32 s6, $0x1;
	s6 =	sadd.s32 s21, s4  }
0x9e: {  	[timem:s8], [sflag:s22] =	dma.local [hbm:s6], s20  }
0x9f: {  	_ =	swait.ge [sflag:s22], s20  }
0xa0: {  	s5 =	ssub.s32 $0x0, s20;
	[sflag:s22] =	ssyncset.done $0x0  }
0xa1: {  	[sflag:s22] =	ssyncadd.s32 s5;
	_ =	sdelay $0x1  }
0xa2: {  	s23 =	simm.s32 $0x1B8B  }
0xa3: {  	_ =	swait.ge [sflag:s23], $0x1  }
0xa4: {  	[sflag:s23] =	ssyncset.done $0x0  }
0xa5: {  	s25 =	simm.s32 $0x1B8E;
	s24 =	sld [smem:$0x3FFE];
	[sflag:s23] =	ssyncadd.s32 $0xFFFFFFFF  }
0xa6: {  	s26 =	simm.s32 $execute0_lowered;
	[smem:$0x3FD2] =	sst s25  }
0xa7: {  	s6 =	sshll.u32 s26, $0x1;
	_ =	strace $0x80000046;
	[dreg:$0x1] =	wrdreg $0xFFFFFFFF  }
0xa8: {  	s28 =	simm.s32 $_size_execute0_lowered;
	s4 =	sadd.s32 s4, s6;
	[dreg:$0x0] =	wrdreg $0x0  }
0xa9: {  	s6 =	sshll.u32 s28, $0x1;
	[dreg:$0x2] =	wrdreg s4  }
0xaa: {  	[dreg:$0x3] =	wrdreg s6  }
0xab: {  	[dreg:$0x4] =	wrdreg $0xC0  }
0xac: {  	_ =	task [dreg:s8], $0x5FFFF  }
0xad: {  	[dreg:$0x1] =	wrdreg $0xFFFFFFFF  }
0xae: {  	[dreg:$0x0] =	wrdreg $0x60  }
0xaf: {  	[dreg:$0x2] =	wrdreg s2  }
0xb0: {  	[dreg:$0x3] =	wrdreg s18  }
0xb1: {  	[dreg:$0x4] =	wrdreg s24  }
0xb2: {  	[dreg:$0x5] =	wrdreg $0x9  }
0xb3: {  	_ =	task.clear_ibuf [dreg:s8], $0x6FFFF;
	_ =	strace $0x90000046  }
0xb4: {  	s29 =	simm.s32 $0x9;
	_ =	strace $0x80000048  }
0xb5: {  	_ =	swait.ge [sflag:s29], $0x1  }
0xb6: {  	[sflag:s29] =	ssyncadd.s32 $0xFFFFFFFF  }
0xb7: {  	_ =	strace $0x90000048  }
0xb8: {  	_ =	sfence  }
0xb9: {  	s30 =	sld [smem:$0x0];
	_ =	sdelay $0x2  }
0xba: {  	s31 =	sshll.u32 s1, $0xD;
	s1 =	sshrl.u32 s1, $0x2  }
0xbb: {  	s3 =	sand.u32 $0x4000, s31;
	s1 =	sadd.s32 s1, s30  }
0xbc: {  	s0 =	sor.u32 s3, s0;
	s1 =	sshll.u32 s1, $0x11  }
0xbd: {  	s0 =	sor.u32 s1, s0  }
0xbe: {  	s0 =	sadd.s32 $0x8F2B, s0  }
0xbf: {  	[sflag:s0] =	ssyncadd.remote.s32 $0x1  }
0xc0: {  	_ =	sfence.sel $0xFFFF  }
0xc1: {  	[dreg:$0x0] =	wrdreg $0xFFFFFFFF;
	(pc) =	sbr.abs _section_cstart, $3  }
0xc2: {  	[dreg:$0x1] =	wrdreg $0xFFFFFFFF  }
0xc3: {  	_ =	task.clear_ibuf [dreg:s8], $0x2FFFF;
	_ =	strace $0x9FFFFFFF  }
0xc4: {  	(tm) =	ssettm $0x7FFFFFFF  }
0xc5: {  	_ =	shalt  }
tec
execute0_lowered:
.L_overlay_start_1:
0x0: {  	(tag) =	ssettag $0x1  }
0x1: {  	s0 =	rddreg [dreg:$0x0]  }
0x2: {  	s1 =	rddreg [dreg:$0x1]  }
0x3: {  	s2 =	srdreg.scid;
	s5 =	stileid.u32  }
0x4: {  	s3 =	rddreg [dreg:$0x2];
	s11 =	simm.s32 $0x3800;
	s12 =	simm.s32 $0x8C00  }
0x5: {  	s13 =	simm.s32 $0x1;
	s14 =	simm.s32 $0xA800;
	s15 =	simm.s32 $0x2  }
0x6: {  	s16 =	simm.s32 $0xC400;
	s4 =	sand.u32 $0x1, s2;
	s29 =	sshll.u32 s5, $0x1  }
0x7: {  	s17 =	simm.s32 $0x3;
	s18 =	simm.s32 $0x4;
	s5 =	sor.u32 s4, s29  }
0x8: {  	s19 =	simm.s32 $0x0;
	s2 =	simm.s32 $0x0;
	s6 =	smul.u32 $0x3800, s5  }
0x9: {  	s4 =	ssub.s32 $0x2, s4;
	[smem:$0x7FF] =	sst s2;
	s5 =	smul.u32 $0xE00, s5  }
0xa: {  	s8 =	sadd.s32 $0xE00, s3;
	s7 =	sshrl.u32 s4, $0x1;
	_ =	strace $0x80000047  }
0xb: {  	s9 =	ssub.s32 s4, s7;
	s3 =	sadd.s32 s0, s5;
	s30 =	sshrl.u32 s6, $0x3  }
0xc: {  	s31 =	sadd.s32 $0x1C00, s6;
	s9 =	smax.u32 s9, $0x1;
	s4 =	sadd.s32 s1, s30  }
0xd: {  	s6 =	sshrl.u32 s31, $0x2;
	s10 =	sshrl.u32 s31, $0x3;
	s7 =	sadd.s32 s8, s30  }
0xe: {  	v0 =	vimm.f32 $-1.732867960e-01;
	s5 =	sadd.s32 s0, s6;
	s6 =	sadd.s32 s1, s10;
	s8 =	sadd.s32 s8, s10  }
.LBB2_1:
0xf: {  	[tilespmem:s2], [sflag:$0x1] =	stream.linear.gather [hbm4b:s3+s2], $0x3800, $0x38;
	[tilespmem:$0xE000] =	vst v63  }
0x10: {  	s0 =	simm.s32 $0x7000  }
0x11: {  	[tilespmem:s0], [sflag:$0x1] =	stream.linear.gather [hbm4b:s4+s2], $0x1C00, $0x38;
	[tilespmem:$0xE000] =	vst v63  }
0x12: {  	_ = 	snop  }
0x13: {  	[tilespmem:s11], [sflag:$0x2] =	stream.linear.gather [hbm4b:s5+s2], $0x3800, $0x38;
	[tilespmem:$0xE000] =	vst v63  }
0x14: {  	_ = 	snop  }
0x15: {  	[tilespmem:s12], [sflag:$0x2] =	stream.linear.gather [hbm4b:s6+s2], $0x1C00, $0x38;
	[tilespmem:$0xE000] =	vst v63  }
0x16: {  	_ =	swait.ge [sflag:s13], $0x3800  }
0x17: {  	[sflag:s13] =	ssyncset.done $0x0  }
0x18: {  	[sflag:s13] =	ssyncadd.s32 $0xFFFFC800  }
0x19: {  	_ =	swait.ge [sflag:s13], $0x1C00  }
0x1a: {  	[sflag:s13] =	ssyncset.done $0x0  }
0x1b: {  	s1 =	simm.s32 $0x80;
	[sflag:s13] =	ssyncadd.s32 $0xFFFFE400  }
0x1c: {  	v1 =	vld [tilespmem:s1+$0xFFFFFF80]  }
0x1d: {  	v2 =	vld [tilespmem:s1+$0x0];
	_ =	sdelay $0x1  }
0x1e: {  	s20 =	simm.s32 $0x0  }
0x1f: {  	v3 =	vld [tilespmem:s20+$0x7000];
	_ =	sdelay $0x1  }
0x20: {  	v1 =	vsub.f32 v2, v1;
	_ =	sdelay $0x1  }
0x21: {  	v2 =	vsub.f32 $0.0e+00, v1  }
0x22: {  	vm0 =	veq.s32 v3, $0x1  }
0x23: {  	v1 =	vsel vm0, v1, v2  }
0x24: {  	v1 =	vsub.f32 $0.0e+00, v1;
	_ =	sdelay $0x1  }
0x25: {  	v1 =	vmul.f32 $1.442695020e+00, v1;
	_ =	sdelay $0x1  }
0x26: {  	(erf) = vpow2.f32 v1;
	_ =	sdelay $0x8  }
0x27: {  	v1 =	vpop (erf)  }
0x28: {  	v1 =	vadd.f32 $1.000000000e+00, v1;
	_ =	sdelay $0x1  }
0x29: {  	(erf) = vrcp.f32 v1;
	_ =	sdelay $0x8  }
0x2a: {  	v1 =	vpop (erf)  }
0x2b: {  	v1 =	vmax.f32 v1, $9.999999740e-05  }
0x2c: {  	v2 =	vand.u32 $0x7FFFFF, v1  }
0x2d: {  	v2 =	vor.u32 $0x3F800000, v2  }
0x2e: {  	v3 =	vmul.f32 $1.554458590e-01, v2;
	_ =	sdelay $0x1  }
0x2f: {  	v3 =	vadd.f32 $-1.039258120e+00, v3;
	_ =	sdelay $0x1  }
0x30: {  	v3 =	vmul.f32 v2, v3;
	_ =	sdelay $0x1  }
0x31: {  	v3 =	vadd.f32 $3.029478310e+00, v3;
	_ =	sdelay $0x1  }
0x32: {  	v4 =	vshrl.u32 v1, $0x17;
	v1 =	vsub.f32 $1.000000000e+00, v1;
	v2 =	vmul.f32 v2, v3  }
0x33: {  	v3 =	vadd.s32 $0xFFFFFF81, v4;
	v4 =	vsel vm0, $0xBF051592, v0  }
0x34: {  	v4 =	vmul.f32 v1, v4;
	v3 =	vcvt.s32.f32 v3;
	v2 =	vadd.f32 $-2.144940610e+00, v2;
	_ =	sdelay $0x1  }
0x35: {  	v1 =	vmul.f32 v4, v1;
	v2 =	vadd.f32 v3, v2  }
0x36: {  	s30 =	simm.s32 $0x180  }
0x37: {  	v3 =	vld [tilespmem:s30+$0x0];
	v1 =	vmul.f32 v2, v1  }
0x38: {  	s21 =	simm.s32 $0x80;
	v2 =	vld [tilespmem:s30+$0xFFFFFF80]  }
0x39: {  	v5 =	vld [tilespmem:s21+$0x7000];
	[tilespmem:s20+$0xA800] =	vst v1  }
0x3a: {  	v1 =	vld [tilespmem:s1+$0xFFFFFF90]  }
0x3b: {  	v4 =	vld [tilespmem:s1+$0x10];
	_ =	sdelay $0x1  }
0x3c: {  	v2 =	vsub.f32 v3, v2  }
0x3d: {  	v6 =	vld [tilespmem:s20+$0x7010]  }
0x3e: {  	v3 =	vsub.f32 $0.0e+00, v2  }
0x3f: {  	vm1 =	veq.s32 v5, $0x1;
	v1 =	vsub.f32 v4, v1  }
0x40: {  	v2 =	vsel vm1, v2, v3  }
0x41: {  	v4 =	vsub.f32 $0.0e+00, v1;
	v2 =	vsub.f32 $0.0e+00, v2  }
0x42: {  	vm0 =	veq.s32 v6, $0x1  }
0x43: {  	v1 =	vsel vm0, v1, v4;
	v2 =	vmul.f32 $1.442695020e+00, v2  }
0x44: {  	v1 =	vsub.f32 $0.0e+00, v1  }
0x45: {  	(erf) = vpow2.f32 v2  }
0x46: {  	v1 =	vmul.f32 $1.442695020e+00, v1;
	_ =	sdelay $0x1  }
0x47: {  	(erf) = vpow2.f32 v1;
	_ =	sdelay $0x5  }
0x48: {  	v1 =	vpop (erf)  }
0x49: {  	v1 =	vadd.f32 $1.000000000e+00, v1;
	_ =	sdelay $0x1  }
0x4a: {  	v2 =	vpop (erf);
	(erf) = vrcp.f32 v1  }
0x4b: {  	v2 =	vadd.f32 $1.000000000e+00, v2;
	_ =	sdelay $0x1  }
0x4c: {  	(erf) = vrcp.f32 v2;
	_ =	sdelay $0x5  }
0x4d: {  	v1 =	vpop (erf)  }
0x4e: {  	v1 =	vmax.f32 v1, $9.999999740e-05  }
0x4f: {  	v3 =	vand.u32 $0x7FFFFF, v1  }
0x50: {  	v2 =	vpop (erf);
	v3 =	vor.u32 $0x3F800000, v3  }
0x51: {  	v2 =	vmax.f32 v2, $9.999999740e-05;
	v5 =	vmul.f32 $1.554458590e-01, v3  }
0x52: {  	v4 =	vand.u32 $0x7FFFFF, v2  }
0x53: {  	v4 =	vor.u32 $0x3F800000, v4;
	v5 =	vadd.f32 $-1.039258120e+00, v5  }
0x54: {  	v6 =	vmul.f32 $1.554458590e-01, v4  }
0x55: {  	v5 =	vmul.f32 v3, v5  }
0x56: {  	v6 =	vadd.f32 $-1.039258120e+00, v6  }
0x57: {  	v7 =	vsub.f32 $1.000000000e+00, v1;
	v5 =	vadd.f32 $3.029478310e+00, v5  }
0x58: {  	v8 =	vsel vm1, $0xBF051592, v0;
	v6 =	vmul.f32 v4, v6  }
0x59: {  	v1 =	vshrl.u32 v1, $0x17;
	v8 =	vmul.f32 v7, v8;
	v3 =	vmul.f32 v3, v5  }
0x5a: {  	v1 =	vadd.s32 $0xFFFFFF81, v1;
	v6 =	vadd.f32 $3.029478310e+00, v6  }
0x5b: {  	v1 =	vcvt.s32.f32 v1;
	v7 =	vmul.f32 v8, v7;
	v3 =	vadd.f32 $-2.144940610e+00, v3  }
0x5c: {  	v4 =	vmul.f32 v4, v6;
	v6 =	vsub.f32 $1.000000000e+00, v2;
	v2 =	vshrl.u32 v2, $0x17  }
0x5d: {  	v5 =	vsel vm0, $0xBF051592, v0;
	v2 =	vadd.s32 $0xFFFFFF81, v2;
	v1 =	vadd.f32 v1, v3  }
0x5e: {  	v4 =	vadd.f32 $-2.144940610e+00, v4;
	v5 =	vmul.f32 v6, v5;
	v2 =	vcvt.s32.f32 v2;
	_ =	sdelay $0x1  }
0x5f: {  	s26 =	simm.s32 $0x280;
	v1 =	vmul.f32 v1, v7;
	v3 =	vmul.f32 v5, v6;
	v2 =	vadd.f32 v2, v4  }
0x60: {  	v4 =	vld [tilespmem:s26+$0xFFFFFF80]  }
0x61: {  	v5 =	vld [tilespmem:s26+$0x0];
	[tilespmem:s21+$0xA800] =	vst v1;
	v2 =	vmul.f32 v2, v3  }
0x62: {  	v1 =	vld [tilespmem:s30+$0xFFFFFF90]  }
0x63: {  	v3 =	vld [tilespmem:s30+$0x10];
	[tilespmem:s20+$0xA810] =	vst v2  }
0x64: {  	v2 =	vld [tilespmem:s1+$0xFFFFFFA0]  }
0x65: {  	s22 =	simm.s32 $0x100;
	v6 =	vld [tilespmem:s1+$0x20]  }
0x66: {  	v7 =	vld [tilespmem:s22+$0x7000]  }
0x67: {  	v8 =	vld [tilespmem:s21+$0x7010]  }
0x68: {  	v4 =	vsub.f32 v5, v4;
	v5 =	vld [tilespmem:s20+$0x7020]  }
0x69: {  	v1 =	vsub.f32 v3, v1  }
0x6a: {  	v3 =	vsub.f32 $0.0e+00, v4;
	v2 =	vsub.f32 v6, v2  }
0x6b: {  	vm2 =	veq.s32 v7, $0x1;
	v6 =	vsub.f32 $0.0e+00, v1  }
0x6c: {  	vm1 =	veq.s32 v8, $0x1;
	v3 =	vsel vm2, v4, v3;
	v4 =	vsub.f32 $0.0e+00, v2  }
0x6d: {  	v3 =	vsub.f32 $0.0e+00, v3;
	vm0 =	veq.s32 v5, $0x1;
	v1 =	vsel vm1, v1, v6  }
0x6e: {  	v1 =	vsub.f32 $0.0e+00, v1;
	v2 =	vsel vm0, v2, v4  }
0x6f: {  	v3 =	vmul.f32 $1.442695020e+00, v3;
	v2 =	vsub.f32 $0.0e+00, v2  }
0x70: {  	v1 =	vmul.f32 $1.442695020e+00, v1  }
0x71: {  	(erf) = vpow2.f32 v3;
	v2 =	vmul.f32 $1.442695020e+00, v2  }
0x72: {  	(erf) = vpow2.f32 v1  }
0x73: {  	(erf) = vpow2.f32 v2;
	_ =	sdelay $0x6  }
0x74: {  	v1 =	vpop (erf)  }
0x75: {  	v1 =	vadd.f32 $1.000000000e+00, v1;
	v2 =	vpop (erf)  }
0x76: {  	v2 =	vadd.f32 $1.000000000e+00, v2;
	v3 =	vpop (erf)  }
0x77: {  	(erf) = vrcp.f32 v1;
	v1 =	vadd.f32 $1.000000000e+00, v3  }
0x78: {  	(erf) = vrcp.f32 v2  }
0x79: {  	(erf) = vrcp.f32 v1;
	_ =	sdelay $0x6  }
0x7a: {  	v1 =	vpop (erf)  }
0x7b: {  	v2 =	vpop (erf)  }
0x7c: {  	v3 =	vpop (erf)  }
0x7d: {  	v3 =	vmax.f32 v3, $9.999999740e-05  }
0x7e: {  	v4 =	vand.u32 $0x7FFFFF, v3  }
0x7f: {  	v4 =	vor.u32 $0x3F800000, v4  }
0x80: {  	v5 =	vmul.f32 $1.554458590e-01, v4;
	_ =	sdelay $0x1  }
0x81: {  	v5 =	vadd.f32 $-1.039258120e+00, v5;
	_ =	sdelay $0x1  }
0x82: {  	v5 =	vmul.f32 v4, v5;
	_ =	sdelay $0x1  }
0x83: {  	v5 =	vadd.f32 $3.029478310e+00, v5;
	_ =	sdelay $0x1  }
0x84: {  	v6 =	vsub.f32 $1.000000000e+00, v3;
	v3 =	vshrl.u32 v3, $0x17;
	v4 =	vmul.f32 v4, v5  }
0x85: {  	v3 =	vadd.s32 $0xFFFFFF81, v3;
	v5 =	vsel vm0, $0xBF051592, v0  }
0x86: {  	v3 =	vcvt.s32.f32 v3;
	v5 =	vmul.f32 v6, v5;
	v4 =	vadd.f32 $-2.144940610e+00, v4;
	_ =	sdelay $0x1  }
0x87: {  	v5 =	vmul.f32 v5, v6;
	v3 =	vadd.f32 v3, v4;
	_ =	sdelay $0x1  }
0x88: {  	v1 =	vmax.f32 v1, $9.999999740e-05;
	v3 =	vmul.f32 v3, v5  }
0x89: {  	v2 =	vmax.f32 v2, $9.999999740e-05;
	v4 =	vld [tilespmem:s20+$0x7030];
	v5 =	vand.u32 $0x7FFFFF, v1  }
0x8a: {  	[tilespmem:s20+$0xA820] =	vst v3;
	v3 =	vor.u32 $0x3F800000, v5;
	v5 =	vand.u32 $0x7FFFFF, v2  }
0x8b: {  	v6 =	vld [tilespmem:s1+$0xFFFFFFB0];
	v7 =	vmul.f32 $1.554458590e-01, v3;
	v5 =	vor.u32 $0x3F800000, v5  }
0x8c: {  	v8 =	vld [tilespmem:s1+$0x30];
	v9 =	vmul.f32 $1.554458590e-01, v5  }
0x8d: {  	v7 =	vadd.f32 $-1.039258120e+00, v7  }
0x8e: {  	vm0 =	veq.s32 v4, $0x1;
	v4 =	vadd.f32 $-1.039258120e+00, v9  }
0x8f: {  	v11 =	vsel vm1, $0xBF051592, v0;
	v7 =	vmul.f32 v3, v7  }
0x90: {  	v9 =	vshrl.u32 v1, $0x17;
	v1 =	vsub.f32 $1.000000000e+00, v1;
	v4 =	vmul.f32 v5, v4  }
0x91: {  	v10 =	vsel vm2, $0xBF051592, v0;
	v6 =	vsub.f32 v8, v6;
	v7 =	vadd.f32 $3.029478310e+00, v7  }
0x92: {  	v8 =	vadd.s32 $0xFFFFFF81, v9;
	v9 =	vmul.f32 v1, v10;
	v4 =	vadd.f32 $3.029478310e+00, v4  }
0x93: {  	v8 =	vcvt.s32.f32 v8;
	v10 =	vsub.f32 $0.0e+00, v6;
	v3 =	vmul.f32 v3, v7  }
0x94: {  	v1 =	vmul.f32 v9, v1;
	v4 =	vmul.f32 v5, v4;
	v5 =	vsub.f32 $1.000000000e+00, v2  }
0x95: {  	s25 =	simm.s32 $0x380;
	v6 =	vsel vm0, v6, v10;
	v2 =	vshrl.u32 v2, $0x17;
	v3 =	vadd.f32 $-2.144940610e+00, v3  }
0x96: {  	v7 =	vld [tilespmem:s25+$0xFFFFFF80];
	v6 =	vsub.f32 $0.0e+00, v6;
	v2 =	vadd.s32 $0xFFFFFF81, v2;
	v4 =	vadd.f32 $-2.144940610e+00, v4  }
0x97: {  	v10 =	vld [tilespmem:s25+$0x0];
	v9 =	vmul.f32 v5, v11;
	v2 =	vcvt.s32.f32 v2;
	v3 =	vadd.f32 v8, v3  }
0x98: {  	v6 =	vmul.f32 $1.442695020e+00, v6  }
0x99: {  	s23 =	simm.s32 $0x180;
	v5 =	vmul.f32 v9, v5;
	v2 =	vadd.f32 v2, v4;
	v1 =	vmul.f32 v3, v1  }
0x9a: {  	v3 =	vld [tilespmem:s23+$0x7000];
	(erf) = vpow2.f32 v6  }
0x9b: {  	v2 =	vmul.f32 v2, v5;
	[tilespmem:s22+$0xA800] =	vst v1  }
0x9c: {  	v1 =	vsub.f32 v10, v7;
	v4 =	vld [tilespmem:s26+$0xFFFFFF90]  }
0x9d: {  	v5 =	vld [tilespmem:s26+$0x10];
	[tilespmem:s21+$0xA810] =	vst v2  }
0x9e: {  	v2 =	vsub.f32 $0.0e+00, v1;
	v6 =	vld [tilespmem:s30+$0xFFFFFFA0]  }
0x9f: {  	vm2 =	veq.s32 v3, $0x1;
	v3 =	vld [tilespmem:s30+$0x20]  }
0xa0: {  	v1 =	vsel vm2, v1, v2  }
0xa1: {  	v2 =	vld [tilespmem:s22+$0x7010];
	v1 =	vsub.f32 $0.0e+00, v1  }
0xa2: {  	v7 =	vld [tilespmem:s21+$0x7020]  }
0xa3: {  	v4 =	vsub.f32 v5, v4;
	v1 =	vmul.f32 $1.442695020e+00, v1;
	v8 =	vpop (erf)  }
0xa4: {  	v5 =	vadd.f32 $1.000000000e+00, v8;
	v3 =	vsub.f32 v3, v6  }
0xa5: {  	(erf) = vpow2.f32 v1;
	v1 =	vsub.f32 $0.0e+00, v4  }
0xa6: {  	vm3 =	veq.s32 v2, $0x1;
	(erf) = vrcp.f32 v5;
	v2 =	vsub.f32 $0.0e+00, v3  }
0xa7: {  	vm4 =	veq.s32 v7, $0x1;
	v1 =	vsel vm3, v4, v1  }
0xa8: {  	v1 =	vsub.f32 $0.0e+00, v1;
	v2 =	vsel vm4, v3, v2  }
0xa9: {  	v2 =	vsub.f32 $0.0e+00, v2  }
0xaa: {  	v1 =	vmul.f32 $1.442695020e+00, v1  }
0xab: {  	v2 =	vmul.f32 $1.442695020e+00, v2;
	_ =	sdelay $0x1  }
0xac: {  	(erf) = vpow2.f32 v1  }
0xad: {  	(erf) = vpow2.f32 v2;
	v1 =	vpop (erf)  }
0xae: {  	v2 =	vpop (erf)  }
0xaf: {  	v2 =	vmax.f32 v2, $9.999999740e-05  }
0xb0: {  	v3 =	vand.u32 $0x7FFFFF, v2  }
0xb1: {  	v3 =	vor.u32 $0x3F800000, v3  }
0xb2: {  	v4 =	vmul.f32 $1.554458590e-01, v3;
	_ =	sdelay $0x1  }
0xb3: {  	v4 =	vadd.f32 $-1.039258120e+00, v4  }
0xb4: {  	v1 =	vadd.f32 $1.000000000e+00, v1;
	v5 =	vpop (erf)  }
0xb5: {  	v5 =	vadd.f32 $1.000000000e+00, v5;
	v6 =	vpop (erf);
	v4 =	vmul.f32 v3, v4  }
0xb6: {  	(erf) = vrcp.f32 v1;
	v1 =	vadd.f32 $1.000000000e+00, v6  }
0xb7: {  	(erf) = vrcp.f32 v5;
	v4 =	vadd.f32 $3.029478310e+00, v4  }
0xb8: {  	(erf) = vrcp.f32 v1  }
0xb9: {  	v1 =	vsub.f32 $1.000000000e+00, v2;
	v2 =	vshrl.u32 v2, $0x17;
	v3 =	vmul.f32 v3, v4  }
0xba: {  	v2 =	vadd.s32 $0xFFFFFF81, v2;
	v4 =	vsel vm0, $0xBF051592, v0  }
0xbb: {  	v2 =	vcvt.s32.f32 v2;
	v4 =	vmul.f32 v1, v4;
	v3 =	vadd.f32 $-2.144940610e+00, v3;
	_ =	sdelay $0x1  }
0xbc: {  	v1 =	vmul.f32 v4, v1;
	v2 =	vadd.f32 v2, v3;
	_ =	sdelay $0x1  }
0xbd: {  	v3 =	vpop (erf);
	v1 =	vmul.f32 v2, v1  }
0xbe: {  	v4 =	vpop (erf)  }
0xbf: {  	v5 =	vpop (erf);
	[tilespmem:s20+$0xA830] =	vst v1  }
0xc0: {  	v1 =	vmax.f32 v5, $9.999999740e-05;
	v5 =	vld [tilespmem:s1+$0xFFFFFFC0]  }
0xc1: {  	v7 =	vld [tilespmem:s1+$0x40];
	v6 =	vand.u32 $0x7FFFFF, v1  }
0xc2: {  	v6 =	vor.u32 $0x3F800000, v6  }
0xc3: {  	v2 =	vld [tilespmem:s20+$0x7040];
	v8 =	vmul.f32 $1.554458590e-01, v6;
	_ =	sdelay $0x1  }
0xc4: {  	v8 =	vadd.f32 $-1.039258120e+00, v8  }
0xc5: {  	v5 =	vsub.f32 v7, v5  }
0xc6: {  	v7 =	vmul.f32 v6, v8  }
0xc7: {  	v3 =	vmax.f32 v3, $9.999999740e-05;
	vm1 =	veq.s32 v2, $0x1;
	v2 =	vsub.f32 $0.0e+00, v5  }
0xc8: {  	v9 =	vand.u32 $0x7FFFFF, v3;
	v7 =	vadd.f32 $3.029478310e+00, v7  }
0xc9: {  	v10 =	vsub.f32 $1.000000000e+00, v1;
	v1 =	vshrl.u32 v1, $0x17;
	v2 =	vsel vm1, v5, v2  }
0xca: {  	v1 =	vadd.s32 $0xFFFFFF81, v1;
	v2 =	vsub.f32 $0.0e+00, v2;
	v5 =	vmul.f32 v6, v7  }
0xcb: {  	v1 =	vcvt.s32.f32 v1;
	v8 =	vsel vm4, $0xBF051592, v0;
	v6 =	vor.u32 $0x3F800000, v9  }
0xcc: {  	v7 =	vmul.f32 v10, v8;
	v2 =	vmul.f32 $1.442695020e+00, v2;
	v5 =	vadd.f32 $-2.144940610e+00, v5  }
0xcd: {  	v4 =	vmax.f32 v4, $9.999999740e-05;
	v8 =	vmul.f32 $1.554458590e-01, v6  }
0xce: {  	v7 =	vmul.f32 v7, v10;
	(erf) = vpow2.f32 v2;
	v1 =	vadd.f32 v1, v5  }
0xcf: {  	v2 =	vld [tilespmem:s21+$0x7030];
	v5 =	vand.u32 $0x7FFFFF, v4  }
0xd0: {  	v8 =	vadd.f32 $-1.039258120e+00, v8;
	v5 =	vor.u32 $0x3F800000, v5;
	v1 =	vmul.f32 v1, v7  }
0xd1: {  	v7 =	vmul.f32 $1.554458590e-01, v5  }
0xd2: {  	v8 =	vmul.f32 v6, v8;
	[tilespmem:s21+$0xA820] =	vst v1  }
0xd3: {  	v1 =	vadd.f32 $-1.039258120e+00, v7;
	v7 =	vld [tilespmem:s30+$0xFFFFFFB0]  }
0xd4: {  	v8 =	vadd.f32 $3.029478310e+00, v8;
	vm0 =	veq.s32 v2, $0x1;
	v2 =	vsub.f32 $1.000000000e+00, v3;
	v9 =	vld [tilespmem:s30+$0x30]  }
0xd5: {  	v10 =	vsel vm2, $0xBF051592, v0;
	v3 =	vshrl.u32 v3, $0x17;
	v1 =	vmul.f32 v5, v1  }
0xd6: {  	v3 =	vadd.s32 $0xFFFFFF81, v3;
	v6 =	vmul.f32 v6, v8;
	v10 =	vmul.f32 v2, v10  }
0xd7: {  	v8 =	vsel vm3, $0xBF051592, v0;
	v3 =	vcvt.s32.f32 v3;
	v1 =	vadd.f32 $3.029478310e+00, v1;
	v11 =	vpop (erf)  }
0xd8: {  	v6 =	vadd.f32 $-2.144940610e+00, v6;
	v2 =	vmul.f32 v10, v2;
	v10 =	vadd.f32 $1.000000000e+00, v11  }
0xd9: {  	v1 =	vmul.f32 v5, v1;
	v5 =	vsub.f32 $1.000000000e+00, v4;
	v7 =	vsub.f32 v9, v7  }
0xda: {  	v3 =	vadd.f32 v3, v6;
	v4 =	vshrl.u32 v4, $0x17;
	(erf) = vrcp.f32 v10  }
0xdb: {  	v4 =	vadd.s32 $0xFFFFFF81, v4;
	v6 =	vmul.f32 v5, v8;
	v8 =	vsub.f32 $0.0e+00, v7  }
0xdc: {  	s28 =	simm.s32 $0x480;
	v2 =	vmul.f32 v3, v2;
	v1 =	vadd.f32 $-2.144940610e+00, v1;
	v4 =	vcvt.s32.f32 v4  }
0xdd: {  	v3 =	vld [tilespmem:s28+$0xFFFFFF80];
	v7 =	vsel vm0, v7, v8  }
0xde: {  	[tilespmem:s23+$0xA800] =	vst v2;
	v5 =	vmul.f32 v6, v5;
	v1 =	vadd.f32 v4, v1;
	v4 =	vld [tilespmem:s28+$0x0];
	v2 =	vsub.f32 $0.0e+00, v7  }
0xdf: {  	s24 =	simm.s32 $0x200;
	v6 =	vld [tilespmem:s25+$0xFFFFFF90]  }
0xe0: {  	v7 =	vld [tilespmem:s24+$0x7000];
	v1 =	vmul.f32 v1, v5;
	v2 =	vmul.f32 $1.442695020e+00, v2  }
0xe1: {  	v5 =	vld [tilespmem:s25+$0x10]  }
0xe2: {  	[tilespmem:s22+$0xA810] =	vst v1;
	(erf) = vpow2.f32 v2  }
0xe3: {  	v1 =	vsub.f32 v4, v3;
	v2 =	vld [tilespmem:s26+$0xFFFFFFA0];
	v3 =	vpop (erf)  }
0xe4: {  	v4 =	vld [tilespmem:s26+$0x20];
	v3 =	vmax.f32 v3, $9.999999740e-05  }
0xe5: {  	v8 =	vld [tilespmem:s23+$0x7010];
	v9 =	vsub.f32 $0.0e+00, v1;
	v10 =	vand.u32 $0x7FFFFF, v3  }
0xe6: {  	vm3 =	veq.s32 v7, $0x1;
	v5 =	vsub.f32 v5, v6;
	v6 =	vor.u32 $0x3F800000, v10  }
0xe7: {  	v1 =	vsel vm3, v1, v9;
	v9 =	vmul.f32 $1.554458590e-01, v6  }
0xe8: {  	v7 =	vld [tilespmem:s22+$0x7020];
	v1 =	vsub.f32 $0.0e+00, v1  }
0xe9: {  	v10 =	vsub.f32 $0.0e+00, v5;
	v2 =	vsub.f32 v4, v2  }
0xea: {  	vm2 =	veq.s32 v8, $0x1;
	v4 =	vadd.f32 $-1.039258120e+00, v9;
	v1 =	vmul.f32 $1.442695020e+00, v1  }
0xeb: {  	v5 =	vsel vm2, v5, v10;
	v8 =	vsub.f32 $0.0e+00, v2;
	v9 =	vpop (erf)  }
0xec: {  	v4 =	vmul.f32 v6, v4;
	(erf) = vpow2.f32 v1;
	v1 =	vadd.f32 $1.000000000e+00, v9  }
0xed: {  	vm4 =	veq.s32 v7, $0x1;
	v5 =	vsub.f32 $0.0e+00, v5  }
0xee: {  	v2 =	vsel vm4, v2, v8;
	v4 =	vadd.f32 $3.029478310e+00, v4;
	(erf) = vrcp.f32 v1  }
0xef: {  	v7 =	vsel vm1, $0xBF051592, v0;
	v5 =	vmul.f32 $1.442695020e+00, v5;
	v2 =	vsub.f32 $0.0e+00, v2  }
0xf0: {  	v1 =	vshrl.u32 v3, $0x17;
	v3 =	vsub.f32 $1.000000000e+00, v3;
	v4 =	vmul.f32 v6, v4  }
0xf1: {  	v2 =	vmul.f32 $1.442695020e+00, v2;
	(erf) = vpow2.f32 v5;
	v1 =	vadd.s32 $0xFFFFFF81, v1  }
0xf2: {  	v1 =	vcvt.s32.f32 v1;
	v5 =	vmul.f32 v3, v7;
	v4 =	vadd.f32 $-2.144940610e+00, v4  }
0xf3: {  	(erf) = vpow2.f32 v2  }
0xf4: {  	v2 =	vmul.f32 v5, v3;
	v1 =	vadd.f32 v1, v4;
	_ =	sdelay $0x1  }
0xf5: {  	v3 =	vpop (erf);
	v1 =	vmul.f32 v1, v2  }
0xf6: {  	v4 =	vpop (erf)  }
0xf7: {  	[tilespmem:s20+$0xA840] =	vst v1;
	v1 =	vmax.f32 v4, $9.999999740e-05  }
0xf8: {  	v4 =	vld [tilespmem:s1+$0xFFFFFFD0];
	v5 =	vand.u32 $0x7FFFFF, v1  }
0xf9: {  	v6 =	vld [tilespmem:s1+$0x50];
	v5 =	vor.u32 $0x3F800000, v5  }
0xfa: {  	v3 =	vadd.f32 $1.000000000e+00, v3;
	v7 =	vpop (erf);
	v8 =	vmul.f32 $1.554458590e-01, v5  }
0xfb: {  	v2 =	vld [tilespmem:s20+$0x7050];
	v7 =	vadd.f32 $1.000000000e+00, v7;
	v9 =	vpop (erf)  }
0xfc: {  	(erf) = vrcp.f32 v3;
	v3 =	vadd.f32 $1.000000000e+00, v9;
	v8 =	vadd.f32 $-1.039258120e+00, v8  }
0xfd: {  	(erf) = vrcp.f32 v7  }
0xfe: {  	(erf) = vrcp.f32 v3;
	v3 =	vsub.f32 v6, v4;
	v4 =	vmul.f32 v5, v8;
	_ =	sdelay $0x1  }
0xff: {  	vm1 =	veq.s32 v2, $0x1;
	v2 =	vadd.f32 $3.029478310e+00, v4  }
0x100: {  	v7 =	vsub.f32 $1.000000000e+00, v1;
	v1 =	vshrl.u32 v1, $0x17;
	v6 =	vsub.f32 $0.0e+00, v3  }
0x101: {  	v1 =	vadd.s32 $0xFFFFFF81, v1;
	v2 =	vmul.f32 v5, v2  }
0x102: {  	v1 =	vcvt.s32.f32 v1;
	v4 =	vsel vm0, $0xBF051592, v0;
	v3 =	vsel vm1, v3, v6  }
0x103: {  	v3 =	vsub.f32 $0.0e+00, v3;
	v4 =	vmul.f32 v7, v4;
	v2 =	vadd.f32 $-2.144940610e+00, v2;
	_ =	sdelay $0x1  }
0x104: {  	v3 =	vmul.f32 $1.442695020e+00, v3;
	v4 =	vmul.f32 v4, v7;
	v1 =	vadd.f32 v1, v2  }
0x105: {  	v5 =	vpop (erf)  }
0x106: {  	v6 =	vpop (erf);
	(erf) = vpow2.f32 v3;
	v1 =	vmul.f32 v1, v4  }
0x107: {  	v2 =	vpop (erf)  }
0x108: {  	v2 =	vmax.f32 v2, $9.999999740e-05;
	[tilespmem:s21+$0xA830] =	vst v1  }
0x109: {  	v3 =	vand.u32 $0x7FFFFF, v2;
	v7 =	vld [tilespmem:s30+$0xFFFFFFC0]  }
0x10a: {  	v3 =	vor.u32 $0x3F800000, v3;
	v8 =	vld [tilespmem:s30+$0x40]  }
0x10b: {  	v1 =	vmul.f32 $1.554458590e-01, v3;
	_ =	sdelay $0x1  }
0x10c: {  	v4 =	vld [tilespmem:s21+$0x7040];
	v1 =	vadd.f32 $-1.039258120e+00, v1  }
0x10d: {  	v5 =	vmax.f32 v5, $9.999999740e-05  }
0x10e: {  	v9 =	vand.u32 $0x7FFFFF, v5;
	v10 =	vpop (erf);
	v1 =	vmul.f32 v3, v1;
	v7 =	vsub.f32 v8, v7  }
0x10f: {  	v6 =	vmax.f32 v6, $9.999999740e-05;
	v11 =	vsub.f32 $1.000000000e+00, v2;
	v10 =	vadd.f32 $1.000000000e+00, v10  }
0x110: {  	v9 =	vor.u32 $0x3F800000, v9;
	v1 =	vadd.f32 $3.029478310e+00, v1;
	v8 =	vsub.f32 $0.0e+00, v7  }
0x111: {  	v2 =	vshrl.u32 v2, $0x17;
	vm0 =	veq.s32 v4, $0x1;
	v4 =	vsel vm4, $0xBF051592, v0  }
0x112: {  	(erf) = vrcp.f32 v10;
	v1 =	vmul.f32 v3, v1;
	v7 =	vsel vm0, v7, v8  }
0x113: {  	v2 =	vadd.s32 $0xFFFFFF81, v2;
	v4 =	vmul.f32 v11, v4;
	v7 =	vsub.f32 $0.0e+00, v7  }
0x114: {  	v12 =	vmul.f32 $1.554458590e-01, v9;
	v2 =	vcvt.s32.f32 v2;
	v10 =	vld [tilespmem:s22+$0x7030];
	v1 =	vadd.f32 $-2.144940610e+00, v1  }
0x115: {  	v4 =	vmul.f32 v4, v11;
	v3 =	vand.u32 $0x7FFFFF, v6;
	v7 =	vmul.f32 $1.442695020e+00, v7  }
0x116: {  	v8 =	vadd.f32 $-1.039258120e+00, v12;
	v3 =	vor.u32 $0x3F800000, v3;
	v1 =	vadd.f32 v2, v1  }
0x117: {  	v2 =	vmul.f32 $1.554458590e-01, v3;
	(erf) = vpow2.f32 v7  }
0x118: {  	v7 =	vmul.f32 v9, v8;
	v1 =	vmul.f32 v1, v4  }
0x119: {  	v4 =	vsel vm1, $0xBF051592, v0;
	vm1 =	veq.s32 v10, $0x1  }
0x11a: {  	v10 =	vshrl.u32 v5, $0x17;
	v2 =	vadd.f32 $-1.039258120e+00, v2;
	v7 =	vadd.f32 $3.029478310e+00, v7;
	[tilespmem:s22+$0xA820] =	vst v1  }
0x11b: {  	v8 =	vsel vm3, $0xBF051592, v0;
	v11 =	vpop (erf);
	v1 =	vsub.f32 $1.000000000e+00, v5;
	v5 =	vadd.s32 $0xFFFFFF81, v10;
	v10 =	vld [tilespmem:s26+$0xFFFFFFB0]  }
0x11c: {  	v11 =	vmax.f32 v11, $9.999999740e-05;
	v2 =	vmul.f32 v3, v2;
	v12 =	vld [tilespmem:s26+$0x30];
	v7 =	vmul.f32 v9, v7  }
0x11d: {  	v13 =	vand.u32 $0x7FFFFF, v11;
	v5 =	vcvt.s32.f32 v5;
	v8 =	vmul.f32 v1, v8  }
0x11e: {  	v9 =	vor.u32 $0x3F800000, v13;
	v2 =	vadd.f32 $3.029478310e+00, v2;
	v7 =	vadd.f32 $-2.144940610e+00, v7  }
0x11f: {  	v13 =	vsel vm2, $0xBF051592, v0;
	v1 =	vmul.f32 v8, v1;
	v8 =	vmul.f32 $1.554458590e-01, v9  }
0x120: {  	v2 =	vmul.f32 v3, v2;
	v3 =	vsub.f32 $1.000000000e+00, v6;
	v5 =	vadd.f32 v5, v7  }
0x121: {  	v6 =	vshrl.u32 v6, $0x17;
	v10 =	vsub.f32 v12, v10;
	v8 =	vadd.f32 $-1.039258120e+00, v8  }
0x122: {  	v6 =	vadd.s32 $0xFFFFFF81, v6;
	v2 =	vadd.f32 $-2.144940610e+00, v2;
	v12 =	vmul.f32 v3, v13  }
0x123: {  	v13 =	vpop (erf);
	v1 =	vmul.f32 v5, v1;
	v7 =	vsub.f32 $0.0e+00, v10;
	v8 =	vmul.f32 v9, v8  }
0x124: {  	v6 =	vcvt.s32.f32 v6;
	v3 =	vmul.f32 v12, v3;
	v12 =	vadd.f32 $1.000000000e+00, v13  }
0x125: {  	s31 =	simm.s32 $0x580;
	[tilespmem:s24+$0xA800] =	vst v1;
	v1 =	vshrl.u32 v11, $0x17;
	v5 =	vsel vm1, v10, v7;
	v7 =	vadd.f32 $3.029478310e+00, v8  }
0x126: {  	v2 =	vadd.f32 v6, v2;
	v6 =	vld [tilespmem:s31+$0xFFFFFF80];
	(erf) = vrcp.f32 v12;
	v1 =	vadd.s32 $0xFFFFFF81, v1  }
0x127: {  	v8 =	vld [tilespmem:s31+$0x0];
	v5 =	vsub.f32 $0.0e+00, v5;
	v7 =	vmul.f32 v9, v7;
	v9 =	vsub.f32 $1.000000000e+00, v11  }
0x128: {  	v2 =	vmul.f32 v2, v3;
	v3 =	vld [tilespmem:s28+$0xFFFFFF90];
	v1 =	vcvt.s32.f32 v1  }
0x129: {  	s29 =	simm.s32 $0x280;
	v10 =	vld [tilespmem:s28+$0x10];
	v5 =	vmul.f32 $1.442695020e+00, v5;
	v7 =	vadd.f32 $-2.144940610e+00, v7;
	v4 =	vmul.f32 v9, v4  }
0x12a: {  	v11 =	vld [tilespmem:s29+$0x7000]  }
0x12b: {  	v12 =	vld [tilespmem:s24+$0x7010];
	[tilespmem:s23+$0xA810] =	vst v2;
	(erf) = vpow2.f32 v5;
	v1 =	vadd.f32 v1, v7;
	v2 =	vmul.f32 v4, v9  }
0x12c: {  	v5 =	vld [tilespmem:s25+$0xFFFFFFA0];
	v4 =	vsub.f32 v8, v6  }
0x12d: {  	v6 =	vld [tilespmem:s25+$0x20];
	v1 =	vmul.f32 v1, v2  }
0x12e: {  	v2 =	vsub.f32 $0.0e+00, v4  }
0x12f: {  	v3 =	vsub.f32 v10, v3;
	v9 =	vld [tilespmem:s23+$0x7020];
	vm3 =	veq.s32 v11, $0x1;
	v8 =	vpop (erf);
	[tilespmem:s20+$0xA850] =	vst v1  }
0x130: {  	v1 =	vmax.f32 v8, $9.999999740e-05;
	v2 =	vsel vm3, v4, v2;
	v4 =	vld [tilespmem:s1+$0xFFFFFFE0]  }
0x131: {  	vm4 =	veq.s32 v12, $0x1;
	v8 =	vsub.f32 $0.0e+00, v3;
	v10 =	vand.u32 $0x7FFFFF, v1;
	v11 =	vld [tilespmem:s1+$0x60]  }
0x132: {  	v2 =	vsub.f32 $0.0e+00, v2;
	v5 =	vsub.f32 v6, v5;
	v10 =	vor.u32 $0x3F800000, v10  }
0x133: {  	v3 =	vsel vm4, v3, v8;
	v6 =	vmul.f32 $1.554458590e-01, v10  }
0x134: {  	v7 =	vld [tilespmem:s20+$0x7060];
	v2 =	vmul.f32 $1.442695020e+00, v2;
	v3 =	vsub.f32 $0.0e+00, v3;
	v8 =	vsub.f32 $0.0e+00, v5;
	v12 =	vpop (erf)  }
0x135: {  	vm5 =	veq.s32 v9, $0x1;
	v6 =	vadd.f32 $-1.039258120e+00, v6;
	v9 =	vadd.f32 $1.000000000e+00, v12  }
0x136: {  	(erf) = vpow2.f32 v2;
	v2 =	vmul.f32 $1.442695020e+00, v3;
	v3 =	vsub.f32 v11, v4  }
0x137: {  	v4 =	vsel vm5, v5, v8  }
0x138: {  	v5 =	vmul.f32 v10, v6;
	(erf) = vrcp.f32 v9;
	v6 =	vsub.f32 $0.0e+00, v3  }
0x139: {  	vm6 =	veq.s32 v7, $0x1;
	v4 =	vsub.f32 $0.0e+00, v4  }
0x13a: {  	(erf) = vpow2.f32 v2;
	v2 =	vadd.f32 $3.029478310e+00, v5;
	v3 =	vsel vm6, v3, v6  }
0x13b: {  	v5 =	vshrl.u32 v1, $0x17;
	v1 =	vsub.f32 $1.000000000e+00, v1;
	v3 =	vsub.f32 $0.0e+00, v3  }
0x13c: {  	v4 =	vmul.f32 $1.442695020e+00, v4;
	v5 =	vadd.s32 $0xFFFFFF81, v5;
	v2 =	vmul.f32 v10, v2  }
0x13d: {  	v6 =	vsel vm0, $0xBF051592, v0;
	v5 =	vcvt.s32.f32 v5;
	v3 =	vmul.f32 $1.442695020e+00, v3  }
0x13e: {  	(erf) = vpow2.f32 v4;
	v4 =	vmul.f32 v1, v6;
	v2 =	vadd.f32 $-2.144940610e+00, v2;
	_ =	sdelay $0x1  }
0x13f: {  	v1 =	vmul.f32 v4, v1;
	v6 =	vpop (erf);
	v2 =	vadd.f32 v5, v2  }
0x140: {  	(erf) = vpow2.f32 v3;
	v3 =	vpop (erf)  }
0x141: {  	v1 =	vmul.f32 v2, v1;
	v2 =	vmax.f32 v3, $9.999999740e-05  }
0x142: {  	v4 =	vand.u32 $0x7FFFFF, v2;
	_ =	sdelay $0x1  }
0x143: {  	v5 =	vld [tilespmem:s20+$0x7070];
	[tilespmem:s21+$0xA840] =	vst v1  }
0x144: {  	v6 =	vadd.f32 $1.000000000e+00, v6;
	v1 =	vor.u32 $0x3F800000, v4;
	v7 =	vld [tilespmem:s30+$0xFFFFFFD0];
	v4 =	vpop (erf)  }
0x145: {  	v9 =	vld [tilespmem:s30+$0x50];
	v8 =	vmul.f32 $1.554458590e-01, v1;
	v10 =	vpop (erf)  }
0x146: {  	(erf) = vrcp.f32 v6;
	v6 =	vadd.f32 $1.000000000e+00, v10  }
0x147: {  	v4 =	vadd.f32 $1.000000000e+00, v4;
	v8 =	vadd.f32 $-1.039258120e+00, v8;
	_ =	sdelay $0x1  }
0x148: {  	v3 =	vld [tilespmem:s21+$0x7050];
	(erf) = vrcp.f32 v4;
	v4 =	vmul.f32 v1, v8  }
0x149: {  	vm0 =	veq.s32 v5, $0x1;
	v5 =	vsub.f32 v9, v7;
	(erf) = vrcp.f32 v6;
	v6 =	vpop (erf)  }
0x14a: {  	v4 =	vadd.f32 $3.029478310e+00, v4;
	v6 =	vadd.f32 $1.000000000e+00, v6  }
0x14b: {  	v8 =	vld [tilespmem:s22+$0x7040];
	v9 =	vsub.f32 $1.000000000e+00, v2  }
0x14c: {  	v10 =	vsub.f32 $0.0e+00, v5;
	v1 =	vmul.f32 v1, v4;
	(erf) = vrcp.f32 v6  }
0x14d: {  	v7 =	vsel vm1, $0xBF051592, v0;
	v2 =	vshrl.u32 v2, $0x17;
	vm1 =	veq.s32 v3, $0x1  }
0x14e: {  	v3 =	vmul.f32 v9, v7;
	v5 =	vsel vm1, v5, v10;
	v7 =	vadd.f32 $-2.144940610e+00, v1  }
0x14f: {  	v2 =	vadd.s32 $0xFFFFFF81, v2;
	v5 =	vsub.f32 $0.0e+00, v5  }
0x150: {  	v4 =	vcvt.s32.f32 v2;
	vm2 =	veq.s32 v8, $0x1;
	v8 =	vpop (erf)  }
0x151: {  	v3 =	vmul.f32 v3, v9;
	v5 =	vmul.f32 $1.442695020e+00, v5;
	v9 =	vpop (erf)  }
0x152: {  	v4 =	vadd.f32 v4, v7;
	v7 =	vpop (erf)  }
0x153: {  	v11 =	vmax.f32 v8, $9.999999740e-05;
	(erf) = vpow2.f32 v5;
	v12 =	vmax.f32 v7, $9.999999740e-05  }
0x154: {  	v5 =	vand.u32 $0x7FFFFF, v11;
	v14 =	vmul.f32 v4, v3;
	v4 =	vand.u32 $0x7FFFFF, v12  }
0x155: {  	v6 =	vld [tilespmem:s23+$0x7030];
	v13 =	vor.u32 $0x3F800000, v4;
	v4 =	vor.u32 $0x3F800000, v5;
	v7 =	vpop (erf)  }
0x156: {  	[tilespmem:s22+$0xA830] =	vst v14;
	v17 =	vmul.f32 $1.554458590e-01, v4;
	v10 =	vmax.f32 v7, $9.999999740e-05  }
0x157: {  	v8 =	vshrl.u32 v11, $0x17;
	v15 =	vld [tilespmem:s26+$0xFFFFFFC0];
	v7 =	vsub.f32 $1.000000000e+00, v11;
	v11 =	vand.u32 $0x7FFFFF, v10  }
0x158: {  	v16 =	vmul.f32 $1.554458590e-01, v13;
	v14 =	vor.u32 $0x3F800000, v11;
	v11 =	vadd.f32 $-1.039258120e+00, v17;
	v17 =	vld [tilespmem:s26+$0x40]  }
0x159: {  	v2 =	vsel vm6, $0xBF051592, v0;
	v1 =	vsel vm1, $0xBF051592, v0;
	v3 =	vsel vm4, $0xBF051592, v0  }
0x15a: {  	vm1 =	veq.s32 v6, $0x1;
	v5 =	vmax.f32 v9, $9.999999740e-05;
	v16 =	vadd.f32 $-1.039258120e+00, v16  }
0x15b: {  	v6 =	vsel vm5, $0xBF051592, v0;
	v9 =	vand.u32 $0x7FFFFF, v5;
	v18 =	vmul.f32 $1.554458590e-01, v14  }
0x15c: {  	s0 =	simm.s32 $0xC00;
	v9 =	vor.u32 $0x3F800000, v9;
	v19 =	vmul.f32 v13, v16;
	v16 =	vsub.f32 $1.000000000e+00, v12  }
.LBB2_2:
0x15d: {  	p0 =	sne.s32 s0, $0x6E00;
	v20 =	vmul.f32 $1.554458590e-01, v9;
	v15 =	vsub.f32 v17, v15;
	v17 =	vpop (erf);
	v18 =	vadd.f32 $-1.039258120e+00, v18  }
0x15e: {  	v12 =	vshrl.u32 v12, $0x17;
	v19 =	vadd.f32 $3.029478310e+00, v19;
	v17 =	vadd.f32 $1.000000000e+00, v17  }
0x15f: {  	v6 =	vmul.f32 v16, v6;
	v21 =	vsub.f32 $0.0e+00, v15;
	v18 =	vmul.f32 v14, v18  }
0x160: {  	v12 =	vadd.s32 $0xFFFFFF81, v12;
	v13 =	vmul.f32 v13, v19;
	(erf) = vrcp.f32 v17  }
0x161: {  	v12 =	vcvt.s32.f32 v12;
	v15 =	vsel vm2, v15, v21;
	v17 =	vadd.f32 $3.029478310e+00, v18  }
0x162: {  	v6 =	vmul.f32 v6, v16;
	v13 =	vadd.f32 $-2.144940610e+00, v13;
	v15 =	vsub.f32 $0.0e+00, v15  }
0x163: {  	v16 =	vshrl.u32 v10, $0x17;
	v10 =	vsub.f32 $1.000000000e+00, v10;
	v14 =	vmul.f32 v14, v17  }
0x164: {  	v12 =	vadd.f32 v12, v13;
	v13 =	vmul.f32 $1.442695020e+00, v15;
	v15 =	vadd.s32 $0xFFFFFF81, v16  }
0x165: {  	v2 =	vmul.f32 v10, v2;
	v14 =	vadd.f32 $-2.144940610e+00, v14;
	v15 =	vcvt.s32.f32 v15  }
0x166: {  	v16 =	vadd.f32 $-1.039258120e+00, v20;
	v6 =	vmul.f32 v12, v6;
	(erf) = vpow2.f32 v13  }
0x167: {  	v11 =	vmul.f32 v4, v11;
	v2 =	vmul.f32 v2, v10;
	v12 =	vadd.f32 v15, v14  }
0x168: {  	v8 =	vadd.s32 $0xFFFFFF81, v8;
	v10 =	vsel vm3, $0xBF051592, v0;
	v13 =	vmul.f32 v9, v16;
	[tilespmem:s23+$0xA820] =	vst v6  }
0x169: {  	v10 =	vmul.f32 v7, v10;
	v6 =	vadd.f32 $3.029478310e+00, v11;
	v11 =	vld [tilespmem:s25+$0xFFFFFFB0];
	v14 =	vpop (erf);
	v2 =	vmul.f32 v12, v2  }
0x16a: {  	v8 =	vcvt.s32.f32 v8;
	v12 =	vadd.f32 $3.029478310e+00, v13;
	v13 =	vld [tilespmem:s25+$0x30];
	v14 =	vmax.f32 v14, $9.999999740e-05  }
0x16b: {  	v4 =	vmul.f32 v4, v6;
	v6 =	vmul.f32 v10, v7;
	v7 =	vand.u32 $0x7FFFFF, v14;
	[tilespmem:s20+$0xA860] =	vst v2  }
0x16c: {  	v2 =	vmul.f32 v9, v12;
	v9 =	vsub.f32 $1.000000000e+00, v5;
	v7 =	vor.u32 $0x3F800000, v7;
	v10 =	vld [tilespmem:s1+$0xFFFFFFF0]  }
0x16d: {  	v5 =	vshrl.u32 v5, $0x17;
	v4 =	vadd.f32 $-2.144940610e+00, v4;
	v12 =	vmul.f32 $1.554458590e-01, v7;
	v15 =	vld [tilespmem:s1+$0x70];
	s1 =	smov.u32 s30;
	s30 =	smov.u32 s26;
	s26 =	smov.u32 s25  }
0x16e: {  	v5 =	vadd.s32 $0xFFFFFF81, v5;
	v2 =	vadd.f32 $-2.144940610e+00, v2;
	v3 =	vmul.f32 v9, v3;
	s25 =	smov.u32 s28;
	s28 =	smov.u32 s31  }
0x16f: {  	v5 =	vcvt.s32.f32 v5;
	v11 =	vsub.f32 v13, v11;
	v13 =	vpop (erf);
	v12 =	vadd.f32 $-1.039258120e+00, v12  }
0x170: {  	v4 =	vadd.f32 v8, v4;
	v3 =	vmul.f32 v3, v9;
	v8 =	vadd.f32 $1.000000000e+00, v13  }
0x171: {  	s31 =	sadd.s32 $0x100, s31;
	v2 =	vadd.f32 v5, v2;
	v5 =	vsub.f32 $0.0e+00, v11;
	v9 =	vmul.f32 v7, v12  }
0x172: {  	v4 =	vmul.f32 v4, v6;
	v12 =	vld [tilespmem:s31+$0xFFFFFF80];
	(erf) = vrcp.f32 v8;
	v6 =	vsub.f32 v15, v10  }
0x173: {  	v2 =	vmul.f32 v2, v3;
	v8 =	vld [tilespmem:s31+$0x0];
	v3 =	vsel vm1, v11, v5;
	v5 =	vadd.f32 $3.029478310e+00, v9  }
0x174: {  	[tilespmem:s29+$0xA800] =	vst v4;
	v3 =	vsub.f32 $0.0e+00, v3;
	v4 =	vshrl.u32 v14, $0x17;
	v9 =	vsub.f32 $0.0e+00, v6  }
0x175: {  	v10 =	vld [tilespmem:s28+$0xFFFFFF90];
	v4 =	vadd.s32 $0xFFFFFF81, v4;
	v5 =	vmul.f32 v7, v5;
	v7 =	vsub.f32 $1.000000000e+00, v14  }
0x176: {  	s10 =	sshra.s32 s0, $0x2;
	v11 =	vld [tilespmem:s28+$0x10];
	v3 =	vmul.f32 $1.442695020e+00, v3;
	v4 =	vcvt.s32.f32 v4;
	v6 =	vsel vm0, v6, v9  }
0x177: {  	v9 =	vld [tilespmem:s10+$0x7000];
	v5 =	vadd.f32 $-2.144940610e+00, v5;
	v1 =	vmul.f32 v7, v1;
	v6 =	vsub.f32 $0.0e+00, v6  }
0x178: {  	vm5 =	vmmov vm0;
	v8 =	vsub.f32 v8, v12;
	v12 =	vld [tilespmem:s29+$0x7010];
	[tilespmem:s24+$0xA810] =	vst v2;
	(erf) = vpow2.f32 v3  }
0x179: {  	v2 =	vld [tilespmem:s25+$0xFFFFFFA0];
	v3 =	vadd.f32 v4, v5;
	v1 =	vmul.f32 v1, v7;
	v4 =	vmul.f32 $1.442695020e+00, v6  }
0x17a: {  	v5 =	vsub.f32 $0.0e+00, v8;
	v6 =	vld [tilespmem:s25+$0x20]  }
0x17b: {  	v7 =	vsub.f32 v11, v10;
	v10 =	vpop (erf);
	v1 =	vmul.f32 v3, v1;
	v3 =	vld [tilespmem:s21+$0x7060];
	(erf) = vpow2.f32 v4  }
0x17c: {  	vm3 =	veq.s32 v9, $0x1;
	v4 =	vld [tilespmem:s24+$0x7020];
	v9 =	vmax.f32 v10, $9.999999740e-05  }
0x17d: {  	v5 =	vsel vm3, v8, v5;
	v8 =	vsub.f32 $0.0e+00, v7;
	v10 =	vand.u32 $0x7FFFFF, v9;
	[tilespmem:s21+$0xA850] =	vst v1  }
0x17e: {  	vm4 =	veq.s32 v12, $0x1;
	v1 =	vsub.f32 $0.0e+00, v5;
	v5 =	vor.u32 $0x3F800000, v10;
	v10 =	vld [tilespmem:s1+$0xFFFFFFE0]  }
0x17f: {  	v7 =	vsel vm4, v7, v8;
	v2 =	vsub.f32 v6, v2;
	v6 =	vmul.f32 $1.554458590e-01, v5;
	v8 =	vld [tilespmem:s1+$0x60]  }
0x180: {  	v1 =	vmul.f32 $1.442695020e+00, v1;
	v7 =	vsub.f32 $0.0e+00, v7;
	vm7 =	veq.s32 v3, $0x1  }
0x181: {  	vm6 =	veq.s32 v4, $0x1;
	v3 =	vsub.f32 $0.0e+00, v2;
	v4 =	vpop (erf);
	v11 =	vadd.f32 $-1.039258120e+00, v6  }
0x182: {  	(erf) = vpow2.f32 v1;
	v1 =	vadd.f32 $1.000000000e+00, v4;
	v4 =	vsel vm2, $0xBF051592, v0  }
0x183: {  	v7 =	vmul.f32 $1.442695020e+00, v7;
	v2 =	vsel vm6, v2, v3;
	v3 =	vmul.f32 v5, v11  }
0x184: {  	v2 =	vsub.f32 $0.0e+00, v2;
	(erf) = vrcp.f32 v1;
	v1 =	vsub.f32 v8, v10;
	v6 =	vpop (erf)  }
0x185: {  	(erf) = vpow2.f32 v7;
	v3 =	vadd.f32 $3.029478310e+00, v3;
	v6 =	vadd.f32 $1.000000000e+00, v6  }
0x186: {  	v8 =	vsub.f32 $1.000000000e+00, v9;
	v7 =	vshrl.u32 v9, $0x17;
	v9 =	vsub.f32 $0.0e+00, v1  }
0x187: {  	v7 =	vadd.s32 $0xFFFFFF81, v7;
	v3 =	vmul.f32 v5, v3;
	v5 =	vld [tilespmem:s21+$0x7070];
	(erf) = vrcp.f32 v6  }
0x188: {  	v2 =	vmul.f32 $1.442695020e+00, v2;
	v6 =	vcvt.s32.f32 v7;
	v7 =	vld [tilespmem:s22+$0x7050];
	v1 =	vsel vm7, v1, v9  }
0x189: {  	v4 =	vmul.f32 v8, v4;
	v9 =	vld [tilespmem:s23+$0x7040];
	v3 =	vadd.f32 $-2.144940610e+00, v3;
	v1 =	vsub.f32 $0.0e+00, v1  }
0x18a: {  	(erf) = vpow2.f32 v2  }
0x18b: {  	v8 =	vmul.f32 v4, v8;
	v10 =	vpop (erf);
	v2 =	vadd.f32 v6, v3;
	v1 =	vmul.f32 $1.442695020e+00, v1  }
0x18c: {  	v4 =	vld [tilespmem:s24+$0x7030]  }
0x18d: {  	vm0 =	veq.s32 v5, $0x1;
	v6 =	vpop (erf);
	v2 =	vmul.f32 v2, v8;
	(erf) = vpow2.f32 v1  }
0x18e: {  	vm8 =	veq.s32 v7, $0x1;
	v3 =	vpop (erf);
	v5 =	vmax.f32 v6, $9.999999740e-05;
	vm2 =	veq.s32 v9, $0x1  }
0x18f: {  	v7 =	vsel vm5, $0xBF051592, v0;
	v1 =	vand.u32 $0x7FFFFF, v5;
	[tilespmem:s22+$0xA840] =	vst v2;
	v2 =	vsel vm7, $0xBF051592, v0  }
0x190: {  	v9 =	vsel vm1, $0xBF051592, v0;
	v8 =	vor.u32 $0x3F800000, v1;
	v11 =	vld [tilespmem:s30+$0xFFFFFFD0];
	v1 =	vsel vm8, $0xBF051592, v0;
	v6 =	vpop (erf)  }
0x191: {  	vm1 =	veq.s32 v4, $0x1;
	v4 =	vmul.f32 $1.554458590e-01, v8;
	v12 =	vld [tilespmem:s30+$0x50];
	v13 =	vmax.f32 v6, $9.999999740e-05  }
0x192: {  	v10 =	vadd.f32 $1.000000000e+00, v10;
	v6 =	vsel vm6, $0xBF051592, v0;
	v14 =	vand.u32 $0x7FFFFF, v13  }
0x193: {  	v3 =	vadd.f32 $1.000000000e+00, v3;
	v15 =	vpop (erf);
	v4 =	vadd.f32 $-1.039258120e+00, v4;
	v14 =	vor.u32 $0x3F800000, v14  }
0x194: {  	(erf) = vrcp.f32 v10;
	v10 =	vadd.f32 $1.000000000e+00, v15;
	v15 =	vmul.f32 $1.554458590e-01, v14  }
0x195: {  	(erf) = vrcp.f32 v3;
	v3 =	vmul.f32 v8, v4;
	v4 =	vsub.f32 $1.000000000e+00, v5  }
0x196: {  	(erf) = vrcp.f32 v10;
	v10 =	vsub.f32 v12, v11;
	v11 =	vpop (erf);
	v12 =	vadd.f32 $-1.039258120e+00, v15  }
0x197: {  	v5 =	vshrl.u32 v5, $0x17;
	v3 =	vadd.f32 $3.029478310e+00, v3;
	v11 =	vadd.f32 $1.000000000e+00, v11  }
0x198: {  	v9 =	vmul.f32 v4, v9;
	v15 =	vsub.f32 $0.0e+00, v10;
	v12 =	vmul.f32 v14, v12  }
0x199: {  	v5 =	vadd.s32 $0xFFFFFF81, v5;
	v3 =	vmul.f32 v8, v3;
	(erf) = vrcp.f32 v11  }
0x19a: {  	v5 =	vcvt.s32.f32 v5;
	v8 =	vsel vm8, v10, v15;
	v10 =	vadd.f32 $3.029478310e+00, v12  }
0x19b: {  	v4 =	vmul.f32 v9, v4;
	v3 =	vadd.f32 $-2.144940610e+00, v3;
	v8 =	vsub.f32 $0.0e+00, v8  }
0x19c: {  	v11 =	vsub.f32 $1.000000000e+00, v13;
	v15 =	vshrl.u32 v13, $0x17;
	v10 =	vmul.f32 v14, v10  }
0x19d: {  	v12 =	vpop (erf);
	v3 =	vadd.f32 v5, v3;
	v5 =	vmul.f32 $1.442695020e+00, v8;
	v8 =	vadd.s32 $0xFFFFFF81, v15  }
0x19e: {  	v7 =	vmul.f32 v11, v7;
	v9 =	vpop (erf);
	v10 =	vadd.f32 $-2.144940610e+00, v10;
	v8 =	vcvt.s32.f32 v8  }
0x19f: {  	v14 =	vmax.f32 v12, $9.999999740e-05;
	v12 =	vpop (erf);
	v4 =	vmul.f32 v3, v4;
	(erf) = vpow2.f32 v5  }
0x1a0: {  	v7 =	vmul.f32 v7, v11;
	v12 =	vmax.f32 v12, $9.999999740e-05;
	v5 =	vadd.f32 v8, v10  }
0x1a1: {  	v3 =	vsel vm4, $0xBF051592, v0;
	v8 =	vshrl.u32 v14, $0x17;
	v11 =	vand.u32 $0x7FFFFF, v12;
	[tilespmem:s23+$0xA830] =	vst v4  }
0x1a2: {  	v4 =	vand.u32 $0x7FFFFF, v14;
	v13 =	vor.u32 $0x3F800000, v11;
	v15 =	vld [tilespmem:s26+$0xFFFFFFC0];
	v10 =	vpop (erf);
	v5 =	vmul.f32 v5, v7  }
.Ltmp0:
0x1a3: {  	v4 =	vor.u32 $0x3F800000, v4;
	v11 =	vmul.f32 $1.554458590e-01, v13;
	v17 =	vld [tilespmem:s26+$0x40];
	v10 =	vmax.f32 v10, $9.999999740e-05;
	(pc) =	sbr.rel @p0 .LBB2_2-.Ltmp0, $4  }
0x1a4: {  	v7 =	vsub.f32 $1.000000000e+00, v14;
	v16 =	vmul.f32 $1.554458590e-01, v4;
	v14 =	vand.u32 $0x7FFFFF, v10;
	[tilespmem:s20+$0xA870] =	vst v5;
	s20 =	smov.u32 s21;
	s21 =	smov.u32 s22;
	s22 =	smov.u32 s23  }
0x1a5: {  	v5 =	vmax.f32 v9, $9.999999740e-05;
	s23 =	smov.u32 s24;
	s24 =	smov.u32 s29;
	s29 =	smov.u32 s10;
	v19 =	vadd.f32 $-1.039258120e+00, v11;
	v14 =	vor.u32 $0x3F800000, v14  }
0x1a6: {  	v11 =	vadd.f32 $-1.039258120e+00, v16;
	v9 =	vand.u32 $0x7FFFFF, v5;
	v18 =	vmul.f32 $1.554458590e-01, v14  }
0x1a7: {  	s0 =	sadd.s32 $0x200, s0;
	v16 =	vsub.f32 $1.000000000e+00, v12;
	v9 =	vor.u32 $0x3F800000, v9;
	v19 =	vmul.f32 v13, v19  }
0x1a8: {  	v15 =	vsub.f32 v17, v15;
	v18 =	vadd.f32 $-1.039258120e+00, v18  }
0x1a9: {  	v17 =	vpop (erf);
	v12 =	vshrl.u32 v12, $0x17;
	v11 =	vmul.f32 v4, v11;
	v19 =	vadd.f32 $3.029478310e+00, v19  }
0x1aa: {  	v17 =	vadd.f32 $1.000000000e+00, v17;
	v6 =	vmul.f32 v16, v6;
	v12 =	vadd.s32 $0xFFFFFF81, v12  }
0x1ab: {  	v18 =	vmul.f32 v14, v18;
	v12 =	vcvt.s32.f32 v12  }
0x1ac: {  	v20 =	vsub.f32 $0.0e+00, v15;
	v13 =	vmul.f32 v13, v19;
	(erf) = vrcp.f32 v17  }
0x1ad: {  	v11 =	vadd.f32 $3.029478310e+00, v11;
	v6 =	vmul.f32 v6, v16;
	v18 =	vadd.f32 $3.029478310e+00, v18  }
0x1ae: {  	v16 =	vshrl.u32 v10, $0x17;
	v15 =	vsel vm2, v15, v20;
	v13 =	vadd.f32 $-2.144940610e+00, v13  }
0x1af: {  	v10 =	vsub.f32 $1.000000000e+00, v10;
	v15 =	vsub.f32 $0.0e+00, v15;
	v14 =	vmul.f32 v14, v18  }
0x1b0: {  	v17 =	vmul.f32 $1.554458590e-01, v9;
	v4 =	vmul.f32 v4, v11;
	v12 =	vadd.f32 v12, v13  }
0x1b1: {  	v2 =	vmul.f32 v10, v2;
	v15 =	vmul.f32 $1.442695020e+00, v15;
	v14 =	vadd.f32 $-2.144940610e+00, v14  }
0x1b2: {  	v13 =	vadd.s32 $0xFFFFFF81, v16;
	v16 =	vadd.f32 $-1.039258120e+00, v17;
	v6 =	vmul.f32 v12, v6  }
0x1b3: {  	v13 =	vcvt.s32.f32 v13;
	(erf) = vpow2.f32 v15  }
0x1b4: {  	v4 =	vadd.f32 $-2.144940610e+00, v4;
	v2 =	vmul.f32 v2, v10;
	v10 =	vmul.f32 v9, v16;
	[tilespmem:s23+$0xA820] =	vst v6  }
0x1b5: {  	v12 =	vadd.f32 v13, v14;
	v6 =	vadd.s32 $0xFFFFFF81, v8;
	v8 =	vsel vm3, $0xBF051592, v0;
	v13 =	vld [tilespmem:s25+$0xFFFFFFB0];
	v14 =	vpop (erf)  }
0x1b6: {  	v10 =	vadd.f32 $3.029478310e+00, v10;
	v15 =	vld [tilespmem:s25+$0x30];
	v14 =	vmax.f32 v14, $9.999999740e-05  }
0x1b7: {  	v8 =	vmul.f32 v7, v8;
	v2 =	vmul.f32 v12, v2;
	v12 =	vand.u32 $0x7FFFFF, v14  }
0x1b8: {  	v6 =	vcvt.s32.f32 v6;
	v9 =	vmul.f32 v9, v10;
	v10 =	vor.u32 $0x3F800000, v12  }
0x1b9: {  	v7 =	vmul.f32 v8, v7;
	[tilespmem:s20+$0xA860] =	vst v2;
	v8 =	vmul.f32 $1.554458590e-01, v10  }
0x1ba: {  	v2 =	vsub.f32 $1.000000000e+00, v5;
	v5 =	vshrl.u32 v5, $0x17;
	v4 =	vadd.f32 v6, v4;
	v11 =	vld [tilespmem:s1+$0xFFFFFFF0]  }
0x1bb: {  	v12 =	vld [tilespmem:s1+$0x70];
	v5 =	vadd.s32 $0xFFFFFF81, v5;
	v13 =	vsub.f32 v15, v13;
	v8 =	vadd.f32 $-1.039258120e+00, v8  }
0x1bc: {  	v9 =	vadd.f32 $-2.144940610e+00, v9;
	v3 =	vmul.f32 v2, v3;
	v5 =	vcvt.s32.f32 v5;
	v15 =	vpop (erf)  }
0x1bd: {  	v6 =	vadd.f32 $1.000000000e+00, v15;
	v15 =	vsub.f32 $0.0e+00, v13;
	v8 =	vmul.f32 v10, v8  }
0x1be: {  	v4 =	vmul.f32 v4, v7;
	v2 =	vmul.f32 v3, v2;
	v3 =	vadd.f32 v5, v9  }
0x1bf: {  	(erf) = vrcp.f32 v6;
	v5 =	vsel vm1, v13, v15;
	v6 =	vadd.f32 $3.029478310e+00, v8  }
0x1c0: {  	v7 =	vsub.f32 v12, v11;
	v2 =	vmul.f32 v3, v2;
	v3 =	vsub.f32 $0.0e+00, v5  }
0x1c1: {  	[tilespmem:s29+$0xA800] =	vst v4;
	v4 =	vshrl.u32 v14, $0x17;
	v5 =	vmul.f32 v10, v6;
	v6 =	vsub.f32 $1.000000000e+00, v14  }
0x1c2: {  	v9 =	vld [tilespmem:s31+$0xFFFFFF90];
	v4 =	vadd.s32 $0xFFFFFF81, v4;
	v8 =	vsub.f32 $0.0e+00, v7;
	v3 =	vmul.f32 $1.442695020e+00, v3  }
0x1c3: {  	v4 =	vcvt.s32.f32 v4;
	v10 =	vld [tilespmem:s31+$0x10];
	v5 =	vadd.f32 $-2.144940610e+00, v5;
	v1 =	vmul.f32 v6, v1  }
0x1c4: {  	[tilespmem:s24+$0xA810] =	vst v2;
	v7 =	vsel vm0, v7, v8;
	v8 =	vld [tilespmem:s29+$0x7010];
	(erf) = vpow2.f32 v3  }
0x1c5: {  	v2 =	vsub.f32 $0.0e+00, v7;
	v3 =	vld [tilespmem:s28+$0xFFFFFFA0];
	v4 =	vadd.f32 v4, v5;
	v1 =	vmul.f32 v1, v6  }
0x1c6: {  	v5 =	vld [tilespmem:s28+$0x20]  }
0x1c7: {  	v2 =	vmul.f32 $1.442695020e+00, v2;
	v1 =	vmul.f32 v4, v1  }
0x1c8: {  	v7 =	vld [tilespmem:s21+$0x7060];
	v4 =	vsub.f32 v10, v9;
	v6 =	vpop (erf)  }
0x1c9: {  	(erf) = vpow2.f32 v2;
	v2 =	vld [tilespmem:s24+$0x7020];
	v6 =	vmax.f32 v6, $9.999999740e-05;
	[tilespmem:s21+$0xA850] =	vst v1  }
0x1ca: {  	v1 =	vsub.f32 $0.0e+00, v4;
	v9 =	vand.u32 $0x7FFFFF, v6;
	v10 =	vld [tilespmem:s30+$0xFFFFFFE0]  }
0x1cb: {  	vm3 =	veq.s32 v8, $0x1;
	v8 =	vor.u32 $0x3F800000, v9;
	v3 =	vsub.f32 v5, v3;
	v5 =	vld [tilespmem:s30+$0x60]  }
0x1cc: {  	v1 =	vsel vm3, v4, v1;
	v4 =	vmul.f32 $1.554458590e-01, v8  }
0x1cd: {  	vm6 =	veq.s32 v7, $0x1;
	v1 =	vsub.f32 $0.0e+00, v1;
	v11 =	vpop (erf)  }
0x1ce: {  	vm5 =	veq.s32 v2, $0x1;
	v2 =	vadd.f32 $-1.039258120e+00, v4;
	v4 =	vadd.f32 $1.000000000e+00, v11  }
0x1cf: {  	v7 =	vshrl.u32 v6, $0x17;
	v9 =	vsub.f32 $0.0e+00, v3;
	v1 =	vmul.f32 $1.442695020e+00, v1  }
0x1d0: {  	v2 =	vmul.f32 v8, v2;
	(erf) = vrcp.f32 v4;
	v4 =	vsub.f32 v5, v10  }
0x1d1: {  	v6 =	vsub.f32 $1.000000000e+00, v6;
	v7 =	vadd.s32 $0xFFFFFF81, v7  }
0x1d2: {  	v3 =	vsel vm5, v3, v9;
	v2 =	vadd.f32 $3.029478310e+00, v2;
	v9 =	vsub.f32 $0.0e+00, v4  }
0x1d3: {  	v5 =	vsel vm2, $0xBF051592, v0;
	v3 =	vsub.f32 $0.0e+00, v3;
	(erf) = vpow2.f32 v1;
	v1 =	vpop (erf)  }
0x1d4: {  	v1 =	vadd.f32 $1.000000000e+00, v1;
	v2 =	vmul.f32 v8, v2;
	v4 =	vsel vm6, v4, v9  }
0x1d5: {  	v5 =	vmul.f32 v6, v5;
	v3 =	vmul.f32 $1.442695020e+00, v3;
	v4 =	vsub.f32 $0.0e+00, v4  }
0x1d6: {  	(erf) = vrcp.f32 v1;
	v1 =	vcvt.s32.f32 v7;
	v2 =	vadd.f32 $-2.144940610e+00, v2  }
0x1d7: {  	(erf) = vpow2.f32 v3;
	v3 =	vmul.f32 $1.442695020e+00, v4  }
0x1d8: {  	v1 =	vadd.f32 v1, v2;
	v2 =	vmul.f32 v5, v6;
	_ =	sdelay $0x1  }
0x1d9: {  	v1 =	vmul.f32 v1, v2  }
0x1da: {  	(erf) = vpow2.f32 v3;
	v3 =	vpop (erf)  }
0x1db: {  	v3 =	vmax.f32 v3, $9.999999740e-05;
	[tilespmem:s22+$0xA840] =	vst v1  }
0x1dc: {  	v4 =	vand.u32 $0x7FFFFF, v3;
	v6 =	vld [tilespmem:s26+$0xFFFFFFD0]  }
0x1dd: {  	v5 =	vpop (erf);
	v8 =	vld [tilespmem:s26+$0x50];
	v4 =	vor.u32 $0x3F800000, v4  }
0x1de: {  	v1 =	vpop (erf);
	v7 =	vmul.f32 $1.554458590e-01, v4  }
0x1df: {  	v2 =	vld [tilespmem:s22+$0x7050];
	v5 =	vadd.f32 $1.000000000e+00, v5;
	v9 =	vpop (erf)  }
0x1e0: {  	v7 =	vadd.f32 $-1.039258120e+00, v7;
	v9 =	vadd.f32 $1.000000000e+00, v9  }
0x1e1: {  	(erf) = vrcp.f32 v5  }
0x1e2: {  	v6 =	vsub.f32 v8, v6;
	v5 =	vmul.f32 v4, v7;
	(erf) = vrcp.f32 v9;
	_ =	sdelay $0x1  }
0x1e3: {  	vm4 =	veq.s32 v2, $0x1;
	v8 =	vsub.f32 $0.0e+00, v6;
	v7 =	vpop (erf);
	v2 =	vadd.f32 $3.029478310e+00, v5  }
0x1e4: {  	v5 =	vsub.f32 $1.000000000e+00, v3;
	v3 =	vshrl.u32 v3, $0x17;
	v7 =	vadd.f32 $1.000000000e+00, v7  }
0x1e5: {  	v3 =	vadd.s32 $0xFFFFFF81, v3;
	v6 =	vsel vm4, v6, v8;
	v2 =	vmul.f32 v4, v2  }
0x1e6: {  	v6 =	vsub.f32 $0.0e+00, v6;
	(erf) = vrcp.f32 v7;
	v7 =	vsel vm1, $0xBF051592, v0  }
0x1e7: {  	v3 =	vcvt.s32.f32 v3;
	v4 =	vmul.f32 v5, v7;
	v2 =	vadd.f32 $-2.144940610e+00, v2;
	_ =	sdelay $0x1  }
0x1e8: {  	v4 =	vmul.f32 v4, v5;
	v2 =	vadd.f32 v3, v2;
	v3 =	vmul.f32 $1.442695020e+00, v6;
	v5 =	vpop (erf)  }
0x1e9: {  	v6 =	vpop (erf)  }
0x1ea: {  	(erf) = vpow2.f32 v3;
	v3 =	vmax.f32 v6, $9.999999740e-05  }
0x1eb: {  	v2 =	vmul.f32 v2, v4;
	v4 =	vand.u32 $0x7FFFFF, v3  }
0x1ec: {  	v7 =	vld [tilespmem:s23+$0x7040];
	_ =	sdelay $0x1  }
0x1ed: {  	[tilespmem:s23+$0xA830] =	vst v2;
	v2 =	vor.u32 $0x3F800000, v4;
	v4 =	vpop (erf)  }
0x1ee: {  	v6 =	vld [tilespmem:s25+$0xFFFFFFC0];
	v8 =	vmul.f32 $1.554458590e-01, v2;
	v4 =	vmax.f32 v4, $9.999999740e-05  }
0x1ef: {  	v5 =	vmax.f32 v5, $9.999999740e-05;
	v9 =	vld [tilespmem:s25+$0x40];
	v10 =	vand.u32 $0x7FFFFF, v4  }
0x1f0: {  	vm2 =	veq.s32 v7, $0x1;
	v7 =	vadd.f32 $-1.039258120e+00, v8;
	v8 =	vor.u32 $0x3F800000, v10  }
0x1f1: {  	v13 =	vand.u32 $0x7FFFFF, v5;
	v11 =	vmul.f32 $1.554458590e-01, v8  }
0x1f2: {  	v12 =	vsel vm5, $0xBF051592, v0;
	v13 =	vor.u32 $0x3F800000, v13;
	v7 =	vmul.f32 v2, v7  }
0x1f3: {  	v14 =	vsub.f32 $1.000000000e+00, v3;
	v3 =	vshrl.u32 v3, $0x17;
	v11 =	vadd.f32 $-1.039258120e+00, v11  }
0x1f4: {  	v3 =	vadd.s32 $0xFFFFFF81, v3;
	v6 =	vsub.f32 v9, v6;
	v9 =	vpop (erf);
	v7 =	vadd.f32 $3.029478310e+00, v7  }
0x1f5: {  	v12 =	vmul.f32 v14, v12;
	v9 =	vadd.f32 $1.000000000e+00, v9;
	v11 =	vmul.f32 v8, v11  }
0x1f6: {  	v3 =	vcvt.s32.f32 v3;
	v15 =	vsub.f32 $0.0e+00, v6;
	v2 =	vmul.f32 v2, v7  }
0x1f7: {  	v10 =	vsel vm6, $0xBF051592, v0;
	(erf) = vrcp.f32 v9;
	v7 =	vadd.f32 $3.029478310e+00, v11  }
0x1f8: {  	v6 =	vsel vm2, v6, v15;
	v9 =	vmul.f32 v12, v14;
	v2 =	vadd.f32 $-2.144940610e+00, v2  }
0x1f9: {  	v11 =	vshrl.u32 v4, $0x17;
	v4 =	vsub.f32 $1.000000000e+00, v4;
	v7 =	vmul.f32 v8, v7  }
0x1fa: {  	v6 =	vsub.f32 $0.0e+00, v6;
	v2 =	vadd.f32 v3, v2;
	v3 =	vadd.s32 $0xFFFFFF81, v11  }
0x1fb: {  	v3 =	vcvt.s32.f32 v3;
	v8 =	vmul.f32 v4, v10;
	v7 =	vadd.f32 $-2.144940610e+00, v7  }
0x1fc: {  	v6 =	vmul.f32 $1.442695020e+00, v6;
	v10 =	vmul.f32 $1.554458590e-01, v13  }
0x1fd: {  	v2 =	vmul.f32 v2, v9;
	v4 =	vmul.f32 v8, v4;
	v3 =	vadd.f32 v3, v7  }
0x1fe: {  	v8 =	vadd.f32 $-1.039258120e+00, v10  }
0x1ff: {  	v11 =	vld [tilespmem:s21+$0x7070];
	[tilespmem:s24+$0xA820] =	vst v2;
	v2 =	vmul.f32 v3, v4  }
0x200: {  	(erf) = vpow2.f32 v6;
	v3 =	vmul.f32 v13, v8;
	v4 =	vld [tilespmem:s28+$0xFFFFFFB0]  }
0x201: {  	v6 =	vpop (erf);
	v8 =	vld [tilespmem:s28+$0x30];
	[tilespmem:s21+$0xA860] =	vst v2  }
0x202: {  	v2 =	vadd.f32 $3.029478310e+00, v3;
	v3 =	vmax.f32 v6, $9.999999740e-05;
	v6 =	vld [tilespmem:s30+$0xFFFFFFF0]  }
0x203: {  	v9 =	vand.u32 $0x7FFFFF, v3;
	v10 =	vld [tilespmem:s30+$0x70]  }
0x204: {  	vm1 =	veq.s32 v11, $0x1;
	v11 =	vsub.f32 $1.000000000e+00, v5;
	v9 =	vor.u32 $0x3F800000, v9  }
0x205: {  	v7 =	vld [tilespmem:s24+$0x7030];
	v5 =	vshrl.u32 v5, $0x17;
	v2 =	vmul.f32 v13, v2;
	v13 =	vmul.f32 $1.554458590e-01, v9  }
0x206: {  	v12 =	vsel vm3, $0xBF051592, v0;
	v5 =	vadd.s32 $0xFFFFFF81, v5;
	v4 =	vsub.f32 v8, v4  }
0x207: {  	v5 =	vcvt.s32.f32 v5;
	v2 =	vadd.f32 $-2.144940610e+00, v2;
	v13 =	vadd.f32 $-1.039258120e+00, v13  }
0x208: {  	v12 =	vmul.f32 v11, v12;
	v6 =	vsub.f32 v10, v6  }
0x209: {  	v8 =	vpop (erf);
	v2 =	vadd.f32 v5, v2;
	v5 =	vsub.f32 $0.0e+00, v4;
	v10 =	vmul.f32 v9, v13  }
0x20a: {  	vm5 =	veq.s32 v7, $0x1;
	v8 =	vadd.f32 $1.000000000e+00, v8  }
0x20b: {  	v11 =	vmul.f32 v12, v11;
	v4 =	vsel vm5, v4, v5;
	v5 =	vadd.f32 $3.029478310e+00, v10  }
0x20c: {  	(erf) = vrcp.f32 v8;
	v8 =	vshrl.u32 v3, $0x17;
	v7 =	vsub.f32 $0.0e+00, v6  }
0x20d: {  	v3 =	vsub.f32 $1.000000000e+00, v3;
	v2 =	vmul.f32 v2, v11;
	v5 =	vmul.f32 v9, v5  }
0x20e: {  	v4 =	vsub.f32 $0.0e+00, v4;
	v6 =	vsel vm1, v6, v7;
	v7 =	vadd.s32 $0xFFFFFF81, v8  }
0x20f: {  	v6 =	vsub.f32 $0.0e+00, v6;
	v7 =	vcvt.s32.f32 v7;
	v5 =	vadd.f32 $-2.144940610e+00, v5  }
0x210: {  	[tilespmem:s29+$0xA810] =	vst v2;
	v2 =	vsel vm4, $0xBF051592, v0;
	v4 =	vmul.f32 $1.442695020e+00, v4  }
0x211: {  	v8 =	vld [tilespmem:s31+$0xFFFFFFA0];
	v2 =	vmul.f32 v3, v2;
	v6 =	vmul.f32 $1.442695020e+00, v6;
	v5 =	vadd.f32 v7, v5  }
0x212: {  	(erf) = vpow2.f32 v4;
	v4 =	vld [tilespmem:s31+$0x20]  }
0x213: {  	v2 =	vmul.f32 v2, v3;
	(erf) = vpow2.f32 v6  }
0x214: {  	v3 =	vld [tilespmem:s29+$0x7020]  }
0x215: {  	v2 =	vmul.f32 v5, v2;
	v5 =	vpop (erf)  }
0x216: {  	v5 =	vmax.f32 v5, $9.999999740e-05  }
0x217: {  	v4 =	vsub.f32 v4, v8;
	[tilespmem:s22+$0xA850] =	vst v2;
	v2 =	vand.u32 $0x7FFFFF, v5  }
0x218: {  	v2 =	vor.u32 $0x3F800000, v2  }
0x219: {  	vm14 =	veq.s32 v3, $0x1;
	v7 =	vld [tilespmem:s26+$0xFFFFFFE0];
	v8 =	vsub.f32 $0.0e+00, v4;
	v3 =	vmul.f32 $1.554458590e-01, v2  }
0x21a: {  	v9 =	vld [tilespmem:s26+$0x60]  }
0x21b: {  	v6 =	vld [tilespmem:s22+$0x7060];
	v10 =	vpop (erf);
	v4 =	vsel vm14, v4, v8;
	v3 =	vadd.f32 $-1.039258120e+00, v3  }
0x21c: {  	v8 =	vadd.f32 $1.000000000e+00, v10;
	v4 =	vsub.f32 $0.0e+00, v4;
	v10 =	vpop (erf)  }
0x21d: {  	v10 =	vadd.f32 $1.000000000e+00, v10;
	v3 =	vmul.f32 v2, v3  }
0x21e: {  	(erf) = vrcp.f32 v8;
	v4 =	vmul.f32 $1.442695020e+00, v4  }
0x21f: {  	v7 =	vsub.f32 v9, v7;
	(erf) = vrcp.f32 v10;
	v3 =	vadd.f32 $3.029478310e+00, v3  }
0x220: {  	vm4 =	veq.s32 v6, $0x1;
	(erf) = vpow2.f32 v4  }
0x221: {  	v6 =	vshrl.u32 v5, $0x17;
	v4 =	vsub.f32 $0.0e+00, v7;
	v2 =	vmul.f32 v2, v3  }
0x222: {  	v5 =	vsub.f32 $1.000000000e+00, v5;
	v6 =	vadd.s32 $0xFFFFFF81, v6  }
0x223: {  	v6 =	vcvt.s32.f32 v6;
	v3 =	vsel vm4, v7, v4;
	v2 =	vadd.f32 $-2.144940610e+00, v2  }
0x224: {  	v4 =	vsel vm2, $0xBF051592, v0;
	v3 =	vsub.f32 $0.0e+00, v3  }
0x225: {  	v4 =	vmul.f32 v5, v4;
	v6 =	vadd.f32 v6, v2  }
0x226: {  	v3 =	vmul.f32 $1.442695020e+00, v3  }
0x227: {  	v4 =	vmul.f32 v4, v5;
	v2 =	vpop (erf)  }
0x228: {  	(erf) = vpow2.f32 v3;
	v3 =	vmax.f32 v2, $9.999999740e-05;
	v2 =	vpop (erf)  }
0x229: {  	v4 =	vmul.f32 v6, v4;
	v5 =	vand.u32 $0x7FFFFF, v3;
	v6 =	vpop (erf)  }
0x22a: {  	v5 =	vor.u32 $0x3F800000, v5;
	v6 =	vadd.f32 $1.000000000e+00, v6  }
0x22b: {  	v7 =	vld [tilespmem:s23+$0x7050];
	[tilespmem:s23+$0xA840] =	vst v4;
	v4 =	vmul.f32 $1.554458590e-01, v5  }
0x22c: {  	v8 =	vld [tilespmem:s25+$0xFFFFFFD0];
	(erf) = vrcp.f32 v6  }
0x22d: {  	v6 =	vld [tilespmem:s25+$0x50];
	v4 =	vadd.f32 $-1.039258120e+00, v4;
	_ =	sdelay $0x1  }
0x22e: {  	v4 =	vmul.f32 v5, v4;
	_ =	sdelay $0x1  }
0x22f: {  	vm3 =	veq.s32 v7, $0x1;
	v7 =	vpop (erf);
	v4 =	vadd.f32 $3.029478310e+00, v4  }
0x230: {  	v9 =	vsel vm5, $0xBF051592, v0;
	v7 =	vadd.f32 $1.000000000e+00, v7;
	v6 =	vsub.f32 v6, v8  }
0x231: {  	v8 =	vsub.f32 $1.000000000e+00, v3;
	v3 =	vshrl.u32 v3, $0x17;
	v4 =	vmul.f32 v5, v4  }
0x232: {  	v3 =	vadd.s32 $0xFFFFFF81, v3;
	(erf) = vrcp.f32 v7;
	v5 =	vsub.f32 $0.0e+00, v6  }
0x233: {  	v7 =	vmul.f32 v8, v9;
	v3 =	vcvt.s32.f32 v3;
	v4 =	vadd.f32 $-2.144940610e+00, v4;
	v9 =	vpop (erf)  }
0x234: {  	v5 =	vsel vm3, v6, v5;
	v6 =	vmax.f32 v9, $9.999999740e-05  }
0x235: {  	v7 =	vmul.f32 v7, v8;
	v3 =	vadd.f32 v3, v4;
	v4 =	vand.u32 $0x7FFFFF, v6  }
0x236: {  	v5 =	vsub.f32 $0.0e+00, v5;
	v4 =	vor.u32 $0x3F800000, v4  }
0x237: {  	v3 =	vmul.f32 v3, v7;
	v7 =	vmul.f32 $1.554458590e-01, v4  }
0x238: {  	v5 =	vmul.f32 $1.442695020e+00, v5  }
0x239: {  	[tilespmem:s24+$0xA830] =	vst v3;
	v3 =	vadd.f32 $-1.039258120e+00, v7  }
0x23a: {  	(erf) = vpow2.f32 v5;
	v5 =	vld [tilespmem:s28+$0xFFFFFFC0]  }
0x23b: {  	v9 =	vld [tilespmem:s28+$0x40];
	v3 =	vmul.f32 v4, v3;
	_ =	sdelay $0x1  }
0x23c: {  	v8 =	vld [tilespmem:s24+$0x7040];
	v3 =	vadd.f32 $3.029478310e+00, v3  }
0x23d: {  	v11 =	vsel vm14, $0xBF051592, v0;
	v12 =	vsub.f32 $1.000000000e+00, v6;
	v6 =	vshrl.u32 v6, $0x17;
	v7 =	vpop (erf)  }
0x23e: {  	v6 =	vadd.s32 $0xFFFFFF81, v6;
	v7 =	vmax.f32 v7, $9.999999740e-05;
	v3 =	vmul.f32 v4, v3  }
0x23f: {  	v6 =	vcvt.s32.f32 v6;
	v10 =	vand.u32 $0x7FFFFF, v7;
	v5 =	vsub.f32 v9, v5  }
0x240: {  	v10 =	vor.u32 $0x3F800000, v10;
	v9 =	vmul.f32 v12, v11;
	v3 =	vadd.f32 $-2.144940610e+00, v3  }
0x241: {  	vm5 =	veq.s32 v8, $0x1;
	v4 =	vmul.f32 $1.554458590e-01, v10;
	v8 =	vsub.f32 $0.0e+00, v5  }
0x242: {  	v11 =	vpop (erf);
	v9 =	vmul.f32 v9, v12;
	v3 =	vadd.f32 v6, v3  }
0x243: {  	v4 =	vadd.f32 $-1.039258120e+00, v4;
	v6 =	vadd.f32 $1.000000000e+00, v11;
	v5 =	vsel vm5, v5, v8  }
0x244: {  	v5 =	vsub.f32 $0.0e+00, v5;
	v3 =	vmul.f32 v3, v9  }
0x245: {  	v4 =	vmul.f32 v10, v4;
	(erf) = vrcp.f32 v6  }
0x246: {  	v5 =	vmul.f32 $1.442695020e+00, v5;
	[tilespmem:s29+$0xA820] =	vst v3  }
0x247: {  	v4 =	vadd.f32 $3.029478310e+00, v4;
	v6 =	vld [tilespmem:s31+$0xFFFFFFB0]  }
0x248: {  	(erf) = vpow2.f32 v5;
	v5 =	vld [tilespmem:s31+$0x30]  }
0x249: {  	v3 =	vshrl.u32 v7, $0x17;
	v4 =	vmul.f32 v10, v4;
	v7 =	vsub.f32 $1.000000000e+00, v7  }
0x24a: {  	v9 =	vsel vm4, $0xBF051592, v0;
	v3 =	vadd.s32 $0xFFFFFF81, v3  }
0x24b: {  	v8 =	vld [tilespmem:s29+$0x7030];
	v4 =	vadd.f32 $-2.144940610e+00, v4;
	v3 =	vcvt.s32.f32 v3;
	v9 =	vmul.f32 v7, v9;
	_ =	sdelay $0x1  }
0x24c: {  	v3 =	vadd.f32 v3, v4;
	v4 =	vmul.f32 v9, v7;
	v5 =	vsub.f32 v5, v6  }
0x24d: {  	v6 =	vpop (erf)  }
0x24e: {  	v3 =	vmul.f32 v3, v4;
	v6 =	vmax.f32 v6, $9.999999740e-05;
	v7 =	vsub.f32 $0.0e+00, v5  }
0x24f: {  	vm4 =	veq.s32 v8, $0x1;
	v8 =	vand.u32 $0x7FFFFF, v6  }
0x250: {  	v4 =	vld [tilespmem:s22+$0x7070];
	[tilespmem:s22+$0xA860] =	vst v3;
	v3 =	vor.u32 $0x3F800000, v8;
	v9 =	vpop (erf);
	v5 =	vsel vm4, v5, v7  }
0x251: {  	v10 =	vld [tilespmem:s26+$0x70];
	v7 =	vmul.f32 $1.554458590e-01, v3;
	v9 =	vadd.f32 $1.000000000e+00, v9;
	v5 =	vsub.f32 $0.0e+00, v5  }
0x252: {  	v8 =	vld [tilespmem:s26+$0xFFFFFFF0]  }
0x253: {  	v7 =	vadd.f32 $-1.039258120e+00, v7;
	(erf) = vrcp.f32 v9;
	v5 =	vmul.f32 $1.442695020e+00, v5;
	_ =	sdelay $0x1  }
0x254: {  	v7 =	vmul.f32 v3, v7;
	(erf) = vpow2.f32 v5;
	_ =	sdelay $0x1  }
0x255: {  	vm2 =	veq.s32 v4, $0x1;
	v5 =	vsub.f32 v10, v8;
	v7 =	vadd.f32 $3.029478310e+00, v7  }
0x256: {  	v4 =	vsel vm3, $0xBF051592, v0;
	v8 =	vshrl.u32 v6, $0x17;
	v6 =	vsub.f32 $1.000000000e+00, v6  }
0x257: {  	v8 =	vadd.s32 $0xFFFFFF81, v8;
	v9 =	vsub.f32 $0.0e+00, v5;
	v3 =	vmul.f32 v3, v7  }
0x258: {  	v4 =	vmul.f32 v6, v4  }
0x259: {  	v7 =	vcvt.s32.f32 v8;
	v5 =	vsel vm2, v5, v9;
	v3 =	vadd.f32 $-2.144940610e+00, v3  }
0x25a: {  	v5 =	vsub.f32 $0.0e+00, v5;
	v8 =	vpop (erf)  }
0x25b: {  	v4 =	vmul.f32 v4, v6;
	v3 =	vadd.f32 v7, v3;
	v6 =	vmax.f32 v8, $9.999999740e-05  }
0x25c: {  	v5 =	vmul.f32 $1.442695020e+00, v5;
	v7 =	vand.u32 $0x7FFFFF, v6;
	v8 =	vpop (erf)  }
0x25d: {  	v3 =	vmul.f32 v3, v4;
	v4 =	vor.u32 $0x3F800000, v7;
	v7 =	vadd.f32 $1.000000000e+00, v8  }
0x25e: {  	(erf) = vpow2.f32 v5;
	v5 =	vmul.f32 $1.554458590e-01, v4  }
0x25f: {  	(erf) = vrcp.f32 v7  }
0x260: {  	[tilespmem:s23+$0xA850] =	vst v3;
	v3 =	vadd.f32 $-1.039258120e+00, v5  }
0x261: {  	v5 =	vld [tilespmem:s25+$0xFFFFFFE0]  }
0x262: {  	v7 =	vld [tilespmem:s25+$0x60];
	v3 =	vmul.f32 v4, v3;
	_ =	sdelay $0x1  }
0x263: {  	v8 =	vld [tilespmem:s23+$0x7060];
	v3 =	vadd.f32 $3.029478310e+00, v3;
	_ =	sdelay $0x1  }
0x264: {  	v9 =	vshrl.u32 v6, $0x17;
	v6 =	vsub.f32 $1.000000000e+00, v6;
	v3 =	vmul.f32 v4, v3  }
0x265: {  	v9 =	vadd.s32 $0xFFFFFF81, v9;
	v5 =	vsub.f32 v7, v5;
	v7 =	vpop (erf);
	v4 =	vsel vm5, $0xBF051592, v0  }
0x266: {  	v9 =	vcvt.s32.f32 v9;
	v4 =	vmul.f32 v6, v4;
	v3 =	vadd.f32 $-2.144940610e+00, v3;
	v10 =	vpop (erf)  }
0x267: {  	vm3 =	veq.s32 v8, $0x1;
	v8 =	vsub.f32 $0.0e+00, v5;
	v10 =	vmax.f32 v10, $9.999999740e-05  }
0x268: {  	v4 =	vmul.f32 v4, v6;
	v3 =	vadd.f32 v9, v3;
	v6 =	vand.u32 $0x7FFFFF, v10  }
0x269: {  	v5 =	vsel vm3, v5, v8;
	v6 =	vor.u32 $0x3F800000, v6  }
0x26a: {  	v5 =	vsub.f32 $0.0e+00, v5;
	v3 =	vmul.f32 v3, v4;
	v4 =	vmul.f32 $1.554458590e-01, v6  }
0x26b: {  	v7 =	vadd.f32 $1.000000000e+00, v7  }
0x26c: {  	v5 =	vmul.f32 $1.442695020e+00, v5;
	[tilespmem:s24+$0xA840] =	vst v3;
	v3 =	vadd.f32 $-1.039258120e+00, v4  }
0x26d: {  	(erf) = vrcp.f32 v7;
	v4 =	vld [tilespmem:s28+$0xFFFFFFD0]  }
0x26e: {  	(erf) = vpow2.f32 v5;
	v5 =	vld [tilespmem:s28+$0x50];
	v3 =	vmul.f32 v6, v3;
	_ =	sdelay $0x1  }
0x26f: {  	v3 =	vadd.f32 $3.029478310e+00, v3  }
0x270: {  	v8 =	vld [tilespmem:s24+$0x7050]  }
0x271: {  	v7 =	vsub.f32 $1.000000000e+00, v10;
	v9 =	vshrl.u32 v10, $0x17;
	v3 =	vmul.f32 v6, v3  }
0x272: {  	v6 =	vsel vm4, $0xBF051592, v0;
	v4 =	vsub.f32 v5, v4;
	v5 =	vadd.s32 $0xFFFFFF81, v9  }
0x273: {  	v6 =	vmul.f32 v7, v6;
	v5 =	vcvt.s32.f32 v5;
	v9 =	vadd.f32 $-2.144940610e+00, v3  }
0x274: {  	v10 =	vsub.f32 $0.0e+00, v4  }
0x275: {  	vm5 =	veq.s32 v8, $0x1;
	v6 =	vmul.f32 v6, v7;
	v3 =	vpop (erf);
	v5 =	vadd.f32 v5, v9  }
0x276: {  	v4 =	vsel vm5, v4, v10;
	v7 =	vpop (erf)  }
0x277: {  	v4 =	vsub.f32 $0.0e+00, v4;
	v7 =	vadd.f32 $1.000000000e+00, v7;
	v5 =	vmul.f32 v5, v6;
	_ =	sdelay $0x1  }
0x278: {  	v4 =	vmul.f32 $1.442695020e+00, v4;
	(erf) = vrcp.f32 v7;
	[tilespmem:s29+$0xA830] =	vst v5  }
0x279: {  	v5 =	vld [tilespmem:s31+$0xFFFFFFC0]  }
0x27a: {  	(erf) = vpow2.f32 v4;
	v4 =	vld [tilespmem:s31+$0x40];
	_ =	sdelay $0x2  }
0x27b: {  	v6 =	vld [tilespmem:s29+$0x7040];
	_ =	sdelay $0x1  }
0x27c: {  	v4 =	vsub.f32 v4, v5;
	_ =	sdelay $0x1  }
0x27d: {  	v7 =	vsub.f32 $0.0e+00, v4;
	v5 =	vpop (erf)  }
0x27e: {  	vm4 =	veq.s32 v6, $0x1;
	v5 =	vmax.f32 v5, $9.999999740e-05  }
0x27f: {  	v8 =	vpop (erf);
	v4 =	vsel vm4, v4, v7;
	v6 =	vand.u32 $0x7FFFFF, v5  }
0x280: {  	v7 =	vadd.f32 $1.000000000e+00, v8;
	v4 =	vsub.f32 $0.0e+00, v4;
	v6 =	vor.u32 $0x3F800000, v6  }
0x281: {  	v8 =	vmul.f32 $1.554458590e-01, v6  }
0x282: {  	(erf) = vrcp.f32 v7;
	v4 =	vmul.f32 $1.442695020e+00, v4  }
0x283: {  	v7 =	vadd.f32 $-1.039258120e+00, v8  }
0x284: {  	(erf) = vpow2.f32 v4  }
0x285: {  	v4 =	vmul.f32 v6, v7;
	_ =	sdelay $0x1  }
0x286: {  	v7 =	vshrl.u32 v5, $0x17;
	v4 =	vadd.f32 $3.029478310e+00, v4  }
0x287: {  	v7 =	vadd.s32 $0xFFFFFF81, v7  }
0x288: {  	v5 =	vsub.f32 $1.000000000e+00, v5;
	v7 =	vcvt.s32.f32 v7;
	v4 =	vmul.f32 v6, v4  }
0x289: {  	v6 =	vsel vm3, $0xBF051592, v0  }
0x28a: {  	v6 =	vmul.f32 v5, v6;
	v8 =	vpop (erf);
	v4 =	vadd.f32 $-2.144940610e+00, v4  }
0x28b: {  	v8 =	vmax.f32 v8, $9.999999740e-05  }
0x28c: {  	v5 =	vmul.f32 v6, v5;
	v6 =	vand.u32 $0x7FFFFF, v8;
	v4 =	vadd.f32 v7, v4;
	v7 =	vpop (erf)  }
0x28d: {  	v6 =	vor.u32 $0x3F800000, v6;
	v7 =	vadd.f32 $1.000000000e+00, v7  }
0x28e: {  	v4 =	vmul.f32 v4, v5;
	v5 =	vmul.f32 $1.554458590e-01, v6  }
0x28f: {  	(erf) = vrcp.f32 v7  }
0x290: {  	[tilespmem:s23+$0xA860] =	vst v4;
	v4 =	vadd.f32 $-1.039258120e+00, v5  }
0x291: {  	v5 =	vld [tilespmem:s25+$0xFFFFFFF0]  }
0x292: {  	v7 =	vld [tilespmem:s25+$0x70];
	v4 =	vmul.f32 v6, v4;
	_ =	sdelay $0x1  }
0x293: {  	v4 =	vadd.f32 $3.029478310e+00, v4  }
0x294: {  	v10 =	vshrl.u32 v8, $0x17  }
0x295: {  	v9 =	vld [tilespmem:s23+$0x7070];
	v4 =	vmul.f32 v6, v4;
	v6 =	vsub.f32 $1.000000000e+00, v8  }
0x296: {  	v8 =	vsel vm5, $0xBF051592, v0;
	v5 =	vsub.f32 v7, v5;
	v7 =	vadd.s32 $0xFFFFFF81, v10  }
0x297: {  	v7 =	vcvt.s32.f32 v7;
	v4 =	vadd.f32 $-2.144940610e+00, v4;
	v8 =	vmul.f32 v6, v8;
	v10 =	vpop (erf)  }
0x298: {  	v11 =	vsub.f32 $0.0e+00, v5;
	v10 =	vmax.f32 v10, $9.999999740e-05  }
0x299: {  	v4 =	vadd.f32 v7, v4;
	v6 =	vmul.f32 v8, v6;
	v7 =	vand.u32 $0x7FFFFF, v10  }
0x29a: {  	vm3 =	veq.s32 v9, $0x1;
	v7 =	vor.u32 $0x3F800000, v7  }
0x29b: {  	v5 =	vsel vm3, v5, v11;
	v4 =	vmul.f32 v4, v6;
	v6 =	vmul.f32 $1.554458590e-01, v7  }
0x29c: {  	v5 =	vsub.f32 $0.0e+00, v5  }
0x29d: {  	[tilespmem:s24+$0xA850] =	vst v4;
	v4 =	vadd.f32 $-1.039258120e+00, v6  }
0x29e: {  	v5 =	vmul.f32 $1.442695020e+00, v5;
	v6 =	vld [tilespmem:s28+$0xFFFFFFE0]  }
0x29f: {  	v9 =	vld [tilespmem:s28+$0x60];
	v4 =	vmul.f32 v7, v4  }
0x2a0: {  	(erf) = vpow2.f32 v5  }
0x2a1: {  	v4 =	vadd.f32 $3.029478310e+00, v4  }
0x2a2: {  	v8 =	vld [tilespmem:s24+$0x7060]  }
0x2a3: {  	v5 =	vshrl.u32 v10, $0x17;
	v10 =	vsub.f32 $1.000000000e+00, v10;
	v4 =	vmul.f32 v7, v4  }
0x2a4: {  	v5 =	vadd.s32 $0xFFFFFF81, v5;
	v7 =	vsel vm4, $0xBF051592, v0;
	v6 =	vsub.f32 v9, v6  }
0x2a5: {  	v5 =	vcvt.s32.f32 v5;
	v7 =	vmul.f32 v10, v7;
	v4 =	vadd.f32 $-2.144940610e+00, v4  }
0x2a6: {  	v9 =	vsub.f32 $0.0e+00, v6  }
0x2a7: {  	vm5 =	veq.s32 v8, $0x1;
	v4 =	vadd.f32 v5, v4;
	v5 =	vmul.f32 v7, v10  }
0x2a8: {  	v6 =	vsel vm5, v6, v9  }
0x2a9: {  	v7 =	vpop (erf);
	v6 =	vsub.f32 $0.0e+00, v6;
	v4 =	vmul.f32 v4, v5  }
0x2aa: {  	v5 =	vadd.f32 $1.000000000e+00, v7  }
0x2ab: {  	v6 =	vmul.f32 $1.442695020e+00, v6;
	[tilespmem:s29+$0xA840] =	vst v4  }
0x2ac: {  	(erf) = vrcp.f32 v5;
	v4 =	vld [tilespmem:s31+$0xFFFFFFD0]  }
0x2ad: {  	(erf) = vpow2.f32 v6;
	v5 =	vld [tilespmem:s31+$0x50];
	_ =	sdelay $0x2  }
0x2ae: {  	v7 =	vld [tilespmem:s29+$0x7050];
	_ =	sdelay $0x1  }
0x2af: {  	v5 =	vsub.f32 v5, v4;
	_ =	sdelay $0x1  }
0x2b0: {  	v6 =	vsub.f32 $0.0e+00, v5  }
0x2b1: {  	vm4 =	veq.s32 v7, $0x1;
	v4 =	vpop (erf)  }
0x2b2: {  	v7 =	vpop (erf);
	v5 =	vsel vm4, v5, v6  }
0x2b3: {  	v6 =	vadd.f32 $1.000000000e+00, v7;
	v5 =	vsub.f32 $0.0e+00, v5;
	_ =	sdelay $0x1  }
0x2b4: {  	(erf) = vrcp.f32 v6;
	v5 =	vmul.f32 $1.442695020e+00, v5;
	_ =	sdelay $0x1  }
0x2b5: {  	(erf) = vpow2.f32 v5;
	_ =	sdelay $0x6  }
0x2b6: {  	v5 =	vpop (erf)  }
0x2b7: {  	v5 =	vmax.f32 v5, $9.999999740e-05  }
0x2b8: {  	v6 =	vand.u32 $0x7FFFFF, v5;
	v7 =	vpop (erf)  }
0x2b9: {  	v6 =	vor.u32 $0x3F800000, v6;
	v7 =	vadd.f32 $1.000000000e+00, v7  }
0x2ba: {  	v8 =	vmul.f32 $1.554458590e-01, v6  }
0x2bb: {  	(erf) = vrcp.f32 v7  }
0x2bc: {  	v7 =	vadd.f32 $-1.039258120e+00, v8;
	_ =	sdelay $0x1  }
0x2bd: {  	v7 =	vmul.f32 v6, v7;
	_ =	sdelay $0x1  }
0x2be: {  	v7 =	vadd.f32 $3.029478310e+00, v7;
	_ =	sdelay $0x1  }
0x2bf: {  	v8 =	vshrl.u32 v5, $0x17;
	v5 =	vsub.f32 $1.000000000e+00, v5;
	v6 =	vmul.f32 v6, v7  }
0x2c0: {  	v8 =	vadd.s32 $0xFFFFFF81, v8;
	v7 =	vsel vm5, $0xBF051592, v0  }
0x2c1: {  	v8 =	vcvt.s32.f32 v8;
	v7 =	vmul.f32 v5, v7;
	v6 =	vadd.f32 $-2.144940610e+00, v6;
	v9 =	vpop (erf)  }
0x2c2: {  	v9 =	vmax.f32 v9, $9.999999740e-05  }
0x2c3: {  	v5 =	vmul.f32 v7, v5;
	v6 =	vadd.f32 v8, v6;
	v7 =	vand.u32 $0x7FFFFF, v9  }
0x2c4: {  	v7 =	vor.u32 $0x3F800000, v7  }
0x2c5: {  	v5 =	vmul.f32 v6, v5;
	v6 =	vmul.f32 $1.554458590e-01, v7;
	_ =	sdelay $0x1  }
0x2c6: {  	[tilespmem:s24+$0xA860] =	vst v5;
	v5 =	vadd.f32 $-1.039258120e+00, v6  }
0x2c7: {  	v6 =	vld [tilespmem:s28+$0xFFFFFFF0]  }
0x2c8: {  	v10 =	vld [tilespmem:s28+$0x70];
	v5 =	vmul.f32 v7, v5;
	_ =	sdelay $0x1  }
0x2c9: {  	v5 =	vadd.f32 $3.029478310e+00, v5;
	_ =	sdelay $0x1  }
0x2ca: {  	v8 =	vld [tilespmem:s24+$0x7070];
	v11 =	vshrl.u32 v9, $0x17;
	v5 =	vmul.f32 v7, v5;
	v7 =	vsub.f32 $1.000000000e+00, v9  }
0x2cb: {  	v9 =	vsel vm4, $0xBF051592, v0;
	v6 =	vsub.f32 v10, v6;
	v10 =	vadd.s32 $0xFFFFFF81, v11  }
0x2cc: {  	v10 =	vcvt.s32.f32 v10;
	v5 =	vadd.f32 $-2.144940610e+00, v5;
	v9 =	vmul.f32 v7, v9;
	_ =	sdelay $0x1  }
0x2cd: {  	v11 =	vsub.f32 $0.0e+00, v6;
	v5 =	vadd.f32 v10, v5;
	v7 =	vmul.f32 v9, v7  }
0x2ce: {  	vm4 =	veq.s32 v8, $0x1  }
0x2cf: {  	v6 =	vsel vm4, v6, v11;
	v5 =	vmul.f32 v5, v7  }
0x2d0: {  	v6 =	vsub.f32 $0.0e+00, v6  }
0x2d1: {  	[tilespmem:s29+$0xA850] =	vst v5  }
0x2d2: {  	v5 =	vmul.f32 $1.442695020e+00, v6;
	v6 =	vld [tilespmem:s31+$0xFFFFFFE0]  }
0x2d3: {  	v8 =	vld [tilespmem:s31+$0x60];
	_ =	sdelay $0x1  }
0x2d4: {  	(erf) = vpow2.f32 v5;
	_ =	sdelay $0x1  }
0x2d5: {  	v7 =	vld [tilespmem:s29+$0x7060]  }
0x2d6: {  	v5 =	vsub.f32 v8, v6;
	_ =	sdelay $0x1  }
0x2d7: {  	v6 =	vsub.f32 $0.0e+00, v5;
	_ =	sdelay $0x1  }
0x2d8: {  	vm5 =	veq.s32 v7, $0x1  }
0x2d9: {  	v5 =	vsel vm5, v5, v6  }
0x2da: {  	v5 =	vsub.f32 $0.0e+00, v5;
	v6 =	vpop (erf)  }
0x2db: {  	v6 =	vadd.f32 $1.000000000e+00, v6  }
0x2dc: {  	v5 =	vmul.f32 $1.442695020e+00, v5  }
0x2dd: {  	(erf) = vrcp.f32 v6  }
0x2de: {  	(erf) = vpow2.f32 v5;
	_ =	sdelay $0x7  }
0x2df: {  	v5 =	vpop (erf)  }
0x2e0: {  	v6 =	vpop (erf)  }
0x2e1: {  	v6 =	vadd.f32 $1.000000000e+00, v6;
	_ =	sdelay $0x1  }
0x2e2: {  	(erf) = vrcp.f32 v6;
	_ =	sdelay $0x8  }
0x2e3: {  	v6 =	vpop (erf)  }
0x2e4: {  	v6 =	vmax.f32 v6, $9.999999740e-05  }
0x2e5: {  	v7 =	vand.u32 $0x7FFFFF, v6  }
0x2e6: {  	v7 =	vor.u32 $0x3F800000, v7  }
0x2e7: {  	v8 =	vmul.f32 $1.554458590e-01, v7;
	_ =	sdelay $0x1  }
0x2e8: {  	v8 =	vadd.f32 $-1.039258120e+00, v8;
	_ =	sdelay $0x1  }
0x2e9: {  	v8 =	vmul.f32 v7, v8;
	_ =	sdelay $0x1  }
0x2ea: {  	v8 =	vadd.f32 $3.029478310e+00, v8;
	_ =	sdelay $0x1  }
0x2eb: {  	v9 =	vshrl.u32 v6, $0x17;
	v6 =	vsub.f32 $1.000000000e+00, v6;
	v7 =	vmul.f32 v7, v8  }
0x2ec: {  	v9 =	vadd.s32 $0xFFFFFF81, v9;
	v8 =	vsel vm5, $0xBF051592, v0  }
0x2ed: {  	v9 =	vcvt.s32.f32 v9;
	v8 =	vmul.f32 v6, v8;
	v7 =	vadd.f32 $-2.144940610e+00, v7;
	_ =	sdelay $0x1  }
0x2ee: {  	v6 =	vmul.f32 v8, v6;
	v7 =	vadd.f32 v9, v7;
	_ =	sdelay $0x1  }
0x2ef: {  	v6 =	vmul.f32 v7, v6;
	_ =	sdelay $0x1  }
0x2f0: {  	[tilespmem:s29+$0xA860] =	vst v6  }
0x2f1: {  	v6 =	vld [tilespmem:s31+$0xFFFFFFF0]  }
0x2f2: {  	v8 =	vld [tilespmem:s31+$0x70];
	_ =	sdelay $0x2  }
0x2f3: {  	v7 =	vld [tilespmem:s29+$0x7070];
	_ =	sdelay $0x1  }
0x2f4: {  	v6 =	vsub.f32 v8, v6;
	_ =	sdelay $0x1  }
0x2f5: {  	v1 =	vmax.f32 v1, $9.999999740e-05;
	v8 =	vsub.f32 $0.0e+00, v6  }
0x2f6: {  	v9 =	vand.u32 $0x7FFFFF, v1;
	vm5 =	veq.s32 v7, $0x1  }
0x2f7: {  	v7 =	vor.u32 $0x3F800000, v9;
	v6 =	vsel vm5, v6, v8  }
0x2f8: {  	v8 =	vmul.f32 $1.554458590e-01, v7;
	v6 =	vsub.f32 $0.0e+00, v6;
	_ =	sdelay $0x1  }
0x2f9: {  	v8 =	vadd.f32 $-1.039258120e+00, v8;
	v6 =	vmul.f32 $1.442695020e+00, v6  }
0x2fa: {  	v2 =	vmax.f32 v2, $9.999999740e-05  }
0x2fb: {  	v9 =	vand.u32 $0x7FFFFF, v2;
	v8 =	vmul.f32 v7, v8;
	(erf) = vpow2.f32 v6  }
0x2fc: {  	v6 =	vor.u32 $0x3F800000, v9  }
0x2fd: {  	v4 =	vmax.f32 v4, $9.999999740e-05;
	v8 =	vadd.f32 $3.029478310e+00, v8;
	v9 =	vmul.f32 $1.554458590e-01, v6  }
0x2fe: {  	vm0 =	vmmov vm0;
	v3 =	vmax.f32 v3, $9.999999740e-05;
	v15 =	vshrl.u32 v4, $0x17  }
0x2ff: {  	v15 =	vadd.s32 $0xFFFFFF81, v15;
	v7 =	vmul.f32 v7, v8;
	v8 =	vadd.f32 $-1.039258120e+00, v9  }
0x300: {  	v14 =	vshrl.u32 v2, $0x17;
	v15 =	vcvt.s32.f32 v15;
	v11 =	vand.u32 $0x7FFFFF, v3  }
0x301: {  	v10 =	vshrl.u32 v1, $0x17;
	v11 =	vor.u32 $0x3F800000, v11;
	v8 =	vmul.f32 v6, v8  }
0x302: {  	v10 =	vadd.s32 $0xFFFFFF81, v10;
	v12 =	vmul.f32 $1.554458590e-01, v11;
	v1 =	vsub.f32 $1.000000000e+00, v1  }
0x303: {  	v10 =	vcvt.s32.f32 v10;
	v9 =	vsel vm0, $0xBF051592, v0;
	v8 =	vadd.f32 $3.029478310e+00, v8  }
0x304: {  	v12 =	vadd.f32 $-1.039258120e+00, v12;
	v9 =	vmul.f32 v1, v9;
	v7 =	vadd.f32 $-2.144940610e+00, v7;
	v13 =	vpop (erf)  }
0x305: {  	v5 =	vmax.f32 v5, $9.999999740e-05;
	v6 =	vmul.f32 v6, v8;
	v8 =	vadd.f32 $1.000000000e+00, v13  }
0x306: {  	v2 =	vsub.f32 $1.000000000e+00, v2;
	v1 =	vmul.f32 v9, v1;
	v7 =	vadd.f32 v10, v7  }
0x307: {  	vm0 =	vmmov vm1;
	v9 =	vand.u32 $0x7FFFFF, v4;
	(erf) = vrcp.f32 v8  }
0x308: {  	v9 =	vor.u32 $0x3F800000, v9;
	v1 =	vmul.f32 v7, v1;
	v13 =	vadd.s32 $0xFFFFFF81, v14  }
0x309: {  	v10 =	vsel vm0, $0xBF051592, v0;
	v7 =	vmul.f32 $1.554458590e-01, v9;
	v13 =	vcvt.s32.f32 v13  }
0x30a: {  	v6 =	vadd.f32 $-2.144940610e+00, v6;
	v8 =	vmul.f32 v2, v10;
	v10 =	vmul.f32 v11, v12  }
0x30b: {  	v4 =	vsub.f32 $1.000000000e+00, v4;
	vm0 =	vmmov vm2;
	v7 =	vadd.f32 $-1.039258120e+00, v7  }
0x30c: {  	v6 =	vadd.f32 v13, v6;
	v2 =	vmul.f32 v8, v2;
	v8 =	vadd.f32 $3.029478310e+00, v10  }
0x30d: {  	v7 =	vmul.f32 v9, v7;
	v10 =	vshrl.u32 v3, $0x17;
	v3 =	vsub.f32 $1.000000000e+00, v3  }
0x30e: {  	v10 =	vadd.s32 $0xFFFFFF81, v10;
	v8 =	vmul.f32 v11, v8;
	v11 =	vand.u32 $0x7FFFFF, v5  }
0x30f: {  	v7 =	vadd.f32 $3.029478310e+00, v7;
	v2 =	vmul.f32 v6, v2;
	v11 =	vor.u32 $0x3F800000, v11  }
0x310: {  	v6 =	vsel vm0, $0xBF051592, v0;
	v10 =	vcvt.s32.f32 v10;
	v13 =	vmul.f32 $1.554458590e-01, v11;
	v12 =	vpop (erf)  }
0x311: {  	vm0 =	vmmov vm3;
	v7 =	vmul.f32 v9, v7;
	v12 =	vmax.f32 v12, $9.999999740e-05  }
0x312: {  	v6 =	vmul.f32 v3, v6;
	v9 =	vadd.f32 $-1.039258120e+00, v13;
	v16 =	vand.u32 $0x7FFFFF, v12  }
0x313: {  	v8 =	vadd.f32 $-2.144940610e+00, v8;
	v7 =	vadd.f32 $-2.144940610e+00, v7;
	v13 =	vor.u32 $0x3F800000, v16  }
0x314: {  	v14 =	vsel vm0, $0xBF051592, v0;
	v9 =	vmul.f32 v11, v9;
	v16 =	vmul.f32 $1.554458590e-01, v13  }
0x315: {  	v3 =	vmul.f32 v6, v3;
	v8 =	vadd.f32 v10, v8;
	v6 =	vadd.f32 v15, v7  }
0x316: {  	v10 =	vmul.f32 v4, v14;
	v7 =	vadd.f32 $3.029478310e+00, v9;
	v14 =	vadd.f32 $-1.039258120e+00, v16;
	_ =	sdelay $0x1  }
0x317: {  	vm0 =	vmmov vm4;
	v7 =	vmul.f32 v11, v7;
	v9 =	vmul.f32 v13, v14  }
0x318: {  	v4 =	vmul.f32 v10, v4;
	v10 =	vsel vm0, $0xBF051592, v0;
	vm0 =	vmmov vm5  }
0x319: {  	v7 =	vadd.f32 $-2.144940610e+00, v7;
	v14 =	vshrl.u32 v5, $0x17;
	v9 =	vadd.f32 $3.029478310e+00, v9  }
0x31a: {  	v5 =	vsub.f32 $1.000000000e+00, v5;
	v11 =	vadd.s32 $0xFFFFFF81, v14;
	v14 =	vshrl.u32 v12, $0x17  }
0x31b: {  	v12 =	vsub.f32 $1.000000000e+00, v12;
	v11 =	vcvt.s32.f32 v11;
	v9 =	vmul.f32 v13, v9  }
0x31c: {  	v10 =	vmul.f32 v5, v10;
	v14 =	vadd.s32 $0xFFFFFF81, v14;
	v13 =	vsel vm0, $0xBF051592, v0  }
0x31d: {  	v14 =	vcvt.s32.f32 v14;
	v13 =	vmul.f32 v12, v13;
	v9 =	vadd.f32 $-2.144940610e+00, v9  }
0x31e: {  	[tilespmem:s20+$0xA870] =	vst v1;
	v1 =	vmul.f32 v8, v3;
	v3 =	vadd.f32 v11, v7;
	v5 =	vmul.f32 v10, v5  }
0x31f: {  	[tilespmem:s21+$0xA870] =	vst v2;
	v2 =	vmul.f32 v6, v4;
	v6 =	vmul.f32 v13, v12;
	v4 =	vadd.f32 v14, v9  }
0x320: {  	[tilespmem:s22+$0xA870] =	vst v1;
	v1 =	vmul.f32 v3, v5  }
0x321: {  	[tilespmem:s23+$0xA870] =	vst v2;
	v2 =	vmul.f32 v4, v6  }
0x322: {  	[tilespmem:s24+$0xA870] =	vst v1  }
0x323: {  	s0 =	simm.s32 $0x0;
	[tilespmem:s29+$0xA870] =	vst v2  }
0x324: {  	[hbm4b:s7+s0] =	stream.linear.scatter [tilespmem:s14], [sflag:$0x3], $0x1C00, $0x38;
	[tilespmem:$0xE000] =	vst v63  }
0x325: {  	_ =	swait.ge [sflag:s15], $0x3800  }
0x326: {  	[sflag:s15] =	ssyncset.done $0x0  }
0x327: {  	[sflag:s15] =	ssyncadd.s32 $0xFFFFC800  }
0x328: {  	_ =	swait.ge [sflag:s15], $0x1C00  }
0x329: {  	[sflag:s15] =	ssyncset.done $0x0  }
0x32a: {  	s1 =	simm.s32 $0x3880;
	[sflag:s15] =	ssyncadd.s32 $0xFFFFE400  }
0x32b: {  	v1 =	vld [tilespmem:s1+$0xFFFFFF80]  }
0x32c: {  	v2 =	vld [tilespmem:s1+$0x0];
	_ =	sdelay $0x1  }
0x32d: {  	s20 =	simm.s32 $0x0  }
0x32e: {  	v3 =	vld [tilespmem:s20+$0x8C00];
	_ =	sdelay $0x1  }
0x32f: {  	v1 =	vsub.f32 v2, v1;
	_ =	sdelay $0x1  }
0x330: {  	v2 =	vsub.f32 $0.0e+00, v1  }
0x331: {  	vm0 =	veq.s32 v3, $0x1  }
0x332: {  	v1 =	vsel vm0, v1, v2  }
0x333: {  	v1 =	vsub.f32 $0.0e+00, v1;
	_ =	sdelay $0x1  }
0x334: {  	v1 =	vmul.f32 $1.442695020e+00, v1;
	_ =	sdelay $0x1  }
0x335: {  	(erf) = vpow2.f32 v1;
	_ =	sdelay $0x8  }
0x336: {  	v1 =	vpop (erf)  }
0x337: {  	v1 =	vadd.f32 $1.000000000e+00, v1;
	_ =	sdelay $0x1  }
0x338: {  	(erf) = vrcp.f32 v1;
	_ =	sdelay $0x8  }
0x339: {  	v1 =	vpop (erf)  }
0x33a: {  	v1 =	vmax.f32 v1, $9.999999740e-05  }
0x33b: {  	v2 =	vand.u32 $0x7FFFFF, v1  }
0x33c: {  	v2 =	vor.u32 $0x3F800000, v2  }
0x33d: {  	v3 =	vmul.f32 $1.554458590e-01, v2;
	_ =	sdelay $0x1  }
0x33e: {  	v3 =	vadd.f32 $-1.039258120e+00, v3;
	_ =	sdelay $0x1  }
0x33f: {  	v3 =	vmul.f32 v2, v3;
	_ =	sdelay $0x1  }
0x340: {  	v3 =	vadd.f32 $3.029478310e+00, v3;
	_ =	sdelay $0x1  }
0x341: {  	v4 =	vshrl.u32 v1, $0x17;
	v1 =	vsub.f32 $1.000000000e+00, v1;
	v2 =	vmul.f32 v2, v3  }
0x342: {  	v3 =	vadd.s32 $0xFFFFFF81, v4;
	v4 =	vsel vm0, $0xBF051592, v0  }
0x343: {  	v4 =	vmul.f32 v1, v4;
	v3 =	vcvt.s32.f32 v3;
	v2 =	vadd.f32 $-2.144940610e+00, v2;
	_ =	sdelay $0x1  }
0x344: {  	v1 =	vmul.f32 v4, v1;
	v2 =	vadd.f32 v3, v2  }
0x345: {  	s30 =	simm.s32 $0x3980  }
0x346: {  	v3 =	vld [tilespmem:s30+$0x0];
	v1 =	vmul.f32 v2, v1  }
0x347: {  	s21 =	simm.s32 $0x80;
	v2 =	vld [tilespmem:s30+$0xFFFFFF80]  }
0x348: {  	v5 =	vld [tilespmem:s21+$0x8C00];
	[tilespmem:s20+$0xC400] =	vst v1  }
0x349: {  	v1 =	vld [tilespmem:s1+$0xFFFFFF90]  }
0x34a: {  	v4 =	vld [tilespmem:s1+$0x10];
	_ =	sdelay $0x1  }
0x34b: {  	v2 =	vsub.f32 v3, v2  }
0x34c: {  	v6 =	vld [tilespmem:s20+$0x8C10]  }
0x34d: {  	v3 =	vsub.f32 $0.0e+00, v2  }
0x34e: {  	vm1 =	veq.s32 v5, $0x1;
	v1 =	vsub.f32 v4, v1  }
0x34f: {  	v2 =	vsel vm1, v2, v3  }
0x350: {  	v4 =	vsub.f32 $0.0e+00, v1;
	v2 =	vsub.f32 $0.0e+00, v2  }
0x351: {  	vm0 =	veq.s32 v6, $0x1  }
0x352: {  	v1 =	vsel vm0, v1, v4;
	v2 =	vmul.f32 $1.442695020e+00, v2  }
0x353: {  	v1 =	vsub.f32 $0.0e+00, v1  }
0x354: {  	(erf) = vpow2.f32 v2  }
0x355: {  	v1 =	vmul.f32 $1.442695020e+00, v1;
	_ =	sdelay $0x1  }
0x356: {  	(erf) = vpow2.f32 v1;
	_ =	sdelay $0x5  }
0x357: {  	v1 =	vpop (erf)  }
0x358: {  	v1 =	vadd.f32 $1.000000000e+00, v1;
	_ =	sdelay $0x1  }
0x359: {  	v2 =	vpop (erf);
	(erf) = vrcp.f32 v1  }
0x35a: {  	v2 =	vadd.f32 $1.000000000e+00, v2;
	_ =	sdelay $0x1  }
0x35b: {  	(erf) = vrcp.f32 v2;
	_ =	sdelay $0x5  }
0x35c: {  	v1 =	vpop (erf)  }
0x35d: {  	v1 =	vmax.f32 v1, $9.999999740e-05  }
0x35e: {  	v3 =	vand.u32 $0x7FFFFF, v1  }
0x35f: {  	v2 =	vpop (erf);
	v3 =	vor.u32 $0x3F800000, v3  }
0x360: {  	v2 =	vmax.f32 v2, $9.999999740e-05;
	v5 =	vmul.f32 $1.554458590e-01, v3  }
0x361: {  	v4 =	vand.u32 $0x7FFFFF, v2  }
0x362: {  	v4 =	vor.u32 $0x3F800000, v4;
	v5 =	vadd.f32 $-1.039258120e+00, v5  }
0x363: {  	v6 =	vmul.f32 $1.554458590e-01, v4  }
0x364: {  	v5 =	vmul.f32 v3, v5  }
0x365: {  	v6 =	vadd.f32 $-1.039258120e+00, v6  }
0x366: {  	v7 =	vsub.f32 $1.000000000e+00, v1;
	v5 =	vadd.f32 $3.029478310e+00, v5  }
0x367: {  	v8 =	vsel vm1, $0xBF051592, v0;
	v6 =	vmul.f32 v4, v6  }
0x368: {  	v1 =	vshrl.u32 v1, $0x17;
	v8 =	vmul.f32 v7, v8;
	v3 =	vmul.f32 v3, v5  }
0x369: {  	v1 =	vadd.s32 $0xFFFFFF81, v1;
	v6 =	vadd.f32 $3.029478310e+00, v6  }
0x36a: {  	v1 =	vcvt.s32.f32 v1;
	v7 =	vmul.f32 v8, v7;
	v3 =	vadd.f32 $-2.144940610e+00, v3  }
0x36b: {  	v4 =	vmul.f32 v4, v6;
	v6 =	vsub.f32 $1.000000000e+00, v2;
	v2 =	vshrl.u32 v2, $0x17  }
0x36c: {  	v5 =	vsel vm0, $0xBF051592, v0;
	v2 =	vadd.s32 $0xFFFFFF81, v2;
	v1 =	vadd.f32 v1, v3  }
0x36d: {  	v4 =	vadd.f32 $-2.144940610e+00, v4;
	v5 =	vmul.f32 v6, v5;
	v2 =	vcvt.s32.f32 v2;
	_ =	sdelay $0x1  }
0x36e: {  	s26 =	simm.s32 $0x3A80;
	v1 =	vmul.f32 v1, v7;
	v3 =	vmul.f32 v5, v6;
	v2 =	vadd.f32 v2, v4  }
0x36f: {  	v4 =	vld [tilespmem:s26+$0xFFFFFF80]  }
0x370: {  	v5 =	vld [tilespmem:s26+$0x0];
	[tilespmem:s21+$0xC400] =	vst v1;
	v2 =	vmul.f32 v2, v3  }
0x371: {  	v1 =	vld [tilespmem:s30+$0xFFFFFF90]  }
0x372: {  	v3 =	vld [tilespmem:s30+$0x10];
	[tilespmem:s20+$0xC410] =	vst v2  }
0x373: {  	v2 =	vld [tilespmem:s1+$0xFFFFFFA0]  }
0x374: {  	s22 =	simm.s32 $0x100;
	v6 =	vld [tilespmem:s1+$0x20]  }
0x375: {  	v7 =	vld [tilespmem:s22+$0x8C00]  }
0x376: {  	v8 =	vld [tilespmem:s21+$0x8C10]  }
0x377: {  	v4 =	vsub.f32 v5, v4;
	v5 =	vld [tilespmem:s20+$0x8C20]  }
0x378: {  	v1 =	vsub.f32 v3, v1  }
0x379: {  	v3 =	vsub.f32 $0.0e+00, v4;
	v2 =	vsub.f32 v6, v2  }
0x37a: {  	vm2 =	veq.s32 v7, $0x1;
	v6 =	vsub.f32 $0.0e+00, v1  }
0x37b: {  	vm1 =	veq.s32 v8, $0x1;
	v3 =	vsel vm2, v4, v3;
	v4 =	vsub.f32 $0.0e+00, v2  }
0x37c: {  	v3 =	vsub.f32 $0.0e+00, v3;
	vm0 =	veq.s32 v5, $0x1;
	v1 =	vsel vm1, v1, v6  }
0x37d: {  	v1 =	vsub.f32 $0.0e+00, v1;
	v2 =	vsel vm0, v2, v4  }
0x37e: {  	v3 =	vmul.f32 $1.442695020e+00, v3;
	v2 =	vsub.f32 $0.0e+00, v2  }
0x37f: {  	v1 =	vmul.f32 $1.442695020e+00, v1  }
0x380: {  	(erf) = vpow2.f32 v3;
	v2 =	vmul.f32 $1.442695020e+00, v2  }
0x381: {  	(erf) = vpow2.f32 v1  }
0x382: {  	(erf) = vpow2.f32 v2;
	_ =	sdelay $0x6  }
0x383: {  	v1 =	vpop (erf)  }
0x384: {  	v1 =	vadd.f32 $1.000000000e+00, v1;
	v2 =	vpop (erf)  }
0x385: {  	v2 =	vadd.f32 $1.000000000e+00, v2;
	v3 =	vpop (erf)  }
0x386: {  	(erf) = vrcp.f32 v1;
	v1 =	vadd.f32 $1.000000000e+00, v3  }
0x387: {  	(erf) = vrcp.f32 v2  }
0x388: {  	(erf) = vrcp.f32 v1;
	_ =	sdelay $0x6  }
0x389: {  	v1 =	vpop (erf)  }
0x38a: {  	v2 =	vpop (erf)  }
0x38b: {  	v3 =	vpop (erf)  }
0x38c: {  	v3 =	vmax.f32 v3, $9.999999740e-05  }
0x38d: {  	v4 =	vand.u32 $0x7FFFFF, v3  }
0x38e: {  	v4 =	vor.u32 $0x3F800000, v4  }
0x38f: {  	v5 =	vmul.f32 $1.554458590e-01, v4;
	_ =	sdelay $0x1  }
0x390: {  	v5 =	vadd.f32 $-1.039258120e+00, v5;
	_ =	sdelay $0x1  }
0x391: {  	v5 =	vmul.f32 v4, v5;
	_ =	sdelay $0x1  }
0x392: {  	v5 =	vadd.f32 $3.029478310e+00, v5;
	_ =	sdelay $0x1  }
0x393: {  	v6 =	vsub.f32 $1.000000000e+00, v3;
	v3 =	vshrl.u32 v3, $0x17;
	v4 =	vmul.f32 v4, v5  }
0x394: {  	v3 =	vadd.s32 $0xFFFFFF81, v3;
	v5 =	vsel vm0, $0xBF051592, v0  }
0x395: {  	v3 =	vcvt.s32.f32 v3;
	v5 =	vmul.f32 v6, v5;
	v4 =	vadd.f32 $-2.144940610e+00, v4;
	_ =	sdelay $0x1  }
0x396: {  	v5 =	vmul.f32 v5, v6;
	v3 =	vadd.f32 v3, v4;
	_ =	sdelay $0x1  }
0x397: {  	v1 =	vmax.f32 v1, $9.999999740e-05;
	v3 =	vmul.f32 v3, v5  }
0x398: {  	v2 =	vmax.f32 v2, $9.999999740e-05;
	v4 =	vld [tilespmem:s20+$0x8C30];
	v5 =	vand.u32 $0x7FFFFF, v1  }
0x399: {  	[tilespmem:s20+$0xC420] =	vst v3;
	v3 =	vor.u32 $0x3F800000, v5;
	v5 =	vand.u32 $0x7FFFFF, v2  }
0x39a: {  	v6 =	vld [tilespmem:s1+$0xFFFFFFB0];
	v7 =	vmul.f32 $1.554458590e-01, v3;
	v5 =	vor.u32 $0x3F800000, v5  }
0x39b: {  	v8 =	vld [tilespmem:s1+$0x30];
	v9 =	vmul.f32 $1.554458590e-01, v5  }
0x39c: {  	v7 =	vadd.f32 $-1.039258120e+00, v7  }
0x39d: {  	vm0 =	veq.s32 v4, $0x1;
	v4 =	vadd.f32 $-1.039258120e+00, v9  }
0x39e: {  	v11 =	vsel vm1, $0xBF051592, v0;
	v7 =	vmul.f32 v3, v7  }
0x39f: {  	v9 =	vshrl.u32 v1, $0x17;
	v1 =	vsub.f32 $1.000000000e+00, v1;
	v4 =	vmul.f32 v5, v4  }
0x3a0: {  	v10 =	vsel vm2, $0xBF051592, v0;
	v6 =	vsub.f32 v8, v6;
	v7 =	vadd.f32 $3.029478310e+00, v7  }
0x3a1: {  	v8 =	vadd.s32 $0xFFFFFF81, v9;
	v9 =	vmul.f32 v1, v10;
	v4 =	vadd.f32 $3.029478310e+00, v4  }
0x3a2: {  	v8 =	vcvt.s32.f32 v8;
	v10 =	vsub.f32 $0.0e+00, v6;
	v3 =	vmul.f32 v3, v7  }
0x3a3: {  	v1 =	vmul.f32 v9, v1;
	v4 =	vmul.f32 v5, v4;
	v5 =	vsub.f32 $1.000000000e+00, v2  }
0x3a4: {  	s25 =	simm.s32 $0x3B80;
	v6 =	vsel vm0, v6, v10;
	v2 =	vshrl.u32 v2, $0x17;
	v3 =	vadd.f32 $-2.144940610e+00, v3  }
0x3a5: {  	v7 =	vld [tilespmem:s25+$0xFFFFFF80];
	v6 =	vsub.f32 $0.0e+00, v6;
	v2 =	vadd.s32 $0xFFFFFF81, v2;
	v4 =	vadd.f32 $-2.144940610e+00, v4  }
0x3a6: {  	v10 =	vld [tilespmem:s25+$0x0];
	v9 =	vmul.f32 v5, v11;
	v2 =	vcvt.s32.f32 v2;
	v3 =	vadd.f32 v8, v3  }
0x3a7: {  	v6 =	vmul.f32 $1.442695020e+00, v6  }
0x3a8: {  	s23 =	simm.s32 $0x180;
	v5 =	vmul.f32 v9, v5;
	v2 =	vadd.f32 v2, v4;
	v1 =	vmul.f32 v3, v1  }
0x3a9: {  	v3 =	vld [tilespmem:s23+$0x8C00];
	(erf) = vpow2.f32 v6  }
0x3aa: {  	v2 =	vmul.f32 v2, v5;
	[tilespmem:s22+$0xC400] =	vst v1  }
0x3ab: {  	v1 =	vsub.f32 v10, v7;
	v4 =	vld [tilespmem:s26+$0xFFFFFF90]  }
0x3ac: {  	v5 =	vld [tilespmem:s26+$0x10];
	[tilespmem:s21+$0xC410] =	vst v2  }
0x3ad: {  	v2 =	vsub.f32 $0.0e+00, v1;
	v6 =	vld [tilespmem:s30+$0xFFFFFFA0]  }
0x3ae: {  	vm2 =	veq.s32 v3, $0x1;
	v3 =	vld [tilespmem:s30+$0x20]  }
0x3af: {  	v1 =	vsel vm2, v1, v2  }
0x3b0: {  	v2 =	vld [tilespmem:s22+$0x8C10];
	v1 =	vsub.f32 $0.0e+00, v1  }
0x3b1: {  	v7 =	vld [tilespmem:s21+$0x8C20]  }
0x3b2: {  	v4 =	vsub.f32 v5, v4;
	v1 =	vmul.f32 $1.442695020e+00, v1;
	v8 =	vpop (erf)  }
0x3b3: {  	v5 =	vadd.f32 $1.000000000e+00, v8;
	v3 =	vsub.f32 v3, v6  }
0x3b4: {  	(erf) = vpow2.f32 v1;
	v1 =	vsub.f32 $0.0e+00, v4  }
0x3b5: {  	vm3 =	veq.s32 v2, $0x1;
	(erf) = vrcp.f32 v5;
	v2 =	vsub.f32 $0.0e+00, v3  }
0x3b6: {  	vm4 =	veq.s32 v7, $0x1;
	v1 =	vsel vm3, v4, v1  }
0x3b7: {  	v1 =	vsub.f32 $0.0e+00, v1;
	v2 =	vsel vm4, v3, v2  }
0x3b8: {  	v2 =	vsub.f32 $0.0e+00, v2  }
0x3b9: {  	v1 =	vmul.f32 $1.442695020e+00, v1  }
0x3ba: {  	v2 =	vmul.f32 $1.442695020e+00, v2;
	_ =	sdelay $0x1  }
0x3bb: {  	(erf) = vpow2.f32 v1  }
0x3bc: {  	(erf) = vpow2.f32 v2;
	v1 =	vpop (erf)  }
0x3bd: {  	v2 =	vpop (erf)  }
0x3be: {  	v2 =	vmax.f32 v2, $9.999999740e-05  }
0x3bf: {  	v3 =	vand.u32 $0x7FFFFF, v2  }
0x3c0: {  	v3 =	vor.u32 $0x3F800000, v3  }
0x3c1: {  	v4 =	vmul.f32 $1.554458590e-01, v3;
	_ =	sdelay $0x1  }
0x3c2: {  	v4 =	vadd.f32 $-1.039258120e+00, v4  }
0x3c3: {  	v1 =	vadd.f32 $1.000000000e+00, v1;
	v5 =	vpop (erf)  }
0x3c4: {  	v5 =	vadd.f32 $1.000000000e+00, v5;
	v6 =	vpop (erf);
	v4 =	vmul.f32 v3, v4  }
0x3c5: {  	(erf) = vrcp.f32 v1;
	v1 =	vadd.f32 $1.000000000e+00, v6  }
0x3c6: {  	(erf) = vrcp.f32 v5;
	v4 =	vadd.f32 $3.029478310e+00, v4  }
0x3c7: {  	(erf) = vrcp.f32 v1  }
0x3c8: {  	v1 =	vsub.f32 $1.000000000e+00, v2;
	v2 =	vshrl.u32 v2, $0x17;
	v3 =	vmul.f32 v3, v4  }
0x3c9: {  	v2 =	vadd.s32 $0xFFFFFF81, v2;
	v4 =	vsel vm0, $0xBF051592, v0  }
0x3ca: {  	v2 =	vcvt.s32.f32 v2;
	v4 =	vmul.f32 v1, v4;
	v3 =	vadd.f32 $-2.144940610e+00, v3;
	_ =	sdelay $0x1  }
0x3cb: {  	v1 =	vmul.f32 v4, v1;
	v2 =	vadd.f32 v2, v3;
	_ =	sdelay $0x1  }
0x3cc: {  	v3 =	vpop (erf);
	v1 =	vmul.f32 v2, v1  }
0x3cd: {  	v4 =	vpop (erf)  }
0x3ce: {  	v5 =	vpop (erf);
	[tilespmem:s20+$0xC430] =	vst v1  }
0x3cf: {  	v1 =	vmax.f32 v5, $9.999999740e-05;
	v5 =	vld [tilespmem:s1+$0xFFFFFFC0]  }
0x3d0: {  	v7 =	vld [tilespmem:s1+$0x40];
	v6 =	vand.u32 $0x7FFFFF, v1  }
0x3d1: {  	v6 =	vor.u32 $0x3F800000, v6  }
0x3d2: {  	v2 =	vld [tilespmem:s20+$0x8C40];
	v8 =	vmul.f32 $1.554458590e-01, v6;
	_ =	sdelay $0x1  }
0x3d3: {  	v8 =	vadd.f32 $-1.039258120e+00, v8  }
0x3d4: {  	v5 =	vsub.f32 v7, v5  }
0x3d5: {  	v7 =	vmul.f32 v6, v8  }
0x3d6: {  	v3 =	vmax.f32 v3, $9.999999740e-05;
	vm1 =	veq.s32 v2, $0x1;
	v2 =	vsub.f32 $0.0e+00, v5  }
0x3d7: {  	v9 =	vand.u32 $0x7FFFFF, v3;
	v7 =	vadd.f32 $3.029478310e+00, v7  }
0x3d8: {  	v10 =	vsub.f32 $1.000000000e+00, v1;
	v1 =	vshrl.u32 v1, $0x17;
	v2 =	vsel vm1, v5, v2  }
0x3d9: {  	v1 =	vadd.s32 $0xFFFFFF81, v1;
	v2 =	vsub.f32 $0.0e+00, v2;
	v5 =	vmul.f32 v6, v7  }
0x3da: {  	v1 =	vcvt.s32.f32 v1;
	v8 =	vsel vm4, $0xBF051592, v0;
	v6 =	vor.u32 $0x3F800000, v9  }
0x3db: {  	v7 =	vmul.f32 v10, v8;
	v2 =	vmul.f32 $1.442695020e+00, v2;
	v5 =	vadd.f32 $-2.144940610e+00, v5  }
0x3dc: {  	v4 =	vmax.f32 v4, $9.999999740e-05;
	v8 =	vmul.f32 $1.554458590e-01, v6  }
0x3dd: {  	v7 =	vmul.f32 v7, v10;
	(erf) = vpow2.f32 v2;
	v1 =	vadd.f32 v1, v5  }
0x3de: {  	v2 =	vld [tilespmem:s21+$0x8C30];
	v5 =	vand.u32 $0x7FFFFF, v4  }
0x3df: {  	v8 =	vadd.f32 $-1.039258120e+00, v8;
	v5 =	vor.u32 $0x3F800000, v5;
	v1 =	vmul.f32 v1, v7  }
0x3e0: {  	v7 =	vmul.f32 $1.554458590e-01, v5  }
0x3e1: {  	v8 =	vmul.f32 v6, v8;
	[tilespmem:s21+$0xC420] =	vst v1  }
0x3e2: {  	v1 =	vadd.f32 $-1.039258120e+00, v7;
	v7 =	vld [tilespmem:s30+$0xFFFFFFB0]  }
0x3e3: {  	v8 =	vadd.f32 $3.029478310e+00, v8;
	vm0 =	veq.s32 v2, $0x1;
	v2 =	vsub.f32 $1.000000000e+00, v3;
	v9 =	vld [tilespmem:s30+$0x30]  }
0x3e4: {  	v10 =	vsel vm2, $0xBF051592, v0;
	v3 =	vshrl.u32 v3, $0x17;
	v1 =	vmul.f32 v5, v1  }
0x3e5: {  	v3 =	vadd.s32 $0xFFFFFF81, v3;
	v6 =	vmul.f32 v6, v8;
	v10 =	vmul.f32 v2, v10  }
0x3e6: {  	v8 =	vsel vm3, $0xBF051592, v0;
	v3 =	vcvt.s32.f32 v3;
	v1 =	vadd.f32 $3.029478310e+00, v1;
	v11 =	vpop (erf)  }
0x3e7: {  	v6 =	vadd.f32 $-2.144940610e+00, v6;
	v2 =	vmul.f32 v10, v2;
	v10 =	vadd.f32 $1.000000000e+00, v11  }
0x3e8: {  	v1 =	vmul.f32 v5, v1;
	v5 =	vsub.f32 $1.000000000e+00, v4;
	v7 =	vsub.f32 v9, v7  }
0x3e9: {  	v3 =	vadd.f32 v3, v6;
	v4 =	vshrl.u32 v4, $0x17;
	(erf) = vrcp.f32 v10  }
0x3ea: {  	v4 =	vadd.s32 $0xFFFFFF81, v4;
	v6 =	vmul.f32 v5, v8;
	v8 =	vsub.f32 $0.0e+00, v7  }
0x3eb: {  	s28 =	simm.s32 $0x3C80;
	v2 =	vmul.f32 v3, v2;
	v1 =	vadd.f32 $-2.144940610e+00, v1;
	v4 =	vcvt.s32.f32 v4  }
0x3ec: {  	v3 =	vld [tilespmem:s28+$0xFFFFFF80];
	v7 =	vsel vm0, v7, v8  }
0x3ed: {  	[tilespmem:s23+$0xC400] =	vst v2;
	v5 =	vmul.f32 v6, v5;
	v1 =	vadd.f32 v4, v1;
	v4 =	vld [tilespmem:s28+$0x0];
	v2 =	vsub.f32 $0.0e+00, v7  }
0x3ee: {  	s24 =	simm.s32 $0x200;
	v6 =	vld [tilespmem:s25+$0xFFFFFF90]  }
0x3ef: {  	v7 =	vld [tilespmem:s24+$0x8C00];
	v1 =	vmul.f32 v1, v5;
	v2 =	vmul.f32 $1.442695020e+00, v2  }
0x3f0: {  	v5 =	vld [tilespmem:s25+$0x10]  }
0x3f1: {  	[tilespmem:s22+$0xC410] =	vst v1;
	(erf) = vpow2.f32 v2  }
0x3f2: {  	v1 =	vsub.f32 v4, v3;
	v2 =	vld [tilespmem:s26+$0xFFFFFFA0];
	v3 =	vpop (erf)  }
0x3f3: {  	v4 =	vld [tilespmem:s26+$0x20];
	v3 =	vmax.f32 v3, $9.999999740e-05  }
0x3f4: {  	v8 =	vld [tilespmem:s23+$0x8C10];
	v9 =	vsub.f32 $0.0e+00, v1;
	v10 =	vand.u32 $0x7FFFFF, v3  }
0x3f5: {  	vm3 =	veq.s32 v7, $0x1;
	v5 =	vsub.f32 v5, v6;
	v6 =	vor.u32 $0x3F800000, v10  }
0x3f6: {  	v1 =	vsel vm3, v1, v9;
	v9 =	vmul.f32 $1.554458590e-01, v6  }
0x3f7: {  	v7 =	vld [tilespmem:s22+$0x8C20];
	v1 =	vsub.f32 $0.0e+00, v1  }
0x3f8: {  	v10 =	vsub.f32 $0.0e+00, v5;
	v2 =	vsub.f32 v4, v2  }
0x3f9: {  	vm2 =	veq.s32 v8, $0x1;
	v4 =	vadd.f32 $-1.039258120e+00, v9;
	v1 =	vmul.f32 $1.442695020e+00, v1  }
0x3fa: {  	v5 =	vsel vm2, v5, v10;
	v8 =	vsub.f32 $0.0e+00, v2;
	v9 =	vpop (erf)  }
0x3fb: {  	v4 =	vmul.f32 v6, v4;
	(erf) = vpow2.f32 v1;
	v1 =	vadd.f32 $1.000000000e+00, v9  }
0x3fc: {  	vm4 =	veq.s32 v7, $0x1;
	v5 =	vsub.f32 $0.0e+00, v5  }
0x3fd: {  	v2 =	vsel vm4, v2, v8;
	v4 =	vadd.f32 $3.029478310e+00, v4;
	(erf) = vrcp.f32 v1  }
0x3fe: {  	v7 =	vsel vm1, $0xBF051592, v0;
	v5 =	vmul.f32 $1.442695020e+00, v5;
	v2 =	vsub.f32 $0.0e+00, v2  }
0x3ff: {  	v1 =	vshrl.u32 v3, $0x17;
	v3 =	vsub.f32 $1.000000000e+00, v3;
	v4 =	vmul.f32 v6, v4  }
0x400: {  	v2 =	vmul.f32 $1.442695020e+00, v2;
	(erf) = vpow2.f32 v5;
	v1 =	vadd.s32 $0xFFFFFF81, v1  }
0x401: {  	v1 =	vcvt.s32.f32 v1;
	v5 =	vmul.f32 v3, v7;
	v4 =	vadd.f32 $-2.144940610e+00, v4  }
0x402: {  	(erf) = vpow2.f32 v2  }
0x403: {  	v2 =	vmul.f32 v5, v3;
	v1 =	vadd.f32 v1, v4;
	_ =	sdelay $0x1  }
0x404: {  	v3 =	vpop (erf);
	v1 =	vmul.f32 v1, v2  }
0x405: {  	v4 =	vpop (erf)  }
0x406: {  	[tilespmem:s20+$0xC440] =	vst v1;
	v1 =	vmax.f32 v4, $9.999999740e-05  }
0x407: {  	v4 =	vld [tilespmem:s1+$0xFFFFFFD0];
	v5 =	vand.u32 $0x7FFFFF, v1  }
0x408: {  	v6 =	vld [tilespmem:s1+$0x50];
	v5 =	vor.u32 $0x3F800000, v5  }
0x409: {  	v3 =	vadd.f32 $1.000000000e+00, v3;
	v7 =	vpop (erf);
	v8 =	vmul.f32 $1.554458590e-01, v5  }
0x40a: {  	v2 =	vld [tilespmem:s20+$0x8C50];
	v7 =	vadd.f32 $1.000000000e+00, v7;
	v9 =	vpop (erf)  }
0x40b: {  	(erf) = vrcp.f32 v3;
	v3 =	vadd.f32 $1.000000000e+00, v9;
	v8 =	vadd.f32 $-1.039258120e+00, v8  }
0x40c: {  	(erf) = vrcp.f32 v7  }
0x40d: {  	(erf) = vrcp.f32 v3;
	v3 =	vsub.f32 v6, v4;
	v4 =	vmul.f32 v5, v8;
	_ =	sdelay $0x1  }
0x40e: {  	vm1 =	veq.s32 v2, $0x1;
	v2 =	vadd.f32 $3.029478310e+00, v4  }
0x40f: {  	v7 =	vsub.f32 $1.000000000e+00, v1;
	v1 =	vshrl.u32 v1, $0x17;
	v6 =	vsub.f32 $0.0e+00, v3  }
0x410: {  	v1 =	vadd.s32 $0xFFFFFF81, v1;
	v2 =	vmul.f32 v5, v2  }
0x411: {  	v1 =	vcvt.s32.f32 v1;
	v4 =	vsel vm0, $0xBF051592, v0;
	v3 =	vsel vm1, v3, v6  }
0x412: {  	v3 =	vsub.f32 $0.0e+00, v3;
	v4 =	vmul.f32 v7, v4;
	v2 =	vadd.f32 $-2.144940610e+00, v2;
	_ =	sdelay $0x1  }
0x413: {  	v3 =	vmul.f32 $1.442695020e+00, v3;
	v4 =	vmul.f32 v4, v7;
	v1 =	vadd.f32 v1, v2  }
0x414: {  	v5 =	vpop (erf)  }
0x415: {  	v6 =	vpop (erf);
	(erf) = vpow2.f32 v3;
	v1 =	vmul.f32 v1, v4  }
0x416: {  	v2 =	vpop (erf)  }
0x417: {  	v2 =	vmax.f32 v2, $9.999999740e-05;
	[tilespmem:s21+$0xC430] =	vst v1  }
0x418: {  	v3 =	vand.u32 $0x7FFFFF, v2;
	v7 =	vld [tilespmem:s30+$0xFFFFFFC0]  }
0x419: {  	v3 =	vor.u32 $0x3F800000, v3;
	v8 =	vld [tilespmem:s30+$0x40]  }
0x41a: {  	v1 =	vmul.f32 $1.554458590e-01, v3;
	_ =	sdelay $0x1  }
0x41b: {  	v4 =	vld [tilespmem:s21+$0x8C40];
	v1 =	vadd.f32 $-1.039258120e+00, v1  }
0x41c: {  	v5 =	vmax.f32 v5, $9.999999740e-05  }
0x41d: {  	v9 =	vand.u32 $0x7FFFFF, v5;
	v10 =	vpop (erf);
	v1 =	vmul.f32 v3, v1;
	v7 =	vsub.f32 v8, v7  }
0x41e: {  	v6 =	vmax.f32 v6, $9.999999740e-05;
	v11 =	vsub.f32 $1.000000000e+00, v2;
	v10 =	vadd.f32 $1.000000000e+00, v10  }
0x41f: {  	v9 =	vor.u32 $0x3F800000, v9;
	v1 =	vadd.f32 $3.029478310e+00, v1;
	v8 =	vsub.f32 $0.0e+00, v7  }
0x420: {  	v2 =	vshrl.u32 v2, $0x17;
	vm0 =	veq.s32 v4, $0x1;
	v4 =	vsel vm4, $0xBF051592, v0  }
0x421: {  	(erf) = vrcp.f32 v10;
	v1 =	vmul.f32 v3, v1;
	v7 =	vsel vm0, v7, v8  }
0x422: {  	v2 =	vadd.s32 $0xFFFFFF81, v2;
	v4 =	vmul.f32 v11, v4;
	v7 =	vsub.f32 $0.0e+00, v7  }
0x423: {  	v12 =	vmul.f32 $1.554458590e-01, v9;
	v2 =	vcvt.s32.f32 v2;
	v10 =	vld [tilespmem:s22+$0x8C30];
	v1 =	vadd.f32 $-2.144940610e+00, v1  }
0x424: {  	v4 =	vmul.f32 v4, v11;
	v3 =	vand.u32 $0x7FFFFF, v6;
	v7 =	vmul.f32 $1.442695020e+00, v7  }
0x425: {  	v8 =	vadd.f32 $-1.039258120e+00, v12;
	v3 =	vor.u32 $0x3F800000, v3;
	v1 =	vadd.f32 v2, v1  }
0x426: {  	v2 =	vmul.f32 $1.554458590e-01, v3;
	(erf) = vpow2.f32 v7  }
0x427: {  	v7 =	vmul.f32 v9, v8;
	v1 =	vmul.f32 v1, v4  }
0x428: {  	v4 =	vsel vm1, $0xBF051592, v0;
	vm1 =	veq.s32 v10, $0x1  }
0x429: {  	v10 =	vshrl.u32 v5, $0x17;
	v2 =	vadd.f32 $-1.039258120e+00, v2;
	v7 =	vadd.f32 $3.029478310e+00, v7;
	[tilespmem:s22+$0xC420] =	vst v1  }
0x42a: {  	v8 =	vsel vm3, $0xBF051592, v0;
	v11 =	vpop (erf);
	v1 =	vsub.f32 $1.000000000e+00, v5;
	v5 =	vadd.s32 $0xFFFFFF81, v10;
	v10 =	vld [tilespmem:s26+$0xFFFFFFB0]  }
0x42b: {  	v11 =	vmax.f32 v11, $9.999999740e-05;
	v2 =	vmul.f32 v3, v2;
	v12 =	vld [tilespmem:s26+$0x30];
	v7 =	vmul.f32 v9, v7  }
0x42c: {  	v13 =	vand.u32 $0x7FFFFF, v11;
	v5 =	vcvt.s32.f32 v5;
	v8 =	vmul.f32 v1, v8  }
0x42d: {  	v9 =	vor.u32 $0x3F800000, v13;
	v2 =	vadd.f32 $3.029478310e+00, v2;
	v7 =	vadd.f32 $-2.144940610e+00, v7  }
0x42e: {  	v13 =	vsel vm2, $0xBF051592, v0;
	v1 =	vmul.f32 v8, v1;
	v8 =	vmul.f32 $1.554458590e-01, v9  }
0x42f: {  	v2 =	vmul.f32 v3, v2;
	v3 =	vsub.f32 $1.000000000e+00, v6;
	v5 =	vadd.f32 v5, v7  }
0x430: {  	v6 =	vshrl.u32 v6, $0x17;
	v10 =	vsub.f32 v12, v10;
	v8 =	vadd.f32 $-1.039258120e+00, v8  }
0x431: {  	v6 =	vadd.s32 $0xFFFFFF81, v6;
	v2 =	vadd.f32 $-2.144940610e+00, v2;
	v12 =	vmul.f32 v3, v13  }
0x432: {  	v13 =	vpop (erf);
	v1 =	vmul.f32 v5, v1;
	v7 =	vsub.f32 $0.0e+00, v10;
	v8 =	vmul.f32 v9, v8  }
0x433: {  	v6 =	vcvt.s32.f32 v6;
	v3 =	vmul.f32 v12, v3;
	v12 =	vadd.f32 $1.000000000e+00, v13  }
0x434: {  	s31 =	simm.s32 $0x3D80;
	[tilespmem:s24+$0xC400] =	vst v1;
	v1 =	vshrl.u32 v11, $0x17;
	v5 =	vsel vm1, v10, v7;
	v7 =	vadd.f32 $3.029478310e+00, v8  }
0x435: {  	v2 =	vadd.f32 v6, v2;
	v6 =	vld [tilespmem:s31+$0xFFFFFF80];
	(erf) = vrcp.f32 v12;
	v1 =	vadd.s32 $0xFFFFFF81, v1  }
0x436: {  	v8 =	vld [tilespmem:s31+$0x0];
	v5 =	vsub.f32 $0.0e+00, v5;
	v7 =	vmul.f32 v9, v7;
	v9 =	vsub.f32 $1.000000000e+00, v11  }
0x437: {  	v2 =	vmul.f32 v2, v3;
	v3 =	vld [tilespmem:s28+$0xFFFFFF90];
	v1 =	vcvt.s32.f32 v1  }
0x438: {  	s29 =	simm.s32 $0x280;
	v10 =	vld [tilespmem:s28+$0x10];
	v5 =	vmul.f32 $1.442695020e+00, v5;
	v7 =	vadd.f32 $-2.144940610e+00, v7;
	v4 =	vmul.f32 v9, v4  }
0x439: {  	v11 =	vld [tilespmem:s29+$0x8C00]  }
0x43a: {  	v12 =	vld [tilespmem:s24+$0x8C10];
	[tilespmem:s23+$0xC410] =	vst v2;
	(erf) = vpow2.f32 v5;
	v1 =	vadd.f32 v1, v7;
	v2 =	vmul.f32 v4, v9  }
0x43b: {  	v5 =	vld [tilespmem:s25+$0xFFFFFFA0];
	v4 =	vsub.f32 v8, v6  }
0x43c: {  	v6 =	vld [tilespmem:s25+$0x20];
	v1 =	vmul.f32 v1, v2  }
0x43d: {  	v2 =	vsub.f32 $0.0e+00, v4  }
0x43e: {  	v3 =	vsub.f32 v10, v3;
	v9 =	vld [tilespmem:s23+$0x8C20];
	vm3 =	veq.s32 v11, $0x1;
	v8 =	vpop (erf);
	[tilespmem:s20+$0xC450] =	vst v1  }
0x43f: {  	v1 =	vmax.f32 v8, $9.999999740e-05;
	v2 =	vsel vm3, v4, v2;
	v4 =	vld [tilespmem:s1+$0xFFFFFFE0]  }
0x440: {  	vm4 =	veq.s32 v12, $0x1;
	v8 =	vsub.f32 $0.0e+00, v3;
	v10 =	vand.u32 $0x7FFFFF, v1;
	v11 =	vld [tilespmem:s1+$0x60]  }
0x441: {  	v2 =	vsub.f32 $0.0e+00, v2;
	v5 =	vsub.f32 v6, v5;
	v10 =	vor.u32 $0x3F800000, v10  }
0x442: {  	v3 =	vsel vm4, v3, v8;
	v6 =	vmul.f32 $1.554458590e-01, v10  }
0x443: {  	v7 =	vld [tilespmem:s20+$0x8C60];
	v2 =	vmul.f32 $1.442695020e+00, v2;
	v3 =	vsub.f32 $0.0e+00, v3;
	v8 =	vsub.f32 $0.0e+00, v5;
	v12 =	vpop (erf)  }
0x444: {  	vm5 =	veq.s32 v9, $0x1;
	v6 =	vadd.f32 $-1.039258120e+00, v6;
	v9 =	vadd.f32 $1.000000000e+00, v12  }
0x445: {  	(erf) = vpow2.f32 v2;
	v2 =	vmul.f32 $1.442695020e+00, v3;
	v3 =	vsub.f32 v11, v4  }
0x446: {  	v4 =	vsel vm5, v5, v8  }
0x447: {  	v5 =	vmul.f32 v10, v6;
	(erf) = vrcp.f32 v9;
	v6 =	vsub.f32 $0.0e+00, v3  }
0x448: {  	vm15 =	veq.s32 v7, $0x1;
	v4 =	vsub.f32 $0.0e+00, v4  }
0x449: {  	(erf) = vpow2.f32 v2;
	v2 =	vadd.f32 $3.029478310e+00, v5;
	v3 =	vsel vm15, v3, v6  }
0x44a: {  	v5 =	vshrl.u32 v1, $0x17;
	v1 =	vsub.f32 $1.000000000e+00, v1;
	v3 =	vsub.f32 $0.0e+00, v3  }
0x44b: {  	v4 =	vmul.f32 $1.442695020e+00, v4;
	v5 =	vadd.s32 $0xFFFFFF81, v5;
	v2 =	vmul.f32 v10, v2  }
0x44c: {  	v6 =	vsel vm0, $0xBF051592, v0;
	v5 =	vcvt.s32.f32 v5;
	v3 =	vmul.f32 $1.442695020e+00, v3  }
0x44d: {  	(erf) = vpow2.f32 v4;
	v4 =	vmul.f32 v1, v6;
	v2 =	vadd.f32 $-2.144940610e+00, v2;
	_ =	sdelay $0x1  }
0x44e: {  	v1 =	vmul.f32 v4, v1;
	v6 =	vpop (erf);
	v2 =	vadd.f32 v5, v2  }
0x44f: {  	(erf) = vpow2.f32 v3;
	v3 =	vpop (erf)  }
0x450: {  	v1 =	vmul.f32 v2, v1;
	v2 =	vmax.f32 v3, $9.999999740e-05  }
0x451: {  	v4 =	vand.u32 $0x7FFFFF, v2;
	_ =	sdelay $0x1  }
0x452: {  	v5 =	vld [tilespmem:s20+$0x8C70];
	[tilespmem:s21+$0xC440] =	vst v1  }
0x453: {  	v6 =	vadd.f32 $1.000000000e+00, v6;
	v1 =	vor.u32 $0x3F800000, v4;
	v7 =	vld [tilespmem:s30+$0xFFFFFFD0];
	v4 =	vpop (erf)  }
0x454: {  	v9 =	vld [tilespmem:s30+$0x50];
	v8 =	vmul.f32 $1.554458590e-01, v1;
	v10 =	vpop (erf)  }
0x455: {  	(erf) = vrcp.f32 v6;
	v6 =	vadd.f32 $1.000000000e+00, v10  }
0x456: {  	v4 =	vadd.f32 $1.000000000e+00, v4;
	v8 =	vadd.f32 $-1.039258120e+00, v8;
	_ =	sdelay $0x1  }
0x457: {  	v3 =	vld [tilespmem:s21+$0x8C50];
	(erf) = vrcp.f32 v4;
	v4 =	vmul.f32 v1, v8  }
0x458: {  	vm0 =	veq.s32 v5, $0x1;
	v5 =	vsub.f32 v9, v7;
	(erf) = vrcp.f32 v6;
	v6 =	vpop (erf)  }
0x459: {  	v4 =	vadd.f32 $3.029478310e+00, v4;
	v6 =	vadd.f32 $1.000000000e+00, v6  }
0x45a: {  	v8 =	vld [tilespmem:s22+$0x8C40];
	v9 =	vsub.f32 $1.000000000e+00, v2  }
0x45b: {  	v10 =	vsub.f32 $0.0e+00, v5;
	v1 =	vmul.f32 v1, v4;
	(erf) = vrcp.f32 v6  }
0x45c: {  	v7 =	vsel vm1, $0xBF051592, v0;
	v2 =	vshrl.u32 v2, $0x17;
	vm1 =	veq.s32 v3, $0x1  }
0x45d: {  	v3 =	vmul.f32 v9, v7;
	v5 =	vsel vm1, v5, v10;
	v7 =	vadd.f32 $-2.144940610e+00, v1  }
0x45e: {  	v2 =	vadd.s32 $0xFFFFFF81, v2;
	v5 =	vsub.f32 $0.0e+00, v5  }
0x45f: {  	v4 =	vcvt.s32.f32 v2;
	vm2 =	veq.s32 v8, $0x1;
	v8 =	vpop (erf)  }
0x460: {  	v3 =	vmul.f32 v3, v9;
	v5 =	vmul.f32 $1.442695020e+00, v5;
	v9 =	vpop (erf)  }
0x461: {  	v4 =	vadd.f32 v4, v7;
	v7 =	vpop (erf)  }
0x462: {  	v11 =	vmax.f32 v8, $9.999999740e-05;
	(erf) = vpow2.f32 v5;
	v12 =	vmax.f32 v7, $9.999999740e-05  }
0x463: {  	v5 =	vand.u32 $0x7FFFFF, v11;
	v14 =	vmul.f32 v4, v3;
	v4 =	vand.u32 $0x7FFFFF, v12  }
0x464: {  	v6 =	vld [tilespmem:s23+$0x8C30];
	v13 =	vor.u32 $0x3F800000, v4;
	v4 =	vor.u32 $0x3F800000, v5;
	v7 =	vpop (erf)  }
0x465: {  	[tilespmem:s22+$0xC430] =	vst v14;
	v17 =	vmul.f32 $1.554458590e-01, v4;
	v10 =	vmax.f32 v7, $9.999999740e-05  }
0x466: {  	v8 =	vshrl.u32 v11, $0x17;
	v15 =	vld [tilespmem:s26+$0xFFFFFFC0];
	v7 =	vsub.f32 $1.000000000e+00, v11;
	v11 =	vand.u32 $0x7FFFFF, v10  }
0x467: {  	v16 =	vmul.f32 $1.554458590e-01, v13;
	v14 =	vor.u32 $0x3F800000, v11;
	v11 =	vadd.f32 $-1.039258120e+00, v17;
	v17 =	vld [tilespmem:s26+$0x40]  }
0x468: {  	v2 =	vsel vm15, $0xBF051592, v0;
	v1 =	vsel vm1, $0xBF051592, v0;
	v3 =	vsel vm4, $0xBF051592, v0  }
0x469: {  	vm1 =	veq.s32 v6, $0x1;
	v5 =	vmax.f32 v9, $9.999999740e-05;
	v16 =	vadd.f32 $-1.039258120e+00, v16  }
0x46a: {  	v6 =	vsel vm5, $0xBF051592, v0;
	v9 =	vand.u32 $0x7FFFFF, v5;
	v18 =	vmul.f32 $1.554458590e-01, v14  }
0x46b: {  	s0 =	simm.s32 $0xC00;
	v9 =	vor.u32 $0x3F800000, v9;
	v19 =	vmul.f32 v13, v16;
	v16 =	vsub.f32 $1.000000000e+00, v12  }
.LBB2_4:
0x46c: {  	p0 =	sne.s32 s0, $0x6E00;
	v20 =	vmul.f32 $1.554458590e-01, v9;
	v15 =	vsub.f32 v17, v15;
	v17 =	vpop (erf);
	v18 =	vadd.f32 $-1.039258120e+00, v18  }
0x46d: {  	v12 =	vshrl.u32 v12, $0x17;
	v19 =	vadd.f32 $3.029478310e+00, v19;
	v17 =	vadd.f32 $1.000000000e+00, v17  }
0x46e: {  	v6 =	vmul.f32 v16, v6;
	v21 =	vsub.f32 $0.0e+00, v15;
	v18 =	vmul.f32 v14, v18  }
0x46f: {  	v12 =	vadd.s32 $0xFFFFFF81, v12;
	v13 =	vmul.f32 v13, v19;
	(erf) = vrcp.f32 v17  }
0x470: {  	v12 =	vcvt.s32.f32 v12;
	v15 =	vsel vm2, v15, v21;
	v17 =	vadd.f32 $3.029478310e+00, v18  }
0x471: {  	v6 =	vmul.f32 v6, v16;
	v13 =	vadd.f32 $-2.144940610e+00, v13;
	v15 =	vsub.f32 $0.0e+00, v15  }
0x472: {  	v16 =	vshrl.u32 v10, $0x17;
	v10 =	vsub.f32 $1.000000000e+00, v10;
	v14 =	vmul.f32 v14, v17  }
0x473: {  	v12 =	vadd.f32 v12, v13;
	v13 =	vmul.f32 $1.442695020e+00, v15;
	v15 =	vadd.s32 $0xFFFFFF81, v16  }
0x474: {  	v2 =	vmul.f32 v10, v2;
	v14 =	vadd.f32 $-2.144940610e+00, v14;
	v15 =	vcvt.s32.f32 v15  }
0x475: {  	v16 =	vadd.f32 $-1.039258120e+00, v20;
	v6 =	vmul.f32 v12, v6;
	(erf) = vpow2.f32 v13  }
0x476: {  	v11 =	vmul.f32 v4, v11;
	v2 =	vmul.f32 v2, v10;
	v12 =	vadd.f32 v15, v14  }
0x477: {  	v8 =	vadd.s32 $0xFFFFFF81, v8;
	v10 =	vsel vm3, $0xBF051592, v0;
	v13 =	vmul.f32 v9, v16;
	[tilespmem:s23+$0xC420] =	vst v6  }
0x478: {  	v10 =	vmul.f32 v7, v10;
	v6 =	vadd.f32 $3.029478310e+00, v11;
	v11 =	vld [tilespmem:s25+$0xFFFFFFB0];
	v14 =	vpop (erf);
	v2 =	vmul.f32 v12, v2  }
0x479: {  	v8 =	vcvt.s32.f32 v8;
	v12 =	vadd.f32 $3.029478310e+00, v13;
	v13 =	vld [tilespmem:s25+$0x30];
	v14 =	vmax.f32 v14, $9.999999740e-05  }
0x47a: {  	v4 =	vmul.f32 v4, v6;
	v6 =	vmul.f32 v10, v7;
	v7 =	vand.u32 $0x7FFFFF, v14;
	[tilespmem:s20+$0xC460] =	vst v2  }
0x47b: {  	v2 =	vmul.f32 v9, v12;
	v9 =	vsub.f32 $1.000000000e+00, v5;
	v7 =	vor.u32 $0x3F800000, v7;
	v10 =	vld [tilespmem:s1+$0xFFFFFFF0]  }
0x47c: {  	v5 =	vshrl.u32 v5, $0x17;
	v4 =	vadd.f32 $-2.144940610e+00, v4;
	v12 =	vmul.f32 $1.554458590e-01, v7;
	v15 =	vld [tilespmem:s1+$0x70];
	s1 =	smov.u32 s30;
	s30 =	smov.u32 s26;
	s26 =	smov.u32 s25  }
0x47d: {  	v5 =	vadd.s32 $0xFFFFFF81, v5;
	v2 =	vadd.f32 $-2.144940610e+00, v2;
	v3 =	vmul.f32 v9, v3;
	s25 =	smov.u32 s28;
	s28 =	smov.u32 s31  }
0x47e: {  	v5 =	vcvt.s32.f32 v5;
	v11 =	vsub.f32 v13, v11;
	v13 =	vpop (erf);
	v12 =	vadd.f32 $-1.039258120e+00, v12  }
0x47f: {  	v4 =	vadd.f32 v8, v4;
	v3 =	vmul.f32 v3, v9;
	v8 =	vadd.f32 $1.000000000e+00, v13  }
0x480: {  	s31 =	sadd.s32 $0x100, s31;
	v2 =	vadd.f32 v5, v2;
	v5 =	vsub.f32 $0.0e+00, v11;
	v9 =	vmul.f32 v7, v12  }
0x481: {  	v4 =	vmul.f32 v4, v6;
	v12 =	vld [tilespmem:s31+$0xFFFFFF80];
	(erf) = vrcp.f32 v8;
	v6 =	vsub.f32 v15, v10  }
0x482: {  	v2 =	vmul.f32 v2, v3;
	v8 =	vld [tilespmem:s31+$0x0];
	v3 =	vsel vm1, v11, v5;
	v5 =	vadd.f32 $3.029478310e+00, v9  }
0x483: {  	[tilespmem:s29+$0xC400] =	vst v4;
	v3 =	vsub.f32 $0.0e+00, v3;
	v4 =	vshrl.u32 v14, $0x17;
	v9 =	vsub.f32 $0.0e+00, v6  }
0x484: {  	v10 =	vld [tilespmem:s28+$0xFFFFFF90];
	v4 =	vadd.s32 $0xFFFFFF81, v4;
	v5 =	vmul.f32 v7, v5;
	v7 =	vsub.f32 $1.000000000e+00, v14  }
0x485: {  	s10 =	sshra.s32 s0, $0x2;
	v11 =	vld [tilespmem:s28+$0x10];
	v3 =	vmul.f32 $1.442695020e+00, v3;
	v4 =	vcvt.s32.f32 v4;
	v6 =	vsel vm0, v6, v9  }
0x486: {  	v9 =	vld [tilespmem:s10+$0x8C00];
	v5 =	vadd.f32 $-2.144940610e+00, v5;
	v1 =	vmul.f32 v7, v1;
	v6 =	vsub.f32 $0.0e+00, v6  }
0x487: {  	vm5 =	vmmov vm0;
	v8 =	vsub.f32 v8, v12;
	v12 =	vld [tilespmem:s29+$0x8C10];
	[tilespmem:s24+$0xC410] =	vst v2;
	(erf) = vpow2.f32 v3  }
0x488: {  	v2 =	vld [tilespmem:s25+$0xFFFFFFA0];
	v3 =	vadd.f32 v4, v5;
	v1 =	vmul.f32 v1, v7;
	v4 =	vmul.f32 $1.442695020e+00, v6  }
0x489: {  	v5 =	vsub.f32 $0.0e+00, v8;
	v6 =	vld [tilespmem:s25+$0x20]  }
0x48a: {  	v7 =	vsub.f32 v11, v10;
	v10 =	vpop (erf);
	v1 =	vmul.f32 v3, v1;
	v3 =	vld [tilespmem:s21+$0x8C60];
	(erf) = vpow2.f32 v4  }
0x48b: {  	vm3 =	veq.s32 v9, $0x1;
	v4 =	vld [tilespmem:s24+$0x8C20];
	v9 =	vmax.f32 v10, $9.999999740e-05  }
0x48c: {  	v5 =	vsel vm3, v8, v5;
	v8 =	vsub.f32 $0.0e+00, v7;
	v10 =	vand.u32 $0x7FFFFF, v9;
	[tilespmem:s21+$0xC450] =	vst v1  }
0x48d: {  	vm4 =	veq.s32 v12, $0x1;
	v1 =	vsub.f32 $0.0e+00, v5;
	v5 =	vor.u32 $0x3F800000, v10;
	v10 =	vld [tilespmem:s1+$0xFFFFFFE0]  }
0x48e: {  	v7 =	vsel vm4, v7, v8;
	v2 =	vsub.f32 v6, v2;
	v6 =	vmul.f32 $1.554458590e-01, v5;
	v8 =	vld [tilespmem:s1+$0x60]  }
0x48f: {  	v1 =	vmul.f32 $1.442695020e+00, v1;
	v7 =	vsub.f32 $0.0e+00, v7;
	vm7 =	veq.s32 v3, $0x1  }
0x490: {  	vm6 =	veq.s32 v4, $0x1;
	v3 =	vsub.f32 $0.0e+00, v2;
	v4 =	vpop (erf);
	v11 =	vadd.f32 $-1.039258120e+00, v6  }
0x491: {  	(erf) = vpow2.f32 v1;
	v1 =	vadd.f32 $1.000000000e+00, v4;
	v4 =	vsel vm2, $0xBF051592, v0  }
0x492: {  	v7 =	vmul.f32 $1.442695020e+00, v7;
	v2 =	vsel vm6, v2, v3;
	v3 =	vmul.f32 v5, v11  }
0x493: {  	v2 =	vsub.f32 $0.0e+00, v2;
	(erf) = vrcp.f32 v1;
	v1 =	vsub.f32 v8, v10;
	v6 =	vpop (erf)  }
0x494: {  	(erf) = vpow2.f32 v7;
	v3 =	vadd.f32 $3.029478310e+00, v3;
	v6 =	vadd.f32 $1.000000000e+00, v6  }
0x495: {  	v8 =	vsub.f32 $1.000000000e+00, v9;
	v7 =	vshrl.u32 v9, $0x17;
	v9 =	vsub.f32 $0.0e+00, v1  }
0x496: {  	v7 =	vadd.s32 $0xFFFFFF81, v7;
	v3 =	vmul.f32 v5, v3;
	v5 =	vld [tilespmem:s21+$0x8C70];
	(erf) = vrcp.f32 v6  }
0x497: {  	v2 =	vmul.f32 $1.442695020e+00, v2;
	v6 =	vcvt.s32.f32 v7;
	v7 =	vld [tilespmem:s22+$0x8C50];
	v1 =	vsel vm7, v1, v9  }
0x498: {  	v4 =	vmul.f32 v8, v4;
	v9 =	vld [tilespmem:s23+$0x8C40];
	v3 =	vadd.f32 $-2.144940610e+00, v3;
	v1 =	vsub.f32 $0.0e+00, v1  }
0x499: {  	(erf) = vpow2.f32 v2  }
0x49a: {  	v8 =	vmul.f32 v4, v8;
	v10 =	vpop (erf);
	v2 =	vadd.f32 v6, v3;
	v1 =	vmul.f32 $1.442695020e+00, v1  }
0x49b: {  	v4 =	vld [tilespmem:s24+$0x8C30]  }
0x49c: {  	vm0 =	veq.s32 v5, $0x1;
	v6 =	vpop (erf);
	v2 =	vmul.f32 v2, v8;
	(erf) = vpow2.f32 v1  }
0x49d: {  	vm8 =	veq.s32 v7, $0x1;
	v3 =	vpop (erf);
	v5 =	vmax.f32 v6, $9.999999740e-05;
	vm2 =	veq.s32 v9, $0x1  }
0x49e: {  	v7 =	vsel vm5, $0xBF051592, v0;
	v1 =	vand.u32 $0x7FFFFF, v5;
	[tilespmem:s22+$0xC440] =	vst v2;
	v2 =	vsel vm7, $0xBF051592, v0  }
0x49f: {  	v9 =	vsel vm1, $0xBF051592, v0;
	v8 =	vor.u32 $0x3F800000, v1;
	v11 =	vld [tilespmem:s30+$0xFFFFFFD0];
	v1 =	vsel vm8, $0xBF051592, v0;
	v6 =	vpop (erf)  }
0x4a0: {  	vm1 =	veq.s32 v4, $0x1;
	v4 =	vmul.f32 $1.554458590e-01, v8;
	v12 =	vld [tilespmem:s30+$0x50];
	v13 =	vmax.f32 v6, $9.999999740e-05  }
0x4a1: {  	v10 =	vadd.f32 $1.000000000e+00, v10;
	v6 =	vsel vm6, $0xBF051592, v0;
	v14 =	vand.u32 $0x7FFFFF, v13  }
0x4a2: {  	v3 =	vadd.f32 $1.000000000e+00, v3;
	v15 =	vpop (erf);
	v4 =	vadd.f32 $-1.039258120e+00, v4;
	v14 =	vor.u32 $0x3F800000, v14  }
0x4a3: {  	(erf) = vrcp.f32 v10;
	v10 =	vadd.f32 $1.000000000e+00, v15;
	v15 =	vmul.f32 $1.554458590e-01, v14  }
0x4a4: {  	(erf) = vrcp.f32 v3;
	v3 =	vmul.f32 v8, v4;
	v4 =	vsub.f32 $1.000000000e+00, v5  }
0x4a5: {  	(erf) = vrcp.f32 v10;
	v10 =	vsub.f32 v12, v11;
	v11 =	vpop (erf);
	v12 =	vadd.f32 $-1.039258120e+00, v15  }
0x4a6: {  	v5 =	vshrl.u32 v5, $0x17;
	v3 =	vadd.f32 $3.029478310e+00, v3;
	v11 =	vadd.f32 $1.000000000e+00, v11  }
0x4a7: {  	v9 =	vmul.f32 v4, v9;
	v15 =	vsub.f32 $0.0e+00, v10;
	v12 =	vmul.f32 v14, v12  }
0x4a8: {  	v5 =	vadd.s32 $0xFFFFFF81, v5;
	v3 =	vmul.f32 v8, v3;
	(erf) = vrcp.f32 v11  }
0x4a9: {  	v5 =	vcvt.s32.f32 v5;
	v8 =	vsel vm8, v10, v15;
	v10 =	vadd.f32 $3.029478310e+00, v12  }
0x4aa: {  	v4 =	vmul.f32 v9, v4;
	v3 =	vadd.f32 $-2.144940610e+00, v3;
	v8 =	vsub.f32 $0.0e+00, v8  }
0x4ab: {  	v11 =	vsub.f32 $1.000000000e+00, v13;
	v15 =	vshrl.u32 v13, $0x17;
	v10 =	vmul.f32 v14, v10  }
0x4ac: {  	v12 =	vpop (erf);
	v3 =	vadd.f32 v5, v3;
	v5 =	vmul.f32 $1.442695020e+00, v8;
	v8 =	vadd.s32 $0xFFFFFF81, v15  }
0x4ad: {  	v7 =	vmul.f32 v11, v7;
	v9 =	vpop (erf);
	v10 =	vadd.f32 $-2.144940610e+00, v10;
	v8 =	vcvt.s32.f32 v8  }
0x4ae: {  	v14 =	vmax.f32 v12, $9.999999740e-05;
	v12 =	vpop (erf);
	v4 =	vmul.f32 v3, v4;
	(erf) = vpow2.f32 v5  }
0x4af: {  	v7 =	vmul.f32 v7, v11;
	v12 =	vmax.f32 v12, $9.999999740e-05;
	v5 =	vadd.f32 v8, v10  }
0x4b0: {  	v3 =	vsel vm4, $0xBF051592, v0;
	v8 =	vshrl.u32 v14, $0x17;
	v11 =	vand.u32 $0x7FFFFF, v12;
	[tilespmem:s23+$0xC430] =	vst v4  }
0x4b1: {  	v4 =	vand.u32 $0x7FFFFF, v14;
	v13 =	vor.u32 $0x3F800000, v11;
	v15 =	vld [tilespmem:s26+$0xFFFFFFC0];
	v10 =	vpop (erf);
	v5 =	vmul.f32 v5, v7  }
.Ltmp1:
0x4b2: {  	v4 =	vor.u32 $0x3F800000, v4;
	v11 =	vmul.f32 $1.554458590e-01, v13;
	v17 =	vld [tilespmem:s26+$0x40];
	v10 =	vmax.f32 v10, $9.999999740e-05;
	(pc) =	sbr.rel @p0 .LBB2_4-.Ltmp1, $4  }
0x4b3: {  	v7 =	vsub.f32 $1.000000000e+00, v14;
	v16 =	vmul.f32 $1.554458590e-01, v4;
	v14 =	vand.u32 $0x7FFFFF, v10;
	[tilespmem:s20+$0xC470] =	vst v5;
	s20 =	smov.u32 s21;
	s21 =	smov.u32 s22;
	s22 =	smov.u32 s23  }
0x4b4: {  	v5 =	vmax.f32 v9, $9.999999740e-05;
	s23 =	smov.u32 s24;
	s24 =	smov.u32 s29;
	s29 =	smov.u32 s10;
	v19 =	vadd.f32 $-1.039258120e+00, v11;
	v14 =	vor.u32 $0x3F800000, v14  }
0x4b5: {  	v11 =	vadd.f32 $-1.039258120e+00, v16;
	v9 =	vand.u32 $0x7FFFFF, v5;
	v18 =	vmul.f32 $1.554458590e-01, v14  }
0x4b6: {  	s0 =	sadd.s32 $0x200, s0;
	v16 =	vsub.f32 $1.000000000e+00, v12;
	v9 =	vor.u32 $0x3F800000, v9;
	v19 =	vmul.f32 v13, v19  }
0x4b7: {  	v15 =	vsub.f32 v17, v15;
	v61 =	vpop (erf)  }
0x4b8: {  	v18 =	vadd.f32 $-1.039258120e+00, v18;
	v12 =	vshrl.u32 v12, $0x17;
	v17 =	vadd.f32 $1.000000000e+00, v61  }
0x4b9: {  	v62 =	vmul.f32 $1.554458590e-01, v9;
	v63 =	vshrl.u32 v10, $0x17;
	v11 =	vmul.f32 v4, v11  }
0x4ba: {  	v19 =	vadd.f32 $3.029478310e+00, v19;
	v6 =	vmul.f32 v16, v6;
	(erf) = vrcp.f32 v17  }
0x4bb: {  	v12 =	vadd.s32 $0xFFFFFF81, v12;
	v20 =	vsub.f32 $0.0e+00, v15;
	v18 =	vmul.f32 v14, v18  }
0x4bc: {  	v21 =	vadd.s32 $0xFFFFFF81, v63;
	v22 =	vadd.f32 $-1.039258120e+00, v62;
	v13 =	vmul.f32 v13, v19  }
0x4bd: {  	v11 =	vadd.f32 $3.029478310e+00, v11;
	v18 =	vadd.f32 $3.029478310e+00, v18;
	v15 =	vsel vm2, v15, v20  }
0x4be: {  	v12 =	vcvt.s32.f32 v12;
	v13 =	vadd.f32 $-2.144940610e+00, v13;
	v15 =	vsub.f32 $0.0e+00, v15  }
0x4bf: {  	v6 =	vmul.f32 v6, v16;
	v20 =	vsub.f32 $1.000000000e+00, v10;
	v19 =	vmul.f32 v14, v18  }
0x4c0: {  	v24 =	vmul.f32 v9, v22;
	v12 =	vadd.f32 v12, v13;
	v15 =	vmul.f32 $1.442695020e+00, v15  }
0x4c1: {  	v2 =	vmul.f32 v20, v2;
	v13 =	vcvt.s32.f32 v21;
	v14 =	vadd.f32 $-2.144940610e+00, v19  }
0x4c2: {  	v26 =	vsel vm3, $0xBF051592, v0;
	v6 =	vmul.f32 v12, v6;
	(erf) = vpow2.f32 v15  }
0x4c3: {  	v31 =	vmul.f32 v4, v11;
	v2 =	vmul.f32 v2, v20;
	v23 =	vadd.f32 v13, v14;
	v28 =	vpop (erf)  }
0x4c4: {  	v25 =	vadd.s32 $0xFFFFFF81, v8;
	v10 =	vadd.f32 $3.029478310e+00, v24;
	[tilespmem:s23+$0xC420] =	vst v6;
	v14 =	vmax.f32 v28, $9.999999740e-05  }
0x4c5: {  	v4 =	vadd.f32 $-2.144940610e+00, v31;
	v27 =	vld [tilespmem:s25+$0xFFFFFFB0];
	v2 =	vmul.f32 v23, v2;
	v30 =	vand.u32 $0x7FFFFF, v14  }
0x4c6: {  	v32 =	vmul.f32 v9, v10;
	v6 =	vcvt.s32.f32 v25;
	v29 =	vld [tilespmem:s25+$0x30];
	v33 =	vor.u32 $0x3F800000, v30  }
0x4c7: {  	v8 =	vmul.f32 v7, v26;
	[tilespmem:s20+$0xC460] =	vst v2;
	v34 =	vmul.f32 $1.554458590e-01, v33  }
0x4c8: {  	v36 =	vshrl.u32 v5, $0x17;
	v9 =	vadd.f32 $-2.144940610e+00, v32;
	v4 =	vadd.f32 v6, v4;
	v35 =	vld [tilespmem:s1+$0xFFFFFFF0]  }
0x4c9: {  	v7 =	vmul.f32 v8, v7;
	v2 =	vsub.f32 $1.000000000e+00, v5;
	v37 =	vld [tilespmem:s1+$0x70];
	v8 =	vadd.f32 $-1.039258120e+00, v34  }
0x4ca: {  	v5 =	vadd.s32 $0xFFFFFF81, v36;
	v44 =	vshrl.u32 v14, $0x17;
	v46 =	vsub.f32 $1.000000000e+00, v14  }
0x4cb: {  	v3 =	vmul.f32 v2, v3;
	v13 =	vsub.f32 v29, v27;
	v38 =	vpop (erf);
	v8 =	vmul.f32 v33, v8  }
0x4cc: {  	v5 =	vcvt.s32.f32 v5;
	v4 =	vmul.f32 v4, v7;
	v39 =	vadd.f32 $1.000000000e+00, v38  }
0x4cd: {  	v2 =	vmul.f32 v3, v2;
	v40 =	vsub.f32 $0.0e+00, v13;
	v42 =	vadd.f32 $3.029478310e+00, v8  }
0x4ce: {  	v3 =	vadd.f32 v5, v9;
	v43 =	vsub.f32 v37, v35;
	(erf) = vrcp.f32 v39  }
0x4cf: {  	[tilespmem:s29+$0xC400] =	vst v4;
	v4 =	vadd.s32 $0xFFFFFF81, v44;
	v41 =	vsel vm1, v13, v40;
	v45 =	vmul.f32 v33, v42  }
0x4d0: {  	v48 =	vld [tilespmem:s31+$0xFFFFFF90];
	v2 =	vmul.f32 v3, v2;
	v3 =	vsub.f32 $0.0e+00, v41;
	v47 =	vsub.f32 $0.0e+00, v43  }
0x4d1: {  	v1 =	vmul.f32 v46, v1;
	v49 =	vld [tilespmem:s31+$0x10];
	v4 =	vcvt.s32.f32 v4;
	v5 =	vadd.f32 $-2.144940610e+00, v45  }
0x4d2: {  	v3 =	vmul.f32 $1.442695020e+00, v3;
	v7 =	vsel vm0, v43, v47  }
0x4d3: {  	v50 =	vld [tilespmem:s29+$0x8C10];
	v1 =	vmul.f32 v1, v46;
	[tilespmem:s24+$0xC410] =	vst v2;
	v2 =	vsub.f32 $0.0e+00, v7;
	v4 =	vadd.f32 v4, v5  }
0x4d4: {  	v51 =	vld [tilespmem:s28+$0x20];
	(erf) = vpow2.f32 v3  }
0x4d5: {  	v3 =	vld [tilespmem:s28+$0xFFFFFFA0];
	v2 =	vmul.f32 $1.442695020e+00, v2;
	v1 =	vmul.f32 v4, v1  }
0x4d6: {  	v54 =	vld [tilespmem:s21+$0x8C60];
	v52 =	vsub.f32 v49, v48  }
0x4d7: {  	(erf) = vpow2.f32 v2;
	v2 =	vld [tilespmem:s24+$0x8C20];
	v53 =	vpop (erf);
	[tilespmem:s21+$0xC450] =	vst v1  }
0x4d8: {  	v6 =	vmax.f32 v53, $9.999999740e-05;
	v1 =	vsub.f32 $0.0e+00, v52;
	v56 =	vld [tilespmem:s30+$0xFFFFFFE0]  }
0x4d9: {  	vm10 =	veq.s32 v50, $0x1;
	v55 =	vand.u32 $0x7FFFFF, v6;
	v58 =	vld [tilespmem:s30+$0x60]  }
0x4da: {  	v3 =	vsub.f32 v51, v3;
	v57 =	vor.u32 $0x3F800000, v55;
	v1 =	vsel vm10, v52, v1  }
0x4db: {  	v59 =	vmul.f32 $1.554458590e-01, v57;
	v1 =	vsub.f32 $0.0e+00, v1  }
0x4dc: {  	vm6 =	veq.s32 v54, $0x1;
	v12 =	vsel vm2, $0xBF051592, v0;
	v60 =	vsub.f32 $0.0e+00, v3  }
0x4dd: {  	vm5 =	veq.s32 v2, $0x1;
	v61 =	vpop (erf);
	v2 =	vadd.f32 $-1.039258120e+00, v59;
	v1 =	vmul.f32 $1.442695020e+00, v1  }
0x4de: {  	v13 =	vshrl.u32 v6, $0x17;
	v62 =	vadd.f32 $1.000000000e+00, v61;
	v63 =	vsub.f32 v58, v56  }
0x4df: {  	v6 =	vsub.f32 $1.000000000e+00, v6;
	v7 =	vadd.s32 $0xFFFFFF81, v13;
	v2 =	vmul.f32 v57, v2  }
0x4e0: {  	v3 =	vsel vm5, v3, v60;
	(erf) = vrcp.f32 v62;
	v14 =	vsub.f32 $0.0e+00, v63  }
0x4e1: {  	v3 =	vsub.f32 $0.0e+00, v3;
	(erf) = vpow2.f32 v1;
	v2 =	vadd.f32 $3.029478310e+00, v2;
	v1 =	vpop (erf)  }
0x4e2: {  	v5 =	vmul.f32 v6, v12;
	v1 =	vadd.f32 $1.000000000e+00, v1;
	v4 =	vsel vm6, v63, v14  }
0x4e3: {  	v3 =	vmul.f32 $1.442695020e+00, v3;
	v2 =	vmul.f32 v57, v2;
	v4 =	vsub.f32 $0.0e+00, v4  }
0x4e4: {  	(erf) = vrcp.f32 v1;
	v1 =	vcvt.s32.f32 v7  }
0x4e5: {  	v2 =	vadd.f32 $-2.144940610e+00, v2;
	(erf) = vpow2.f32 v3;
	v3 =	vmul.f32 $1.442695020e+00, v4;
	_ =	sdelay $0x1  }
0x4e6: {  	v1 =	vadd.f32 v1, v2;
	v2 =	vmul.f32 v5, v6  }
0x4e7: {  	(erf) = vpow2.f32 v3  }
0x4e8: {  	v1 =	vmul.f32 v1, v2;
	v3 =	vpop (erf)  }
0x4e9: {  	v3 =	vmax.f32 v3, $9.999999740e-05  }
0x4ea: {  	[tilespmem:s22+$0xC440] =	vst v1;
	v15 =	vand.u32 $0x7FFFFF, v3  }
0x4eb: {  	v16 =	vpop (erf);
	v17 =	vld [tilespmem:s26+$0xFFFFFFD0];
	v4 =	vor.u32 $0x3F800000, v15  }
0x4ec: {  	v19 =	vld [tilespmem:s26+$0x50];
	v1 =	vpop (erf);
	v18 =	vmul.f32 $1.554458590e-01, v4  }
0x4ed: {  	v2 =	vld [tilespmem:s22+$0x8C50];
	v5 =	vadd.f32 $1.000000000e+00, v16;
	v20 =	vpop (erf)  }
0x4ee: {  	v7 =	vadd.f32 $-1.039258120e+00, v18;
	v9 =	vadd.f32 $1.000000000e+00, v20  }
0x4ef: {  	(erf) = vrcp.f32 v5  }
0x4f0: {  	v22 =	vpop (erf);
	v21 =	vmul.f32 v4, v7;
	(erf) = vrcp.f32 v9  }
0x4f1: {  	v6 =	vsub.f32 v19, v17;
	v7 =	vadd.f32 $1.000000000e+00, v22  }
0x4f2: {  	vm4 =	veq.s32 v2, $0x1;
	v2 =	vadd.f32 $3.029478310e+00, v21  }
0x4f3: {  	v23 =	vsub.f32 $1.000000000e+00, v3;
	v8 =	vsub.f32 $0.0e+00, v6;
	(erf) = vrcp.f32 v7  }
0x4f4: {  	v24 =	vsel vm1, $0xBF051592, v0;
	v3 =	vshrl.u32 v3, $0x17;
	v2 =	vmul.f32 v4, v2  }
0x4f5: {  	v3 =	vadd.s32 $0xFFFFFF81, v3;
	v25 =	vmul.f32 v23, v24;
	v6 =	vsel vm4, v6, v8  }
0x4f6: {  	v3 =	vcvt.s32.f32 v3;
	v6 =	vsub.f32 $0.0e+00, v6;
	v2 =	vadd.f32 $-2.144940610e+00, v2;
	_ =	sdelay $0x1  }
0x4f7: {  	v4 =	vmul.f32 v25, v23;
	v26 =	vpop (erf);
	v2 =	vadd.f32 v3, v2;
	v3 =	vmul.f32 $1.442695020e+00, v6  }
0x4f8: {  	v27 =	vpop (erf)  }
0x4f9: {  	v28 =	vld [tilespmem:s23+$0x8C40];
	v2 =	vmul.f32 v2, v4;
	(erf) = vpow2.f32 v3;
	v3 =	vmax.f32 v27, $9.999999740e-05  }
0x4fa: {  	v29 =	vand.u32 $0x7FFFFF, v3  }
0x4fb: {  	v30 =	vpop (erf);
	[tilespmem:s23+$0xC430] =	vst v2;
	v2 =	vor.u32 $0x3F800000, v29  }
0x4fc: {  	v4 =	vmax.f32 v30, $9.999999740e-05;
	v32 =	vmul.f32 $1.554458590e-01, v2  }
0x4fd: {  	v31 =	vld [tilespmem:s25+$0xFFFFFFC0];
	v34 =	vand.u32 $0x7FFFFF, v4  }
0x4fe: {  	vm11 =	veq.s32 v28, $0x1;
	v33 =	vld [tilespmem:s25+$0x40];
	v36 =	vor.u32 $0x3F800000, v34;
	v35 =	vadd.f32 $-1.039258120e+00, v32  }
0x4ff: {  	v37 =	vsel vm6, $0xBF051592, v0;
	v5 =	vmax.f32 v26, $9.999999740e-05;
	v38 =	vmul.f32 $1.554458590e-01, v36  }
0x500: {  	v39 =	vsel vm5, $0xBF051592, v0;
	v40 =	vand.u32 $0x7FFFFF, v5;
	v7 =	vmul.f32 v2, v35  }
0x501: {  	v41 =	vsub.f32 $1.000000000e+00, v3;
	v3 =	vshrl.u32 v3, $0x17;
	v11 =	vadd.f32 $-1.039258120e+00, v38  }
0x502: {  	v13 =	vor.u32 $0x3F800000, v40;
	v3 =	vadd.s32 $0xFFFFFF81, v3;
	v7 =	vadd.f32 $3.029478310e+00, v7  }
0x503: {  	v12 =	vmul.f32 v41, v39;
	v6 =	vsub.f32 v33, v31;
	v42 =	vpop (erf);
	v11 =	vmul.f32 v36, v11  }
0x504: {  	v3 =	vcvt.s32.f32 v3;
	v9 =	vadd.f32 $1.000000000e+00, v42;
	v2 =	vmul.f32 v2, v7  }
0x505: {  	v46 =	vshrl.u32 v4, $0x17;
	v43 =	vsub.f32 $0.0e+00, v6;
	v44 =	vadd.f32 $3.029478310e+00, v11  }
0x506: {  	v4 =	vsub.f32 $1.000000000e+00, v4;
	(erf) = vrcp.f32 v9;
	v2 =	vadd.f32 $-2.144940610e+00, v2  }
0x507: {  	v45 =	vmul.f32 v12, v41;
	v6 =	vsel vm11, v6, v43;
	v7 =	vmul.f32 v36, v44  }
0x508: {  	v6 =	vsub.f32 $0.0e+00, v6;
	v2 =	vadd.f32 v3, v2;
	v3 =	vadd.s32 $0xFFFFFF81, v46  }
0x509: {  	v47 =	vmul.f32 v4, v37;
	v7 =	vadd.f32 $-2.144940610e+00, v7;
	v3 =	vcvt.s32.f32 v3  }
0x50a: {  	v48 =	vmul.f32 $1.554458590e-01, v13;
	v6 =	vmul.f32 $1.442695020e+00, v6  }
0x50b: {  	v50 =	vld [tilespmem:s24+$0x8C30];
	v4 =	vmul.f32 v47, v4;
	v2 =	vmul.f32 v2, v45;
	v3 =	vadd.f32 v3, v7  }
0x50c: {  	v49 =	vld [tilespmem:s21+$0x8C70];
	v51 =	vadd.f32 $-1.039258120e+00, v48;
	(erf) = vpow2.f32 v6  }
0x50d: {  	[tilespmem:s24+$0xC420] =	vst v2;
	v2 =	vmul.f32 v3, v4  }
0x50e: {  	v3 =	vmul.f32 v13, v51;
	v52 =	vld [tilespmem:s28+$0xFFFFFFB0]  }
0x50f: {  	v54 =	vld [tilespmem:s28+$0x30];
	v53 =	vpop (erf);
	[tilespmem:s21+$0xC460] =	vst v2  }
0x510: {  	v2 =	vadd.f32 $3.029478310e+00, v3;
	v3 =	vmax.f32 v53, $9.999999740e-05;
	v55 =	vld [tilespmem:s30+$0xFFFFFFF0]  }
0x511: {  	vm12 =	veq.s32 v50, $0x1;
	vm1 =	veq.s32 v49, $0x1;
	v56 =	vand.u32 $0x7FFFFF, v3;
	v57 =	vld [tilespmem:s30+$0x70]  }
0x512: {  	v59 =	vsel vm10, $0xBF051592, v0;
	v58 =	vsub.f32 $1.000000000e+00, v5;
	v9 =	vor.u32 $0x3F800000, v56  }
0x513: {  	v5 =	vshrl.u32 v5, $0x17;
	v2 =	vmul.f32 v13, v2;
	v60 =	vmul.f32 $1.554458590e-01, v9  }
0x514: {  	v5 =	vadd.s32 $0xFFFFFF81, v5;
	v12 =	vmul.f32 v58, v59;
	v4 =	vsub.f32 v54, v52  }
0x515: {  	v5 =	vcvt.s32.f32 v5;
	v2 =	vadd.f32 $-2.144940610e+00, v2;
	v61 =	vpop (erf);
	v13 =	vadd.f32 $-1.039258120e+00, v60  }
0x516: {  	v11 =	vmul.f32 v12, v58;
	v8 =	vadd.f32 $1.000000000e+00, v61;
	v6 =	vsub.f32 v57, v55  }
0x517: {  	v14 =	vshrl.u32 v3, $0x17;
	v62 =	vsub.f32 $0.0e+00, v4;
	v63 =	vmul.f32 v9, v13  }
0x518: {  	v2 =	vadd.f32 v5, v2;
	(erf) = vrcp.f32 v8;
	v12 =	vsub.f32 $0.0e+00, v6  }
0x519: {  	v3 =	vsub.f32 $1.000000000e+00, v3;
	v4 =	vsel vm12, v4, v62;
	v13 =	vadd.f32 $3.029478310e+00, v63  }
0x51a: {  	v2 =	vmul.f32 v2, v11;
	v4 =	vsub.f32 $0.0e+00, v4;
	v6 =	vsel vm1, v6, v12  }
0x51b: {  	v15 =	vadd.s32 $0xFFFFFF81, v14;
	v6 =	vsub.f32 $0.0e+00, v6;
	v5 =	vmul.f32 v9, v13  }
0x51c: {  	v7 =	vcvt.s32.f32 v15;
	v4 =	vmul.f32 $1.442695020e+00, v4;
	[tilespmem:s29+$0xC410] =	vst v2;
	v2 =	vsel vm4, $0xBF051592, v0  }
0x51d: {  	v16 =	vld [tilespmem:s31+$0xFFFFFFA0];
	v2 =	vmul.f32 v3, v2;
	v6 =	vmul.f32 $1.442695020e+00, v6;
	v5 =	vadd.f32 $-2.144940610e+00, v5  }
0x51e: {  	v17 =	vld [tilespmem:s31+$0x20];
	(erf) = vpow2.f32 v4  }
0x51f: {  	v2 =	vmul.f32 v2, v3;
	(erf) = vpow2.f32 v6;
	v5 =	vadd.f32 v7, v5  }
0x520: {  	v3 =	vld [tilespmem:s29+$0x8C20]  }
0x521: {  	v18 =	vpop (erf);
	v2 =	vmul.f32 v5, v2  }
0x522: {  	v5 =	vmax.f32 v18, $9.999999740e-05  }
0x523: {  	v4 =	vsub.f32 v17, v16;
	[tilespmem:s22+$0xC450] =	vst v2;
	v2 =	vand.u32 $0x7FFFFF, v5  }
0x524: {  	v2 =	vor.u32 $0x3F800000, v2  }
0x525: {  	v8 =	vsub.f32 $0.0e+00, v4;
	vm13 =	veq.s32 v3, $0x1;
	v20 =	vld [tilespmem:s26+$0xFFFFFFE0];
	v3 =	vmul.f32 $1.554458590e-01, v2  }
0x526: {  	v21 =	vld [tilespmem:s26+$0x60]  }
0x527: {  	v4 =	vsel vm13, v4, v8;
	v22 =	vpop (erf);
	v3 =	vadd.f32 $-1.039258120e+00, v3  }
0x528: {  	v4 =	vsub.f32 $0.0e+00, v4;
	v23 =	vadd.f32 $1.000000000e+00, v22;
	v24 =	vpop (erf)  }
0x529: {  	v19 =	vld [tilespmem:s22+$0x8C60];
	v10 =	vadd.f32 $1.000000000e+00, v24;
	v3 =	vmul.f32 v2, v3  }
0x52a: {  	v4 =	vmul.f32 $1.442695020e+00, v4;
	(erf) = vrcp.f32 v23  }
0x52b: {  	v7 =	vsub.f32 v21, v20;
	(erf) = vrcp.f32 v10;
	v3 =	vadd.f32 $3.029478310e+00, v3  }
0x52c: {  	(erf) = vpow2.f32 v4  }
0x52d: {  	v25 =	vsub.f32 $0.0e+00, v7;
	v2 =	vmul.f32 v2, v3  }
0x52e: {  	vm14 =	veq.s32 v19, $0x1;
	v26 =	vshrl.u32 v5, $0x17  }
0x52f: {  	v5 =	vsub.f32 $1.000000000e+00, v5;
	v3 =	vsel vm14, v7, v25;
	v2 =	vadd.f32 $-2.144940610e+00, v2  }
0x530: {  	v27 =	vsel vm11, $0xBF051592, v0;
	v6 =	vadd.s32 $0xFFFFFF81, v26;
	v3 =	vsub.f32 $0.0e+00, v3  }
0x531: {  	v6 =	vcvt.s32.f32 v6;
	v4 =	vmul.f32 v5, v27  }
0x532: {  	v3 =	vmul.f32 $1.442695020e+00, v3  }
0x533: {  	v4 =	vmul.f32 v4, v5;
	v6 =	vadd.f32 v6, v2;
	v2 =	vpop (erf)  }
0x534: {  	(erf) = vpow2.f32 v3;
	v3 =	vmax.f32 v2, $9.999999740e-05;
	v2 =	vpop (erf)  }
0x535: {  	v4 =	vmul.f32 v6, v4;
	v28 =	vand.u32 $0x7FFFFF, v3;
	v29 =	vpop (erf)  }
0x536: {  	v5 =	vor.u32 $0x3F800000, v28;
	v6 =	vadd.f32 $1.000000000e+00, v29  }
0x537: {  	v30 =	vld [tilespmem:s23+$0x8C50];
	[tilespmem:s23+$0xC440] =	vst v4;
	v31 =	vmul.f32 $1.554458590e-01, v5  }
0x538: {  	v32 =	vld [tilespmem:s25+$0xFFFFFFD0];
	(erf) = vrcp.f32 v6  }
0x539: {  	v33 =	vld [tilespmem:s25+$0x50];
	v4 =	vadd.f32 $-1.039258120e+00, v31;
	_ =	sdelay $0x1  }
0x53a: {  	v4 =	vmul.f32 v5, v4;
	_ =	sdelay $0x1  }
0x53b: {  	v4 =	vadd.f32 $3.029478310e+00, v4  }
0x53c: {  	vm15 =	veq.s32 v30, $0x1;
	v35 =	vsel vm12, $0xBF051592, v0;
	v6 =	vsub.f32 v33, v32  }
0x53d: {  	v36 =	vsub.f32 $1.000000000e+00, v3;
	v3 =	vshrl.u32 v3, $0x17;
	v34 =	vpop (erf);
	v4 =	vmul.f32 v5, v4  }
0x53e: {  	v3 =	vadd.s32 $0xFFFFFF81, v3;
	v7 =	vadd.f32 $1.000000000e+00, v34;
	v37 =	vsub.f32 $0.0e+00, v6  }
0x53f: {  	v38 =	vmul.f32 v36, v35;
	v3 =	vcvt.s32.f32 v3;
	v4 =	vadd.f32 $-2.144940610e+00, v4;
	v39 =	vpop (erf)  }
0x540: {  	(erf) = vrcp.f32 v7;
	v5 =	vsel vm15, v6, v37;
	v40 =	vmax.f32 v39, $9.999999740e-05  }
0x541: {  	v7 =	vmul.f32 v38, v36;
	v3 =	vadd.f32 v3, v4;
	v41 =	vand.u32 $0x7FFFFF, v40  }
0x542: {  	v5 =	vsub.f32 $0.0e+00, v5;
	v4 =	vor.u32 $0x3F800000, v41  }
0x543: {  	v3 =	vmul.f32 v3, v7;
	v42 =	vmul.f32 $1.554458590e-01, v4  }
0x544: {  	v5 =	vmul.f32 $1.442695020e+00, v5  }
0x545: {  	[tilespmem:s24+$0xC430] =	vst v3;
	v3 =	vadd.f32 $-1.039258120e+00, v42  }
0x546: {  	(erf) = vpow2.f32 v5;
	v44 =	vld [tilespmem:s28+$0xFFFFFFC0]  }
0x547: {  	v46 =	vld [tilespmem:s28+$0x40];
	v3 =	vmul.f32 v4, v3;
	_ =	sdelay $0x1  }
0x548: {  	v3 =	vadd.f32 $3.029478310e+00, v3  }
0x549: {  	v43 =	vld [tilespmem:s24+$0x8C40];
	v48 =	vsel vm13, $0xBF051592, v0;
	v49 =	vsub.f32 $1.000000000e+00, v40;
	v6 =	vshrl.u32 v40, $0x17;
	v45 =	vpop (erf)  }
0x54a: {  	v6 =	vadd.s32 $0xFFFFFF81, v6;
	v7 =	vmax.f32 v45, $9.999999740e-05;
	v3 =	vmul.f32 v4, v3  }
0x54b: {  	v51 =	vmul.f32 v49, v48;
	v47 =	vand.u32 $0x7FFFFF, v7;
	v5 =	vsub.f32 v46, v44  }
0x54c: {  	v6 =	vcvt.s32.f32 v6;
	v10 =	vor.u32 $0x3F800000, v47;
	v3 =	vadd.f32 $-2.144940610e+00, v3  }
0x54d: {  	v50 =	vmul.f32 $1.554458590e-01, v10;
	v52 =	vsub.f32 $0.0e+00, v5  }
0x54e: {  	vm8 =	veq.s32 v43, $0x1;
	v9 =	vmul.f32 v51, v49;
	v53 =	vpop (erf);
	v3 =	vadd.f32 v6, v3  }
0x54f: {  	v4 =	vadd.f32 $-1.039258120e+00, v50;
	v54 =	vadd.f32 $1.000000000e+00, v53;
	v5 =	vsel vm8, v5, v52  }
0x550: {  	v5 =	vsub.f32 $0.0e+00, v5;
	v3 =	vmul.f32 v3, v9  }
0x551: {  	v4 =	vmul.f32 v10, v4;
	(erf) = vrcp.f32 v54  }
0x552: {  	v5 =	vmul.f32 $1.442695020e+00, v5;
	[tilespmem:s29+$0xC420] =	vst v3  }
0x553: {  	v4 =	vadd.f32 $3.029478310e+00, v4;
	v56 =	vld [tilespmem:s31+$0xFFFFFFB0]  }
0x554: {  	(erf) = vpow2.f32 v5;
	v57 =	vld [tilespmem:s31+$0x30]  }
0x555: {  	v4 =	vmul.f32 v10, v4;
	v3 =	vshrl.u32 v7, $0x17;
	v7 =	vsub.f32 $1.000000000e+00, v7  }
0x556: {  	v58 =	vsel vm14, $0xBF051592, v0;
	v3 =	vadd.s32 $0xFFFFFF81, v3  }
0x557: {  	v55 =	vld [tilespmem:s29+$0x8C30];
	v4 =	vadd.f32 $-2.144940610e+00, v4;
	v3 =	vcvt.s32.f32 v3;
	v9 =	vmul.f32 v7, v58;
	_ =	sdelay $0x1  }
0x558: {  	v3 =	vadd.f32 v3, v4;
	v59 =	vmul.f32 v9, v7;
	v5 =	vsub.f32 v57, v56  }
0x559: {  	v60 =	vpop (erf)  }
0x55a: {  	v6 =	vmax.f32 v60, $9.999999740e-05;
	v3 =	vmul.f32 v3, v59;
	v62 =	vsub.f32 $0.0e+00, v5  }
0x55b: {  	vm9 =	veq.s32 v55, $0x1;
	v63 =	vand.u32 $0x7FFFFF, v6  }
0x55c: {  	[tilespmem:s22+$0xC460] =	vst v3;
	v3 =	vor.u32 $0x3F800000, v63;
	v13 =	vpop (erf);
	v5 =	vsel vm9, v5, v62  }
0x55d: {  	v12 =	vld [tilespmem:s26+$0xFFFFFFF0];
	v14 =	vmul.f32 $1.554458590e-01, v3;
	v9 =	vadd.f32 $1.000000000e+00, v13;
	v5 =	vsub.f32 $0.0e+00, v5  }
0x55e: {  	v15 =	vld [tilespmem:s26+$0x70]  }
0x55f: {  	v7 =	vadd.f32 $-1.039258120e+00, v14;
	(erf) = vrcp.f32 v9;
	v5 =	vmul.f32 $1.442695020e+00, v5;
	_ =	sdelay $0x1  }
0x560: {  	v61 =	vld [tilespmem:s22+$0x8C70];
	v7 =	vmul.f32 v3, v7;
	(erf) = vpow2.f32 v5;
	_ =	sdelay $0x1  }
0x561: {  	v16 =	vsub.f32 v15, v12;
	v7 =	vadd.f32 $3.029478310e+00, v7  }
0x562: {  	v17 =	vshrl.u32 v6, $0x17;
	v6 =	vsub.f32 $1.000000000e+00, v6  }
0x563: {  	v8 =	vadd.s32 $0xFFFFFF81, v17;
	v18 =	vsub.f32 $0.0e+00, v16;
	v3 =	vmul.f32 v3, v7  }
0x564: {  	v19 =	vsel vm15, $0xBF051592, v0;
	vm2 =	veq.s32 v61, $0x1;
	v20 =	vcvt.s32.f32 v8  }
0x565: {  	v4 =	vmul.f32 v6, v19;
	v5 =	vsel vm2, v16, v18;
	v3 =	vadd.f32 $-2.144940610e+00, v3  }
0x566: {  	v5 =	vsub.f32 $0.0e+00, v5;
	v21 =	vpop (erf)  }
0x567: {  	v4 =	vmul.f32 v4, v6;
	v3 =	vadd.f32 v20, v3;
	v22 =	vmax.f32 v21, $9.999999740e-05  }
0x568: {  	v5 =	vmul.f32 $1.442695020e+00, v5;
	v23 =	vand.u32 $0x7FFFFF, v22;
	v24 =	vpop (erf)  }
0x569: {  	v3 =	vmul.f32 v3, v4;
	v25 =	vor.u32 $0x3F800000, v23;
	v26 =	vadd.f32 $1.000000000e+00, v24  }
0x56a: {  	(erf) = vpow2.f32 v5;
	v27 =	vmul.f32 $1.554458590e-01, v25  }
0x56b: {  	(erf) = vrcp.f32 v26  }
0x56c: {  	[tilespmem:s23+$0xC450] =	vst v3;
	v3 =	vadd.f32 $-1.039258120e+00, v27;
	_ =	sdelay $0x1  }
0x56d: {  	v29 =	vld [tilespmem:s25+$0xFFFFFFE0];
	v3 =	vmul.f32 v25, v3  }
0x56e: {  	v30 =	vld [tilespmem:s25+$0x60]  }
0x56f: {  	v3 =	vadd.f32 $3.029478310e+00, v3  }
0x570: {  	v6 =	vsub.f32 $1.000000000e+00, v22  }
0x571: {  	v28 =	vld [tilespmem:s23+$0x8C60];
	v32 =	vsel vm8, $0xBF051592, v0;
	v31 =	vshrl.u32 v22, $0x17;
	v3 =	vmul.f32 v25, v3  }
0x572: {  	v9 =	vadd.s32 $0xFFFFFF81, v31;
	v4 =	vmul.f32 v6, v32;
	v33 =	vpop (erf)  }
0x573: {  	v9 =	vcvt.s32.f32 v9;
	v5 =	vsub.f32 v30, v29;
	v3 =	vadd.f32 $-2.144940610e+00, v3;
	v34 =	vpop (erf)  }
0x574: {  	v4 =	vmul.f32 v4, v6;
	v10 =	vmax.f32 v34, $9.999999740e-05  }
0x575: {  	v35 =	vsub.f32 $0.0e+00, v5;
	v3 =	vadd.f32 v9, v3;
	v36 =	vand.u32 $0x7FFFFF, v10  }
0x576: {  	vm10 =	veq.s32 v28, $0x1;
	v6 =	vor.u32 $0x3F800000, v36  }
0x577: {  	v5 =	vsel vm10, v5, v35;
	v3 =	vmul.f32 v3, v4;
	v37 =	vmul.f32 $1.554458590e-01, v6  }
0x578: {  	v5 =	vsub.f32 $0.0e+00, v5  }
0x579: {  	v7 =	vadd.f32 $1.000000000e+00, v33;
	[tilespmem:s24+$0xC440] =	vst v3;
	v3 =	vadd.f32 $-1.039258120e+00, v37  }
0x57a: {  	v5 =	vmul.f32 $1.442695020e+00, v5  }
0x57b: {  	(erf) = vrcp.f32 v7;
	v39 =	vld [tilespmem:s28+$0xFFFFFFD0];
	v3 =	vmul.f32 v6, v3  }
0x57c: {  	(erf) = vpow2.f32 v5;
	v40 =	vld [tilespmem:s28+$0x50]  }
0x57d: {  	v3 =	vadd.f32 $3.029478310e+00, v3  }
0x57e: {  	v42 =	vshrl.u32 v10, $0x17  }
0x57f: {  	v38 =	vld [tilespmem:s24+$0x8C50];
	v41 =	vsub.f32 $1.000000000e+00, v10;
	v44 =	vadd.s32 $0xFFFFFF81, v42;
	v3 =	vmul.f32 v6, v3  }
0x580: {  	v43 =	vsel vm9, $0xBF051592, v0;
	v5 =	vcvt.s32.f32 v44  }
0x581: {  	v4 =	vsub.f32 v40, v39;
	v6 =	vmul.f32 v41, v43;
	v45 =	vadd.f32 $-2.144940610e+00, v3;
	_ =	sdelay $0x1  }
0x582: {  	v46 =	vsub.f32 $0.0e+00, v4;
	v6 =	vmul.f32 v6, v41;
	v5 =	vadd.f32 v5, v45  }
0x583: {  	vm11 =	veq.s32 v38, $0x1;
	v3 =	vpop (erf)  }
0x584: {  	v4 =	vsel vm11, v4, v46;
	v47 =	vpop (erf);
	v5 =	vmul.f32 v5, v6  }
0x585: {  	v4 =	vsub.f32 $0.0e+00, v4;
	v7 =	vadd.f32 $1.000000000e+00, v47  }
0x586: {  	[tilespmem:s29+$0xC430] =	vst v5  }
0x587: {  	v4 =	vmul.f32 $1.442695020e+00, v4;
	(erf) = vrcp.f32 v7;
	v5 =	vld [tilespmem:s31+$0xFFFFFFC0]  }
0x588: {  	v49 =	vld [tilespmem:s31+$0x40]  }
0x589: {  	(erf) = vpow2.f32 v4;
	_ =	sdelay $0x1  }
0x58a: {  	v48 =	vld [tilespmem:s29+$0x8C40];
	_ =	sdelay $0x1  }
0x58b: {  	v4 =	vsub.f32 v49, v5;
	_ =	sdelay $0x1  }
0x58c: {  	v51 =	vsub.f32 $0.0e+00, v4  }
0x58d: {  	vm12 =	veq.s32 v48, $0x1;
	v50 =	vpop (erf)  }
0x58e: {  	v5 =	vmax.f32 v50, $9.999999740e-05;
	v4 =	vsel vm12, v4, v51  }
0x58f: {  	v53 =	vpop (erf);
	v52 =	vand.u32 $0x7FFFFF, v5;
	v4 =	vsub.f32 $0.0e+00, v4  }
0x590: {  	v54 =	vadd.f32 $1.000000000e+00, v53;
	v6 =	vor.u32 $0x3F800000, v52  }
0x591: {  	v55 =	vmul.f32 $1.554458590e-01, v6;
	v4 =	vmul.f32 $1.442695020e+00, v4  }
0x592: {  	(erf) = vrcp.f32 v54  }
0x593: {  	v56 =	vadd.f32 $-1.039258120e+00, v55;
	(erf) = vpow2.f32 v4;
	_ =	sdelay $0x1  }
0x594: {  	v57 =	vmul.f32 v6, v56;
	_ =	sdelay $0x1  }
0x595: {  	v4 =	vadd.f32 $3.029478310e+00, v57;
	_ =	sdelay $0x1  }
0x596: {  	v58 =	vshrl.u32 v5, $0x17;
	v4 =	vmul.f32 v6, v4  }
0x597: {  	v5 =	vsub.f32 $1.000000000e+00, v5;
	v7 =	vadd.s32 $0xFFFFFF81, v58  }
0x598: {  	v59 =	vsel vm10, $0xBF051592, v0;
	v7 =	vcvt.s32.f32 v7;
	v60 =	vpop (erf);
	v4 =	vadd.f32 $-2.144940610e+00, v4  }
0x599: {  	v6 =	vmul.f32 v5, v59;
	v8 =	vmax.f32 v60, $9.999999740e-05;
	v62 =	vpop (erf)  }
0x59a: {  	v61 =	vand.u32 $0x7FFFFF, v8;
	v4 =	vadd.f32 v7, v4;
	v7 =	vadd.f32 $1.000000000e+00, v62  }
0x59b: {  	v5 =	vmul.f32 v6, v5;
	v6 =	vor.u32 $0x3F800000, v61  }
0x59c: {  	v63 =	vmul.f32 $1.554458590e-01, v6;
	(erf) = vrcp.f32 v7  }
0x59d: {  	v4 =	vmul.f32 v4, v5  }
0x59e: {  	v13 =	vadd.f32 $-1.039258120e+00, v63  }
0x59f: {  	[tilespmem:s23+$0xC460] =	vst v4  }
0x5a0: {  	v14 =	vld [tilespmem:s25+$0xFFFFFFF0];
	v4 =	vmul.f32 v6, v13  }
0x5a1: {  	v15 =	vld [tilespmem:s25+$0x70]  }
0x5a2: {  	v4 =	vadd.f32 $3.029478310e+00, v4  }
0x5a3: {  	v16 =	vshrl.u32 v8, $0x17;
	v17 =	vsub.f32 $1.000000000e+00, v8  }
0x5a4: {  	v12 =	vld [tilespmem:s23+$0x8C70];
	v18 =	vsel vm11, $0xBF051592, v0;
	v19 =	vadd.s32 $0xFFFFFF81, v16;
	v4 =	vmul.f32 v6, v4  }
0x5a5: {  	v8 =	vmul.f32 v17, v18;
	v7 =	vcvt.s32.f32 v19;
	v20 =	vpop (erf)  }
0x5a6: {  	v5 =	vsub.f32 v15, v14;
	v4 =	vadd.f32 $-2.144940610e+00, v4;
	v10 =	vmax.f32 v20, $9.999999740e-05  }
0x5a7: {  	v6 =	vmul.f32 v8, v17;
	v22 =	vand.u32 $0x7FFFFF, v10  }
0x5a8: {  	v21 =	vsub.f32 $0.0e+00, v5;
	v4 =	vadd.f32 v7, v4;
	v7 =	vor.u32 $0x3F800000, v22  }
0x5a9: {  	vm3 =	veq.s32 v12, $0x1;
	v23 =	vmul.f32 $1.554458590e-01, v7  }
0x5aa: {  	v5 =	vsel vm3, v5, v21;
	v4 =	vmul.f32 v4, v6  }
0x5ab: {  	v5 =	vsub.f32 $0.0e+00, v5;
	v25 =	vadd.f32 $-1.039258120e+00, v23  }
0x5ac: {  	[tilespmem:s24+$0xC450] =	vst v4  }
0x5ad: {  	v5 =	vmul.f32 $1.442695020e+00, v5;
	v26 =	vld [tilespmem:s28+$0xFFFFFFE0];
	v4 =	vmul.f32 v7, v25  }
0x5ae: {  	v27 =	vld [tilespmem:s28+$0x60]  }
0x5af: {  	(erf) = vpow2.f32 v5;
	v4 =	vadd.f32 $3.029478310e+00, v4  }
0x5b0: {  	v28 =	vshrl.u32 v10, $0x17  }
0x5b1: {  	v24 =	vld [tilespmem:s24+$0x8C60];
	v10 =	vsub.f32 $1.000000000e+00, v10;
	v5 =	vadd.s32 $0xFFFFFF81, v28;
	v4 =	vmul.f32 v7, v4  }
0x5b2: {  	v29 =	vsel vm12, $0xBF051592, v0;
	v5 =	vcvt.s32.f32 v5  }
0x5b3: {  	v6 =	vsub.f32 v27, v26;
	v7 =	vmul.f32 v10, v29;
	v4 =	vadd.f32 $-2.144940610e+00, v4;
	_ =	sdelay $0x1  }
0x5b4: {  	v9 =	vsub.f32 $0.0e+00, v6;
	v30 =	vmul.f32 v7, v10;
	v4 =	vadd.f32 v5, v4  }
0x5b5: {  	vm13 =	veq.s32 v24, $0x1  }
0x5b6: {  	v6 =	vsel vm13, v6, v9;
	v4 =	vmul.f32 v4, v30  }
0x5b7: {  	v31 =	vpop (erf);
	v6 =	vsub.f32 $0.0e+00, v6  }
0x5b8: {  	v32 =	vadd.f32 $1.000000000e+00, v31;
	[tilespmem:s29+$0xC440] =	vst v4  }
0x5b9: {  	v6 =	vmul.f32 $1.442695020e+00, v6;
	v4 =	vld [tilespmem:s31+$0xFFFFFFD0]  }
0x5ba: {  	(erf) = vrcp.f32 v32;
	v34 =	vld [tilespmem:s31+$0x50]  }
0x5bb: {  	(erf) = vpow2.f32 v6;
	_ =	sdelay $0x1  }
0x5bc: {  	v33 =	vld [tilespmem:s29+$0x8C50];
	_ =	sdelay $0x1  }
0x5bd: {  	v5 =	vsub.f32 v34, v4;
	_ =	sdelay $0x1  }
0x5be: {  	v35 =	vsub.f32 $0.0e+00, v5  }
0x5bf: {  	vm14 =	veq.s32 v33, $0x1  }
0x5c0: {  	v4 =	vpop (erf);
	v5 =	vsel vm14, v5, v35  }
0x5c1: {  	v36 =	vpop (erf);
	v5 =	vsub.f32 $0.0e+00, v5  }
0x5c2: {  	v37 =	vadd.f32 $1.000000000e+00, v36  }
0x5c3: {  	v5 =	vmul.f32 $1.442695020e+00, v5  }
0x5c4: {  	(erf) = vrcp.f32 v37  }
0x5c5: {  	(erf) = vpow2.f32 v5;
	_ =	sdelay $0x7  }
0x5c6: {  	v38 =	vpop (erf)  }
0x5c7: {  	v5 =	vmax.f32 v38, $9.999999740e-05;
	v40 =	vpop (erf)  }
0x5c8: {  	v39 =	vand.u32 $0x7FFFFF, v5;
	v7 =	vadd.f32 $1.000000000e+00, v40  }
0x5c9: {  	v6 =	vor.u32 $0x3F800000, v39  }
0x5ca: {  	v41 =	vmul.f32 $1.554458590e-01, v6;
	(erf) = vrcp.f32 v7;
	_ =	sdelay $0x1  }
0x5cb: {  	v42 =	vadd.f32 $-1.039258120e+00, v41;
	_ =	sdelay $0x1  }
0x5cc: {  	v7 =	vmul.f32 v6, v42;
	_ =	sdelay $0x1  }
0x5cd: {  	v7 =	vadd.f32 $3.029478310e+00, v7  }
0x5ce: {  	v43 =	vshrl.u32 v5, $0x17  }
0x5cf: {  	v5 =	vsub.f32 $1.000000000e+00, v5;
	v8 =	vadd.s32 $0xFFFFFF81, v43;
	v6 =	vmul.f32 v6, v7  }
0x5d0: {  	v44 =	vsel vm13, $0xBF051592, v0;
	v8 =	vcvt.s32.f32 v8;
	v45 =	vpop (erf)  }
0x5d1: {  	v7 =	vmul.f32 v5, v44;
	v6 =	vadd.f32 $-2.144940610e+00, v6;
	v9 =	vmax.f32 v45, $9.999999740e-05  }
0x5d2: {  	v46 =	vand.u32 $0x7FFFFF, v9  }
0x5d3: {  	v5 =	vmul.f32 v7, v5;
	v6 =	vadd.f32 v8, v6;
	v7 =	vor.u32 $0x3F800000, v46  }
0x5d4: {  	v47 =	vmul.f32 $1.554458590e-01, v7  }
0x5d5: {  	v5 =	vmul.f32 v6, v5  }
0x5d6: {  	v49 =	vadd.f32 $-1.039258120e+00, v47  }
0x5d7: {  	[tilespmem:s24+$0xC460] =	vst v5  }
0x5d8: {  	v50 =	vld [tilespmem:s28+$0xFFFFFFF0];
	v5 =	vmul.f32 v7, v49  }
0x5d9: {  	v51 =	vld [tilespmem:s28+$0x70]  }
0x5da: {  	v5 =	vadd.f32 $3.029478310e+00, v5  }
0x5db: {  	v52 =	vshrl.u32 v9, $0x17  }
0x5dc: {  	v48 =	vld [tilespmem:s24+$0x8C70];
	v53 =	vsub.f32 $1.000000000e+00, v9;
	v55 =	vadd.s32 $0xFFFFFF81, v52;
	v5 =	vmul.f32 v7, v5  }
0x5dd: {  	v54 =	vsel vm14, $0xBF051592, v0;
	v10 =	vcvt.s32.f32 v55  }
0x5de: {  	v9 =	vmul.f32 v53, v54;
	v6 =	vsub.f32 v51, v50;
	v5 =	vadd.f32 $-2.144940610e+00, v5;
	_ =	sdelay $0x1  }
0x5df: {  	v7 =	vmul.f32 v9, v53;
	v56 =	vsub.f32 $0.0e+00, v6;
	v5 =	vadd.f32 v10, v5  }
0x5e0: {  	vm15 =	veq.s32 v48, $0x1  }
0x5e1: {  	v6 =	vsel vm15, v6, v56;
	v5 =	vmul.f32 v5, v7  }
0x5e2: {  	v6 =	vsub.f32 $0.0e+00, v6  }
0x5e3: {  	[tilespmem:s29+$0xC450] =	vst v5  }
0x5e4: {  	v58 =	vmul.f32 $1.442695020e+00, v6;
	v59 =	vld [tilespmem:s31+$0xFFFFFFE0]  }
0x5e5: {  	v60 =	vld [tilespmem:s31+$0x60]  }
0x5e6: {  	(erf) = vpow2.f32 v58;
	_ =	sdelay $0x1  }
0x5e7: {  	v57 =	vld [tilespmem:s29+$0x8C60];
	_ =	sdelay $0x1  }
0x5e8: {  	v61 =	vsub.f32 v60, v59;
	_ =	sdelay $0x1  }
0x5e9: {  	v6 =	vsub.f32 $0.0e+00, v61  }
0x5ea: {  	vm8 =	veq.s32 v57, $0x1  }
0x5eb: {  	v5 =	vsel vm8, v61, v6  }
0x5ec: {  	v62 =	vpop (erf);
	v5 =	vsub.f32 $0.0e+00, v5  }
0x5ed: {  	v6 =	vadd.f32 $1.000000000e+00, v62  }
0x5ee: {  	v5 =	vmul.f32 $1.442695020e+00, v5  }
0x5ef: {  	(erf) = vrcp.f32 v6  }
0x5f0: {  	(erf) = vpow2.f32 v5;
	_ =	sdelay $0x7  }
0x5f1: {  	v63 =	vpop (erf)  }
0x5f2: {  	v15 =	vpop (erf)  }
0x5f3: {  	v6 =	vadd.f32 $1.000000000e+00, v15;
	_ =	sdelay $0x1  }
0x5f4: {  	(erf) = vrcp.f32 v6;
	_ =	sdelay $0x8  }
0x5f5: {  	v6 =	vpop (erf)  }
0x5f6: {  	v6 =	vmax.f32 v6, $9.999999740e-05  }
0x5f7: {  	v16 =	vand.u32 $0x7FFFFF, v6  }
0x5f8: {  	v7 =	vor.u32 $0x3F800000, v16  }
0x5f9: {  	v17 =	vmul.f32 $1.554458590e-01, v7;
	_ =	sdelay $0x1  }
0x5fa: {  	v8 =	vadd.f32 $-1.039258120e+00, v17;
	_ =	sdelay $0x1  }
0x5fb: {  	v8 =	vmul.f32 v7, v8;
	_ =	sdelay $0x1  }
0x5fc: {  	v8 =	vadd.f32 $3.029478310e+00, v8;
	_ =	sdelay $0x1  }
0x5fd: {  	v18 =	vshrl.u32 v6, $0x17;
	v6 =	vsub.f32 $1.000000000e+00, v6;
	v7 =	vmul.f32 v7, v8  }
0x5fe: {  	v19 =	vsel vm8, $0xBF051592, v0;
	v9 =	vadd.s32 $0xFFFFFF81, v18  }
0x5ff: {  	v9 =	vcvt.s32.f32 v9;
	v8 =	vmul.f32 v6, v19;
	v7 =	vadd.f32 $-2.144940610e+00, v7;
	_ =	sdelay $0x1  }
0x600: {  	v6 =	vmul.f32 v8, v6;
	v7 =	vadd.f32 v9, v7;
	_ =	sdelay $0x1  }
0x601: {  	v6 =	vmul.f32 v7, v6;
	_ =	sdelay $0x1  }
0x602: {  	[tilespmem:s29+$0xC460] =	vst v6  }
0x603: {  	v6 =	vld [tilespmem:s31+$0xFFFFFFF0]  }
0x604: {  	v21 =	vld [tilespmem:s31+$0x70];
	_ =	sdelay $0x2  }
0x605: {  	v20 =	vld [tilespmem:s29+$0x8C70];
	_ =	sdelay $0x1  }
0x606: {  	v6 =	vsub.f32 v21, v6;
	_ =	sdelay $0x1  }
0x607: {  	v8 =	vsub.f32 $0.0e+00, v6  }
0x608: {  	vm9 =	veq.s32 v20, $0x1  }
0x609: {  	v6 =	vsel vm9, v6, v8  }
0x60a: {  	v6 =	vsub.f32 $0.0e+00, v6;
	_ =	sdelay $0x1  }
0x60b: {  	v6 =	vmul.f32 $1.442695020e+00, v6  }
0x60c: {  	v1 =	vmax.f32 v1, $9.999999740e-05  }
0x60d: {  	v2 =	vmax.f32 v2, $9.999999740e-05;
	vm10 =	vmmov vm0;
	(erf) = vpow2.f32 v6  }
0x60e: {  	vm11 =	vmmov vm1;
	v3 =	vmax.f32 v3, $9.999999740e-05;
	v22 =	vand.u32 $0x7FFFFF, v1  }
0x60f: {  	vm12 =	vmmov vm2;
	v23 =	vor.u32 $0x3F800000, v22;
	v25 =	vand.u32 $0x7FFFFF, v2  }
0x610: {  	v24 =	vmul.f32 $1.554458590e-01, v23;
	v26 =	vor.u32 $0x3F800000, v25;
	v30 =	vand.u32 $0x7FFFFF, v3  }
0x611: {  	v27 =	vshrl.u32 v1, $0x17;
	v29 =	vsel vm10, $0xBF051592, v0;
	v11 =	vor.u32 $0x3F800000, v30  }
0x612: {  	v1 =	vsub.f32 $1.000000000e+00, v1;
	vm13 =	vmmov vm3;
	v32 =	vmul.f32 $1.554458590e-01, v11  }
0x613: {  	v31 =	vsel vm11, $0xBF051592, v0;
	v34 =	vshrl.u32 v2, $0x17;
	v2 =	vsub.f32 $1.000000000e+00, v2  }
0x614: {  	v12 =	vadd.f32 $-1.039258120e+00, v32;
	v4 =	vmax.f32 v4, $9.999999740e-05;
	vm14 =	vmmov vm15  }
0x615: {  	v36 =	vadd.s32 $0xFFFFFF81, v34;
	v48 =	vshrl.u32 v4, $0x17;
	v37 =	vmul.f32 v2, v31  }
0x616: {  	v57 =	vsel vm14, $0xBF051592, v0;
	v13 =	vcvt.s32.f32 v36;
	v38 =	vmul.f32 v11, v12;
	v33 =	vpop (erf)  }
0x617: {  	v2 =	vmul.f32 v37, v2;
	v8 =	vadd.f32 $-1.039258120e+00, v24;
	v35 =	vadd.f32 $1.000000000e+00, v33  }
0x618: {  	v39 =	vand.u32 $0x7FFFFF, v4;
	v40 =	vadd.f32 $3.029478310e+00, v38;
	v4 =	vsub.f32 $1.000000000e+00, v4  }
0x619: {  	v47 =	vsel vm13, $0xBF051592, v0;
	v8 =	vmul.f32 v23, v8;
	(erf) = vrcp.f32 v35  }
0x61a: {  	v43 =	vshrl.u32 v3, $0x17;
	v52 =	vmul.f32 v4, v47;
	v9 =	vmul.f32 $1.554458590e-01, v26  }
0x61b: {  	v3 =	vsub.f32 $1.000000000e+00, v3;
	v42 =	vsel vm12, $0xBF051592, v0;
	v8 =	vadd.f32 $3.029478310e+00, v8  }
0x61c: {  	v4 =	vmul.f32 v52, v4;
	v10 =	vadd.s32 $0xFFFFFF81, v27;
	v28 =	vadd.f32 $-1.039258120e+00, v9  }
0x61d: {  	vm15 =	vmmov vm9;
	v10 =	vcvt.s32.f32 v10;
	v7 =	vmul.f32 v23, v8  }
0x61e: {  	v5 =	vmax.f32 v63, $9.999999740e-05;
	v9 =	vmul.f32 v1, v29;
	v8 =	vmul.f32 v26, v28  }
0x61f: {  	v61 =	vsel vm15, $0xBF051592, v0;
	v44 =	vand.u32 $0x7FFFFF, v5;
	v7 =	vadd.f32 $-2.144940610e+00, v7  }
0x620: {  	v1 =	vmul.f32 v9, v1;
	v9 =	vor.u32 $0x3F800000, v39;
	v8 =	vadd.f32 $3.029478310e+00, v8  }
0x621: {  	v58 =	vshrl.u32 v5, $0x17;
	v41 =	vmul.f32 $1.554458590e-01, v9;
	v7 =	vadd.f32 v10, v7  }
0x622: {  	v5 =	vsub.f32 $1.000000000e+00, v5;
	v15 =	vadd.s32 $0xFFFFFF81, v48;
	v6 =	vmul.f32 v26, v8;
	v45 =	vpop (erf)  }
0x623: {  	v1 =	vmul.f32 v7, v1;
	v7 =	vadd.f32 $-1.039258120e+00, v41;
	v12 =	vmax.f32 v45, $9.999999740e-05  }
0x624: {  	v8 =	vmul.f32 v11, v40;
	v11 =	vor.u32 $0x3F800000, v44;
	v49 =	vand.u32 $0x7FFFFF, v12  }
0x625: {  	v46 =	vmul.f32 $1.554458590e-01, v11;
	v7 =	vmul.f32 v9, v7;
	v51 =	vor.u32 $0x3F800000, v49  }
0x626: {  	v15 =	vcvt.s32.f32 v15;
	v6 =	vadd.f32 $-2.144940610e+00, v6;
	v16 =	vmul.f32 $1.554458590e-01, v51  }
0x627: {  	v10 =	vadd.s32 $0xFFFFFF81, v43;
	v50 =	vadd.f32 $-1.039258120e+00, v46;
	v7 =	vadd.f32 $3.029478310e+00, v7  }
0x628: {  	v10 =	vcvt.s32.f32 v10;
	v6 =	vadd.f32 v13, v6;
	v53 =	vadd.f32 $-1.039258120e+00, v16  }
0x629: {  	v59 =	vadd.s32 $0xFFFFFF81, v58;
	v7 =	vmul.f32 v9, v7;
	v9 =	vmul.f32 v11, v50  }
0x62a: {  	v8 =	vadd.f32 $-2.144940610e+00, v8;
	v2 =	vmul.f32 v6, v2;
	v56 =	vmul.f32 v51, v53  }
0x62b: {  	v6 =	vmul.f32 v3, v42;
	v7 =	vadd.f32 $-2.144940610e+00, v7;
	v55 =	vadd.f32 $3.029478310e+00, v9  }
0x62c: {  	v8 =	vadd.f32 v10, v8;
	v10 =	vmul.f32 v5, v57;
	v9 =	vadd.f32 $3.029478310e+00, v56  }
0x62d: {  	v3 =	vmul.f32 v6, v3;
	v54 =	vadd.f32 v15, v7;
	v7 =	vmul.f32 v11, v55  }
0x62e: {  	v60 =	vshrl.u32 v12, $0x17;
	v12 =	vsub.f32 $1.000000000e+00, v12;
	v9 =	vmul.f32 v51, v9  }
0x62f: {  	v11 =	vcvt.s32.f32 v59;
	v7 =	vadd.f32 $-2.144940610e+00, v7;
	v14 =	vadd.s32 $0xFFFFFF81, v60  }
0x630: {  	v14 =	vcvt.s32.f32 v14;
	v13 =	vmul.f32 v12, v61;
	v9 =	vadd.f32 $-2.144940610e+00, v9  }
0x631: {  	[tilespmem:s20+$0xC470] =	vst v1;
	v5 =	vmul.f32 v10, v5;
	v1 =	vmul.f32 v8, v3;
	v3 =	vadd.f32 v11, v7  }
0x632: {  	[tilespmem:s21+$0xC470] =	vst v2;
	v2 =	vmul.f32 v54, v4;
	v63 =	vmul.f32 v13, v12;
	v62 =	vadd.f32 v14, v9  }
0x633: {  	[tilespmem:s22+$0xC470] =	vst v1;
	v1 =	vmul.f32 v3, v5  }
0x634: {  	[tilespmem:s23+$0xC470] =	vst v2;
	v2 =	vmul.f32 v62, v63  }
0x635: {  	[tilespmem:s24+$0xC470] =	vst v1  }
0x636: {  	s19 =	sadd.s32 $0x1, s19;
	[tilespmem:s29+$0xC470] =	vst v2  }
0x637: {  	[hbm4b:s8+s2] =	stream.linear.scatter [tilespmem:s16], [sflag:$0x4], $0x1C00, $0x38;
	[tilespmem:$0xE000] =	vst v63  }
0x638: {  	p0 =	sne.s32 s19, s9;
	_ =	swait.ge [sflag:s17], $0x1C00  }
.Ltmp2:
0x639: {  	[sflag:s17] =	ssyncset.done $0x0;
	(pc) =	sbr.rel @p0 .LBB2_1-.Ltmp2, $4  }
0x63a: {  	[sflag:s17] =	ssyncadd.s32 $0xFFFFE400  }
0x63b: {  	_ =	swait.ge [sflag:s18], $0x1C00  }
0x63c: {  	[sflag:s18] =	ssyncset.done $0x0  }
0x63d: {  	[sflag:s18] =	ssyncadd.s32 $0xFFFFE400  }
0x63e: {  	_ =	sfence.sel $0x180000  }
0x63f: {  	[bflag:$0x0] =	sbarrier.arrive $0xFFFF  }
0x640: {  	_ =	strace $0x90000047  }
0x641: {  	s0 =	stileid.u32;
	[bflag:$0x2] =	sbarrier.arrive $0xFFFF  }
0x642: {  	p0 =	sne.s32 s0, $0x0;
	s0 =	rddreg [dreg:$0x3]  }
0x643: {  	s0 =	sadd.s32 @!p0 $0x100000, s0  }
0x644: {  	[sflag:s0] =	ssyncadd.tile.s32 @!p0 $0x1;
	_ =	shalt  }
.Lfunc_end2:
_tile_overlayer_lowered:
.L_overlay_start_2:
0x645: {  	(tag) =	ssettag $0x2  }
0x646: {  	s0 =	rddreg [dreg:$0x0];
	s2 =	stileid.u32  }
0x647: {  	s1 =	rddreg [dreg:$0x1];
	p0 =	sne.s32 s2, $0x0  }
0x648: {  	s3 =	rddreg [dreg:$0x2];
	[bflag:$0x3] =	sbarrier.arrive $0xFFFF;
	s2 =	simm.s32 @!p0 $0x1C05  }
0x649: {  	[timem:s3], [sflag:s2] =	dma.local @!p0 [hbm:s0], s1  }
0x64a: {  	s0 =	simm.s32 @!p0 $0x5  }
0x64b: {  	_ =	swait.ge @!p0 [sflag:s0], s1  }
0x64c: {  	s1 =	ssub.s32 @!p0 $0x0, s1;
	[sflag:s0] =	ssyncset.done @!p0 $0x0  }
0x64d: {  	[sflag:s0] =	ssyncadd.s32 @!p0 s1  }
0x64e: {  	[bflag:$0x3] =	sbarrier.arrive $0xFFFF  }
0x64f: {  	_ =	shalt  }

</sc_bundles>
